<compile_context>
chip_gen: v7x
topology: tpu7x:2x2x1
jax: 0.10.2.dev20260603
libtpu: 0.0.44.dev20260713+nightly
codegen_flags: <defaults>
</compile_context>

<pallas_src>
import functools

import jax
import jax.numpy as jnp
from jax import lax
from jax.experimental import pallas as pl
from jax.experimental.pallas import tpu as pltpu
from jax.experimental.pallas import tpu_sc as plsc

_PREC = lax.Precision.DEFAULT


def _elu(v):
    return jnp.where(v > 0, v, jnp.exp(jnp.minimum(v, 0.0)) - 1.0)


def _l2n(u):
    ssq = jnp.sum(u * u, axis=1, keepdims=True)
    return u * lax.rsqrt(jnp.maximum(ssq, 1e-12))


_BR = 2000


def _tc_emb_call(x, W_emb, b_emb, Wp1_big):
    B, N, D = x.shape
    H = W_emb.shape[1]
    F = B * H

    def body(x_ref, we_ref, be_ref, wp_ref, h0_ref, p1_ref):
        we = we_ref[...]
        be = be_ref[...]
        hs = [_elu(jnp.dot(x_ref[bi], we, preferred_element_type=jnp.float32,
                           precision=_PREC) + be) for bi in range(B)]
        h0 = jnp.concatenate(hs, axis=1)
        h0_ref[...] = h0
        p1_ref[...] = _elu(jnp.dot(h0, wp_ref[...],
                                   preferred_element_type=jnp.float32,
                                   precision=_PREC))

    return pl.pallas_call(
        body,
        grid=(N // _BR,),
        in_specs=[
            pl.BlockSpec((B, _BR, D), lambda i: (0, i, 0)),
            pl.BlockSpec((D, H), lambda i: (0, 0)),
            pl.BlockSpec((1, H), lambda i: (0, 0)),
            pl.BlockSpec((F, F), lambda i: (0, 0)),
        ],
        out_specs=[pl.BlockSpec((_BR, F), lambda i: (i, 0)),
                   pl.BlockSpec((_BR, F), lambda i: (i, 0))],
        out_shape=[jax.ShapeDtypeStruct((N, F), jnp.float32),
                   jax.ShapeDtypeStruct((N, F), jnp.float32)],
    )(x, W_emb, b_emb, Wp1_big)


def _upd_l2n(h, agg, wu_big, bu2, H):
    z = jnp.concatenate([h, agg], axis=1)
    u = jnp.dot(z, wu_big, preferred_element_type=jnp.float32,
                precision=_PREC) + bu2
    usq = u * u
    outs = []
    for g in range(u.shape[1] // H):
        ug = u[:, g * H:(g + 1) * H]
        sg = jnp.sum(usq[:, g * H:(g + 1) * H], axis=1, keepdims=True)
        outs.append(ug * lax.rsqrt(jnp.maximum(sg, 1e-12)))
    return jnp.concatenate(outs, axis=1)


def _tc_upd_call(h_n, parts, Wu_big, bu2, Wp_big):
    N, F = h_n.shape
    H = F // 2

    def body(h_ref, pr_ref, wu_ref, bu_ref, wp_ref, h1_ref, p2_ref):
        agg = pr_ref[0, :, :F] + pr_ref[1, :, :F]
        un = _upd_l2n(h_ref[...], agg, wu_ref[...], bu_ref[...], H)
        h1_ref[...] = un
        p2_ref[...] = _elu(jnp.dot(un, wp_ref[...],
                                   preferred_element_type=jnp.float32,
                                   precision=_PREC))

    return pl.pallas_call(
        body,
        grid=(N // _BR,),
        in_specs=[
            pl.BlockSpec((_BR, F), lambda i: (i, 0)),
            pl.BlockSpec((2, _BR, 128), lambda i: (0, i, 0)),
            pl.BlockSpec((2 * F, F), lambda i: (0, 0)),
            pl.BlockSpec((1, F), lambda i: (0, 0)),
            pl.BlockSpec((F, F), lambda i: (0, 0)),
        ],
        out_specs=[pl.BlockSpec((_BR, F), lambda i: (i, 0)),
                   pl.BlockSpec((_BR, F), lambda i: (i, 0))],
        out_shape=[jax.ShapeDtypeStruct((N, F), jnp.float32),
                   jax.ShapeDtypeStruct((N, F), jnp.float32)],
    )(h_n, parts, Wu_big, bu2, Wp_big)


def _tc_fin_call(h_n, parts, Wu_big, bu2, W_A, b_A, W_B, b_B):
    N, F = h_n.shape
    H = F // 2
    TA = W_A.shape[1]

    def body(h_ref, pr_ref, wu_ref, bu_ref, wa_ref, ba_ref, wb_ref, bb_ref,
             out_ref):
        agg = pr_ref[0, :, :F] + pr_ref[1, :, :F]
        h2 = _upd_l2n(h_ref[...], agg, wu_ref[...], bu_ref[...], H)
        t = _elu(jnp.dot(h2, wa_ref[...], preferred_element_type=jnp.float32,
                         precision=_PREC) + ba_ref[...])
        y = jnp.dot(t, wb_ref[...], preferred_element_type=jnp.float32,
                    precision=_PREC) + bb_ref[...]
        out_ref[...] = y

    return pl.pallas_call(
        body,
        grid=(N // _BR,),
        in_specs=[
            pl.BlockSpec((_BR, F), lambda i: (i, 0)),
            pl.BlockSpec((2, _BR, 128), lambda i: (0, i, 0)),
            pl.BlockSpec((2 * F, F), lambda i: (0, 0)),
            pl.BlockSpec((1, F), lambda i: (0, 0)),
            pl.BlockSpec((F, TA), lambda i: (0, 0)),
            pl.BlockSpec((1, TA), lambda i: (0, 0)),
            pl.BlockSpec((TA, 8), lambda i: (0, 0)),
            pl.BlockSpec((1, 8), lambda i: (0, 0)),
        ],
        out_specs=pl.BlockSpec((_BR, 8), lambda i: (i, 0)),
        out_shape=jax.ShapeDtypeStruct((N, 8), jnp.float32),
    )(h_n, parts, Wu_big, bu2, W_A, b_A, W_B, b_B)


_CH = 80
_NBUF = 12


def _sc_agg_call(p_n, idx2):
    N, F = p_n.shape
    NC, NS = 2, 16
    _, NW, NCH, CH = idx2.shape
    assert NW == NC * NS
    RPT = -(-N // (8 * NS)) * 8
    NP = RPT * NS

    mesh = plsc.VectorSubcoreMesh(core_axis_name="c", subcore_axis_name="s")

    NB = _NBUF
    NQ = NCH // NB
    MAIN = NQ * NB
    ZR = 80

    def body(p_hbm, idx_hbm, out_hbm,
             pidx_v, nidx_v, rows_v, zero_v, acc_s, *sems):
        gsem = sems[:NB]
        ssem = sems[NB:]
        c = lax.axis_index("c")
        s = lax.axis_index("s")
        wid = s * NC + c

        def gstart(k, b):
            pltpu.async_copy(p_hbm.at[pidx_v.at[k]], rows_v.at[b], gsem[b])

        def gwait(k, b):
            pltpu.make_async_copy(p_hbm.at[pidx_v.at[k]], rows_v.at[b],
                                  gsem[b]).wait()

        def sstart(k, b):
            pltpu.async_copy(rows_v.at[b], acc_s.at[nidx_v.at[k]], ssem[b],
                             add=True)

        def swait(k, b):
            pltpu.make_async_copy(rows_v.at[b], acc_s.at[nidx_v.at[k]],
                                  ssem[b]).wait()

        pltpu.sync_copy(idx_hbm.at[0, wid], pidx_v)
        pltpu.sync_copy(idx_hbm.at[1, wid], nidx_v)

        for b in range(NB):
            gstart(b, b)

        def zb(i, _):
            for j in range(F // 16):
                zero_v[i, pl.ds(j * 16, 16)] = jnp.zeros((16,), jnp.float32)
            return 0
        lax.fori_loop(0, ZR, zb, 0)
        for j in range(RPT // ZR):
            pltpu.sync_copy(zero_v, acc_s.at[pl.ds(s * RPT + j * ZR, ZR)])
        if RPT % ZR:
            pltpu.sync_copy(zero_v.at[pl.ds(0, RPT % ZR)],
                            acc_s.at[pl.ds(s * RPT + (RPT // ZR) * ZR,
                                           RPT % ZR)])
        plsc.subcore_barrier()

        def quad(i, _):
            k0 = NB * i
            for b in range(NB):
                gwait(k0 + b, b)
                sstart(k0 + b, b)
            for b in range(NB):
                k = k0 + b

                @pl.when(k + NB < NCH)
                def _():
                    swait(k, b)
                    gstart(k + NB, b)
            return 0
        lax.fori_loop(0, NQ, quad, 0)
        for k in range(MAIN, NCH):
            gwait(k, k % NB)
            sstart(k, k % NB)
        for k in range(NCH - NB, NCH):
            swait(k, k % NB)
        plsc.subcore_barrier()

        pltpu.sync_copy(acc_s.at[pl.ds(s * RPT, RPT)],
                        out_hbm.at[c, pl.ds(s * RPT, RPT), pl.ds(0, F)])

    f = pl.kernel(
        body,
        out_type=jax.ShapeDtypeStruct((NC, NP, 128), jnp.float32),
        mesh=mesh,
        compiler_params=pltpu.CompilerParams(use_tc_tiling_on_sc=False),
        scratch_types=[
            pltpu.VMEM((NCH, CH), jnp.int32),
            pltpu.VMEM((NCH, CH), jnp.int32),
            pltpu.VMEM((NB, CH, F), jnp.float32),
            pltpu.VMEM((ZR, F), jnp.float32),
            pltpu.VMEM_SHARED((NP, F), jnp.float32),
        ] + [pltpu.SemaphoreType.DMA] * (2 * NB),
    )
    return f(p_n, idx2)


def kernel(x, edges, edge_weights, W_emb, b_emb, W_prep1, W_upd1, b_upd1,
           W_prep2, W_upd2, b_upd2, W_y0a, b_y0a, W_y0b, b_y0b,
           W_y1a, b_y1a, W_y1b, b_y1b):
    B, N, D = x.shape
    E = edges.shape[0]
    H = W_emb.shape[1]

    NW = 32
    NS = 16
    RPT = -(-N // (8 * NS)) * 8
    NP = RPT * NS
    grp = NW * _CH
    E_pad = -(-E // grp) * grp
    pad_n = E_pad - E
    if pad_n:
        pad_src = (jnp.arange(pad_n, dtype=jnp.int32) * 997) % N
        pad_dst = N + (jnp.arange(pad_n, dtype=jnp.int32) % (NP - N))
        edges_p = jnp.concatenate(
            [edges.astype(jnp.int32),
             jnp.stack([pad_src, pad_dst], axis=1)], axis=0)
    else:
        edges_p = edges.astype(jnp.int32)
    idx2 = jnp.transpose(edges_p).reshape(2, NW, E_pad // (NW * _CH), _CH)

    F = B * H

    def blockdiag2(W):
        Z = jnp.zeros_like(W)
        return jnp.concatenate([jnp.concatenate([W, Z], axis=1),
                                jnp.concatenate([Z, W], axis=1)], axis=0)

    def upd_big(W_upd):
        return jnp.concatenate([blockdiag2(W_upd[:H]),
                                blockdiag2(W_upd[H:])], axis=0)

    Wp1_big = blockdiag2(W_prep1)
    Wp2_big = blockdiag2(W_prep2)
    Wu1_big = upd_big(W_upd1)
    Wu2_big = upd_big(W_upd2)
    bu1 = jnp.concatenate([b_upd1, b_upd1]).reshape(1, F)
    bu2 = jnp.concatenate([b_upd2, b_upd2]).reshape(1, F)

    HY = W_y0a.shape[1]
    Za = jnp.zeros_like(W_y0a)
    W_A = jnp.concatenate([
        jnp.concatenate([W_y0a, W_y1a, Za, Za], axis=1),
        jnp.concatenate([Za, Za, W_y0a, W_y1a], axis=1)], axis=0)
    b_A = jnp.concatenate([b_y0a, b_y1a, b_y0a, b_y1a]).reshape(1, 4 * HY)
    Zb = jnp.zeros_like(W_y0b)
    W_B = jnp.concatenate([
        jnp.concatenate([W_y0b, Zb, Zb, Zb], axis=1),
        jnp.concatenate([Zb, W_y1b, Zb, Zb], axis=1),
        jnp.concatenate([Zb, Zb, W_y0b, Zb], axis=1),
        jnp.concatenate([Zb, Zb, Zb, W_y1b], axis=1)], axis=0)
    W_B = jnp.concatenate([W_B, jnp.zeros((4 * HY, 4), jnp.float32)], axis=1)
    b_B = jnp.concatenate([b_y0b, b_y1b, b_y0b, b_y1b,
                           jnp.zeros((4,), jnp.float32)]).reshape(1, 8)

    h0_n, p1_n = _tc_emb_call(x, W_emb, b_emb.reshape(1, H), Wp1_big)
    parts1 = _sc_agg_call(p1_n, idx2)
    h1_n, p2_n = _tc_upd_call(h0_n, parts1, Wu1_big, bu1, Wp2_big)
    parts2 = _sc_agg_call(p2_n, idx2)
    y8 = _tc_fin_call(h1_n, parts2, Wu2_big, bu2, W_A, b_A, W_B, b_B)
    return y8[:, :4].reshape(N, B, 2).transpose(1, 0, 2)

# --- scband reference (transcript-rebuilt; emitter-appended) ---
"""Pipeline reference for scband-gnntarnet-prob-model-5557687681683 (READ-ONLY COPY).

The authoritative reference and input builder live on the scoring server;
editing this copy changes nothing except your own understanding.
"""

import jax, jax.numpy as jnp
import numpy as np

B, N, E, D, H, HY = 2, 10000, 320000, 128, 32, 64


def _glorot(key, shape):
    fan_in, fan_out = shape[0], shape[1]
    lim = float(np.sqrt(6.0 / (fan_in + fan_out)))
    return jax.random.uniform(key, shape, jnp.float32, -lim, lim)


def setup_inputs(seed: int = 0) -> dict:
    key = jax.random.key(seed)
    ks = jax.random.split(key, 16)
    x = jax.random.normal(ks[0], (B, N, D), jnp.float32)
    edges = jax.random.randint(ks[1], (E, 2), 0, N)
    edge_weights = jax.random.uniform(ks[2], (E,), jnp.float32)
    W_emb = _glorot(ks[3], (D, H)); b_emb = jnp.zeros((H,), jnp.float32)
    W_prep1 = _glorot(ks[4], (H, H))
    W_upd1 = _glorot(ks[5], (2 * H, H)); b_upd1 = jnp.zeros((H,), jnp.float32)
    W_prep2 = _glorot(ks[6], (H, H))
    W_upd2 = _glorot(ks[7], (2 * H, H)); b_upd2 = jnp.zeros((H,), jnp.float32)
    W_y0a = _glorot(ks[8], (H, HY)); b_y0a = jnp.zeros((HY,), jnp.float32)
    W_y0b = _glorot(ks[9], (HY, 1)); b_y0b = jnp.zeros((1,), jnp.float32)
    W_y1a = _glorot(ks[10], (H, HY)); b_y1a = jnp.zeros((HY,), jnp.float32)
    W_y1b = _glorot(ks[11], (HY, 1)); b_y1b = jnp.zeros((1,), jnp.float32)
    return {
        'x': x, 'edges': edges, 'edge_weights': edge_weights,
        'W_emb': W_emb, 'b_emb': b_emb,
        'W_prep1': W_prep1, 'W_upd1': W_upd1, 'b_upd1': b_upd1,
        'W_prep2': W_prep2, 'W_upd2': W_upd2, 'b_upd2': b_upd2,
        'W_y0a': W_y0a, 'b_y0a': b_y0a, 'W_y0b': W_y0b, 'b_y0b': b_y0b,
        'W_y1a': W_y1a, 'b_y1a': b_y1a, 'W_y1b': W_y1b, 'b_y1b': b_y1b,
    }


def _l2_normalize(v):
    # matches tf.nn.l2_normalize(v, axis=-1)
    sq = jnp.sum(v * v, axis=-1, keepdims=True)
    return v * jax.lax.rsqrt(jnp.maximum(sq, 1e-12))


def _graph_conv(node_rep, edges, W_prep, W_upd, b_upd):
    # node_rep: [B, N, H]; edges: [E, 2] (parent, node)
    parent_idx = edges[:, 0]
    node_idx = edges[:, 1]
    # gather parent representations along node axis (axis=1), like tf.gather(..., axis=1)
    parents = jnp.take(node_rep, parent_idx, axis=1)           # [B, E, H]
    # ffn_prepare: dense (no bias) + elu
    messages = jax.nn.elu(parents @ W_prep)                    # [B, E, H]
    # aggregate: unsorted_segment_sum over transposed layout [E, B, H]
    agg = jax.ops.segment_sum(jnp.transpose(messages, (1, 0, 2)), node_idx,
                              num_segments=node_rep.shape[1])  # [N, B, H]
    agg = jnp.transpose(agg, (1, 0, 2))                        # [B, N, H]
    # update: combination_type == 'concat'
    h = jnp.concatenate([node_rep, agg], axis=2)               # [B, N, 2H]
    out = h @ W_upd + b_upd                                    # [B, N, H] (no final activation)
    # normalize == True
    return _l2_normalize(out)


def reference(x, edges, edge_weights, W_emb, b_emb,
              W_prep1, W_upd1, b_upd1, W_prep2, W_upd2, b_upd2,
              W_y0a, b_y0a, W_y0b, b_y0b, W_y1a, b_y1a, W_y1b, b_y1b):
    # edge_weights is accepted by GraphConvLayer.call but never used (per the source)
    h0 = jax.nn.elu(x @ W_emb + b_emb)                # features_embedding
    h1 = _graph_conv(h0, edges, W_prep1, W_upd1, b_upd1)  # conv1
    h2 = _graph_conv(h1, edges, W_prep2, W_upd2, b_upd2)  # conv2
    y0 = jax.nn.elu(h2 @ W_y0a + b_y0a) @ W_y0b + b_y0b   # pred_y0 head, per-node
    y1 = jax.nn.elu(h2 @ W_y1a + b_y1a) @ W_y1b + b_y1b   # pred_y1 head, per-node
    return jnp.concatenate([y0, y1], axis=-1)         # [B, N, 2]

if __name__ == "__main__":
    import jax
    _d = setup_inputs()
    print(jax.jit(kernel)(*tuple(_d.values())))

</pallas_src>

<mosaic_0001>
#map = affine_map<(d0, d1) -> (0, 0)>
#map1 = affine_map<(d0, d1) -> (0, 0, 0, 0)>
#map2 = affine_map<(d0, d1) -> (0, 0, 0)>
module attributes {stable_mosaic.version = 14 : i64} {
  func.func @body(%arg0: i32, %arg1: i32, %arg2: memref<10000x64xf32, #tpu.memory_space<hbm>>, %arg3: memref<2x32x125x80xi32, #tpu.memory_space<hbm>>, %arg4: memref<2x10112x128xf32, #tpu.memory_space<hbm>>, %arg5: memref<125x80xi32, #tpu.memory_space<vmem>>, %arg6: memref<125x80xi32, #tpu.memory_space<vmem>>, %arg7: memref<12x80x64xf32, #tpu.memory_space<vmem>>, %arg8: memref<80x64xf32, #tpu.memory_space<vmem>>, %arg9: memref<10112x64xf32, #tpu.memory_space<vmem_shared>>, %arg10: memref<!tpu.dma_semaphore, #tpu.memory_space<semaphore_mem>>, %arg11: memref<!tpu.dma_semaphore, #tpu.memory_space<semaphore_mem>>, %arg12: memref<!tpu.dma_semaphore, #tpu.memory_space<semaphore_mem>>, %arg13: memref<!tpu.dma_semaphore, #tpu.memory_space<semaphore_mem>>, %arg14: memref<!tpu.dma_semaphore, #tpu.memory_space<semaphore_mem>>, %arg15: memref<!tpu.dma_semaphore, #tpu.memory_space<semaphore_mem>>, %arg16: memref<!tpu.dma_semaphore, #tpu.memory_space<semaphore_mem>>, %arg17: memref<!tpu.dma_semaphore, #tpu.memory_space<semaphore_mem>>, %arg18: memref<!tpu.dma_semaphore, #tpu.memory_space<semaphore_mem>>, %arg19: memref<!tpu.dma_semaphore, #tpu.memory_space<semaphore_mem>>, %arg20: memref<!tpu.dma_semaphore, #tpu.memory_space<semaphore_mem>>, %arg21: memref<!tpu.dma_semaphore, #tpu.memory_space<semaphore_mem>>, %arg22: memref<!tpu.dma_semaphore, #tpu.memory_space<semaphore_mem>>, %arg23: memref<!tpu.dma_semaphore, #tpu.memory_space<semaphore_mem>>, %arg24: memref<!tpu.dma_semaphore, #tpu.memory_space<semaphore_mem>>, %arg25: memref<!tpu.dma_semaphore, #tpu.memory_space<semaphore_mem>>, %arg26: memref<!tpu.dma_semaphore, #tpu.memory_space<semaphore_mem>>, %arg27: memref<!tpu.dma_semaphore, #tpu.memory_space<semaphore_mem>>, %arg28: memref<!tpu.dma_semaphore, #tpu.memory_space<semaphore_mem>>, %arg29: memref<!tpu.dma_semaphore, #tpu.memory_space<semaphore_mem>>, %arg30: memref<!tpu.dma_semaphore, #tpu.memory_space<semaphore_mem>>, %arg31: memref<!tpu.dma_semaphore, #tpu.memory_space<semaphore_mem>>, %arg32: memref<!tpu.dma_semaphore, #tpu.memory_space<semaphore_mem>>, %arg33: memref<!tpu.dma_semaphore, #tpu.memory_space<semaphore_mem>>) attributes {dimension_semantics = [#tpu.dimension_semantics<core_parallel>, #tpu.dimension_semantics<subcore_parallel>], iteration_bounds = array<i64: 2, 16>, scalar_prefetch = 0 : i64, scratch_operands = 29 : i64, tpu.core_type = #tpu.core_type<sc_vector_subcore>, window_params = [{transform_indices = #map}, {transform_indices = #map1}, {transform_indices = #map2}]} {
    %mul3A = arith.constant 2 : i32
    %mul3A_0 = arith.muli %arg1, %mul3A : i32
    %add3A = arith.addi %mul3A_0, %arg0 : i32
    %run_scoped3A = arith.constant 0 : i32
    "tpu.region"() ({
      %run_scoped3A_458 = tpu.sem_alloc : memref<!tpu.dma_semaphore, #tpu.memory_space<semaphore_mem>>
      %dma_start3A_459 = arith.constant 0 : i32
      %dma_start3A_460 = arith.constant 0 : i32
      %dma_start3A_461 = tpu.memref_slice %arg3[%run_scoped3A, %add3A, %dma_start3A_459, %dma_start3A_460] : memref<2x32x125x80xi32, #tpu.memory_space<hbm>> -> memref<1x1x125x80xi32, #tpu.memory_space<hbm>>
      %dma_start3A_462 = tpu.memref_squeeze %dma_start3A_461 : memref<1x1x125x80xi32, #tpu.memory_space<hbm>> -> memref<125x80xi32, #tpu.memory_space<hbm>>
      %dma_start3A_463 = arith.constant 0 : i32
      %dma_start3A_464 = arith.constant 0 : i32
      %dma_start3A_465 = tpu.memref_slice %arg3[%run_scoped3A, %add3A, %dma_start3A_463, %dma_start3A_464] : memref<2x32x125x80xi32, #tpu.memory_space<hbm>> -> memref<1x1x125x80xi32, #tpu.memory_space<hbm>>
      %dma_start3A_466 = tpu.memref_squeeze %dma_start3A_465 : memref<1x1x125x80xi32, #tpu.memory_space<hbm>> -> memref<125x80xi32, #tpu.memory_space<hbm>>
      tpu.enqueue_dma source(%dma_start3A_466 : memref<125x80xi32, #tpu.memory_space<hbm>>) target(%arg5 : memref<125x80xi32, #tpu.memory_space<vmem>>) target_semaphore(%run_scoped3A_458 : memref<!tpu.dma_semaphore, #tpu.memory_space<semaphore_mem>>)
      %dma_wait3A_467 = arith.constant 0 : i32
      %dma_wait3A_468 = arith.constant 0 : i32
      %dma_wait3A_469 = tpu.memref_slice %arg3[%run_scoped3A, %add3A, %dma_wait3A_467, %dma_wait3A_468] : memref<2x32x125x80xi32, #tpu.memory_space<hbm>> -> memref<1x1x125x80xi32, #tpu.memory_space<hbm>>
      %dma_wait3A_470 = tpu.memref_squeeze %dma_wait3A_469 : memref<1x1x125x80xi32, #tpu.memory_space<hbm>> -> memref<125x80xi32, #tpu.memory_space<hbm>>
      %dma_wait3A_471 = arith.constant 0 : i32
      %dma_wait3A_472 = arith.constant 0 : i32
      %dma_wait3A_473 = tpu.memref_slice %arg3[%run_scoped3A, %add3A, %dma_wait3A_471, %dma_wait3A_472] : memref<2x32x125x80xi32, #tpu.memory_space<hbm>> -> memref<1x1x125x80xi32, #tpu.memory_space<hbm>>
      %dma_wait3A_474 = tpu.memref_squeeze %dma_wait3A_473 : memref<1x1x125x80xi32, #tpu.memory_space<hbm>> -> memref<125x80xi32, #tpu.memory_space<hbm>>
      tpu.wait_dma2 semaphore(%run_scoped3A_458 : memref<!tpu.dma_semaphore, #tpu.memory_space<semaphore_mem>>) src(%dma_wait3A_474 : memref<125x80xi32, #tpu.memory_space<hbm>>) dst(%arg5 : memref<125x80xi32, #tpu.memory_space<vmem>>)
      tpu.yield
    }) : () -> ()
    %run_scoped3A_1 = arith.constant 1 : i32
    "tpu.region"() ({
      %run_scoped3A_458 = tpu.sem_alloc : memref<!tpu.dma_semaphore, #tpu.memory_space<semaphore_mem>>
      %dma_start3A_459 = arith.constant 0 : i32
      %dma_start3A_460 = arith.constant 0 : i32
      %dma_start3A_461 = tpu.memref_slice %arg3[%run_scoped3A_1, %add3A, %dma_start3A_459, %dma_start3A_460] : memref<2x32x125x80xi32, #tpu.memory_space<hbm>> -> memref<1x1x125x80xi32, #tpu.memory_space<hbm>>
      %dma_start3A_462 = tpu.memref_squeeze %dma_start3A_461 : memref<1x1x125x80xi32, #tpu.memory_space<hbm>> -> memref<125x80xi32, #tpu.memory_space<hbm>>
      %dma_start3A_463 = arith.constant 0 : i32
      %dma_start3A_464 = arith.constant 0 : i32
      %dma_start3A_465 = tpu.memref_slice %arg3[%run_scoped3A_1, %add3A, %dma_start3A_463, %dma_start3A_464] : memref<2x32x125x80xi32, #tpu.memory_space<hbm>> -> memref<1x1x125x80xi32, #tpu.memory_space<hbm>>
      %dma_start3A_466 = tpu.memref_squeeze %dma_start3A_465 : memref<1x1x125x80xi32, #tpu.memory_space<hbm>> -> memref<125x80xi32, #tpu.memory_space<hbm>>
      tpu.enqueue_dma source(%dma_start3A_466 : memref<125x80xi32, #tpu.memory_space<hbm>>) target(%arg6 : memref<125x80xi32, #tpu.memory_space<vmem>>) target_semaphore(%run_scoped3A_458 : memref<!tpu.dma_semaphore, #tpu.memory_space<semaphore_mem>>)
      %dma_wait3A_467 = arith.constant 0 : i32
      %dma_wait3A_468 = arith.constant 0 : i32
      %dma_wait3A_469 = tpu.memref_slice %arg3[%run_scoped3A_1, %add3A, %dma_wait3A_467, %dma_wait3A_468] : memref<2x32x125x80xi32, #tpu.memory_space<hbm>> -> memref<1x1x125x80xi32, #tpu.memory_space<hbm>>
      %dma_wait3A_470 = tpu.memref_squeeze %dma_wait3A_469 : memref<1x1x125x80xi32, #tpu.memory_space<hbm>> -> memref<125x80xi32, #tpu.memory_space<hbm>>
      %dma_wait3A_471 = arith.constant 0 : i32
      %dma_wait3A_472 = arith.constant 0 : i32
      %dma_wait3A_473 = tpu.memref_slice %arg3[%run_scoped3A_1, %add3A, %dma_wait3A_471, %dma_wait3A_472] : memref<2x32x125x80xi32, #tpu.memory_space<hbm>> -> memref<1x1x125x80xi32, #tpu.memory_space<hbm>>
      %dma_wait3A_474 = tpu.memref_squeeze %dma_wait3A_473 : memref<1x1x125x80xi32, #tpu.memory_space<hbm>> -> memref<125x80xi32, #tpu.memory_space<hbm>>
      tpu.wait_dma2 semaphore(%run_scoped3A_458 : memref<!tpu.dma_semaphore, #tpu.memory_space<semaphore_mem>>) src(%dma_wait3A_474 : memref<125x80xi32, #tpu.memory_space<hbm>>) dst(%arg6 : memref<125x80xi32, #tpu.memory_space<vmem>>)
      tpu.yield
    }) : () -> ()
    %dma_start3A = arith.constant 0 : i32
    %dma_start3A_2 = arith.constant 0 : i32
    %dma_start3A_3 = arith.constant 0 : i32
    %dma_start3A_4 = arith.constant 0 : i32
    %dma_start3A_5 = tpu.memref_slice %arg7[%dma_start3A_2, %dma_start3A_3, %dma_start3A_4] : memref<12x80x64xf32, #tpu.memory_space<vmem>> -> memref<1x80x64xf32, #tpu.memory_space<vmem>>
    %dma_start3A_6 = tpu.memref_squeeze %dma_start3A_5 : memref<1x80x64xf32, #tpu.memory_space<vmem>> -> memref<80x64xf32, #tpu.memory_space<vmem>>
    %dma_start3A_7 = arith.constant 0 : i32
    %dma_start3A_8 = tpu.memref_slice %arg5[%dma_start3A, %dma_start3A_7] : memref<125x80xi32, #tpu.memory_space<vmem>> -> memref<1x80xi32, #tpu.memory_space<vmem>>
    %dma_start3A_9 = tpu.memref_squeeze %dma_start3A_8 : memref<1x80xi32, #tpu.memory_space<vmem>> -> memref<80xi32, #tpu.memory_space<vmem>>
    %dma_start3A_10 = arith.constant 0 : i32
    %dma_start3A_11 = arith.constant 0 : i32
    %dma_start3A_12 = tpu.memref_slice %arg2[%dma_start3A_10, %dma_start3A_11] : memref<10000x64xf32, #tpu.memory_space<hbm>> -> memref<10000x64xf32, #tpu.memory_space<hbm>>
    tpu.enqueue_indirect_dma source(%dma_start3A_12 : memref<10000x64xf32, #tpu.memory_space<hbm>>) target(%dma_start3A_6 : memref<80x64xf32, #tpu.memory_space<vmem>>) offsets(%dma_start3A_9 : memref<80xi32, #tpu.memory_space<vmem>>) semaphore(%arg10 : memref<!tpu.dma_semaphore, #tpu.memory_space<semaphore_mem>>)
    %dma_start3A_13 = arith.constant 1 : i32
    %dma_start3A_14 = arith.constant 1 : i32
    %dma_start3A_15 = arith.constant 0 : i32
    %dma_start3A_16 = arith.constant 0 : i32
    %dma_start3A_17 = tpu.memref_slice %arg7[%dma_start3A_14, %dma_start3A_15, %dma_start3A_16] : memref<12x80x64xf32, #tpu.memory_space<vmem>> -> memref<1x80x64xf32, #tpu.memory_space<vmem>>
    %dma_start3A_18 = tpu.memref_squeeze %dma_start3A_17 : memref<1x80x64xf32, #tpu.memory_space<vmem>> -> memref<80x64xf32, #tpu.memory_space<vmem>>
    %dma_start3A_19 = arith.constant 0 : i32
    %dma_start3A_20 = tpu.memref_slice %arg5[%dma_start3A_13, %dma_start3A_19] : memref<125x80xi32, #tpu.memory_space<vmem>> -> memref<1x80xi32, #tpu.memory_space<vmem>>
    %dma_start3A_21 = tpu.memref_squeeze %dma_start3A_20 : memref<1x80xi32, #tpu.memory_space<vmem>> -> memref<80xi32, #tpu.memory_space<vmem>>
    %dma_start3A_22 = arith.constant 0 : i32
    %dma_start3A_23 = arith.constant 0 : i32
    %dma_start3A_24 = tpu.memref_slice %arg2[%dma_start3A_22, %dma_start3A_23] : memref<10000x64xf32, #tpu.memory_space<hbm>> -> memref<10000x64xf32, #tpu.memory_space<hbm>>
    tpu.enqueue_indirect_dma source(%dma_start3A_24 : memref<10000x64xf32, #tpu.memory_space<hbm>>) target(%dma_start3A_18 : memref<80x64xf32, #tpu.memory_space<vmem>>) offsets(%dma_start3A_21 : memref<80xi32, #tpu.memory_space<vmem>>) semaphore(%arg11 : memref<!tpu.dma_semaphore, #tpu.memory_space<semaphore_mem>>)
    %dma_start3A_25 = arith.constant 2 : i32
    %dma_start3A_26 = arith.constant 2 : i32
    %dma_start3A_27 = arith.constant 0 : i32
    %dma_start3A_28 = arith.constant 0 : i32
    %dma_start3A_29 = tpu.memref_slice %arg7[%dma_start3A_26, %dma_start3A_27, %dma_start3A_28] : memref<12x80x64xf32, #tpu.memory_space<vmem>> -> memref<1x80x64xf32, #tpu.memory_space<vmem>>
    %dma_start3A_30 = tpu.memref_squeeze %dma_start3A_29 : memref<1x80x64xf32, #tpu.memory_space<vmem>> -> memref<80x64xf32, #tpu.memory_space<vmem>>
    %dma_start3A_31 = arith.constant 0 : i32
    %dma_start3A_32 = tpu.memref_slice %arg5[%dma_start3A_25, %dma_start3A_31] : memref<125x80xi32, #tpu.memory_space<vmem>> -> memref<1x80xi32, #tpu.memory_space<vmem>>
    %dma_start3A_33 = tpu.memref_squeeze %dma_start3A_32 : memref<1x80xi32, #tpu.memory_space<vmem>> -> memref<80xi32, #tpu.memory_space<vmem>>
    %dma_start3A_34 = arith.constant 0 : i32
    %dma_start3A_35 = arith.constant 0 : i32
    %dma_start3A_36 = tpu.memref_slice %arg2[%dma_start3A_34, %dma_start3A_35] : memref<10000x64xf32, #tpu.memory_space<hbm>> -> memref<10000x64xf32, #tpu.memory_space<hbm>>
    tpu.enqueue_indirect_dma source(%dma_start3A_36 : memref<10000x64xf32, #tpu.memory_space<hbm>>) target(%dma_start3A_30 : memref<80x64xf32, #tpu.memory_space<vmem>>) offsets(%dma_start3A_33 : memref<80xi32, #tpu.memory_space<vmem>>) semaphore(%arg12 : memref<!tpu.dma_semaphore, #tpu.memory_space<semaphore_mem>>)
    %dma_start3A_37 = arith.constant 3 : i32
    %dma_start3A_38 = arith.constant 3 : i32
    %dma_start3A_39 = arith.constant 0 : i32
    %dma_start3A_40 = arith.constant 0 : i32
    %dma_start3A_41 = tpu.memref_slice %arg7[%dma_start3A_38, %dma_start3A_39, %dma_start3A_40] : memref<12x80x64xf32, #tpu.memory_space<vmem>> -> memref<1x80x64xf32, #tpu.memory_space<vmem>>
    %dma_start3A_42 = tpu.memref_squeeze %dma_start3A_41 : memref<1x80x64xf32, #tpu.memory_space<vmem>> -> memref<80x64xf32, #tpu.memory_space<vmem>>
    %dma_start3A_43 = arith.constant 0 : i32
    %dma_start3A_44 = tpu.memref_slice %arg5[%dma_start3A_37, %dma_start3A_43] : memref<125x80xi32, #tpu.memory_space<vmem>> -> memref<1x80xi32, #tpu.memory_space<vmem>>
    %dma_start3A_45 = tpu.memref_squeeze %dma_start3A_44 : memref<1x80xi32, #tpu.memory_space<vmem>> -> memref<80xi32, #tpu.memory_space<vmem>>
    %dma_start3A_46 = arith.constant 0 : i32
    %dma_start3A_47 = arith.constant 0 : i32
    %dma_start3A_48 = tpu.memref_slice %arg2[%dma_start3A_46, %dma_start3A_47] : memref<10000x64xf32, #tpu.memory_space<hbm>> -> memref<10000x64xf32, #tpu.memory_space<hbm>>
    tpu.enqueue_indirect_dma source(%dma_start3A_48 : memref<10000x64xf32, #tpu.memory_space<hbm>>) target(%dma_start3A_42 : memref<80x64xf32, #tpu.memory_space<vmem>>) offsets(%dma_start3A_45 : memref<80xi32, #tpu.memory_space<vmem>>) semaphore(%arg13 : memref<!tpu.dma_semaphore, #tpu.memory_space<semaphore_mem>>)
    %dma_start3A_49 = arith.constant 4 : i32
    %dma_start3A_50 = arith.constant 4 : i32
    %dma_start3A_51 = arith.constant 0 : i32
    %dma_start3A_52 = arith.constant 0 : i32
    %dma_start3A_53 = tpu.memref_slice %arg7[%dma_start3A_50, %dma_start3A_51, %dma_start3A_52] : memref<12x80x64xf32, #tpu.memory_space<vmem>> -> memref<1x80x64xf32, #tpu.memory_space<vmem>>
    %dma_start3A_54 = tpu.memref_squeeze %dma_start3A_53 : memref<1x80x64xf32, #tpu.memory_space<vmem>> -> memref<80x64xf32, #tpu.memory_space<vmem>>
    %dma_start3A_55 = arith.constant 0 : i32
    %dma_start3A_56 = tpu.memref_slice %arg5[%dma_start3A_49, %dma_start3A_55] : memref<125x80xi32, #tpu.memory_space<vmem>> -> memref<1x80xi32, #tpu.memory_space<vmem>>
    %dma_start3A_57 = tpu.memref_squeeze %dma_start3A_56 : memref<1x80xi32, #tpu.memory_space<vmem>> -> memref<80xi32, #tpu.memory_space<vmem>>
    %dma_start3A_58 = arith.constant 0 : i32
    %dma_start3A_59 = arith.constant 0 : i32
    %dma_start3A_60 = tpu.memref_slice %arg2[%dma_start3A_58, %dma_start3A_59] : memref<10000x64xf32, #tpu.memory_space<hbm>> -> memref<10000x64xf32, #tpu.memory_space<hbm>>
    tpu.enqueue_indirect_dma source(%dma_start3A_60 : memref<10000x64xf32, #tpu.memory_space<hbm>>) target(%dma_start3A_54 : memref<80x64xf32, #tpu.memory_space<vmem>>) offsets(%dma_start3A_57 : memref<80xi32, #tpu.memory_space<vmem>>) semaphore(%arg14 : memref<!tpu.dma_semaphore, #tpu.memory_space<semaphore_mem>>)
    %dma_start3A_61 = arith.constant 5 : i32
    %dma_start3A_62 = arith.constant 5 : i32
    %dma_start3A_63 = arith.constant 0 : i32
    %dma_start3A_64 = arith.constant 0 : i32
    %dma_start3A_65 = tpu.memref_slice %arg7[%dma_start3A_62, %dma_start3A_63, %dma_start3A_64] : memref<12x80x64xf32, #tpu.memory_space<vmem>> -> memref<1x80x64xf32, #tpu.memory_space<vmem>>
    %dma_start3A_66 = tpu.memref_squeeze %dma_start3A_65 : memref<1x80x64xf32, #tpu.memory_space<vmem>> -> memref<80x64xf32, #tpu.memory_space<vmem>>
    %dma_start3A_67 = arith.constant 0 : i32
    %dma_start3A_68 = tpu.memref_slice %arg5[%dma_start3A_61, %dma_start3A_67] : memref<125x80xi32, #tpu.memory_space<vmem>> -> memref<1x80xi32, #tpu.memory_space<vmem>>
    %dma_start3A_69 = tpu.memref_squeeze %dma_start3A_68 : memref<1x80xi32, #tpu.memory_space<vmem>> -> memref<80xi32, #tpu.memory_space<vmem>>
    %dma_start3A_70 = arith.constant 0 : i32
    %dma_start3A_71 = arith.constant 0 : i32
    %dma_start3A_72 = tpu.memref_slice %arg2[%dma_start3A_70, %dma_start3A_71] : memref<10000x64xf32, #tpu.memory_space<hbm>> -> memref<10000x64xf32, #tpu.memory_space<hbm>>
    tpu.enqueue_indirect_dma source(%dma_start3A_72 : memref<10000x64xf32, #tpu.memory_space<hbm>>) target(%dma_start3A_66 : memref<80x64xf32, #tpu.memory_space<vmem>>) offsets(%dma_start3A_69 : memref<80xi32, #tpu.memory_space<vmem>>) semaphore(%arg15 : memref<!tpu.dma_semaphore, #tpu.memory_space<semaphore_mem>>)
    %dma_start3A_73 = arith.constant 6 : i32
    %dma_start3A_74 = arith.constant 6 : i32
    %dma_start3A_75 = arith.constant 0 : i32
    %dma_start3A_76 = arith.constant 0 : i32
    %dma_start3A_77 = tpu.memref_slice %arg7[%dma_start3A_74, %dma_start3A_75, %dma_start3A_76] : memref<12x80x64xf32, #tpu.memory_space<vmem>> -> memref<1x80x64xf32, #tpu.memory_space<vmem>>
    %dma_start3A_78 = tpu.memref_squeeze %dma_start3A_77 : memref<1x80x64xf32, #tpu.memory_space<vmem>> -> memref<80x64xf32, #tpu.memory_space<vmem>>
    %dma_start3A_79 = arith.constant 0 : i32
    %dma_start3A_80 = tpu.memref_slice %arg5[%dma_start3A_73, %dma_start3A_79] : memref<125x80xi32, #tpu.memory_space<vmem>> -> memref<1x80xi32, #tpu.memory_space<vmem>>
    %dma_start3A_81 = tpu.memref_squeeze %dma_start3A_80 : memref<1x80xi32, #tpu.memory_space<vmem>> -> memref<80xi32, #tpu.memory_space<vmem>>
    %dma_start3A_82 = arith.constant 0 : i32
    %dma_start3A_83 = arith.constant 0 : i32
    %dma_start3A_84 = tpu.memref_slice %arg2[%dma_start3A_82, %dma_start3A_83] : memref<10000x64xf32, #tpu.memory_space<hbm>> -> memref<10000x64xf32, #tpu.memory_space<hbm>>
    tpu.enqueue_indirect_dma source(%dma_start3A_84 : memref<10000x64xf32, #tpu.memory_space<hbm>>) target(%dma_start3A_78 : memref<80x64xf32, #tpu.memory_space<vmem>>) offsets(%dma_start3A_81 : memref<80xi32, #tpu.memory_space<vmem>>) semaphore(%arg16 : memref<!tpu.dma_semaphore, #tpu.memory_space<semaphore_mem>>)
    %dma_start3A_85 = arith.constant 7 : i32
    %dma_start3A_86 = arith.constant 7 : i32
    %dma_start3A_87 = arith.constant 0 : i32
    %dma_start3A_88 = arith.constant 0 : i32
    %dma_start3A_89 = tpu.memref_slice %arg7[%dma_start3A_86, %dma_start3A_87, %dma_start3A_88] : memref<12x80x64xf32, #tpu.memory_space<vmem>> -> memref<1x80x64xf32, #tpu.memory_space<vmem>>
    %dma_start3A_90 = tpu.memref_squeeze %dma_start3A_89 : memref<1x80x64xf32, #tpu.memory_space<vmem>> -> memref<80x64xf32, #tpu.memory_space<vmem>>
    %dma_start3A_91 = arith.constant 0 : i32
    %dma_start3A_92 = tpu.memref_slice %arg5[%dma_start3A_85, %dma_start3A_91] : memref<125x80xi32, #tpu.memory_space<vmem>> -> memref<1x80xi32, #tpu.memory_space<vmem>>
    %dma_start3A_93 = tpu.memref_squeeze %dma_start3A_92 : memref<1x80xi32, #tpu.memory_space<vmem>> -> memref<80xi32, #tpu.memory_space<vmem>>
    %dma_start3A_94 = arith.constant 0 : i32
    %dma_start3A_95 = arith.constant 0 : i32
    %dma_start3A_96 = tpu.memref_slice %arg2[%dma_start3A_94, %dma_start3A_95] : memref<10000x64xf32, #tpu.memory_space<hbm>> -> memref<10000x64xf32, #tpu.memory_space<hbm>>
    tpu.enqueue_indirect_dma source(%dma_start3A_96 : memref<10000x64xf32, #tpu.memory_space<hbm>>) target(%dma_start3A_90 : memref<80x64xf32, #tpu.memory_space<vmem>>) offsets(%dma_start3A_93 : memref<80xi32, #tpu.memory_space<vmem>>) semaphore(%arg17 : memref<!tpu.dma_semaphore, #tpu.memory_space<semaphore_mem>>)
    %dma_start3A_97 = arith.constant 8 : i32
    %dma_start3A_98 = arith.constant 8 : i32
    %dma_start3A_99 = arith.constant 0 : i32
    %dma_start3A_100 = arith.constant 0 : i32
    %dma_start3A_101 = tpu.memref_slice %arg7[%dma_start3A_98, %dma_start3A_99, %dma_start3A_100] : memref<12x80x64xf32, #tpu.memory_space<vmem>> -> memref<1x80x64xf32, #tpu.memory_space<vmem>>
    %dma_start3A_102 = tpu.memref_squeeze %dma_start3A_101 : memref<1x80x64xf32, #tpu.memory_space<vmem>> -> memref<80x64xf32, #tpu.memory_space<vmem>>
    %dma_start3A_103 = arith.constant 0 : i32
    %dma_start3A_104 = tpu.memref_slice %arg5[%dma_start3A_97, %dma_start3A_103] : memref<125x80xi32, #tpu.memory_space<vmem>> -> memref<1x80xi32, #tpu.memory_space<vmem>>
    %dma_start3A_105 = tpu.memref_squeeze %dma_start3A_104 : memref<1x80xi32, #tpu.memory_space<vmem>> -> memref<80xi32, #tpu.memory_space<vmem>>
    %dma_start3A_106 = arith.constant 0 : i32
    %dma_start3A_107 = arith.constant 0 : i32
    %dma_start3A_108 = tpu.memref_slice %arg2[%dma_start3A_106, %dma_start3A_107] : memref<10000x64xf32, #tpu.memory_space<hbm>> -> memref<10000x64xf32, #tpu.memory_space<hbm>>
    tpu.enqueue_indirect_dma source(%dma_start3A_108 : memref<10000x64xf32, #tpu.memory_space<hbm>>) target(%dma_start3A_102 : memref<80x64xf32, #tpu.memory_space<vmem>>) offsets(%dma_start3A_105 : memref<80xi32, #tpu.memory_space<vmem>>) semaphore(%arg18 : memref<!tpu.dma_semaphore, #tpu.memory_space<semaphore_mem>>)
    %dma_start3A_109 = arith.constant 9 : i32
    %dma_start3A_110 = arith.constant 9 : i32
    %dma_start3A_111 = arith.constant 0 : i32
    %dma_start3A_112 = arith.constant 0 : i32
    %dma_start3A_113 = tpu.memref_slice %arg7[%dma_start3A_110, %dma_start3A_111, %dma_start3A_112] : memref<12x80x64xf32, #tpu.memory_space<vmem>> -> memref<1x80x64xf32, #tpu.memory_space<vmem>>
    %dma_start3A_114 = tpu.memref_squeeze %dma_start3A_113 : memref<1x80x64xf32, #tpu.memory_space<vmem>> -> memref<80x64xf32, #tpu.memory_space<vmem>>
    %dma_start3A_115 = arith.constant 0 : i32
    %dma_start3A_116 = tpu.memref_slice %arg5[%dma_start3A_109, %dma_start3A_115] : memref<125x80xi32, #tpu.memory_space<vmem>> -> memref<1x80xi32, #tpu.memory_space<vmem>>
    %dma_start3A_117 = tpu.memref_squeeze %dma_start3A_116 : memref<1x80xi32, #tpu.memory_space<vmem>> -> memref<80xi32, #tpu.memory_space<vmem>>
    %dma_start3A_118 = arith.constant 0 : i32
    %dma_start3A_119 = arith.constant 0 : i32
    %dma_start3A_120 = tpu.memref_slice %arg2[%dma_start3A_118, %dma_start3A_119] : memref<10000x64xf32, #tpu.memory_space<hbm>> -> memref<10000x64xf32, #tpu.memory_space<hbm>>
    tpu.enqueue_indirect_dma source(%dma_start3A_120 : memref<10000x64xf32, #tpu.memory_space<hbm>>) target(%dma_start3A_114 : memref<80x64xf32, #tpu.memory_space<vmem>>) offsets(%dma_start3A_117 : memref<80xi32, #tpu.memory_space<vmem>>) semaphore(%arg19 : memref<!tpu.dma_semaphore, #tpu.memory_space<semaphore_mem>>)
    %dma_start3A_121 = arith.constant 10 : i32
    %dma_start3A_122 = arith.constant 10 : i32
    %dma_start3A_123 = arith.constant 0 : i32
    %dma_start3A_124 = arith.constant 0 : i32
    %dma_start3A_125 = tpu.memref_slice %arg7[%dma_start3A_122, %dma_start3A_123, %dma_start3A_124] : memref<12x80x64xf32, #tpu.memory_space<vmem>> -> memref<1x80x64xf32, #tpu.memory_space<vmem>>
    %dma_start3A_126 = tpu.memref_squeeze %dma_start3A_125 : memref<1x80x64xf32, #tpu.memory_space<vmem>> -> memref<80x64xf32, #tpu.memory_space<vmem>>
    %dma_start3A_127 = arith.constant 0 : i32
    %dma_start3A_128 = tpu.memref_slice %arg5[%dma_start3A_121, %dma_start3A_127] : memref<125x80xi32, #tpu.memory_space<vmem>> -> memref<1x80xi32, #tpu.memory_space<vmem>>
    %dma_start3A_129 = tpu.memref_squeeze %dma_start3A_128 : memref<1x80xi32, #tpu.memory_space<vmem>> -> memref<80xi32, #tpu.memory_space<vmem>>
    %dma_start3A_130 = arith.constant 0 : i32
    %dma_start3A_131 = arith.constant 0 : i32
    %dma_start3A_132 = tpu.memref_slice %arg2[%dma_start3A_130, %dma_start3A_131] : memref<10000x64xf32, #tpu.memory_space<hbm>> -> memref<10000x64xf32, #tpu.memory_space<hbm>>
    tpu.enqueue_indirect_dma source(%dma_start3A_132 : memref<10000x64xf32, #tpu.memory_space<hbm>>) target(%dma_start3A_126 : memref<80x64xf32, #tpu.memory_space<vmem>>) offsets(%dma_start3A_129 : memref<80xi32, #tpu.memory_space<vmem>>) semaphore(%arg20 : memref<!tpu.dma_semaphore, #tpu.memory_space<semaphore_mem>>)
    %dma_start3A_133 = arith.constant 11 : i32
    %dma_start3A_134 = arith.constant 11 : i32
    %dma_start3A_135 = arith.constant 0 : i32
    %dma_start3A_136 = arith.constant 0 : i32
    %dma_start3A_137 = tpu.memref_slice %arg7[%dma_start3A_134, %dma_start3A_135, %dma_start3A_136] : memref<12x80x64xf32, #tpu.memory_space<vmem>> -> memref<1x80x64xf32, #tpu.memory_space<vmem>>
    %dma_start3A_138 = tpu.memref_squeeze %dma_start3A_137 : memref<1x80x64xf32, #tpu.memory_space<vmem>> -> memref<80x64xf32, #tpu.memory_space<vmem>>
    %dma_start3A_139 = arith.constant 0 : i32
    %dma_start3A_140 = tpu.memref_slice %arg5[%dma_start3A_133, %dma_start3A_139] : memref<125x80xi32, #tpu.memory_space<vmem>> -> memref<1x80xi32, #tpu.memory_space<vmem>>
    %dma_start3A_141 = tpu.memref_squeeze %dma_start3A_140 : memref<1x80xi32, #tpu.memory_space<vmem>> -> memref<80xi32, #tpu.memory_space<vmem>>
    %dma_start3A_142 = arith.constant 0 : i32
    %dma_start3A_143 = arith.constant 0 : i32
    %dma_start3A_144 = tpu.memref_slice %arg2[%dma_start3A_142, %dma_start3A_143] : memref<10000x64xf32, #tpu.memory_space<hbm>> -> memref<10000x64xf32, #tpu.memory_space<hbm>>
    tpu.enqueue_indirect_dma source(%dma_start3A_144 : memref<10000x64xf32, #tpu.memory_space<hbm>>) target(%dma_start3A_138 : memref<80x64xf32, #tpu.memory_space<vmem>>) offsets(%dma_start3A_141 : memref<80xi32, #tpu.memory_space<vmem>>) semaphore(%arg21 : memref<!tpu.dma_semaphore, #tpu.memory_space<semaphore_mem>>)
    %scan3A = arith.constant 0 : i32
    %scan3A_145 = arith.constant 0 : i32
    %scan3A_146 = arith.constant 80 : i32
    %scan3A_147 = arith.addi %scan3A_145, %scan3A_146 : i32
    %scan3A_148 = arith.constant 1 : i32
    %scan3A_149 = scf.for %scan3A_458 = %scan3A_145 to %scan3A_147 step %scan3A_148 iter_args(%scan3A_459 = %scan3A) -> (i32)  : i32 {
      %broadcast_in_dim3A = arith.constant 0.000000e+00 : f32
      %broadcast_in_dim3A_460 = vector.broadcast %broadcast_in_dim3A : f32 to vector<16xf32>
      %swap3A = arith.index_cast %scan3A_458 : i32 to index
      %swap3A_461 = arith.constant 0 : index
      %swap3A_462 = tpu.vector_load %arg8[%swap3A, %swap3A_461] {strides = array<i32>} : memref<80x64xf32, #tpu.memory_space<vmem>>, vector<1x16xf32>,
      %swap3A_463 = vector.shape_cast %swap3A_462 : vector<1x16xf32> to vector<16xf32>
      %swap3A_464 = vector.shape_cast %broadcast_in_dim3A_460 : vector<16xf32> to vector<1x16xf32>
      tpu.vector_store %arg8[%swap3A, %swap3A_461], %swap3A_464 {strides = array<i32>} : memref<80x64xf32, #tpu.memory_space<vmem>>, vector<1x16xf32>,
      %broadcast_in_dim3A_465 = arith.constant 0.000000e+00 : f32
      %broadcast_in_dim3A_466 = vector.broadcast %broadcast_in_dim3A_465 : f32 to vector<16xf32>
      %swap3A_467 = arith.index_cast %scan3A_458 : i32 to index
      %swap3A_468 = arith.constant 16 : index
      %swap3A_469 = tpu.vector_load %arg8[%swap3A_467, %swap3A_468] {strides = array<i32>} : memref<80x64xf32, #tpu.memory_space<vmem>>, vector<1x16xf32>,
      %swap3A_470 = vector.shape_cast %swap3A_469 : vector<1x16xf32> to vector<16xf32>
      %swap3A_471 = vector.shape_cast %broadcast_in_dim3A_466 : vector<16xf32> to vector<1x16xf32>
      tpu.vector_store %arg8[%swap3A_467, %swap3A_468], %swap3A_471 {strides = array<i32>} : memref<80x64xf32, #tpu.memory_space<vmem>>, vector<1x16xf32>,
      %broadcast_in_dim3A_472 = arith.constant 0.000000e+00 : f32
      %broadcast_in_dim3A_473 = vector.broadcast %broadcast_in_dim3A_472 : f32 to vector<16xf32>
      %swap3A_474 = arith.index_cast %scan3A_458 : i32 to index
      %swap3A_475 = arith.constant 32 : index
      %swap3A_476 = tpu.vector_load %arg8[%swap3A_474, %swap3A_475] {strides = array<i32>} : memref<80x64xf32, #tpu.memory_space<vmem>>, vector<1x16xf32>,
      %swap3A_477 = vector.shape_cast %swap3A_476 : vector<1x16xf32> to vector<16xf32>
      %swap3A_478 = vector.shape_cast %broadcast_in_dim3A_473 : vector<16xf32> to vector<1x16xf32>
      tpu.vector_store %arg8[%swap3A_474, %swap3A_475], %swap3A_478 {strides = array<i32>} : memref<80x64xf32, #tpu.memory_space<vmem>>, vector<1x16xf32>,
      %broadcast_in_dim3A_479 = arith.constant 0.000000e+00 : f32
      %broadcast_in_dim3A_480 = vector.broadcast %broadcast_in_dim3A_479 : f32 to vector<16xf32>
      %swap3A_481 = arith.index_cast %scan3A_458 : i32 to index
      %swap3A_482 = arith.constant 48 : index
      %swap3A_483 = tpu.vector_load %arg8[%swap3A_481, %swap3A_482] {strides = array<i32>} : memref<80x64xf32, #tpu.memory_space<vmem>>, vector<1x16xf32>,
      %swap3A_484 = vector.shape_cast %swap3A_483 : vector<1x16xf32> to vector<16xf32>
      %swap3A_485 = vector.shape_cast %broadcast_in_dim3A_480 : vector<16xf32> to vector<1x16xf32>
      tpu.vector_store %arg8[%swap3A_481, %swap3A_482], %swap3A_485 {strides = array<i32>} : memref<80x64xf32, #tpu.memory_space<vmem>>, vector<1x16xf32>,
      %scan3A_486 = arith.constant 0 : i32
      scf.yield %scan3A_486 : i32
    }
    %scan3A_150 = arith.constant 80 : i32
    %mul3A_151 = arith.constant 632 : i32
    %mul3A_152 = arith.muli %arg1, %mul3A_151 : i32
    %add3A_153 = arith.constant 0 : i32
    %add3A_154 = arith.addi %mul3A_152, %add3A_153 : i32
    "tpu.region"() ({
      %run_scoped3A_458 = tpu.sem_alloc : memref<!tpu.dma_semaphore, #tpu.memory_space<semaphore_mem>>
      %dma_start3A_459 = arith.constant 0 : i32
      %dma_start3A_460 = tpu.memref_slice %arg9[%add3A_154, %dma_start3A_459] : memref<10112x64xf32, #tpu.memory_space<vmem_shared>> -> memref<80x64xf32, #tpu.memory_space<vmem_shared>>
      %dma_start3A_461 = arith.constant 0 : i32
      %dma_start3A_462 = tpu.memref_slice %arg9[%add3A_154, %dma_start3A_461] : memref<10112x64xf32, #tpu.memory_space<vmem_shared>> -> memref<80x64xf32, #tpu.memory_space<vmem_shared>>
      tpu.enqueue_dma source(%arg8 : memref<80x64xf32, #tpu.memory_space<vmem>>) target(%dma_start3A_462 : memref<80x64xf32, #tpu.memory_space<vmem_shared>>) target_semaphore(%run_scoped3A_458 : memref<!tpu.dma_semaphore, #tpu.memory_space<semaphore_mem>>)
      %dma_wait3A_463 = arith.constant 0 : i32
      %dma_wait3A_464 = tpu.memref_slice %arg9[%add3A_154, %dma_wait3A_463] : memref<10112x64xf32, #tpu.memory_space<vmem_shared>> -> memref<80x64xf32, #tpu.memory_space<vmem_shared>>
      %dma_wait3A_465 = arith.constant 0 : i32
      %dma_wait3A_466 = tpu.memref_slice %arg9[%add3A_154, %dma_wait3A_465] : memref<10112x64xf32, #tpu.memory_space<vmem_shared>> -> memref<80x64xf32, #tpu.memory_space<vmem_shared>>
      tpu.wait_dma2 semaphore(%run_scoped3A_458 : memref<!tpu.dma_semaphore, #tpu.memory_space<semaphore_mem>>) src(%arg8 : memref<80x64xf32, #tpu.memory_space<vmem>>) dst(%dma_wait3A_466 : memref<80x64xf32, #tpu.memory_space<vmem_shared>>)
      tpu.yield
    }) : () -> ()
    %mul3A_155 = arith.constant 632 : i32
    %mul3A_156 = arith.muli %arg1, %mul3A_155 : i32
    %add3A_157 = arith.constant 80 : i32
    %add3A_158 = arith.addi %mul3A_156, %add3A_157 : i32
    "tpu.region"() ({
      %run_scoped3A_458 = tpu.sem_alloc : memref<!tpu.dma_semaphore, #tpu.memory_space<semaphore_mem>>
      %dma_start3A_459 = arith.constant 0 : i32
      %dma_start3A_460 = tpu.memref_slice %arg9[%add3A_158, %dma_start3A_459] : memref<10112x64xf32, #tpu.memory_space<vmem_shared>> -> memref<80x64xf32, #tpu.memory_space<vmem_shared>>
      %dma_start3A_461 = arith.constant 0 : i32
      %dma_start3A_462 = tpu.memref_slice %arg9[%add3A_158, %dma_start3A_461] : memref<10112x64xf32, #tpu.memory_space<vmem_shared>> -> memref<80x64xf32, #tpu.memory_space<vmem_shared>>
      tpu.enqueue_dma source(%arg8 : memref<80x64xf32, #tpu.memory_space<vmem>>) target(%dma_start3A_462 : memref<80x64xf32, #tpu.memory_space<vmem_shared>>) target_semaphore(%run_scoped3A_458 : memref<!tpu.dma_semaphore, #tpu.memory_space<semaphore_mem>>)
      %dma_wait3A_463 = arith.constant 0 : i32
      %dma_wait3A_464 = tpu.memref_slice %arg9[%add3A_158, %dma_wait3A_463] : memref<10112x64xf32, #tpu.memory_space<vmem_shared>> -> memref<80x64xf32, #tpu.memory_space<vmem_shared>>
      %dma_wait3A_465 = arith.constant 0 : i32
      %dma_wait3A_466 = tpu.memref_slice %arg9[%add3A_158, %dma_wait3A_465] : memref<10112x64xf32, #tpu.memory_space<vmem_shared>> -> memref<80x64xf32, #tpu.memory_space<vmem_shared>>
      tpu.wait_dma2 semaphore(%run_scoped3A_458 : memref<!tpu.dma_semaphore, #tpu.memory_space<semaphore_mem>>) src(%arg8 : memref<80x64xf32, #tpu.memory_space<vmem>>) dst(%dma_wait3A_466 : memref<80x64xf32, #tpu.memory_space<vmem_shared>>)
      tpu.yield
    }) : () -> ()
    %mul3A_159 = arith.constant 632 : i32
    %mul3A_160 = arith.muli %arg1, %mul3A_159 : i32
    %add3A_161 = arith.constant 160 : i32
    %add3A_162 = arith.addi %mul3A_160, %add3A_161 : i32
    "tpu.region"() ({
      %run_scoped3A_458 = tpu.sem_alloc : memref<!tpu.dma_semaphore, #tpu.memory_space<semaphore_mem>>
      %dma_start3A_459 = arith.constant 0 : i32
      %dma_start3A_460 = tpu.memref_slice %arg9[%add3A_162, %dma_start3A_459] : memref<10112x64xf32, #tpu.memory_space<vmem_shared>> -> memref<80x64xf32, #tpu.memory_space<vmem_shared>>
      %dma_start3A_461 = arith.constant 0 : i32
      %dma_start3A_462 = tpu.memref_slice %arg9[%add3A_162, %dma_start3A_461] : memref<10112x64xf32, #tpu.memory_space<vmem_shared>> -> memref<80x64xf32, #tpu.memory_space<vmem_shared>>
      tpu.enqueue_dma source(%arg8 : memref<80x64xf32, #tpu.memory_space<vmem>>) target(%dma_start3A_462 : memref<80x64xf32, #tpu.memory_space<vmem_shared>>) target_semaphore(%run_scoped3A_458 : memref<!tpu.dma_semaphore, #tpu.memory_space<semaphore_mem>>)
      %dma_wait3A_463 = arith.constant 0 : i32
      %dma_wait3A_464 = tpu.memref_slice %arg9[%add3A_162, %dma_wait3A_463] : memref<10112x64xf32, #tpu.memory_space<vmem_shared>> -> memref<80x64xf32, #tpu.memory_space<vmem_shared>>
      %dma_wait3A_465 = arith.constant 0 : i32
      %dma_wait3A_466 = tpu.memref_slice %arg9[%add3A_162, %dma_wait3A_465] : memref<10112x64xf32, #tpu.memory_space<vmem_shared>> -> memref<80x64xf32, #tpu.memory_space<vmem_shared>>
      tpu.wait_dma2 semaphore(%run_scoped3A_458 : memref<!tpu.dma_semaphore, #tpu.memory_space<semaphore_mem>>) src(%arg8 : memref<80x64xf32, #tpu.memory_space<vmem>>) dst(%dma_wait3A_466 : memref<80x64xf32, #tpu.memory_space<vmem_shared>>)
      tpu.yield
    }) : () -> ()
    %mul3A_163 = arith.constant 632 : i32
    %mul3A_164 = arith.muli %arg1, %mul3A_163 : i32
    %add3A_165 = arith.constant 240 : i32
    %add3A_166 = arith.addi %mul3A_164, %add3A_165 : i32
    "tpu.region"() ({
      %run_scoped3A_458 = tpu.sem_alloc : memref<!tpu.dma_semaphore, #tpu.memory_space<semaphore_mem>>
      %dma_start3A_459 = arith.constant 0 : i32
      %dma_start3A_460 = tpu.memref_slice %arg9[%add3A_166, %dma_start3A_459] : memref<10112x64xf32, #tpu.memory_space<vmem_shared>> -> memref<80x64xf32, #tpu.memory_space<vmem_shared>>
      %dma_start3A_461 = arith.constant 0 : i32
      %dma_start3A_462 = tpu.memref_slice %arg9[%add3A_166, %dma_start3A_461] : memref<10112x64xf32, #tpu.memory_space<vmem_shared>> -> memref<80x64xf32, #tpu.memory_space<vmem_shared>>
      tpu.enqueue_dma source(%arg8 : memref<80x64xf32, #tpu.memory_space<vmem>>) target(%dma_start3A_462 : memref<80x64xf32, #tpu.memory_space<vmem_shared>>) target_semaphore(%run_scoped3A_458 : memref<!tpu.dma_semaphore, #tpu.memory_space<semaphore_mem>>)
      %dma_wait3A_463 = arith.constant 0 : i32
      %dma_wait3A_464 = tpu.memref_slice %arg9[%add3A_166, %dma_wait3A_463] : memref<10112x64xf32, #tpu.memory_space<vmem_shared>> -> memref<80x64xf32, #tpu.memory_space<vmem_shared>>
      %dma_wait3A_465 = arith.constant 0 : i32
      %dma_wait3A_466 = tpu.memref_slice %arg9[%add3A_166, %dma_wait3A_465] : memref<10112x64xf32, #tpu.memory_space<vmem_shared>> -> memref<80x64xf32, #tpu.memory_space<vmem_shared>>
      tpu.wait_dma2 semaphore(%run_scoped3A_458 : memref<!tpu.dma_semaphore, #tpu.memory_space<semaphore_mem>>) src(%arg8 : memref<80x64xf32, #tpu.memory_space<vmem>>) dst(%dma_wait3A_466 : memref<80x64xf32, #tpu.memory_space<vmem_shared>>)
      tpu.yield
    }) : () -> ()
    %mul3A_167 = arith.constant 632 : i32
    %mul3A_168 = arith.muli %arg1, %mul3A_167 : i32
    %add3A_169 = arith.constant 320 : i32
    %add3A_170 = arith.addi %mul3A_168, %add3A_169 : i32
    "tpu.region"() ({
      %run_scoped3A_458 = tpu.sem_alloc : memref<!tpu.dma_semaphore, #tpu.memory_space<semaphore_mem>>
      %dma_start3A_459 = arith.constant 0 : i32
      %dma_start3A_460 = tpu.memref_slice %arg9[%add3A_170, %dma_start3A_459] : memref<10112x64xf32, #tpu.memory_space<vmem_shared>> -> memref<80x64xf32, #tpu.memory_space<vmem_shared>>
      %dma_start3A_461 = arith.constant 0 : i32
      %dma_start3A_462 = tpu.memref_slice %arg9[%add3A_170, %dma_start3A_461] : memref<10112x64xf32, #tpu.memory_space<vmem_shared>> -> memref<80x64xf32, #tpu.memory_space<vmem_shared>>
      tpu.enqueue_dma source(%arg8 : memref<80x64xf32, #tpu.memory_space<vmem>>) target(%dma_start3A_462 : memref<80x64xf32, #tpu.memory_space<vmem_shared>>) target_semaphore(%run_scoped3A_458 : memref<!tpu.dma_semaphore, #tpu.memory_space<semaphore_mem>>)
      %dma_wait3A_463 = arith.constant 0 : i32
      %dma_wait3A_464 = tpu.memref_slice %arg9[%add3A_170, %dma_wait3A_463] : memref<10112x64xf32, #tpu.memory_space<vmem_shared>> -> memref<80x64xf32, #tpu.memory_space<vmem_shared>>
      %dma_wait3A_465 = arith.constant 0 : i32
      %dma_wait3A_466 = tpu.memref_slice %arg9[%add3A_170, %dma_wait3A_465] : memref<10112x64xf32, #tpu.memory_space<vmem_shared>> -> memref<80x64xf32, #tpu.memory_space<vmem_shared>>
      tpu.wait_dma2 semaphore(%run_scoped3A_458 : memref<!tpu.dma_semaphore, #tpu.memory_space<semaphore_mem>>) src(%arg8 : memref<80x64xf32, #tpu.memory_space<vmem>>) dst(%dma_wait3A_466 : memref<80x64xf32, #tpu.memory_space<vmem_shared>>)
      tpu.yield
    }) : () -> ()
    %mul3A_171 = arith.constant 632 : i32
    %mul3A_172 = arith.muli %arg1, %mul3A_171 : i32
    %add3A_173 = arith.constant 400 : i32
    %add3A_174 = arith.addi %mul3A_172, %add3A_173 : i32
    "tpu.region"() ({
      %run_scoped3A_458 = tpu.sem_alloc : memref<!tpu.dma_semaphore, #tpu.memory_space<semaphore_mem>>
      %dma_start3A_459 = arith.constant 0 : i32
      %dma_start3A_460 = tpu.memref_slice %arg9[%add3A_174, %dma_start3A_459] : memref<10112x64xf32, #tpu.memory_space<vmem_shared>> -> memref<80x64xf32, #tpu.memory_space<vmem_shared>>
      %dma_start3A_461 = arith.constant 0 : i32
      %dma_start3A_462 = tpu.memref_slice %arg9[%add3A_174, %dma_start3A_461] : memref<10112x64xf32, #tpu.memory_space<vmem_shared>> -> memref<80x64xf32, #tpu.memory_space<vmem_shared>>
      tpu.enqueue_dma source(%arg8 : memref<80x64xf32, #tpu.memory_space<vmem>>) target(%dma_start3A_462 : memref<80x64xf32, #tpu.memory_space<vmem_shared>>) target_semaphore(%run_scoped3A_458 : memref<!tpu.dma_semaphore, #tpu.memory_space<semaphore_mem>>)
      %dma_wait3A_463 = arith.constant 0 : i32
      %dma_wait3A_464 = tpu.memref_slice %arg9[%add3A_174, %dma_wait3A_463] : memref<10112x64xf32, #tpu.memory_space<vmem_shared>> -> memref<80x64xf32, #tpu.memory_space<vmem_shared>>
      %dma_wait3A_465 = arith.constant 0 : i32
      %dma_wait3A_466 = tpu.memref_slice %arg9[%add3A_174, %dma_wait3A_465] : memref<10112x64xf32, #tpu.memory_space<vmem_shared>> -> memref<80x64xf32, #tpu.memory_space<vmem_shared>>
      tpu.wait_dma2 semaphore(%run_scoped3A_458 : memref<!tpu.dma_semaphore, #tpu.memory_space<semaphore_mem>>) src(%arg8 : memref<80x64xf32, #tpu.memory_space<vmem>>) dst(%dma_wait3A_466 : memref<80x64xf32, #tpu.memory_space<vmem_shared>>)
      tpu.yield
    }) : () -> ()
    %mul3A_175 = arith.constant 632 : i32
    %mul3A_176 = arith.muli %arg1, %mul3A_175 : i32
    %add3A_177 = arith.constant 480 : i32
    %add3A_178 = arith.addi %mul3A_176, %add3A_177 : i32
    "tpu.region"() ({
      %run_scoped3A_458 = tpu.sem_alloc : memref<!tpu.dma_semaphore, #tpu.memory_space<semaphore_mem>>
      %dma_start3A_459 = arith.constant 0 : i32
      %dma_start3A_460 = tpu.memref_slice %arg9[%add3A_178, %dma_start3A_459] : memref<10112x64xf32, #tpu.memory_space<vmem_shared>> -> memref<80x64xf32, #tpu.memory_space<vmem_shared>>
      %dma_start3A_461 = arith.constant 0 : i32
      %dma_start3A_462 = tpu.memref_slice %arg9[%add3A_178, %dma_start3A_461] : memref<10112x64xf32, #tpu.memory_space<vmem_shared>> -> memref<80x64xf32, #tpu.memory_space<vmem_shared>>
      tpu.enqueue_dma source(%arg8 : memref<80x64xf32, #tpu.memory_space<vmem>>) target(%dma_start3A_462 : memref<80x64xf32, #tpu.memory_space<vmem_shared>>) target_semaphore(%run_scoped3A_458 : memref<!tpu.dma_semaphore, #tpu.memory_space<semaphore_mem>>)
      %dma_wait3A_463 = arith.constant 0 : i32
      %dma_wait3A_464 = tpu.memref_slice %arg9[%add3A_178, %dma_wait3A_463] : memref<10112x64xf32, #tpu.memory_space<vmem_shared>> -> memref<80x64xf32, #tpu.memory_space<vmem_shared>>
      %dma_wait3A_465 = arith.constant 0 : i32
      %dma_wait3A_466 = tpu.memref_slice %arg9[%add3A_178, %dma_wait3A_465] : memref<10112x64xf32, #tpu.memory_space<vmem_shared>> -> memref<80x64xf32, #tpu.memory_space<vmem_shared>>
      tpu.wait_dma2 semaphore(%run_scoped3A_458 : memref<!tpu.dma_semaphore, #tpu.memory_space<semaphore_mem>>) src(%arg8 : memref<80x64xf32, #tpu.memory_space<vmem>>) dst(%dma_wait3A_466 : memref<80x64xf32, #tpu.memory_space<vmem_shared>>)
      tpu.yield
    }) : () -> ()
    %mul3A_179 = arith.constant 632 : i32
    %mul3A_180 = arith.muli %arg1, %mul3A_179 : i32
    %add3A_181 = arith.constant 560 : i32
    %add3A_182 = arith.addi %mul3A_180, %add3A_181 : i32
    "tpu.region"() ({
      %run_scoped3A_458 = tpu.sem_alloc : memref<!tpu.dma_semaphore, #tpu.memory_space<semaphore_mem>>
      %dma_start3A_459 = arith.constant 0 : i32
      %dma_start3A_460 = arith.constant 0 : i32
      %dma_start3A_461 = tpu.memref_slice %arg8[%dma_start3A_459, %dma_start3A_460] : memref<80x64xf32, #tpu.memory_space<vmem>> -> memref<72x64xf32, #tpu.memory_space<vmem>>
      %dma_start3A_462 = arith.constant 0 : i32
      %dma_start3A_463 = tpu.memref_slice %arg9[%add3A_182, %dma_start3A_462] : memref<10112x64xf32, #tpu.memory_space<vmem_shared>> -> memref<72x64xf32, #tpu.memory_space<vmem_shared>>
      %dma_start3A_464 = arith.constant 0 : i32
      %dma_start3A_465 = tpu.memref_slice %arg9[%add3A_182, %dma_start3A_464] : memref<10112x64xf32, #tpu.memory_space<vmem_shared>> -> memref<72x64xf32, #tpu.memory_space<vmem_shared>>
      %dma_start3A_466 = arith.constant 0 : i32
      %dma_start3A_467 = arith.constant 0 : i32
      %dma_start3A_468 = tpu.memref_slice %arg8[%dma_start3A_466, %dma_start3A_467] : memref<80x64xf32, #tpu.memory_space<vmem>> -> memref<72x64xf32, #tpu.memory_space<vmem>>
      tpu.enqueue_dma source(%dma_start3A_468 : memref<72x64xf32, #tpu.memory_space<vmem>>) target(%dma_start3A_465 : memref<72x64xf32, #tpu.memory_space<vmem_shared>>) target_semaphore(%run_scoped3A_458 : memref<!tpu.dma_semaphore, #tpu.memory_space<semaphore_mem>>)
      %dma_wait3A_469 = arith.constant 0 : i32
      %dma_wait3A_470 = arith.constant 0 : i32
      %dma_wait3A_471 = tpu.memref_slice %arg8[%dma_wait3A_469, %dma_wait3A_470] : memref<80x64xf32, #tpu.memory_space<vmem>> -> memref<72x64xf32, #tpu.memory_space<vmem>>
      %dma_wait3A_472 = arith.constant 0 : i32
      %dma_wait3A_473 = tpu.memref_slice %arg9[%add3A_182, %dma_wait3A_472] : memref<10112x64xf32, #tpu.memory_space<vmem_shared>> -> memref<72x64xf32, #tpu.memory_space<vmem_shared>>
      %dma_wait3A_474 = arith.constant 0 : i32
      %dma_wait3A_475 = tpu.memref_slice %arg9[%add3A_182, %dma_wait3A_474] : memref<10112x64xf32, #tpu.memory_space<vmem_shared>> -> memref<72x64xf32, #tpu.memory_space<vmem_shared>>
      %dma_wait3A_476 = arith.constant 0 : i32
      %dma_wait3A_477 = arith.constant 0 : i32
      %dma_wait3A_478 = tpu.memref_slice %arg8[%dma_wait3A_476, %dma_wait3A_477] : memref<80x64xf32, #tpu.memory_space<vmem>> -> memref<72x64xf32, #tpu.memory_space<vmem>>
      tpu.wait_dma2 semaphore(%run_scoped3A_458 : memref<!tpu.dma_semaphore, #tpu.memory_space<semaphore_mem>>) src(%dma_wait3A_478 : memref<72x64xf32, #tpu.memory_space<vmem>>) dst(%dma_wait3A_475 : memref<72x64xf32, #tpu.memory_space<vmem_shared>>)
      tpu.yield
    }) : () -> ()
    %barrier3A = arith.constant 0 : index
    tpu.barrier barrier_id(%barrier3A)
    %scan3A_183 = arith.constant 0 : i32
    %scan3A_184 = arith.constant 0 : i32
    %scan3A_185 = arith.constant 10 : i32
    %scan3A_186 = arith.addi %scan3A_184, %scan3A_185 : i32
    %scan3A_187 = arith.constant 1 : i32
    %scan3A_188 = scf.for %scan3A_458 = %scan3A_184 to %scan3A_186 step %scan3A_187 iter_args(%scan3A_459 = %scan3A_183) -> (i32)  : i32 {
      %mul3A_460 = arith.constant 12 : i32
      %mul3A_461 = arith.muli %mul3A_460, %scan3A_458 : i32
      %add3A_462 = arith.constant 0 : i32
      %add3A_463 = arith.addi %mul3A_461, %add3A_462 : i32
      %dma_wait3A_464 = arith.constant 0 : i32
      %dma_wait3A_465 = arith.constant 0 : i32
      %dma_wait3A_466 = arith.constant 0 : i32
      %dma_wait3A_467 = tpu.memref_slice %arg7[%dma_wait3A_464, %dma_wait3A_465, %dma_wait3A_466] : memref<12x80x64xf32, #tpu.memory_space<vmem>> -> memref<1x80x64xf32, #tpu.memory_space<vmem>>
      %dma_wait3A_468 = tpu.memref_squeeze %dma_wait3A_467 : memref<1x80x64xf32, #tpu.memory_space<vmem>> -> memref<80x64xf32, #tpu.memory_space<vmem>>
      %dma_wait3A_469 = arith.constant 0 : i32
      %dma_wait3A_470 = tpu.memref_slice %arg5[%add3A_463, %dma_wait3A_469] : memref<125x80xi32, #tpu.memory_space<vmem>> -> memref<1x80xi32, #tpu.memory_space<vmem>>
      %dma_wait3A_471 = tpu.memref_squeeze %dma_wait3A_470 : memref<1x80xi32, #tpu.memory_space<vmem>> -> memref<80xi32, #tpu.memory_space<vmem>>
      %dma_wait3A_472 = arith.constant 0 : i32
      %dma_wait3A_473 = arith.constant 0 : i32
      %dma_wait3A_474 = tpu.memref_slice %arg2[%dma_wait3A_472, %dma_wait3A_473] : memref<10000x64xf32, #tpu.memory_space<hbm>> -> memref<10000x64xf32, #tpu.memory_space<hbm>>
      tpu.wait_indirect_dma semaphore(%arg10 : memref<!tpu.dma_semaphore, #tpu.memory_space<semaphore_mem>>) src(%dma_wait3A_474 : memref<10000x64xf32, #tpu.memory_space<hbm>>) dst(%dma_wait3A_468 : memref<80x64xf32, #tpu.memory_space<vmem>>)
      %add3A_475 = arith.constant 0 : i32
      %add3A_476 = arith.addi %mul3A_461, %add3A_475 : i32
      %dma_start3A_477 = arith.constant 0 : i32
      %dma_start3A_478 = arith.constant 0 : i32
      %dma_start3A_479 = arith.constant 0 : i32
      %dma_start3A_480 = tpu.memref_slice %arg7[%dma_start3A_477, %dma_start3A_478, %dma_start3A_479] : memref<12x80x64xf32, #tpu.memory_space<vmem>> -> memref<1x80x64xf32, #tpu.memory_space<vmem>>
      %dma_start3A_481 = tpu.memref_squeeze %dma_start3A_480 : memref<1x80x64xf32, #tpu.memory_space<vmem>> -> memref<80x64xf32, #tpu.memory_space<vmem>>
      %dma_start3A_482 = arith.constant 0 : i32
      %dma_start3A_483 = tpu.memref_slice %arg6[%add3A_476, %dma_start3A_482] : memref<125x80xi32, #tpu.memory_space<vmem>> -> memref<1x80xi32, #tpu.memory_space<vmem>>
      %dma_start3A_484 = tpu.memref_squeeze %dma_start3A_483 : memref<1x80xi32, #tpu.memory_space<vmem>> -> memref<80xi32, #tpu.memory_space<vmem>>
      %dma_start3A_485 = arith.constant 0 : i32
      %dma_start3A_486 = arith.constant 0 : i32
      %dma_start3A_487 = tpu.memref_slice %arg9[%dma_start3A_485, %dma_start3A_486] : memref<10112x64xf32, #tpu.memory_space<vmem_shared>> -> memref<10112x64xf32, #tpu.memory_space<vmem_shared>>
      tpu.enqueue_indirect_dma source(%dma_start3A_481 : memref<80x64xf32, #tpu.memory_space<vmem>>) target(%dma_start3A_487 : memref<10112x64xf32, #tpu.memory_space<vmem_shared>>) offsets(%dma_start3A_484 : memref<80xi32, #tpu.memory_space<vmem>>) semaphore(%arg22 : memref<!tpu.dma_semaphore, #tpu.memory_space<semaphore_mem>>) {add = true}
      %add3A_488 = arith.constant 1 : i32
      %add3A_489 = arith.addi %mul3A_461, %add3A_488 : i32
      %dma_wait3A_490 = arith.constant 1 : i32
      %dma_wait3A_491 = arith.constant 0 : i32
      %dma_wait3A_492 = arith.constant 0 : i32
      %dma_wait3A_493 = tpu.memref_slice %arg7[%dma_wait3A_490, %dma_wait3A_491, %dma_wait3A_492] : memref<12x80x64xf32, #tpu.memory_space<vmem>> -> memref<1x80x64xf32, #tpu.memory_space<vmem>>
      %dma_wait3A_494 = tpu.memref_squeeze %dma_wait3A_493 : memref<1x80x64xf32, #tpu.memory_space<vmem>> -> memref<80x64xf32, #tpu.memory_space<vmem>>
      %dma_wait3A_495 = arith.constant 0 : i32
      %dma_wait3A_496 = tpu.memref_slice %arg5[%add3A_489, %dma_wait3A_495] : memref<125x80xi32, #tpu.memory_space<vmem>> -> memref<1x80xi32, #tpu.memory_space<vmem>>
      %dma_wait3A_497 = tpu.memref_squeeze %dma_wait3A_496 : memref<1x80xi32, #tpu.memory_space<vmem>> -> memref<80xi32, #tpu.memory_space<vmem>>
      %dma_wait3A_498 = arith.constant 0 : i32
      %dma_wait3A_499 = arith.constant 0 : i32
      %dma_wait3A_500 = tpu.memref_slice %arg2[%dma_wait3A_498, %dma_wait3A_499] : memref<10000x64xf32, #tpu.memory_space<hbm>> -> memref<10000x64xf32, #tpu.memory_space<hbm>>
      tpu.wait_indirect_dma semaphore(%arg11 : memref<!tpu.dma_semaphore, #tpu.memory_space<semaphore_mem>>) src(%dma_wait3A_500 : memref<10000x64xf32, #tpu.memory_space<hbm>>) dst(%dma_wait3A_494 : memref<80x64xf32, #tpu.memory_space<vmem>>)
      %add3A_501 = arith.constant 1 : i32
      %add3A_502 = arith.addi %mul3A_461, %add3A_501 : i32
      %dma_start3A_503 = arith.constant 1 : i32
      %dma_start3A_504 = arith.constant 0 : i32
      %dma_start3A_505 = arith.constant 0 : i32
      %dma_start3A_506 = tpu.memref_slice %arg7[%dma_start3A_503, %dma_start3A_504, %dma_start3A_505] : memref<12x80x64xf32, #tpu.memory_space<vmem>> -> memref<1x80x64xf32, #tpu.memory_space<vmem>>
      %dma_start3A_507 = tpu.memref_squeeze %dma_start3A_506 : memref<1x80x64xf32, #tpu.memory_space<vmem>> -> memref<80x64xf32, #tpu.memory_space<vmem>>
      %dma_start3A_508 = arith.constant 0 : i32
      %dma_start3A_509 = tpu.memref_slice %arg6[%add3A_502, %dma_start3A_508] : memref<125x80xi32, #tpu.memory_space<vmem>> -> memref<1x80xi32, #tpu.memory_space<vmem>>
      %dma_start3A_510 = tpu.memref_squeeze %dma_start3A_509 : memref<1x80xi32, #tpu.memory_space<vmem>> -> memref<80xi32, #tpu.memory_space<vmem>>
      %dma_start3A_511 = arith.constant 0 : i32
      %dma_start3A_512 = arith.constant 0 : i32
      %dma_start3A_513 = tpu.memref_slice %arg9[%dma_start3A_511, %dma_start3A_512] : memref<10112x64xf32, #tpu.memory_space<vmem_shared>> -> memref<10112x64xf32, #tpu.memory_space<vmem_shared>>
      tpu.enqueue_indirect_dma source(%dma_start3A_507 : memref<80x64xf32, #tpu.memory_space<vmem>>) target(%dma_start3A_513 : memref<10112x64xf32, #tpu.memory_space<vmem_shared>>) offsets(%dma_start3A_510 : memref<80xi32, #tpu.memory_space<vmem>>) semaphore(%arg23 : memref<!tpu.dma_semaphore, #tpu.memory_space<semaphore_mem>>) {add = true}
      %add3A_514 = arith.constant 2 : i32
      %add3A_515 = arith.addi %mul3A_461, %add3A_514 : i32
      %dma_wait3A_516 = arith.constant 2 : i32
      %dma_wait3A_517 = arith.constant 0 : i32
      %dma_wait3A_518 = arith.constant 0 : i32
      %dma_wait3A_519 = tpu.memref_slice %arg7[%dma_wait3A_516, %dma_wait3A_517, %dma_wait3A_518] : memref<12x80x64xf32, #tpu.memory_space<vmem>> -> memref<1x80x64xf32, #tpu.memory_space<vmem>>
      %dma_wait3A_520 = tpu.memref_squeeze %dma_wait3A_519 : memref<1x80x64xf32, #tpu.memory_space<vmem>> -> memref<80x64xf32, #tpu.memory_space<vmem>>
      %dma_wait3A_521 = arith.constant 0 : i32
      %dma_wait3A_522 = tpu.memref_slice %arg5[%add3A_515, %dma_wait3A_521] : memref<125x80xi32, #tpu.memory_space<vmem>> -> memref<1x80xi32, #tpu.memory_space<vmem>>
      %dma_wait3A_523 = tpu.memref_squeeze %dma_wait3A_522 : memref<1x80xi32, #tpu.memory_space<vmem>> -> memref<80xi32, #tpu.memory_space<vmem>>
      %dma_wait3A_524 = arith.constant 0 : i32
      %dma_wait3A_525 = arith.constant 0 : i32
      %dma_wait3A_526 = tpu.memref_slice %arg2[%dma_wait3A_524, %dma_wait3A_525] : memref<10000x64xf32, #tpu.memory_space<hbm>> -> memref<10000x64xf32, #tpu.memory_space<hbm>>
      tpu.wait_indirect_dma semaphore(%arg12 : memref<!tpu.dma_semaphore, #tpu.memory_space<semaphore_mem>>) src(%dma_wait3A_526 : memref<10000x64xf32, #tpu.memory_space<hbm>>) dst(%dma_wait3A_520 : memref<80x64xf32, #tpu.memory_space<vmem>>)
      %add3A_527 = arith.constant 2 : i32
      %add3A_528 = arith.addi %mul3A_461, %add3A_527 : i32
      %dma_start3A_529 = arith.constant 2 : i32
      %dma_start3A_530 = arith.constant 0 : i32
      %dma_start3A_531 = arith.constant 0 : i32
      %dma_start3A_532 = tpu.memref_slice %arg7[%dma_start3A_529, %dma_start3A_530, %dma_start3A_531] : memref<12x80x64xf32, #tpu.memory_space<vmem>> -> memref<1x80x64xf32, #tpu.memory_space<vmem>>
      %dma_start3A_533 = tpu.memref_squeeze %dma_start3A_532 : memref<1x80x64xf32, #tpu.memory_space<vmem>> -> memref<80x64xf32, #tpu.memory_space<vmem>>
      %dma_start3A_534 = arith.constant 0 : i32
      %dma_start3A_535 = tpu.memref_slice %arg6[%add3A_528, %dma_start3A_534] : memref<125x80xi32, #tpu.memory_space<vmem>> -> memref<1x80xi32, #tpu.memory_space<vmem>>
      %dma_start3A_536 = tpu.memref_squeeze %dma_start3A_535 : memref<1x80xi32, #tpu.memory_space<vmem>> -> memref<80xi32, #tpu.memory_space<vmem>>
      %dma_start3A_537 = arith.constant 0 : i32
      %dma_start3A_538 = arith.constant 0 : i32
      %dma_start3A_539 = tpu.memref_slice %arg9[%dma_start3A_537, %dma_start3A_538] : memref<10112x64xf32, #tpu.memory_space<vmem_shared>> -> memref<10112x64xf32, #tpu.memory_space<vmem_shared>>
      tpu.enqueue_indirect_dma source(%dma_start3A_533 : memref<80x64xf32, #tpu.memory_space<vmem>>) target(%dma_start3A_539 : memref<10112x64xf32, #tpu.memory_space<vmem_shared>>) offsets(%dma_start3A_536 : memref<80xi32, #tpu.memory_space<vmem>>) semaphore(%arg24 : memref<!tpu.dma_semaphore, #tpu.memory_space<semaphore_mem>>) {add = true}
      %add3A_540 = arith.constant 3 : i32
      %add3A_541 = arith.addi %mul3A_461, %add3A_540 : i32
      %dma_wait3A_542 = arith.constant 3 : i32
      %dma_wait3A_543 = arith.constant 0 : i32
      %dma_wait3A_544 = arith.constant 0 : i32
      %dma_wait3A_545 = tpu.memref_slice %arg7[%dma_wait3A_542, %dma_wait3A_543, %dma_wait3A_544] : memref<12x80x64xf32, #tpu.memory_space<vmem>> -> memref<1x80x64xf32, #tpu.memory_space<vmem>>
      %dma_wait3A_546 = tpu.memref_squeeze %dma_wait3A_545 : memref<1x80x64xf32, #tpu.memory_space<vmem>> -> memref<80x64xf32, #tpu.memory_space<vmem>>
      %dma_wait3A_547 = arith.constant 0 : i32
      %dma_wait3A_548 = tpu.memref_slice %arg5[%add3A_541, %dma_wait3A_547] : memref<125x80xi32, #tpu.memory_space<vmem>> -> memref<1x80xi32, #tpu.memory_space<vmem>>
      %dma_wait3A_549 = tpu.memref_squeeze %dma_wait3A_548 : memref<1x80xi32, #tpu.memory_space<vmem>> -> memref<80xi32, #tpu.memory_space<vmem>>
      %dma_wait3A_550 = arith.constant 0 : i32
      %dma_wait3A_551 = arith.constant 0 : i32
      %dma_wait3A_552 = tpu.memref_slice %arg2[%dma_wait3A_550, %dma_wait3A_551] : memref<10000x64xf32, #tpu.memory_space<hbm>> -> memref<10000x64xf32, #tpu.memory_space<hbm>>
      tpu.wait_indirect_dma semaphore(%arg13 : memref<!tpu.dma_semaphore, #tpu.memory_space<semaphore_mem>>) src(%dma_wait3A_552 : memref<10000x64xf32, #tpu.memory_space<hbm>>) dst(%dma_wait3A_546 : memref<80x64xf32, #tpu.memory_space<vmem>>)
      %add3A_553 = arith.constant 3 : i32
      %add3A_554 = arith.addi %mul3A_461, %add3A_553 : i32
      %dma_start3A_555 = arith.constant 3 : i32
      %dma_start3A_556 = arith.constant 0 : i32
      %dma_start3A_557 = arith.constant 0 : i32
      %dma_start3A_558 = tpu.memref_slice %arg7[%dma_start3A_555, %dma_start3A_556, %dma_start3A_557] : memref<12x80x64xf32, #tpu.memory_space<vmem>> -> memref<1x80x64xf32, #tpu.memory_space<vmem>>
      %dma_start3A_559 = tpu.memref_squeeze %dma_start3A_558 : memref<1x80x64xf32, #tpu.memory_space<vmem>> -> memref<80x64xf32, #tpu.memory_space<vmem>>
      %dma_start3A_560 = arith.constant 0 : i32
      %dma_start3A_561 = tpu.memref_slice %arg6[%add3A_554, %dma_start3A_560] : memref<125x80xi32, #tpu.memory_space<vmem>> -> memref<1x80xi32, #tpu.memory_space<vmem>>
      %dma_start3A_562 = tpu.memref_squeeze %dma_start3A_561 : memref<1x80xi32, #tpu.memory_space<vmem>> -> memref<80xi32, #tpu.memory_space<vmem>>
      %dma_start3A_563 = arith.constant 0 : i32
      %dma_start3A_564 = arith.constant 0 : i32
      %dma_start3A_565 = tpu.memref_slice %arg9[%dma_start3A_563, %dma_start3A_564] : memref<10112x64xf32, #tpu.memory_space<vmem_shared>> -> memref<10112x64xf32, #tpu.memory_space<vmem_shared>>
      tpu.enqueue_indirect_dma source(%dma_start3A_559 : memref<80x64xf32, #tpu.memory_space<vmem>>) target(%dma_start3A_565 : memref<10112x64xf32, #tpu.memory_space<vmem_shared>>) offsets(%dma_start3A_562 : memref<80xi32, #tpu.memory_space<vmem>>) semaphore(%arg25 : memref<!tpu.dma_semaphore, #tpu.memory_space<semaphore_mem>>) {add = true}
      %add3A_566 = arith.constant 4 : i32
      %add3A_567 = arith.addi %mul3A_461, %add3A_566 : i32
      %dma_wait3A_568 = arith.constant 4 : i32
      %dma_wait3A_569 = arith.constant 0 : i32
      %dma_wait3A_570 = arith.constant 0 : i32
      %dma_wait3A_571 = tpu.memref_slice %arg7[%dma_wait3A_568, %dma_wait3A_569, %dma_wait3A_570] : memref<12x80x64xf32, #tpu.memory_space<vmem>> -> memref<1x80x64xf32, #tpu.memory_space<vmem>>
      %dma_wait3A_572 = tpu.memref_squeeze %dma_wait3A_571 : memref<1x80x64xf32, #tpu.memory_space<vmem>> -> memref<80x64xf32, #tpu.memory_space<vmem>>
      %dma_wait3A_573 = arith.constant 0 : i32
      %dma_wait3A_574 = tpu.memref_slice %arg5[%add3A_567, %dma_wait3A_573] : memref<125x80xi32, #tpu.memory_space<vmem>> -> memref<1x80xi32, #tpu.memory_space<vmem>>
      %dma_wait3A_575 = tpu.memref_squeeze %dma_wait3A_574 : memref<1x80xi32, #tpu.memory_space<vmem>> -> memref<80xi32, #tpu.memory_space<vmem>>
      %dma_wait3A_576 = arith.constant 0 : i32
      %dma_wait3A_577 = arith.constant 0 : i32
      %dma_wait3A_578 = tpu.memref_slice %arg2[%dma_wait3A_576, %dma_wait3A_577] : memref<10000x64xf32, #tpu.memory_space<hbm>> -> memref<10000x64xf32, #tpu.memory_space<hbm>>
      tpu.wait_indirect_dma semaphore(%arg14 : memref<!tpu.dma_semaphore, #tpu.memory_space<semaphore_mem>>) src(%dma_wait3A_578 : memref<10000x64xf32, #tpu.memory_space<hbm>>) dst(%dma_wait3A_572 : memref<80x64xf32, #tpu.memory_space<vmem>>)
      %add3A_579 = arith.constant 4 : i32
      %add3A_580 = arith.addi %mul3A_461, %add3A_579 : i32
      %dma_start3A_581 = arith.constant 4 : i32
      %dma_start3A_582 = arith.constant 0 : i32
      %dma_start3A_583 = arith.constant 0 : i32
      %dma_start3A_584 = tpu.memref_slice %arg7[%dma_start3A_581, %dma_start3A_582, %dma_start3A_583] : memref<12x80x64xf32, #tpu.memory_space<vmem>> -> memref<1x80x64xf32, #tpu.memory_space<vmem>>
      %dma_start3A_585 = tpu.memref_squeeze %dma_start3A_584 : memref<1x80x64xf32, #tpu.memory_space<vmem>> -> memref<80x64xf32, #tpu.memory_space<vmem>>
      %dma_start3A_586 = arith.constant 0 : i32
      %dma_start3A_587 = tpu.memref_slice %arg6[%add3A_580, %dma_start3A_586] : memref<125x80xi32, #tpu.memory_space<vmem>> -> memref<1x80xi32, #tpu.memory_space<vmem>>
      %dma_start3A_588 = tpu.memref_squeeze %dma_start3A_587 : memref<1x80xi32, #tpu.memory_space<vmem>> -> memref<80xi32, #tpu.memory_space<vmem>>
      %dma_start3A_589 = arith.constant 0 : i32
      %dma_start3A_590 = arith.constant 0 : i32
      %dma_start3A_591 = tpu.memref_slice %arg9[%dma_start3A_589, %dma_start3A_590] : memref<10112x64xf32, #tpu.memory_space<vmem_shared>> -> memref<10112x64xf32, #tpu.memory_space<vmem_shared>>
      tpu.enqueue_indirect_dma source(%dma_start3A_585 : memref<80x64xf32, #tpu.memory_space<vmem>>) target(%dma_start3A_591 : memref<10112x64xf32, #tpu.memory_space<vmem_shared>>) offsets(%dma_start3A_588 : memref<80xi32, #tpu.memory_space<vmem>>) semaphore(%arg26 : memref<!tpu.dma_semaphore, #tpu.memory_space<semaphore_mem>>) {add = true}
      %add3A_592 = arith.constant 5 : i32
      %add3A_593 = arith.addi %mul3A_461, %add3A_592 : i32
      %dma_wait3A_594 = arith.constant 5 : i32
      %dma_wait3A_595 = arith.constant 0 : i32
      %dma_wait3A_596 = arith.constant 0 : i32
      %dma_wait3A_597 = tpu.memref_slice %arg7[%dma_wait3A_594, %dma_wait3A_595, %dma_wait3A_596] : memref<12x80x64xf32, #tpu.memory_space<vmem>> -> memref<1x80x64xf32, #tpu.memory_space<vmem>>
      %dma_wait3A_598 = tpu.memref_squeeze %dma_wait3A_597 : memref<1x80x64xf32, #tpu.memory_space<vmem>> -> memref<80x64xf32, #tpu.memory_space<vmem>>
      %dma_wait3A_599 = arith.constant 0 : i32
      %dma_wait3A_600 = tpu.memref_slice %arg5[%add3A_593, %dma_wait3A_599] : memref<125x80xi32, #tpu.memory_space<vmem>> -> memref<1x80xi32, #tpu.memory_space<vmem>>
      %dma_wait3A_601 = tpu.memref_squeeze %dma_wait3A_600 : memref<1x80xi32, #tpu.memory_space<vmem>> -> memref<80xi32, #tpu.memory_space<vmem>>
      %dma_wait3A_602 = arith.constant 0 : i32
      %dma_wait3A_603 = arith.constant 0 : i32
      %dma_wait3A_604 = tpu.memref_slice %arg2[%dma_wait3A_602, %dma_wait3A_603] : memref<10000x64xf32, #tpu.memory_space<hbm>> -> memref<10000x64xf32, #tpu.memory_space<hbm>>
      tpu.wait_indirect_dma semaphore(%arg15 : memref<!tpu.dma_semaphore, #tpu.memory_space<semaphore_mem>>) src(%dma_wait3A_604 : memref<10000x64xf32, #tpu.memory_space<hbm>>) dst(%dma_wait3A_598 : memref<80x64xf32, #tpu.memory_space<vmem>>)
      %add3A_605 = arith.constant 5 : i32
      %add3A_606 = arith.addi %mul3A_461, %add3A_605 : i32
      %dma_start3A_607 = arith.constant 5 : i32
      %dma_start3A_608 = arith.constant 0 : i32
      %dma_start3A_609 = arith.constant 0 : i32
      %dma_start3A_610 = tpu.memref_slice %arg7[%dma_start3A_607, %dma_start3A_608, %dma_start3A_609] : memref<12x80x64xf32, #tpu.memory_space<vmem>> -> memref<1x80x64xf32, #tpu.memory_space<vmem>>
      %dma_start3A_611 = tpu.memref_squeeze %dma_start3A_610 : memref<1x80x64xf32, #tpu.memory_space<vmem>> -> memref<80x64xf32, #tpu.memory_space<vmem>>
      %dma_start3A_612 = arith.constant 0 : i32
      %dma_start3A_613 = tpu.memref_slice %arg6[%add3A_606, %dma_start3A_612] : memref<125x80xi32, #tpu.memory_space<vmem>> -> memref<1x80xi32, #tpu.memory_space<vmem>>
      %dma_start3A_614 = tpu.memref_squeeze %dma_start3A_613 : memref<1x80xi32, #tpu.memory_space<vmem>> -> memref<80xi32, #tpu.memory_space<vmem>>
      %dma_start3A_615 = arith.constant 0 : i32
      %dma_start3A_616 = arith.constant 0 : i32
      %dma_start3A_617 = tpu.memref_slice %arg9[%dma_start3A_615, %dma_start3A_616] : memref<10112x64xf32, #tpu.memory_space<vmem_shared>> -> memref<10112x64xf32, #tpu.memory_space<vmem_shared>>
      tpu.enqueue_indirect_dma source(%dma_start3A_611 : memref<80x64xf32, #tpu.memory_space<vmem>>) target(%dma_start3A_617 : memref<10112x64xf32, #tpu.memory_space<vmem_shared>>) offsets(%dma_start3A_614 : memref<80xi32, #tpu.memory_space<vmem>>) semaphore(%arg27 : memref<!tpu.dma_semaphore, #tpu.memory_space<semaphore_mem>>) {add = true}
      %add3A_618 = arith.constant 6 : i32
      %add3A_619 = arith.addi %mul3A_461, %add3A_618 : i32
      %dma_wait3A_620 = arith.constant 6 : i32
      %dma_wait3A_621 = arith.constant 0 : i32
      %dma_wait3A_622 = arith.constant 0 : i32
      %dma_wait3A_623 = tpu.memref_slice %arg7[%dma_wait3A_620, %dma_wait3A_621, %dma_wait3A_622] : memref<12x80x64xf32, #tpu.memory_space<vmem>> -> memref<1x80x64xf32, #tpu.memory_space<vmem>>
      %dma_wait3A_624 = tpu.memref_squeeze %dma_wait3A_623 : memref<1x80x64xf32, #tpu.memory_space<vmem>> -> memref<80x64xf32, #tpu.memory_space<vmem>>
      %dma_wait3A_625 = arith.constant 0 : i32
      %dma_wait3A_626 = tpu.memref_slice %arg5[%add3A_619, %dma_wait3A_625] : memref<125x80xi32, #tpu.memory_space<vmem>> -> memref<1x80xi32, #tpu.memory_space<vmem>>
      %dma_wait3A_627 = tpu.memref_squeeze %dma_wait3A_626 : memref<1x80xi32, #tpu.memory_space<vmem>> -> memref<80xi32, #tpu.memory_space<vmem>>
      %dma_wait3A_628 = arith.constant 0 : i32
      %dma_wait3A_629 = arith.constant 0 : i32
      %dma_wait3A_630 = tpu.memref_slice %arg2[%dma_wait3A_628, %dma_wait3A_629] : memref<10000x64xf32, #tpu.memory_space<hbm>> -> memref<10000x64xf32, #tpu.memory_space<hbm>>
      tpu.wait_indirect_dma semaphore(%arg16 : memref<!tpu.dma_semaphore, #tpu.memory_space<semaphore_mem>>) src(%dma_wait3A_630 : memref<10000x64xf32, #tpu.memory_space<hbm>>) dst(%dma_wait3A_624 : memref<80x64xf32, #tpu.memory_space<vmem>>)
      %add3A_631 = arith.constant 6 : i32
      %add3A_632 = arith.addi %mul3A_461, %add3A_631 : i32
      %dma_start3A_633 = arith.constant 6 : i32
      %dma_start3A_634 = arith.constant 0 : i32
      %dma_start3A_635 = arith.constant 0 : i32
      %dma_start3A_636 = tpu.memref_slice %arg7[%dma_start3A_633, %dma_start3A_634, %dma_start3A_635] : memref<12x80x64xf32, #tpu.memory_space<vmem>> -> memref<1x80x64xf32, #tpu.memory_space<vmem>>
      %dma_start3A_637 = tpu.memref_squeeze %dma_start3A_636 : memref<1x80x64xf32, #tpu.memory_space<vmem>> -> memref<80x64xf32, #tpu.memory_space<vmem>>
      %dma_start3A_638 = arith.constant 0 : i32
      %dma_start3A_639 = tpu.memref_slice %arg6[%add3A_632, %dma_start3A_638] : memref<125x80xi32, #tpu.memory_space<vmem>> -> memref<1x80xi32, #tpu.memory_space<vmem>>
      %dma_start3A_640 = tpu.memref_squeeze %dma_start3A_639 : memref<1x80xi32, #tpu.memory_space<vmem>> -> memref<80xi32, #tpu.memory_space<vmem>>
      %dma_start3A_641 = arith.constant 0 : i32
      %dma_start3A_642 = arith.constant 0 : i32
      %dma_start3A_643 = tpu.memref_slice %arg9[%dma_start3A_641, %dma_start3A_642] : memref<10112x64xf32, #tpu.memory_space<vmem_shared>> -> memref<10112x64xf32, #tpu.memory_space<vmem_shared>>
      tpu.enqueue_indirect_dma source(%dma_start3A_637 : memref<80x64xf32, #tpu.memory_space<vmem>>) target(%dma_start3A_643 : memref<10112x64xf32, #tpu.memory_space<vmem_shared>>) offsets(%dma_start3A_640 : memref<80xi32, #tpu.memory_space<vmem>>) semaphore(%arg28 : memref<!tpu.dma_semaphore, #tpu.memory_space<semaphore_mem>>) {add = true}
      %add3A_644 = arith.constant 7 : i32
      %add3A_645 = arith.addi %mul3A_461, %add3A_644 : i32
      %dma_wait3A_646 = arith.constant 7 : i32
      %dma_wait3A_647 = arith.constant 0 : i32
      %dma_wait3A_648 = arith.constant 0 : i32
      %dma_wait3A_649 = tpu.memref_slice %arg7[%dma_wait3A_646, %dma_wait3A_647, %dma_wait3A_648] : memref<12x80x64xf32, #tpu.memory_space<vmem>> -> memref<1x80x64xf32, #tpu.memory_space<vmem>>
      %dma_wait3A_650 = tpu.memref_squeeze %dma_wait3A_649 : memref<1x80x64xf32, #tpu.memory_space<vmem>> -> memref<80x64xf32, #tpu.memory_space<vmem>>
      %dma_wait3A_651 = arith.constant 0 : i32
      %dma_wait3A_652 = tpu.memref_slice %arg5[%add3A_645, %dma_wait3A_651] : memref<125x80xi32, #tpu.memory_space<vmem>> -> memref<1x80xi32, #tpu.memory_space<vmem>>
      %dma_wait3A_653 = tpu.memref_squeeze %dma_wait3A_652 : memref<1x80xi32, #tpu.memory_space<vmem>> -> memref<80xi32, #tpu.memory_space<vmem>>
      %dma_wait3A_654 = arith.constant 0 : i32
      %dma_wait3A_655 = arith.constant 0 : i32
      %dma_wait3A_656 = tpu.memref_slice %arg2[%dma_wait3A_654, %dma_wait3A_655] : memref<10000x64xf32, #tpu.memory_space<hbm>> -> memref<10000x64xf32, #tpu.memory_space<hbm>>
      tpu.wait_indirect_dma semaphore(%arg17 : memref<!tpu.dma_semaphore, #tpu.memory_space<semaphore_mem>>) src(%dma_wait3A_656 : memref<10000x64xf32, #tpu.memory_space<hbm>>) dst(%dma_wait3A_650 : memref<80x64xf32, #tpu.memory_space<vmem>>)
      %add3A_657 = arith.constant 7 : i32
      %add3A_658 = arith.addi %mul3A_461, %add3A_657 : i32
      %dma_start3A_659 = arith.constant 7 : i32
      %dma_start3A_660 = arith.constant 0 : i32
      %dma_start3A_661 = arith.constant 0 : i32
      %dma_start3A_662 = tpu.memref_slice %arg7[%dma_start3A_659, %dma_start3A_660, %dma_start3A_661] : memref<12x80x64xf32, #tpu.memory_space<vmem>> -> memref<1x80x64xf32, #tpu.memory_space<vmem>>
      %dma_start3A_663 = tpu.memref_squeeze %dma_start3A_662 : memref<1x80x64xf32, #tpu.memory_space<vmem>> -> memref<80x64xf32, #tpu.memory_space<vmem>>
      %dma_start3A_664 = arith.constant 0 : i32
      %dma_start3A_665 = tpu.memref_slice %arg6[%add3A_658, %dma_start3A_664] : memref<125x80xi32, #tpu.memory_space<vmem>> -> memref<1x80xi32, #tpu.memory_space<vmem>>
      %dma_start3A_666 = tpu.memref_squeeze %dma_start3A_665 : memref<1x80xi32, #tpu.memory_space<vmem>> -> memref<80xi32, #tpu.memory_space<vmem>>
      %dma_start3A_667 = arith.constant 0 : i32
      %dma_start3A_668 = arith.constant 0 : i32
      %dma_start3A_669 = tpu.memref_slice %arg9[%dma_start3A_667, %dma_start3A_668] : memref<10112x64xf32, #tpu.memory_space<vmem_shared>> -> memref<10112x64xf32, #tpu.memory_space<vmem_shared>>
      tpu.enqueue_indirect_dma source(%dma_start3A_663 : memref<80x64xf32, #tpu.memory_space<vmem>>) target(%dma_start3A_669 : memref<10112x64xf32, #tpu.memory_space<vmem_shared>>) offsets(%dma_start3A_666 : memref<80xi32, #tpu.memory_space<vmem>>) semaphore(%arg29 : memref<!tpu.dma_semaphore, #tpu.memory_space<semaphore_mem>>) {add = true}
      %add3A_670 = arith.constant 8 : i32
      %add3A_671 = arith.addi %mul3A_461, %add3A_670 : i32
      %dma_wait3A_672 = arith.constant 8 : i32
      %dma_wait3A_673 = arith.constant 0 : i32
      %dma_wait3A_674 = arith.constant 0 : i32
      %dma_wait3A_675 = tpu.memref_slice %arg7[%dma_wait3A_672, %dma_wait3A_673, %dma_wait3A_674] : memref<12x80x64xf32, #tpu.memory_space<vmem>> -> memref<1x80x64xf32, #tpu.memory_space<vmem>>
      %dma_wait3A_676 = tpu.memref_squeeze %dma_wait3A_675 : memref<1x80x64xf32, #tpu.memory_space<vmem>> -> memref<80x64xf32, #tpu.memory_space<vmem>>
      %dma_wait3A_677 = arith.constant 0 : i32
      %dma_wait3A_678 = tpu.memref_slice %arg5[%add3A_671, %dma_wait3A_677] : memref<125x80xi32, #tpu.memory_space<vmem>> -> memref<1x80xi32, #tpu.memory_space<vmem>>
      %dma_wait3A_679 = tpu.memref_squeeze %dma_wait3A_678 : memref<1x80xi32, #tpu.memory_space<vmem>> -> memref<80xi32, #tpu.memory_space<vmem>>
      %dma_wait3A_680 = arith.constant 0 : i32
      %dma_wait3A_681 = arith.constant 0 : i32
      %dma_wait3A_682 = tpu.memref_slice %arg2[%dma_wait3A_680, %dma_wait3A_681] : memref<10000x64xf32, #tpu.memory_space<hbm>> -> memref<10000x64xf32, #tpu.memory_space<hbm>>
      tpu.wait_indirect_dma semaphore(%arg18 : memref<!tpu.dma_semaphore, #tpu.memory_space<semaphore_mem>>) src(%dma_wait3A_682 : memref<10000x64xf32, #tpu.memory_space<hbm>>) dst(%dma_wait3A_676 : memref<80x64xf32, #tpu.memory_space<vmem>>)
      %add3A_683 = arith.constant 8 : i32
      %add3A_684 = arith.addi %mul3A_461, %add3A_683 : i32
      %dma_start3A_685 = arith.constant 8 : i32
      %dma_start3A_686 = arith.constant 0 : i32
      %dma_start3A_687 = arith.constant 0 : i32
      %dma_start3A_688 = tpu.memref_slice %arg7[%dma_start3A_685, %dma_start3A_686, %dma_start3A_687] : memref<12x80x64xf32, #tpu.memory_space<vmem>> -> memref<1x80x64xf32, #tpu.memory_space<vmem>>
      %dma_start3A_689 = tpu.memref_squeeze %dma_start3A_688 : memref<1x80x64xf32, #tpu.memory_space<vmem>> -> memref<80x64xf32, #tpu.memory_space<vmem>>
      %dma_start3A_690 = arith.constant 0 : i32
      %dma_start3A_691 = tpu.memref_slice %arg6[%add3A_684, %dma_start3A_690] : memref<125x80xi32, #tpu.memory_space<vmem>> -> memref<1x80xi32, #tpu.memory_space<vmem>>
      %dma_start3A_692 = tpu.memref_squeeze %dma_start3A_691 : memref<1x80xi32, #tpu.memory_space<vmem>> -> memref<80xi32, #tpu.memory_space<vmem>>
      %dma_start3A_693 = arith.constant 0 : i32
      %dma_start3A_694 = arith.constant 0 : i32
      %dma_start3A_695 = tpu.memref_slice %arg9[%dma_start3A_693, %dma_start3A_694] : memref<10112x64xf32, #tpu.memory_space<vmem_shared>> -> memref<10112x64xf32, #tpu.memory_space<vmem_shared>>
      tpu.enqueue_indirect_dma source(%dma_start3A_689 : memref<80x64xf32, #tpu.memory_space<vmem>>) target(%dma_start3A_695 : memref<10112x64xf32, #tpu.memory_space<vmem_shared>>) offsets(%dma_start3A_692 : memref<80xi32, #tpu.memory_space<vmem>>) semaphore(%arg30 : memref<!tpu.dma_semaphore, #tpu.memory_space<semaphore_mem>>) {add = true}
      %add3A_696 = arith.constant 9 : i32
      %add3A_697 = arith.addi %mul3A_461, %add3A_696 : i32
      %dma_wait3A_698 = arith.constant 9 : i32
      %dma_wait3A_699 = arith.constant 0 : i32
      %dma_wait3A_700 = arith.constant 0 : i32
      %dma_wait3A_701 = tpu.memref_slice %arg7[%dma_wait3A_698, %dma_wait3A_699, %dma_wait3A_700] : memref<12x80x64xf32, #tpu.memory_space<vmem>> -> memref<1x80x64xf32, #tpu.memory_space<vmem>>
      %dma_wait3A_702 = tpu.memref_squeeze %dma_wait3A_701 : memref<1x80x64xf32, #tpu.memory_space<vmem>> -> memref<80x64xf32, #tpu.memory_space<vmem>>
      %dma_wait3A_703 = arith.constant 0 : i32
      %dma_wait3A_704 = tpu.memref_slice %arg5[%add3A_697, %dma_wait3A_703] : memref<125x80xi32, #tpu.memory_space<vmem>> -> memref<1x80xi32, #tpu.memory_space<vmem>>
      %dma_wait3A_705 = tpu.memref_squeeze %dma_wait3A_704 : memref<1x80xi32, #tpu.memory_space<vmem>> -> memref<80xi32, #tpu.memory_space<vmem>>
      %dma_wait3A_706 = arith.constant 0 : i32
      %dma_wait3A_707 = arith.constant 0 : i32
      %dma_wait3A_708 = tpu.memref_slice %arg2[%dma_wait3A_706, %dma_wait3A_707] : memref<10000x64xf32, #tpu.memory_space<hbm>> -> memref<10000x64xf32, #tpu.memory_space<hbm>>
      tpu.wait_indirect_dma semaphore(%arg19 : memref<!tpu.dma_semaphore, #tpu.memory_space<semaphore_mem>>) src(%dma_wait3A_708 : memref<10000x64xf32, #tpu.memory_space<hbm>>) dst(%dma_wait3A_702 : memref<80x64xf32, #tpu.memory_space<vmem>>)
      %add3A_709 = arith.constant 9 : i32
      %add3A_710 = arith.addi %mul3A_461, %add3A_709 : i32
      %dma_start3A_711 = arith.constant 9 : i32
      %dma_start3A_712 = arith.constant 0 : i32
      %dma_start3A_713 = arith.constant 0 : i32
      %dma_start3A_714 = tpu.memref_slice %arg7[%dma_start3A_711, %dma_start3A_712, %dma_start3A_713] : memref<12x80x64xf32, #tpu.memory_space<vmem>> -> memref<1x80x64xf32, #tpu.memory_space<vmem>>
      %dma_start3A_715 = tpu.memref_squeeze %dma_start3A_714 : memref<1x80x64xf32, #tpu.memory_space<vmem>> -> memref<80x64xf32, #tpu.memory_space<vmem>>
      %dma_start3A_716 = arith.constant 0 : i32
      %dma_start3A_717 = tpu.memref_slice %arg6[%add3A_710, %dma_start3A_716] : memref<125x80xi32, #tpu.memory_space<vmem>> -> memref<1x80xi32, #tpu.memory_space<vmem>>
      %dma_start3A_718 = tpu.memref_squeeze %dma_start3A_717 : memref<1x80xi32, #tpu.memory_space<vmem>> -> memref<80xi32, #tpu.memory_space<vmem>>
      %dma_start3A_719 = arith.constant 0 : i32
      %dma_start3A_720 = arith.constant 0 : i32
      %dma_start3A_721 = tpu.memref_slice %arg9[%dma_start3A_719, %dma_start3A_720] : memref<10112x64xf32, #tpu.memory_space<vmem_shared>> -> memref<10112x64xf32, #tpu.memory_space<vmem_shared>>
      tpu.enqueue_indirect_dma source(%dma_start3A_715 : memref<80x64xf32, #tpu.memory_space<vmem>>) target(%dma_start3A_721 : memref<10112x64xf32, #tpu.memory_space<vmem_shared>>) offsets(%dma_start3A_718 : memref<80xi32, #tpu.memory_space<vmem>>) semaphore(%arg31 : memref<!tpu.dma_semaphore, #tpu.memory_space<semaphore_mem>>) {add = true}
      %add3A_722 = arith.constant 10 : i32
      %add3A_723 = arith.addi %mul3A_461, %add3A_722 : i32
      %dma_wait3A_724 = arith.constant 10 : i32
      %dma_wait3A_725 = arith.constant 0 : i32
      %dma_wait3A_726 = arith.constant 0 : i32
      %dma_wait3A_727 = tpu.memref_slice %arg7[%dma_wait3A_724, %dma_wait3A_725, %dma_wait3A_726] : memref<12x80x64xf32, #tpu.memory_space<vmem>> -> memref<1x80x64xf32, #tpu.memory_space<vmem>>
      %dma_wait3A_728 = tpu.memref_squeeze %dma_wait3A_727 : memref<1x80x64xf32, #tpu.memory_space<vmem>> -> memref<80x64xf32, #tpu.memory_space<vmem>>
      %dma_wait3A_729 = arith.constant 0 : i32
      %dma_wait3A_730 = tpu.memref_slice %arg5[%add3A_723, %dma_wait3A_729] : memref<125x80xi32, #tpu.memory_space<vmem>> -> memref<1x80xi32, #tpu.memory_space<vmem>>
      %dma_wait3A_731 = tpu.memref_squeeze %dma_wait3A_730 : memref<1x80xi32, #tpu.memory_space<vmem>> -> memref<80xi32, #tpu.memory_space<vmem>>
      %dma_wait3A_732 = arith.constant 0 : i32
      %dma_wait3A_733 = arith.constant 0 : i32
      %dma_wait3A_734 = tpu.memref_slice %arg2[%dma_wait3A_732, %dma_wait3A_733] : memref<10000x64xf32, #tpu.memory_space<hbm>> -> memref<10000x64xf32, #tpu.memory_space<hbm>>
      tpu.wait_indirect_dma semaphore(%arg20 : memref<!tpu.dma_semaphore, #tpu.memory_space<semaphore_mem>>) src(%dma_wait3A_734 : memref<10000x64xf32, #tpu.memory_space<hbm>>) dst(%dma_wait3A_728 : memref<80x64xf32, #tpu.memory_space<vmem>>)
      %add3A_735 = arith.constant 10 : i32
      %add3A_736 = arith.addi %mul3A_461, %add3A_735 : i32
      %dma_start3A_737 = arith.constant 10 : i32
      %dma_start3A_738 = arith.constant 0 : i32
      %dma_start3A_739 = arith.constant 0 : i32
      %dma_start3A_740 = tpu.memref_slice %arg7[%dma_start3A_737, %dma_start3A_738, %dma_start3A_739] : memref<12x80x64xf32, #tpu.memory_space<vmem>> -> memref<1x80x64xf32, #tpu.memory_space<vmem>>
      %dma_start3A_741 = tpu.memref_squeeze %dma_start3A_740 : memref<1x80x64xf32, #tpu.memory_space<vmem>> -> memref<80x64xf32, #tpu.memory_space<vmem>>
      %dma_start3A_742 = arith.constant 0 : i32
      %dma_start3A_743 = tpu.memref_slice %arg6[%add3A_736, %dma_start3A_742] : memref<125x80xi32, #tpu.memory_space<vmem>> -> memref<1x80xi32, #tpu.memory_space<vmem>>
      %dma_start3A_744 = tpu.memref_squeeze %dma_start3A_743 : memref<1x80xi32, #tpu.memory_space<vmem>> -> memref<80xi32, #tpu.memory_space<vmem>>
      %dma_start3A_745 = arith.constant 0 : i32
      %dma_start3A_746 = arith.constant 0 : i32
      %dma_start3A_747 = tpu.memref_slice %arg9[%dma_start3A_745, %dma_start3A_746] : memref<10112x64xf32, #tpu.memory_space<vmem_shared>> -> memref<10112x64xf32, #tpu.memory_space<vmem_shared>>
      tpu.enqueue_indirect_dma source(%dma_start3A_741 : memref<80x64xf32, #tpu.memory_space<vmem>>) target(%dma_start3A_747 : memref<10112x64xf32, #tpu.memory_space<vmem_shared>>) offsets(%dma_start3A_744 : memref<80xi32, #tpu.memory_space<vmem>>) semaphore(%arg32 : memref<!tpu.dma_semaphore, #tpu.memory_space<semaphore_mem>>) {add = true}
      %add3A_748 = arith.constant 11 : i32
      %add3A_749 = arith.addi %mul3A_461, %add3A_748 : i32
      %dma_wait3A_750 = arith.constant 11 : i32
      %dma_wait3A_751 = arith.constant 0 : i32
      %dma_wait3A_752 = arith.constant 0 : i32
      %dma_wait3A_753 = tpu.memref_slice %arg7[%dma_wait3A_750, %dma_wait3A_751, %dma_wait3A_752] : memref<12x80x64xf32, #tpu.memory_space<vmem>> -> memref<1x80x64xf32, #tpu.memory_space<vmem>>
      %dma_wait3A_754 = tpu.memref_squeeze %dma_wait3A_753 : memref<1x80x64xf32, #tpu.memory_space<vmem>> -> memref<80x64xf32, #tpu.memory_space<vmem>>
      %dma_wait3A_755 = arith.constant 0 : i32
      %dma_wait3A_756 = tpu.memref_slice %arg5[%add3A_749, %dma_wait3A_755] : memref<125x80xi32, #tpu.memory_space<vmem>> -> memref<1x80xi32, #tpu.memory_space<vmem>>
      %dma_wait3A_757 = tpu.memref_squeeze %dma_wait3A_756 : memref<1x80xi32, #tpu.memory_space<vmem>> -> memref<80xi32, #tpu.memory_space<vmem>>
      %dma_wait3A_758 = arith.constant 0 : i32
      %dma_wait3A_759 = arith.constant 0 : i32
      %dma_wait3A_760 = tpu.memref_slice %arg2[%dma_wait3A_758, %dma_wait3A_759] : memref<10000x64xf32, #tpu.memory_space<hbm>> -> memref<10000x64xf32, #tpu.memory_space<hbm>>
      tpu.wait_indirect_dma semaphore(%arg21 : memref<!tpu.dma_semaphore, #tpu.memory_space<semaphore_mem>>) src(%dma_wait3A_760 : memref<10000x64xf32, #tpu.memory_space<hbm>>) dst(%dma_wait3A_754 : memref<80x64xf32, #tpu.memory_space<vmem>>)
      %add3A_761 = arith.constant 11 : i32
      %add3A_762 = arith.addi %mul3A_461, %add3A_761 : i32
      %dma_start3A_763 = arith.constant 11 : i32
      %dma_start3A_764 = arith.constant 0 : i32
      %dma_start3A_765 = arith.constant 0 : i32
      %dma_start3A_766 = tpu.memref_slice %arg7[%dma_start3A_763, %dma_start3A_764, %dma_start3A_765] : memref<12x80x64xf32, #tpu.memory_space<vmem>> -> memref<1x80x64xf32, #tpu.memory_space<vmem>>
      %dma_start3A_767 = tpu.memref_squeeze %dma_start3A_766 : memref<1x80x64xf32, #tpu.memory_space<vmem>> -> memref<80x64xf32, #tpu.memory_space<vmem>>
      %dma_start3A_768 = arith.constant 0 : i32
      %dma_start3A_769 = tpu.memref_slice %arg6[%add3A_762, %dma_start3A_768] : memref<125x80xi32, #tpu.memory_space<vmem>> -> memref<1x80xi32, #tpu.memory_space<vmem>>
      %dma_start3A_770 = tpu.memref_squeeze %dma_start3A_769 : memref<1x80xi32, #tpu.memory_space<vmem>> -> memref<80xi32, #tpu.memory_space<vmem>>
      %dma_start3A_771 = arith.constant 0 : i32
      %dma_start3A_772 = arith.constant 0 : i32
      %dma_start3A_773 = tpu.memref_slice %arg9[%dma_start3A_771, %dma_start3A_772] : memref<10112x64xf32, #tpu.memory_space<vmem_shared>> -> memref<10112x64xf32, #tpu.memory_space<vmem_shared>>
      tpu.enqueue_indirect_dma source(%dma_start3A_767 : memref<80x64xf32, #tpu.memory_space<vmem>>) target(%dma_start3A_773 : memref<10112x64xf32, #tpu.memory_space<vmem_shared>>) offsets(%dma_start3A_770 : memref<80xi32, #tpu.memory_space<vmem>>) semaphore(%arg33 : memref<!tpu.dma_semaphore, #tpu.memory_space<semaphore_mem>>) {add = true}
      %add3A_774 = arith.constant 0 : i32
      %add3A_775 = arith.addi %mul3A_461, %add3A_774 : i32
      %add3A_776 = arith.constant 12 : i32
      %add3A_777 = arith.addi %add3A_775, %add3A_776 : i32
      %lt3A = arith.constant 125 : i32
      %lt3A_778 = arith.cmpi slt, %add3A_777, %lt3A : i32
      %convert_element_type3A = arith.extui %lt3A_778 : i1 to i32
      %cond3A = arith.constant 0 : i32
      %cond3A_779 = arith.cmpi ne, %convert_element_type3A, %cond3A : i32
      scf.if %cond3A_779 {
        %dma_wait3A_880 = arith.constant 0 : i32
        %dma_wait3A_881 = arith.constant 0 : i32
        %dma_wait3A_882 = arith.constant 0 : i32
        %dma_wait3A_883 = tpu.memref_slice %arg7[%dma_wait3A_880, %dma_wait3A_881, %dma_wait3A_882] : memref<12x80x64xf32, #tpu.memory_space<vmem>> -> memref<1x80x64xf32, #tpu.memory_space<vmem>>
        %dma_wait3A_884 = tpu.memref_squeeze %dma_wait3A_883 : memref<1x80x64xf32, #tpu.memory_space<vmem>> -> memref<80x64xf32, #tpu.memory_space<vmem>>
        %dma_wait3A_885 = arith.constant 0 : i32
        %dma_wait3A_886 = tpu.memref_slice %arg6[%add3A_775, %dma_wait3A_885] : memref<125x80xi32, #tpu.memory_space<vmem>> -> memref<1x80xi32, #tpu.memory_space<vmem>>
        %dma_wait3A_887 = tpu.memref_squeeze %dma_wait3A_886 : memref<1x80xi32, #tpu.memory_space<vmem>> -> memref<80xi32, #tpu.memory_space<vmem>>
        %dma_wait3A_888 = arith.constant 0 : i32
        %dma_wait3A_889 = arith.constant 0 : i32
        %dma_wait3A_890 = tpu.memref_slice %arg9[%dma_wait3A_888, %dma_wait3A_889] : memref<10112x64xf32, #tpu.memory_space<vmem_shared>> -> memref<10112x64xf32, #tpu.memory_space<vmem_shared>>
        tpu.wait_indirect_dma semaphore(%arg22 : memref<!tpu.dma_semaphore, #tpu.memory_space<semaphore_mem>>) src(%dma_wait3A_884 : memref<80x64xf32, #tpu.memory_space<vmem>>) dst(%dma_wait3A_890 : memref<10112x64xf32, #tpu.memory_space<vmem_shared>>)
        %add3A_891 = arith.constant 12 : i32
        %add3A_892 = arith.addi %add3A_775, %add3A_891 : i32
        %dma_start3A_893 = arith.constant 0 : i32
        %dma_start3A_894 = arith.constant 0 : i32
        %dma_start3A_895 = arith.constant 0 : i32
        %dma_start3A_896 = tpu.memref_slice %arg7[%dma_start3A_893, %dma_start3A_894, %dma_start3A_895] : memref<12x80x64xf32, #tpu.memory_space<vmem>> -> memref<1x80x64xf32, #tpu.memory_space<vmem>>
        %dma_start3A_897 = tpu.memref_squeeze %dma_start3A_896 : memref<1x80x64xf32, #tpu.memory_space<vmem>> -> memref<80x64xf32, #tpu.memory_space<vmem>>
        %dma_start3A_898 = arith.constant 0 : i32
        %dma_start3A_899 = tpu.memref_slice %arg5[%add3A_892, %dma_start3A_898] : memref<125x80xi32, #tpu.memory_space<vmem>> -> memref<1x80xi32, #tpu.memory_space<vmem>>
        %dma_start3A_900 = tpu.memref_squeeze %dma_start3A_899 : memref<1x80xi32, #tpu.memory_space<vmem>> -> memref<80xi32, #tpu.memory_space<vmem>>
        %dma_start3A_901 = arith.constant 0 : i32
        %dma_start3A_902 = arith.constant 0 : i32
        %dma_start3A_903 = tpu.memref_slice %arg2[%dma_start3A_901, %dma_start3A_902] : memref<10000x64xf32, #tpu.memory_space<hbm>> -> memref<10000x64xf32, #tpu.memory_space<hbm>>
        tpu.enqueue_indirect_dma source(%dma_start3A_903 : memref<10000x64xf32, #tpu.memory_space<hbm>>) target(%dma_start3A_897 : memref<80x64xf32, #tpu.memory_space<vmem>>) offsets(%dma_start3A_900 : memref<80xi32, #tpu.memory_space<vmem>>) semaphore(%arg10 : memref<!tpu.dma_semaphore, #tpu.memory_space<semaphore_mem>>)
      } else {
      }
      %add3A_780 = arith.constant 1 : i32
      %add3A_781 = arith.addi %mul3A_461, %add3A_780 : i32
      %add3A_782 = arith.constant 12 : i32
      %add3A_783 = arith.addi %add3A_781, %add3A_782 : i32
      %lt3A_784 = arith.constant 125 : i32
      %lt3A_785 = arith.cmpi slt, %add3A_783, %lt3A_784 : i32
      %convert_element_type3A_786 = arith.extui %lt3A_785 : i1 to i32
      %cond3A_787 = arith.constant 0 : i32
      %cond3A_788 = arith.cmpi ne, %convert_element_type3A_786, %cond3A_787 : i32
      scf.if %cond3A_788 {
        %dma_wait3A_880 = arith.constant 1 : i32
        %dma_wait3A_881 = arith.constant 0 : i32
        %dma_wait3A_882 = arith.constant 0 : i32
        %dma_wait3A_883 = tpu.memref_slice %arg7[%dma_wait3A_880, %dma_wait3A_881, %dma_wait3A_882] : memref<12x80x64xf32, #tpu.memory_space<vmem>> -> memref<1x80x64xf32, #tpu.memory_space<vmem>>
        %dma_wait3A_884 = tpu.memref_squeeze %dma_wait3A_883 : memref<1x80x64xf32, #tpu.memory_space<vmem>> -> memref<80x64xf32, #tpu.memory_space<vmem>>
        %dma_wait3A_885 = arith.constant 0 : i32
        %dma_wait3A_886 = tpu.memref_slice %arg6[%add3A_781, %dma_wait3A_885] : memref<125x80xi32, #tpu.memory_space<vmem>> -> memref<1x80xi32, #tpu.memory_space<vmem>>
        %dma_wait3A_887 = tpu.memref_squeeze %dma_wait3A_886 : memref<1x80xi32, #tpu.memory_space<vmem>> -> memref<80xi32, #tpu.memory_space<vmem>>
        %dma_wait3A_888 = arith.constant 0 : i32
        %dma_wait3A_889 = arith.constant 0 : i32
        %dma_wait3A_890 = tpu.memref_slice %arg9[%dma_wait3A_888, %dma_wait3A_889] : memref<10112x64xf32, #tpu.memory_space<vmem_shared>> -> memref<10112x64xf32, #tpu.memory_space<vmem_shared>>
        tpu.wait_indirect_dma semaphore(%arg23 : memref<!tpu.dma_semaphore, #tpu.memory_space<semaphore_mem>>) src(%dma_wait3A_884 : memref<80x64xf32, #tpu.memory_space<vmem>>) dst(%dma_wait3A_890 : memref<10112x64xf32, #tpu.memory_space<vmem_shared>>)
        %add3A_891 = arith.constant 12 : i32
        %add3A_892 = arith.addi %add3A_781, %add3A_891 : i32
        %dma_start3A_893 = arith.constant 1 : i32
        %dma_start3A_894 = arith.constant 0 : i32
        %dma_start3A_895 = arith.constant 0 : i32
        %dma_start3A_896 = tpu.memref_slice %arg7[%dma_start3A_893, %dma_start3A_894, %dma_start3A_895] : memref<12x80x64xf32, #tpu.memory_space<vmem>> -> memref<1x80x64xf32, #tpu.memory_space<vmem>>
        %dma_start3A_897 = tpu.memref_squeeze %dma_start3A_896 : memref<1x80x64xf32, #tpu.memory_space<vmem>> -> memref<80x64xf32, #tpu.memory_space<vmem>>
        %dma_start3A_898 = arith.constant 0 : i32
        %dma_start3A_899 = tpu.memref_slice %arg5[%add3A_892, %dma_start3A_898] : memref<125x80xi32, #tpu.memory_space<vmem>> -> memref<1x80xi32, #tpu.memory_space<vmem>>
        %dma_start3A_900 = tpu.memref_squeeze %dma_start3A_899 : memref<1x80xi32, #tpu.memory_space<vmem>> -> memref<80xi32, #tpu.memory_space<vmem>>
        %dma_start3A_901 = arith.constant 0 : i32
        %dma_start3A_902 = arith.constant 0 : i32
        %dma_start3A_903 = tpu.memref_slice %arg2[%dma_start3A_901, %dma_start3A_902] : memref<10000x64xf32, #tpu.memory_space<hbm>> -> memref<10000x64xf32, #tpu.memory_space<hbm>>
        tpu.enqueue_indirect_dma source(%dma_start3A_903 : memref<10000x64xf32, #tpu.memory_space<hbm>>) target(%dma_start3A_897 : memref<80x64xf32, #tpu.memory_space<vmem>>) offsets(%dma_start3A_900 : memref<80xi32, #tpu.memory_space<vmem>>) semaphore(%arg11 : memref<!tpu.dma_semaphore, #tpu.memory_space<semaphore_mem>>)
      } else {
      }
      %add3A_789 = arith.constant 2 : i32
      %add3A_790 = arith.addi %mul3A_461, %add3A_789 : i32
      %add3A_791 = arith.constant 12 : i32
      %add3A_792 = arith.addi %add3A_790, %add3A_791 : i32
      %lt3A_793 = arith.constant 125 : i32
      %lt3A_794 = arith.cmpi slt, %add3A_792, %lt3A_793 : i32
      %convert_element_type3A_795 = arith.extui %lt3A_794 : i1 to i32
      %cond3A_796 = arith.constant 0 : i32
      %cond3A_797 = arith.cmpi ne, %convert_element_type3A_795, %cond3A_796 : i32
      scf.if %cond3A_797 {
        %dma_wait3A_880 = arith.constant 2 : i32
        %dma_wait3A_881 = arith.constant 0 : i32
        %dma_wait3A_882 = arith.constant 0 : i32
        %dma_wait3A_883 = tpu.memref_slice %arg7[%dma_wait3A_880, %dma_wait3A_881, %dma_wait3A_882] : memref<12x80x64xf32, #tpu.memory_space<vmem>> -> memref<1x80x64xf32, #tpu.memory_space<vmem>>
        %dma_wait3A_884 = tpu.memref_squeeze %dma_wait3A_883 : memref<1x80x64xf32, #tpu.memory_space<vmem>> -> memref<80x64xf32, #tpu.memory_space<vmem>>
        %dma_wait3A_885 = arith.constant 0 : i32
        %dma_wait3A_886 = tpu.memref_slice %arg6[%add3A_790, %dma_wait3A_885] : memref<125x80xi32, #tpu.memory_space<vmem>> -> memref<1x80xi32, #tpu.memory_space<vmem>>
        %dma_wait3A_887 = tpu.memref_squeeze %dma_wait3A_886 : memref<1x80xi32, #tpu.memory_space<vmem>> -> memref<80xi32, #tpu.memory_space<vmem>>
        %dma_wait3A_888 = arith.constant 0 : i32
        %dma_wait3A_889 = arith.constant 0 : i32
        %dma_wait3A_890 = tpu.memref_slice %arg9[%dma_wait3A_888, %dma_wait3A_889] : memref<10112x64xf32, #tpu.memory_space<vmem_shared>> -> memref<10112x64xf32, #tpu.memory_space<vmem_shared>>
        tpu.wait_indirect_dma semaphore(%arg24 : memref<!tpu.dma_semaphore, #tpu.memory_space<semaphore_mem>>) src(%dma_wait3A_884 : memref<80x64xf32, #tpu.memory_space<vmem>>) dst(%dma_wait3A_890 : memref<10112x64xf32, #tpu.memory_space<vmem_shared>>)
        %add3A_891 = arith.constant 12 : i32
        %add3A_892 = arith.addi %add3A_790, %add3A_891 : i32
        %dma_start3A_893 = arith.constant 2 : i32
        %dma_start3A_894 = arith.constant 0 : i32
        %dma_start3A_895 = arith.constant 0 : i32
        %dma_start3A_896 = tpu.memref_slice %arg7[%dma_start3A_893, %dma_start3A_894, %dma_start3A_895] : memref<12x80x64xf32, #tpu.memory_space<vmem>> -> memref<1x80x64xf32, #tpu.memory_space<vmem>>
        %dma_start3A_897 = tpu.memref_squeeze %dma_start3A_896 : memref<1x80x64xf32, #tpu.memory_space<vmem>> -> memref<80x64xf32, #tpu.memory_space<vmem>>
        %dma_start3A_898 = arith.constant 0 : i32
        %dma_start3A_899 = tpu.memref_slice %arg5[%add3A_892, %dma_start3A_898] : memref<125x80xi32, #tpu.memory_space<vmem>> -> memref<1x80xi32, #tpu.memory_space<vmem>>
        %dma_start3A_900 = tpu.memref_squeeze %dma_start3A_899 : memref<1x80xi32, #tpu.memory_space<vmem>> -> memref<80xi32, #tpu.memory_space<vmem>>
        %dma_start3A_901 = arith.constant 0 : i32
        %dma_start3A_902 = arith.constant 0 : i32
        %dma_start3A_903 = tpu.memref_slice %arg2[%dma_start3A_901, %dma_start3A_902] : memref<10000x64xf32, #tpu.memory_space<hbm>> -> memref<10000x64xf32, #tpu.memory_space<hbm>>
        tpu.enqueue_indirect_dma source(%dma_start3A_903 : memref<10000x64xf32, #tpu.memory_space<hbm>>) target(%dma_start3A_897 : memref<80x64xf32, #tpu.memory_space<vmem>>) offsets(%dma_start3A_900 : memref<80xi32, #tpu.memory_space<vmem>>) semaphore(%arg12 : memref<!tpu.dma_semaphore, #tpu.memory_space<semaphore_mem>>)
      } else {
      }
      %add3A_798 = arith.constant 3 : i32
      %add3A_799 = arith.addi %mul3A_461, %add3A_798 : i32
      %add3A_800 = arith.constant 12 : i32
      %add3A_801 = arith.addi %add3A_799, %add3A_800 : i32
      %lt3A_802 = arith.constant 125 : i32
      %lt3A_803 = arith.cmpi slt, %add3A_801, %lt3A_802 : i32
      %convert_element_type3A_804 = arith.extui %lt3A_803 : i1 to i32
      %cond3A_805 = arith.constant 0 : i32
      %cond3A_806 = arith.cmpi ne, %convert_element_type3A_804, %cond3A_805 : i32
      scf.if %cond3A_806 {
        %dma_wait3A_880 = arith.constant 3 : i32
        %dma_wait3A_881 = arith.constant 0 : i32
        %dma_wait3A_882 = arith.constant 0 : i32
        %dma_wait3A_883 = tpu.memref_slice %arg7[%dma_wait3A_880, %dma_wait3A_881, %dma_wait3A_882] : memref<12x80x64xf32, #tpu.memory_space<vmem>> -> memref<1x80x64xf32, #tpu.memory_space<vmem>>
        %dma_wait3A_884 = tpu.memref_squeeze %dma_wait3A_883 : memref<1x80x64xf32, #tpu.memory_space<vmem>> -> memref<80x64xf32, #tpu.memory_space<vmem>>
        %dma_wait3A_885 = arith.constant 0 : i32
        %dma_wait3A_886 = tpu.memref_slice %arg6[%add3A_799, %dma_wait3A_885] : memref<125x80xi32, #tpu.memory_space<vmem>> -> memref<1x80xi32, #tpu.memory_space<vmem>>
        %dma_wait3A_887 = tpu.memref_squeeze %dma_wait3A_886 : memref<1x80xi32, #tpu.memory_space<vmem>> -> memref<80xi32, #tpu.memory_space<vmem>>
        %dma_wait3A_888 = arith.constant 0 : i32
        %dma_wait3A_889 = arith.constant 0 : i32
        %dma_wait3A_890 = tpu.memref_slice %arg9[%dma_wait3A_888, %dma_wait3A_889] : memref<10112x64xf32, #tpu.memory_space<vmem_shared>> -> memref<10112x64xf32, #tpu.memory_space<vmem_shared>>
        tpu.wait_indirect_dma semaphore(%arg25 : memref<!tpu.dma_semaphore, #tpu.memory_space<semaphore_mem>>) src(%dma_wait3A_884 : memref<80x64xf32, #tpu.memory_space<vmem>>) dst(%dma_wait3A_890 : memref<10112x64xf32, #tpu.memory_space<vmem_shared>>)
        %add3A_891 = arith.constant 12 : i32
        %add3A_892 = arith.addi %add3A_799, %add3A_891 : i32
        %dma_start3A_893 = arith.constant 3 : i32
        %dma_start3A_894 = arith.constant 0 : i32
        %dma_start3A_895 = arith.constant 0 : i32
        %dma_start3A_896 = tpu.memref_slice %arg7[%dma_start3A_893, %dma_start3A_894, %dma_start3A_895] : memref<12x80x64xf32, #tpu.memory_space<vmem>> -> memref<1x80x64xf32, #tpu.memory_space<vmem>>
        %dma_start3A_897 = tpu.memref_squeeze %dma_start3A_896 : memref<1x80x64xf32, #tpu.memory_space<vmem>> -> memref<80x64xf32, #tpu.memory_space<vmem>>
        %dma_start3A_898 = arith.constant 0 : i32
        %dma_start3A_899 = tpu.memref_slice %arg5[%add3A_892, %dma_start3A_898] : memref<125x80xi32, #tpu.memory_space<vmem>> -> memref<1x80xi32, #tpu.memory_space<vmem>>
        %dma_start3A_900 = tpu.memref_squeeze %dma_start3A_899 : memref<1x80xi32, #tpu.memory_space<vmem>> -> memref<80xi32, #tpu.memory_space<vmem>>
        %dma_start3A_901 = arith.constant 0 : i32
        %dma_start3A_902 = arith.constant 0 : i32
        %dma_start3A_903 = tpu.memref_slice %arg2[%dma_start3A_901, %dma_start3A_902] : memref<10000x64xf32, #tpu.memory_space<hbm>> -> memref<10000x64xf32, #tpu.memory_space<hbm>>
        tpu.enqueue_indirect_dma source(%dma_start3A_903 : memref<10000x64xf32, #tpu.memory_space<hbm>>) target(%dma_start3A_897 : memref<80x64xf32, #tpu.memory_space<vmem>>) offsets(%dma_start3A_900 : memref<80xi32, #tpu.memory_space<vmem>>) semaphore(%arg13 : memref<!tpu.dma_semaphore, #tpu.memory_space<semaphore_mem>>)
      } else {
      }
      %add3A_807 = arith.constant 4 : i32
      %add3A_808 = arith.addi %mul3A_461, %add3A_807 : i32
      %add3A_809 = arith.constant 12 : i32
      %add3A_810 = arith.addi %add3A_808, %add3A_809 : i32
      %lt3A_811 = arith.constant 125 : i32
      %lt3A_812 = arith.cmpi slt, %add3A_810, %lt3A_811 : i32
      %convert_element_type3A_813 = arith.extui %lt3A_812 : i1 to i32
      %cond3A_814 = arith.constant 0 : i32
      %cond3A_815 = arith.cmpi ne, %convert_element_type3A_813, %cond3A_814 : i32
      scf.if %cond3A_815 {
        %dma_wait3A_880 = arith.constant 4 : i32
        %dma_wait3A_881 = arith.constant 0 : i32
        %dma_wait3A_882 = arith.constant 0 : i32
        %dma_wait3A_883 = tpu.memref_slice %arg7[%dma_wait3A_880, %dma_wait3A_881, %dma_wait3A_882] : memref<12x80x64xf32, #tpu.memory_space<vmem>> -> memref<1x80x64xf32, #tpu.memory_space<vmem>>
        %dma_wait3A_884 = tpu.memref_squeeze %dma_wait3A_883 : memref<1x80x64xf32, #tpu.memory_space<vmem>> -> memref<80x64xf32, #tpu.memory_space<vmem>>
        %dma_wait3A_885 = arith.constant 0 : i32
        %dma_wait3A_886 = tpu.memref_slice %arg6[%add3A_808, %dma_wait3A_885] : memref<125x80xi32, #tpu.memory_space<vmem>> -> memref<1x80xi32, #tpu.memory_space<vmem>>
        %dma_wait3A_887 = tpu.memref_squeeze %dma_wait3A_886 : memref<1x80xi32, #tpu.memory_space<vmem>> -> memref<80xi32, #tpu.memory_space<vmem>>
        %dma_wait3A_888 = arith.constant 0 : i32
        %dma_wait3A_889 = arith.constant 0 : i32
        %dma_wait3A_890 = tpu.memref_slice %arg9[%dma_wait3A_888, %dma_wait3A_889] : memref<10112x64xf32, #tpu.memory_space<vmem_shared>> -> memref<10112x64xf32, #tpu.memory_space<vmem_shared>>
        tpu.wait_indirect_dma semaphore(%arg26 : memref<!tpu.dma_semaphore, #tpu.memory_space<semaphore_mem>>) src(%dma_wait3A_884 : memref<80x64xf32, #tpu.memory_space<vmem>>) dst(%dma_wait3A_890 : memref<10112x64xf32, #tpu.memory_space<vmem_shared>>)
        %add3A_891 = arith.constant 12 : i32
        %add3A_892 = arith.addi %add3A_808, %add3A_891 : i32
        %dma_start3A_893 = arith.constant 4 : i32
        %dma_start3A_894 = arith.constant 0 : i32
        %dma_start3A_895 = arith.constant 0 : i32
        %dma_start3A_896 = tpu.memref_slice %arg7[%dma_start3A_893, %dma_start3A_894, %dma_start3A_895] : memref<12x80x64xf32, #tpu.memory_space<vmem>> -> memref<1x80x64xf32, #tpu.memory_space<vmem>>
        %dma_start3A_897 = tpu.memref_squeeze %dma_start3A_896 : memref<1x80x64xf32, #tpu.memory_space<vmem>> -> memref<80x64xf32, #tpu.memory_space<vmem>>
        %dma_start3A_898 = arith.constant 0 : i32
        %dma_start3A_899 = tpu.memref_slice %arg5[%add3A_892, %dma_start3A_898] : memref<125x80xi32, #tpu.memory_space<vmem>> -> memref<1x80xi32, #tpu.memory_space<vmem>>
        %dma_start3A_900 = tpu.memref_squeeze %dma_start3A_899 : memref<1x80xi32, #tpu.memory_space<vmem>> -> memref<80xi32, #tpu.memory_space<vmem>>
        %dma_start3A_901 = arith.constant 0 : i32
        %dma_start3A_902 = arith.constant 0 : i32
        %dma_start3A_903 = tpu.memref_slice %arg2[%dma_start3A_901, %dma_start3A_902] : memref<10000x64xf32, #tpu.memory_space<hbm>> -> memref<10000x64xf32, #tpu.memory_space<hbm>>
        tpu.enqueue_indirect_dma source(%dma_start3A_903 : memref<10000x64xf32, #tpu.memory_space<hbm>>) target(%dma_start3A_897 : memref<80x64xf32, #tpu.memory_space<vmem>>) offsets(%dma_start3A_900 : memref<80xi32, #tpu.memory_space<vmem>>) semaphore(%arg14 : memref<!tpu.dma_semaphore, #tpu.memory_space<semaphore_mem>>)
      } else {
      }
      %add3A_816 = arith.constant 5 : i32
      %add3A_817 = arith.addi %mul3A_461, %add3A_816 : i32
      %add3A_818 = arith.constant 12 : i32
      %add3A_819 = arith.addi %add3A_817, %add3A_818 : i32
      %lt3A_820 = arith.constant 125 : i32
      %lt3A_821 = arith.cmpi slt, %add3A_819, %lt3A_820 : i32
      %convert_element_type3A_822 = arith.extui %lt3A_821 : i1 to i32
      %cond3A_823 = arith.constant 0 : i32
      %cond3A_824 = arith.cmpi ne, %convert_element_type3A_822, %cond3A_823 : i32
      scf.if %cond3A_824 {
        %dma_wait3A_880 = arith.constant 5 : i32
        %dma_wait3A_881 = arith.constant 0 : i32
        %dma_wait3A_882 = arith.constant 0 : i32
        %dma_wait3A_883 = tpu.memref_slice %arg7[%dma_wait3A_880, %dma_wait3A_881, %dma_wait3A_882] : memref<12x80x64xf32, #tpu.memory_space<vmem>> -> memref<1x80x64xf32, #tpu.memory_space<vmem>>
        %dma_wait3A_884 = tpu.memref_squeeze %dma_wait3A_883 : memref<1x80x64xf32, #tpu.memory_space<vmem>> -> memref<80x64xf32, #tpu.memory_space<vmem>>
        %dma_wait3A_885 = arith.constant 0 : i32
        %dma_wait3A_886 = tpu.memref_slice %arg6[%add3A_817, %dma_wait3A_885] : memref<125x80xi32, #tpu.memory_space<vmem>> -> memref<1x80xi32, #tpu.memory_space<vmem>>
        %dma_wait3A_887 = tpu.memref_squeeze %dma_wait3A_886 : memref<1x80xi32, #tpu.memory_space<vmem>> -> memref<80xi32, #tpu.memory_space<vmem>>
        %dma_wait3A_888 = arith.constant 0 : i32
        %dma_wait3A_889 = arith.constant 0 : i32
        %dma_wait3A_890 = tpu.memref_slice %arg9[%dma_wait3A_888, %dma_wait3A_889] : memref<10112x64xf32, #tpu.memory_space<vmem_shared>> -> memref<10112x64xf32, #tpu.memory_space<vmem_shared>>
        tpu.wait_indirect_dma semaphore(%arg27 : memref<!tpu.dma_semaphore, #tpu.memory_space<semaphore_mem>>) src(%dma_wait3A_884 : memref<80x64xf32, #tpu.memory_space<vmem>>) dst(%dma_wait3A_890 : memref<10112x64xf32, #tpu.memory_space<vmem_shared>>)
        %add3A_891 = arith.constant 12 : i32
        %add3A_892 = arith.addi %add3A_817, %add3A_891 : i32
        %dma_start3A_893 = arith.constant 5 : i32
        %dma_start3A_894 = arith.constant 0 : i32
        %dma_start3A_895 = arith.constant 0 : i32
        %dma_start3A_896 = tpu.memref_slice %arg7[%dma_start3A_893, %dma_start3A_894, %dma_start3A_895] : memref<12x80x64xf32, #tpu.memory_space<vmem>> -> memref<1x80x64xf32, #tpu.memory_space<vmem>>
        %dma_start3A_897 = tpu.memref_squeeze %dma_start3A_896 : memref<1x80x64xf32, #tpu.memory_space<vmem>> -> memref<80x64xf32, #tpu.memory_space<vmem>>
        %dma_start3A_898 = arith.constant 0 : i32
        %dma_start3A_899 = tpu.memref_slice %arg5[%add3A_892, %dma_start3A_898] : memref<125x80xi32, #tpu.memory_space<vmem>> -> memref<1x80xi32, #tpu.memory_space<vmem>>
        %dma_start3A_900 = tpu.memref_squeeze %dma_start3A_899 : memref<1x80xi32, #tpu.memory_space<vmem>> -> memref<80xi32, #tpu.memory_space<vmem>>
        %dma_start3A_901 = arith.constant 0 : i32
        %dma_start3A_902 = arith.constant 0 : i32
        %dma_start3A_903 = tpu.memref_slice %arg2[%dma_start3A_901, %dma_start3A_902] : memref<10000x64xf32, #tpu.memory_space<hbm>> -> memref<10000x64xf32, #tpu.memory_space<hbm>>
        tpu.enqueue_indirect_dma source(%dma_start3A_903 : memref<10000x64xf32, #tpu.memory_space<hbm>>) target(%dma_start3A_897 : memref<80x64xf32, #tpu.memory_space<vmem>>) offsets(%dma_start3A_900 : memref<80xi32, #tpu.memory_space<vmem>>) semaphore(%arg15 : memref<!tpu.dma_semaphore, #tpu.memory_space<semaphore_mem>>)
      } else {
      }
      %add3A_825 = arith.constant 6 : i32
      %add3A_826 = arith.addi %mul3A_461, %add3A_825 : i32
      %add3A_827 = arith.constant 12 : i32
      %add3A_828 = arith.addi %add3A_826, %add3A_827 : i32
      %lt3A_829 = arith.constant 125 : i32
      %lt3A_830 = arith.cmpi slt, %add3A_828, %lt3A_829 : i32
      %convert_element_type3A_831 = arith.extui %lt3A_830 : i1 to i32
      %cond3A_832 = arith.constant 0 : i32
      %cond3A_833 = arith.cmpi ne, %convert_element_type3A_831, %cond3A_832 : i32
      scf.if %cond3A_833 {
        %dma_wait3A_880 = arith.constant 6 : i32
        %dma_wait3A_881 = arith.constant 0 : i32
        %dma_wait3A_882 = arith.constant 0 : i32
        %dma_wait3A_883 = tpu.memref_slice %arg7[%dma_wait3A_880, %dma_wait3A_881, %dma_wait3A_882] : memref<12x80x64xf32, #tpu.memory_space<vmem>> -> memref<1x80x64xf32, #tpu.memory_space<vmem>>
        %dma_wait3A_884 = tpu.memref_squeeze %dma_wait3A_883 : memref<1x80x64xf32, #tpu.memory_space<vmem>> -> memref<80x64xf32, #tpu.memory_space<vmem>>
        %dma_wait3A_885 = arith.constant 0 : i32
        %dma_wait3A_886 = tpu.memref_slice %arg6[%add3A_826, %dma_wait3A_885] : memref<125x80xi32, #tpu.memory_space<vmem>> -> memref<1x80xi32, #tpu.memory_space<vmem>>
        %dma_wait3A_887 = tpu.memref_squeeze %dma_wait3A_886 : memref<1x80xi32, #tpu.memory_space<vmem>> -> memref<80xi32, #tpu.memory_space<vmem>>
        %dma_wait3A_888 = arith.constant 0 : i32
        %dma_wait3A_889 = arith.constant 0 : i32
        %dma_wait3A_890 = tpu.memref_slice %arg9[%dma_wait3A_888, %dma_wait3A_889] : memref<10112x64xf32, #tpu.memory_space<vmem_shared>> -> memref<10112x64xf32, #tpu.memory_space<vmem_shared>>
        tpu.wait_indirect_dma semaphore(%arg28 : memref<!tpu.dma_semaphore, #tpu.memory_space<semaphore_mem>>) src(%dma_wait3A_884 : memref<80x64xf32, #tpu.memory_space<vmem>>) dst(%dma_wait3A_890 : memref<10112x64xf32, #tpu.memory_space<vmem_shared>>)
        %add3A_891 = arith.constant 12 : i32
        %add3A_892 = arith.addi %add3A_826, %add3A_891 : i32
        %dma_start3A_893 = arith.constant 6 : i32
        %dma_start3A_894 = arith.constant 0 : i32
        %dma_start3A_895 = arith.constant 0 : i32
        %dma_start3A_896 = tpu.memref_slice %arg7[%dma_start3A_893, %dma_start3A_894, %dma_start3A_895] : memref<12x80x64xf32, #tpu.memory_space<vmem>> -> memref<1x80x64xf32, #tpu.memory_space<vmem>>
        %dma_start3A_897 = tpu.memref_squeeze %dma_start3A_896 : memref<1x80x64xf32, #tpu.memory_space<vmem>> -> memref<80x64xf32, #tpu.memory_space<vmem>>
        %dma_start3A_898 = arith.constant 0 : i32
        %dma_start3A_899 = tpu.memref_slice %arg5[%add3A_892, %dma_start3A_898] : memref<125x80xi32, #tpu.memory_space<vmem>> -> memref<1x80xi32, #tpu.memory_space<vmem>>
        %dma_start3A_900 = tpu.memref_squeeze %dma_start3A_899 : memref<1x80xi32, #tpu.memory_space<vmem>> -> memref<80xi32, #tpu.memory_space<vmem>>
        %dma_start3A_901 = arith.constant 0 : i32
        %dma_start3A_902 = arith.constant 0 : i32
        %dma_start3A_903 = tpu.memref_slice %arg2[%dma_start3A_901, %dma_start3A_902] : memref<10000x64xf32, #tpu.memory_space<hbm>> -> memref<10000x64xf32, #tpu.memory_space<hbm>>
        tpu.enqueue_indirect_dma source(%dma_start3A_903 : memref<10000x64xf32, #tpu.memory_space<hbm>>) target(%dma_start3A_897 : memref<80x64xf32, #tpu.memory_space<vmem>>) offsets(%dma_start3A_900 : memref<80xi32, #tpu.memory_space<vmem>>) semaphore(%arg16 : memref<!tpu.dma_semaphore, #tpu.memory_space<semaphore_mem>>)
      } else {
      }
      %add3A_834 = arith.constant 7 : i32
      %add3A_835 = arith.addi %mul3A_461, %add3A_834 : i32
      %add3A_836 = arith.constant 12 : i32
      %add3A_837 = arith.addi %add3A_835, %add3A_836 : i32
      %lt3A_838 = arith.constant 125 : i32
      %lt3A_839 = arith.cmpi slt, %add3A_837, %lt3A_838 : i32
      %convert_element_type3A_840 = arith.extui %lt3A_839 : i1 to i32
      %cond3A_841 = arith.constant 0 : i32
      %cond3A_842 = arith.cmpi ne, %convert_element_type3A_840, %cond3A_841 : i32
      scf.if %cond3A_842 {
        %dma_wait3A_880 = arith.constant 7 : i32
        %dma_wait3A_881 = arith.constant 0 : i32
        %dma_wait3A_882 = arith.constant 0 : i32
        %dma_wait3A_883 = tpu.memref_slice %arg7[%dma_wait3A_880, %dma_wait3A_881, %dma_wait3A_882] : memref<12x80x64xf32, #tpu.memory_space<vmem>> -> memref<1x80x64xf32, #tpu.memory_space<vmem>>
        %dma_wait3A_884 = tpu.memref_squeeze %dma_wait3A_883 : memref<1x80x64xf32, #tpu.memory_space<vmem>> -> memref<80x64xf32, #tpu.memory_space<vmem>>
        %dma_wait3A_885 = arith.constant 0 : i32
        %dma_wait3A_886 = tpu.memref_slice %arg6[%add3A_835, %dma_wait3A_885] : memref<125x80xi32, #tpu.memory_space<vmem>> -> memref<1x80xi32, #tpu.memory_space<vmem>>
        %dma_wait3A_887 = tpu.memref_squeeze %dma_wait3A_886 : memref<1x80xi32, #tpu.memory_space<vmem>> -> memref<80xi32, #tpu.memory_space<vmem>>
        %dma_wait3A_888 = arith.constant 0 : i32
        %dma_wait3A_889 = arith.constant 0 : i32
        %dma_wait3A_890 = tpu.memref_slice %arg9[%dma_wait3A_888, %dma_wait3A_889] : memref<10112x64xf32, #tpu.memory_space<vmem_shared>> -> memref<10112x64xf32, #tpu.memory_space<vmem_shared>>
        tpu.wait_indirect_dma semaphore(%arg29 : memref<!tpu.dma_semaphore, #tpu.memory_space<semaphore_mem>>) src(%dma_wait3A_884 : memref<80x64xf32, #tpu.memory_space<vmem>>) dst(%dma_wait3A_890 : memref<10112x64xf32, #tpu.memory_space<vmem_shared>>)
        %add3A_891 = arith.constant 12 : i32
        %add3A_892 = arith.addi %add3A_835, %add3A_891 : i32
        %dma_start3A_893 = arith.constant 7 : i32
        %dma_start3A_894 = arith.constant 0 : i32
        %dma_start3A_895 = arith.constant 0 : i32
        %dma_start3A_896 = tpu.memref_slice %arg7[%dma_start3A_893, %dma_start3A_894, %dma_start3A_895] : memref<12x80x64xf32, #tpu.memory_space<vmem>> -> memref<1x80x64xf32, #tpu.memory_space<vmem>>
        %dma_start3A_897 = tpu.memref_squeeze %dma_start3A_896 : memref<1x80x64xf32, #tpu.memory_space<vmem>> -> memref<80x64xf32, #tpu.memory_space<vmem>>
        %dma_start3A_898 = arith.constant 0 : i32
        %dma_start3A_899 = tpu.memref_slice %arg5[%add3A_892, %dma_start3A_898] : memref<125x80xi32, #tpu.memory_space<vmem>> -> memref<1x80xi32, #tpu.memory_space<vmem>>
        %dma_start3A_900 = tpu.memref_squeeze %dma_start3A_899 : memref<1x80xi32, #tpu.memory_space<vmem>> -> memref<80xi32, #tpu.memory_space<vmem>>
        %dma_start3A_901 = arith.constant 0 : i32
        %dma_start3A_902 = arith.constant 0 : i32
        %dma_start3A_903 = tpu.memref_slice %arg2[%dma_start3A_901, %dma_start3A_902] : memref<10000x64xf32, #tpu.memory_space<hbm>> -> memref<10000x64xf32, #tpu.memory_space<hbm>>
        tpu.enqueue_indirect_dma source(%dma_start3A_903 : memref<10000x64xf32, #tpu.memory_space<hbm>>) target(%dma_start3A_897 : memref<80x64xf32, #tpu.memory_space<vmem>>) offsets(%dma_start3A_900 : memref<80xi32, #tpu.memory_space<vmem>>) semaphore(%arg17 : memref<!tpu.dma_semaphore, #tpu.memory_space<semaphore_mem>>)
      } else {
      }
      %add3A_843 = arith.constant 8 : i32
      %add3A_844 = arith.addi %mul3A_461, %add3A_843 : i32
      %add3A_845 = arith.constant 12 : i32
      %add3A_846 = arith.addi %add3A_844, %add3A_845 : i32
      %lt3A_847 = arith.constant 125 : i32
      %lt3A_848 = arith.cmpi slt, %add3A_846, %lt3A_847 : i32
      %convert_element_type3A_849 = arith.extui %lt3A_848 : i1 to i32
      %cond3A_850 = arith.constant 0 : i32
      %cond3A_851 = arith.cmpi ne, %convert_element_type3A_849, %cond3A_850 : i32
      scf.if %cond3A_851 {
        %dma_wait3A_880 = arith.constant 8 : i32
        %dma_wait3A_881 = arith.constant 0 : i32
        %dma_wait3A_882 = arith.constant 0 : i32
        %dma_wait3A_883 = tpu.memref_slice %arg7[%dma_wait3A_880, %dma_wait3A_881, %dma_wait3A_882] : memref<12x80x64xf32, #tpu.memory_space<vmem>> -> memref<1x80x64xf32, #tpu.memory_space<vmem>>
        %dma_wait3A_884 = tpu.memref_squeeze %dma_wait3A_883 : memref<1x80x64xf32, #tpu.memory_space<vmem>> -> memref<80x64xf32, #tpu.memory_space<vmem>>
        %dma_wait3A_885 = arith.constant 0 : i32
        %dma_wait3A_886 = tpu.memref_slice %arg6[%add3A_844, %dma_wait3A_885] : memref<125x80xi32, #tpu.memory_space<vmem>> -> memref<1x80xi32, #tpu.memory_space<vmem>>
        %dma_wait3A_887 = tpu.memref_squeeze %dma_wait3A_886 : memref<1x80xi32, #tpu.memory_space<vmem>> -> memref<80xi32, #tpu.memory_space<vmem>>
        %dma_wait3A_888 = arith.constant 0 : i32
        %dma_wait3A_889 = arith.constant 0 : i32
        %dma_wait3A_890 = tpu.memref_slice %arg9[%dma_wait3A_888, %dma_wait3A_889] : memref<10112x64xf32, #tpu.memory_space<vmem_shared>> -> memref<10112x64xf32, #tpu.memory_space<vmem_shared>>
        tpu.wait_indirect_dma semaphore(%arg30 : memref<!tpu.dma_semaphore, #tpu.memory_space<semaphore_mem>>) src(%dma_wait3A_884 : memref<80x64xf32, #tpu.memory_space<vmem>>) dst(%dma_wait3A_890 : memref<10112x64xf32, #tpu.memory_space<vmem_shared>>)
        %add3A_891 = arith.constant 12 : i32
        %add3A_892 = arith.addi %add3A_844, %add3A_891 : i32
        %dma_start3A_893 = arith.constant 8 : i32
        %dma_start3A_894 = arith.constant 0 : i32
        %dma_start3A_895 = arith.constant 0 : i32
        %dma_start3A_896 = tpu.memref_slice %arg7[%dma_start3A_893, %dma_start3A_894, %dma_start3A_895] : memref<12x80x64xf32, #tpu.memory_space<vmem>> -> memref<1x80x64xf32, #tpu.memory_space<vmem>>
        %dma_start3A_897 = tpu.memref_squeeze %dma_start3A_896 : memref<1x80x64xf32, #tpu.memory_space<vmem>> -> memref<80x64xf32, #tpu.memory_space<vmem>>
        %dma_start3A_898 = arith.constant 0 : i32
        %dma_start3A_899 = tpu.memref_slice %arg5[%add3A_892, %dma_start3A_898] : memref<125x80xi32, #tpu.memory_space<vmem>> -> memref<1x80xi32, #tpu.memory_space<vmem>>
        %dma_start3A_900 = tpu.memref_squeeze %dma_start3A_899 : memref<1x80xi32, #tpu.memory_space<vmem>> -> memref<80xi32, #tpu.memory_space<vmem>>
        %dma_start3A_901 = arith.constant 0 : i32
        %dma_start3A_902 = arith.constant 0 : i32
        %dma_start3A_903 = tpu.memref_slice %arg2[%dma_start3A_901, %dma_start3A_902] : memref<10000x64xf32, #tpu.memory_space<hbm>> -> memref<10000x64xf32, #tpu.memory_space<hbm>>
        tpu.enqueue_indirect_dma source(%dma_start3A_903 : memref<10000x64xf32, #tpu.memory_space<hbm>>) target(%dma_start3A_897 : memref<80x64xf32, #tpu.memory_space<vmem>>) offsets(%dma_start3A_900 : memref<80xi32, #tpu.memory_space<vmem>>) semaphore(%arg18 : memref<!tpu.dma_semaphore, #tpu.memory_space<semaphore_mem>>)
      } else {
      }
      %add3A_852 = arith.constant 9 : i32
      %add3A_853 = arith.addi %mul3A_461, %add3A_852 : i32
      %add3A_854 = arith.constant 12 : i32
      %add3A_855 = arith.addi %add3A_853, %add3A_854 : i32
      %lt3A_856 = arith.constant 125 : i32
      %lt3A_857 = arith.cmpi slt, %add3A_855, %lt3A_856 : i32
      %convert_element_type3A_858 = arith.extui %lt3A_857 : i1 to i32
      %cond3A_859 = arith.constant 0 : i32
      %cond3A_860 = arith.cmpi ne, %convert_element_type3A_858, %cond3A_859 : i32
      scf.if %cond3A_860 {
        %dma_wait3A_880 = arith.constant 9 : i32
        %dma_wait3A_881 = arith.constant 0 : i32
        %dma_wait3A_882 = arith.constant 0 : i32
        %dma_wait3A_883 = tpu.memref_slice %arg7[%dma_wait3A_880, %dma_wait3A_881, %dma_wait3A_882] : memref<12x80x64xf32, #tpu.memory_space<vmem>> -> memref<1x80x64xf32, #tpu.memory_space<vmem>>
        %dma_wait3A_884 = tpu.memref_squeeze %dma_wait3A_883 : memref<1x80x64xf32, #tpu.memory_space<vmem>> -> memref<80x64xf32, #tpu.memory_space<vmem>>
        %dma_wait3A_885 = arith.constant 0 : i32
        %dma_wait3A_886 = tpu.memref_slice %arg6[%add3A_853, %dma_wait3A_885] : memref<125x80xi32, #tpu.memory_space<vmem>> -> memref<1x80xi32, #tpu.memory_space<vmem>>
        %dma_wait3A_887 = tpu.memref_squeeze %dma_wait3A_886 : memref<1x80xi32, #tpu.memory_space<vmem>> -> memref<80xi32, #tpu.memory_space<vmem>>
        %dma_wait3A_888 = arith.constant 0 : i32
        %dma_wait3A_889 = arith.constant 0 : i32
        %dma_wait3A_890 = tpu.memref_slice %arg9[%dma_wait3A_888, %dma_wait3A_889] : memref<10112x64xf32, #tpu.memory_space<vmem_shared>> -> memref<10112x64xf32, #tpu.memory_space<vmem_shared>>
        tpu.wait_indirect_dma semaphore(%arg31 : memref<!tpu.dma_semaphore, #tpu.memory_space<semaphore_mem>>) src(%dma_wait3A_884 : memref<80x64xf32, #tpu.memory_space<vmem>>) dst(%dma_wait3A_890 : memref<10112x64xf32, #tpu.memory_space<vmem_shared>>)
        %add3A_891 = arith.constant 12 : i32
        %add3A_892 = arith.addi %add3A_853, %add3A_891 : i32
        %dma_start3A_893 = arith.constant 9 : i32
        %dma_start3A_894 = arith.constant 0 : i32
        %dma_start3A_895 = arith.constant 0 : i32
        %dma_start3A_896 = tpu.memref_slice %arg7[%dma_start3A_893, %dma_start3A_894, %dma_start3A_895] : memref<12x80x64xf32, #tpu.memory_space<vmem>> -> memref<1x80x64xf32, #tpu.memory_space<vmem>>
        %dma_start3A_897 = tpu.memref_squeeze %dma_start3A_896 : memref<1x80x64xf32, #tpu.memory_space<vmem>> -> memref<80x64xf32, #tpu.memory_space<vmem>>
        %dma_start3A_898 = arith.constant 0 : i32
        %dma_start3A_899 = tpu.memref_slice %arg5[%add3A_892, %dma_start3A_898] : memref<125x80xi32, #tpu.memory_space<vmem>> -> memref<1x80xi32, #tpu.memory_space<vmem>>
        %dma_start3A_900 = tpu.memref_squeeze %dma_start3A_899 : memref<1x80xi32, #tpu.memory_space<vmem>> -> memref<80xi32, #tpu.memory_space<vmem>>
        %dma_start3A_901 = arith.constant 0 : i32
        %dma_start3A_902 = arith.constant 0 : i32
        %dma_start3A_903 = tpu.memref_slice %arg2[%dma_start3A_901, %dma_start3A_902] : memref<10000x64xf32, #tpu.memory_space<hbm>> -> memref<10000x64xf32, #tpu.memory_space<hbm>>
        tpu.enqueue_indirect_dma source(%dma_start3A_903 : memref<10000x64xf32, #tpu.memory_space<hbm>>) target(%dma_start3A_897 : memref<80x64xf32, #tpu.memory_space<vmem>>) offsets(%dma_start3A_900 : memref<80xi32, #tpu.memory_space<vmem>>) semaphore(%arg19 : memref<!tpu.dma_semaphore, #tpu.memory_space<semaphore_mem>>)
      } else {
      }
      %add3A_861 = arith.constant 10 : i32
      %add3A_862 = arith.addi %mul3A_461, %add3A_861 : i32
      %add3A_863 = arith.constant 12 : i32
      %add3A_864 = arith.addi %add3A_862, %add3A_863 : i32
      %lt3A_865 = arith.constant 125 : i32
      %lt3A_866 = arith.cmpi slt, %add3A_864, %lt3A_865 : i32
      %convert_element_type3A_867 = arith.extui %lt3A_866 : i1 to i32
      %cond3A_868 = arith.constant 0 : i32
      %cond3A_869 = arith.cmpi ne, %convert_element_type3A_867, %cond3A_868 : i32
      scf.if %cond3A_869 {
        %dma_wait3A_880 = arith.constant 10 : i32
        %dma_wait3A_881 = arith.constant 0 : i32
        %dma_wait3A_882 = arith.constant 0 : i32
        %dma_wait3A_883 = tpu.memref_slice %arg7[%dma_wait3A_880, %dma_wait3A_881, %dma_wait3A_882] : memref<12x80x64xf32, #tpu.memory_space<vmem>> -> memref<1x80x64xf32, #tpu.memory_space<vmem>>
        %dma_wait3A_884 = tpu.memref_squeeze %dma_wait3A_883 : memref<1x80x64xf32, #tpu.memory_space<vmem>> -> memref<80x64xf32, #tpu.memory_space<vmem>>
        %dma_wait3A_885 = arith.constant 0 : i32
        %dma_wait3A_886 = tpu.memref_slice %arg6[%add3A_862, %dma_wait3A_885] : memref<125x80xi32, #tpu.memory_space<vmem>> -> memref<1x80xi32, #tpu.memory_space<vmem>>
        %dma_wait3A_887 = tpu.memref_squeeze %dma_wait3A_886 : memref<1x80xi32, #tpu.memory_space<vmem>> -> memref<80xi32, #tpu.memory_space<vmem>>
        %dma_wait3A_888 = arith.constant 0 : i32
        %dma_wait3A_889 = arith.constant 0 : i32
        %dma_wait3A_890 = tpu.memref_slice %arg9[%dma_wait3A_888, %dma_wait3A_889] : memref<10112x64xf32, #tpu.memory_space<vmem_shared>> -> memref<10112x64xf32, #tpu.memory_space<vmem_shared>>
        tpu.wait_indirect_dma semaphore(%arg32 : memref<!tpu.dma_semaphore, #tpu.memory_space<semaphore_mem>>) src(%dma_wait3A_884 : memref<80x64xf32, #tpu.memory_space<vmem>>) dst(%dma_wait3A_890 : memref<10112x64xf32, #tpu.memory_space<vmem_shared>>)
        %add3A_891 = arith.constant 12 : i32
        %add3A_892 = arith.addi %add3A_862, %add3A_891 : i32
        %dma_start3A_893 = arith.constant 10 : i32
        %dma_start3A_894 = arith.constant 0 : i32
        %dma_start3A_895 = arith.constant 0 : i32
        %dma_start3A_896 = tpu.memref_slice %arg7[%dma_start3A_893, %dma_start3A_894, %dma_start3A_895] : memref<12x80x64xf32, #tpu.memory_space<vmem>> -> memref<1x80x64xf32, #tpu.memory_space<vmem>>
        %dma_start3A_897 = tpu.memref_squeeze %dma_start3A_896 : memref<1x80x64xf32, #tpu.memory_space<vmem>> -> memref<80x64xf32, #tpu.memory_space<vmem>>
        %dma_start3A_898 = arith.constant 0 : i32
        %dma_start3A_899 = tpu.memref_slice %arg5[%add3A_892, %dma_start3A_898] : memref<125x80xi32, #tpu.memory_space<vmem>> -> memref<1x80xi32, #tpu.memory_space<vmem>>
        %dma_start3A_900 = tpu.memref_squeeze %dma_start3A_899 : memref<1x80xi32, #tpu.memory_space<vmem>> -> memref<80xi32, #tpu.memory_space<vmem>>
        %dma_start3A_901 = arith.constant 0 : i32
        %dma_start3A_902 = arith.constant 0 : i32
        %dma_start3A_903 = tpu.memref_slice %arg2[%dma_start3A_901, %dma_start3A_902] : memref<10000x64xf32, #tpu.memory_space<hbm>> -> memref<10000x64xf32, #tpu.memory_space<hbm>>
        tpu.enqueue_indirect_dma source(%dma_start3A_903 : memref<10000x64xf32, #tpu.memory_space<hbm>>) target(%dma_start3A_897 : memref<80x64xf32, #tpu.memory_space<vmem>>) offsets(%dma_start3A_900 : memref<80xi32, #tpu.memory_space<vmem>>) semaphore(%arg20 : memref<!tpu.dma_semaphore, #tpu.memory_space<semaphore_mem>>)
      } else {
      }
      %add3A_870 = arith.constant 11 : i32
      %add3A_871 = arith.addi %mul3A_461, %add3A_870 : i32
      %add3A_872 = arith.constant 12 : i32
      %add3A_873 = arith.addi %add3A_871, %add3A_872 : i32
      %lt3A_874 = arith.constant 125 : i32
      %lt3A_875 = arith.cmpi slt, %add3A_873, %lt3A_874 : i32
      %convert_element_type3A_876 = arith.extui %lt3A_875 : i1 to i32
      %cond3A_877 = arith.constant 0 : i32
      %cond3A_878 = arith.cmpi ne, %convert_element_type3A_876, %cond3A_877 : i32
      scf.if %cond3A_878 {
        %dma_wait3A_880 = arith.constant 11 : i32
        %dma_wait3A_881 = arith.constant 0 : i32
        %dma_wait3A_882 = arith.constant 0 : i32
        %dma_wait3A_883 = tpu.memref_slice %arg7[%dma_wait3A_880, %dma_wait3A_881, %dma_wait3A_882] : memref<12x80x64xf32, #tpu.memory_space<vmem>> -> memref<1x80x64xf32, #tpu.memory_space<vmem>>
        %dma_wait3A_884 = tpu.memref_squeeze %dma_wait3A_883 : memref<1x80x64xf32, #tpu.memory_space<vmem>> -> memref<80x64xf32, #tpu.memory_space<vmem>>
        %dma_wait3A_885 = arith.constant 0 : i32
        %dma_wait3A_886 = tpu.memref_slice %arg6[%add3A_871, %dma_wait3A_885] : memref<125x80xi32, #tpu.memory_space<vmem>> -> memref<1x80xi32, #tpu.memory_space<vmem>>
        %dma_wait3A_887 = tpu.memref_squeeze %dma_wait3A_886 : memref<1x80xi32, #tpu.memory_space<vmem>> -> memref<80xi32, #tpu.memory_space<vmem>>
        %dma_wait3A_888 = arith.constant 0 : i32
        %dma_wait3A_889 = arith.constant 0 : i32
        %dma_wait3A_890 = tpu.memref_slice %arg9[%dma_wait3A_888, %dma_wait3A_889] : memref<10112x64xf32, #tpu.memory_space<vmem_shared>> -> memref<10112x64xf32, #tpu.memory_space<vmem_shared>>
        tpu.wait_indirect_dma semaphore(%arg33 : memref<!tpu.dma_semaphore, #tpu.memory_space<semaphore_mem>>) src(%dma_wait3A_884 : memref<80x64xf32, #tpu.memory_space<vmem>>) dst(%dma_wait3A_890 : memref<10112x64xf32, #tpu.memory_space<vmem_shared>>)
        %add3A_891 = arith.constant 12 : i32
        %add3A_892 = arith.addi %add3A_871, %add3A_891 : i32
        %dma_start3A_893 = arith.constant 11 : i32
        %dma_start3A_894 = arith.constant 0 : i32
        %dma_start3A_895 = arith.constant 0 : i32
        %dma_start3A_896 = tpu.memref_slice %arg7[%dma_start3A_893, %dma_start3A_894, %dma_start3A_895] : memref<12x80x64xf32, #tpu.memory_space<vmem>> -> memref<1x80x64xf32, #tpu.memory_space<vmem>>
        %dma_start3A_897 = tpu.memref_squeeze %dma_start3A_896 : memref<1x80x64xf32, #tpu.memory_space<vmem>> -> memref<80x64xf32, #tpu.memory_space<vmem>>
        %dma_start3A_898 = arith.constant 0 : i32
        %dma_start3A_899 = tpu.memref_slice %arg5[%add3A_892, %dma_start3A_898] : memref<125x80xi32, #tpu.memory_space<vmem>> -> memref<1x80xi32, #tpu.memory_space<vmem>>
        %dma_start3A_900 = tpu.memref_squeeze %dma_start3A_899 : memref<1x80xi32, #tpu.memory_space<vmem>> -> memref<80xi32, #tpu.memory_space<vmem>>
        %dma_start3A_901 = arith.constant 0 : i32
        %dma_start3A_902 = arith.constant 0 : i32
        %dma_start3A_903 = tpu.memref_slice %arg2[%dma_start3A_901, %dma_start3A_902] : memref<10000x64xf32, #tpu.memory_space<hbm>> -> memref<10000x64xf32, #tpu.memory_space<hbm>>
        tpu.enqueue_indirect_dma source(%dma_start3A_903 : memref<10000x64xf32, #tpu.memory_space<hbm>>) target(%dma_start3A_897 : memref<80x64xf32, #tpu.memory_space<vmem>>) offsets(%dma_start3A_900 : memref<80xi32, #tpu.memory_space<vmem>>) semaphore(%arg21 : memref<!tpu.dma_semaphore, #tpu.memory_space<semaphore_mem>>)
      } else {
      }
      %scan3A_879 = arith.constant 0 : i32
      scf.yield %scan3A_879 : i32
    }
    %scan3A_189 = arith.constant 10 : i32
    %dma_wait3A = arith.constant 120 : i32
    %dma_wait3A_190 = arith.constant 0 : i32
    %dma_wait3A_191 = arith.constant 0 : i32
    %dma_wait3A_192 = arith.constant 0 : i32
    %dma_wait3A_193 = tpu.memref_slice %arg7[%dma_wait3A_190, %dma_wait3A_191, %dma_wait3A_192] : memref<12x80x64xf32, #tpu.memory_space<vmem>> -> memref<1x80x64xf32, #tpu.memory_space<vmem>>
    %dma_wait3A_194 = tpu.memref_squeeze %dma_wait3A_193 : memref<1x80x64xf32, #tpu.memory_space<vmem>> -> memref<80x64xf32, #tpu.memory_space<vmem>>
    %dma_wait3A_195 = arith.constant 0 : i32
    %dma_wait3A_196 = tpu.memref_slice %arg5[%dma_wait3A, %dma_wait3A_195] : memref<125x80xi32, #tpu.memory_space<vmem>> -> memref<1x80xi32, #tpu.memory_space<vmem>>
    %dma_wait3A_197 = tpu.memref_squeeze %dma_wait3A_196 : memref<1x80xi32, #tpu.memory_space<vmem>> -> memref<80xi32, #tpu.memory_space<vmem>>
    %dma_wait3A_198 = arith.constant 0 : i32
    %dma_wait3A_199 = arith.constant 0 : i32
    %dma_wait3A_200 = tpu.memref_slice %arg2[%dma_wait3A_198, %dma_wait3A_199] : memref<10000x64xf32, #tpu.memory_space<hbm>> -> memref<10000x64xf32, #tpu.memory_space<hbm>>
    tpu.wait_indirect_dma semaphore(%arg10 : memref<!tpu.dma_semaphore, #tpu.memory_space<semaphore_mem>>) src(%dma_wait3A_200 : memref<10000x64xf32, #tpu.memory_space<hbm>>) dst(%dma_wait3A_194 : memref<80x64xf32, #tpu.memory_space<vmem>>)
    %dma_start3A_201 = arith.constant 0 : i32
    %dma_start3A_202 = arith.constant 120 : i32
    %dma_start3A_203 = arith.constant 0 : i32
    %dma_start3A_204 = arith.constant 0 : i32
    %dma_start3A_205 = tpu.memref_slice %arg7[%dma_start3A_201, %dma_start3A_203, %dma_start3A_204] : memref<12x80x64xf32, #tpu.memory_space<vmem>> -> memref<1x80x64xf32, #tpu.memory_space<vmem>>
    %dma_start3A_206 = tpu.memref_squeeze %dma_start3A_205 : memref<1x80x64xf32, #tpu.memory_space<vmem>> -> memref<80x64xf32, #tpu.memory_space<vmem>>
    %dma_start3A_207 = arith.constant 0 : i32
    %dma_start3A_208 = tpu.memref_slice %arg6[%dma_start3A_202, %dma_start3A_207] : memref<125x80xi32, #tpu.memory_space<vmem>> -> memref<1x80xi32, #tpu.memory_space<vmem>>
    %dma_start3A_209 = tpu.memref_squeeze %dma_start3A_208 : memref<1x80xi32, #tpu.memory_space<vmem>> -> memref<80xi32, #tpu.memory_space<vmem>>
    %dma_start3A_210 = arith.constant 0 : i32
    %dma_start3A_211 = arith.constant 0 : i32
    %dma_start3A_212 = tpu.memref_slice %arg9[%dma_start3A_210, %dma_start3A_211] : memref<10112x64xf32, #tpu.memory_space<vmem_shared>> -> memref<10112x64xf32, #tpu.memory_space<vmem_shared>>
    tpu.enqueue_indirect_dma source(%dma_start3A_206 : memref<80x64xf32, #tpu.memory_space<vmem>>) target(%dma_start3A_212 : memref<10112x64xf32, #tpu.memory_space<vmem_shared>>) offsets(%dma_start3A_209 : memref<80xi32, #tpu.memory_space<vmem>>) semaphore(%arg22 : memref<!tpu.dma_semaphore, #tpu.memory_space<semaphore_mem>>) {add = true}
    %dma_wait3A_213 = arith.constant 121 : i32
    %dma_wait3A_214 = arith.constant 1 : i32
    %dma_wait3A_215 = arith.constant 0 : i32
    %dma_wait3A_216 = arith.constant 0 : i32
    %dma_wait3A_217 = tpu.memref_slice %arg7[%dma_wait3A_214, %dma_wait3A_215, %dma_wait3A_216] : memref<12x80x64xf32, #tpu.memory_space<vmem>> -> memref<1x80x64xf32, #tpu.memory_space<vmem>>
    %dma_wait3A_218 = tpu.memref_squeeze %dma_wait3A_217 : memref<1x80x64xf32, #tpu.memory_space<vmem>> -> memref<80x64xf32, #tpu.memory_space<vmem>>
    %dma_wait3A_219 = arith.constant 0 : i32
    %dma_wait3A_220 = tpu.memref_slice %arg5[%dma_wait3A_213, %dma_wait3A_219] : memref<125x80xi32, #tpu.memory_space<vmem>> -> memref<1x80xi32, #tpu.memory_space<vmem>>
    %dma_wait3A_221 = tpu.memref_squeeze %dma_wait3A_220 : memref<1x80xi32, #tpu.memory_space<vmem>> -> memref<80xi32, #tpu.memory_space<vmem>>
    %dma_wait3A_222 = arith.constant 0 : i32
    %dma_wait3A_223 = arith.constant 0 : i32
    %dma_wait3A_224 = tpu.memref_slice %arg2[%dma_wait3A_222, %dma_wait3A_223] : memref<10000x64xf32, #tpu.memory_space<hbm>> -> memref<10000x64xf32, #tpu.memory_space<hbm>>
    tpu.wait_indirect_dma semaphore(%arg11 : memref<!tpu.dma_semaphore, #tpu.memory_space<semaphore_mem>>) src(%dma_wait3A_224 : memref<10000x64xf32, #tpu.memory_space<hbm>>) dst(%dma_wait3A_218 : memref<80x64xf32, #tpu.memory_space<vmem>>)
    %dma_start3A_225 = arith.constant 1 : i32
    %dma_start3A_226 = arith.constant 121 : i32
    %dma_start3A_227 = arith.constant 0 : i32
    %dma_start3A_228 = arith.constant 0 : i32
    %dma_start3A_229 = tpu.memref_slice %arg7[%dma_start3A_225, %dma_start3A_227, %dma_start3A_228] : memref<12x80x64xf32, #tpu.memory_space<vmem>> -> memref<1x80x64xf32, #tpu.memory_space<vmem>>
    %dma_start3A_230 = tpu.memref_squeeze %dma_start3A_229 : memref<1x80x64xf32, #tpu.memory_space<vmem>> -> memref<80x64xf32, #tpu.memory_space<vmem>>
    %dma_start3A_231 = arith.constant 0 : i32
    %dma_start3A_232 = tpu.memref_slice %arg6[%dma_start3A_226, %dma_start3A_231] : memref<125x80xi32, #tpu.memory_space<vmem>> -> memref<1x80xi32, #tpu.memory_space<vmem>>
    %dma_start3A_233 = tpu.memref_squeeze %dma_start3A_232 : memref<1x80xi32, #tpu.memory_space<vmem>> -> memref<80xi32, #tpu.memory_space<vmem>>
    %dma_start3A_234 = arith.constant 0 : i32
    %dma_start3A_235 = arith.constant 0 : i32
    %dma_start3A_236 = tpu.memref_slice %arg9[%dma_start3A_234, %dma_start3A_235] : memref<10112x64xf32, #tpu.memory_space<vmem_shared>> -> memref<10112x64xf32, #tpu.memory_space<vmem_shared>>
    tpu.enqueue_indirect_dma source(%dma_start3A_230 : memref<80x64xf32, #tpu.memory_space<vmem>>) target(%dma_start3A_236 : memref<10112x64xf32, #tpu.memory_space<vmem_shared>>) offsets(%dma_start3A_233 : memref<80xi32, #tpu.memory_space<vmem>>) semaphore(%arg23 : memref<!tpu.dma_semaphore, #tpu.memory_space<semaphore_mem>>) {add = true}
    %dma_wait3A_237 = arith.constant 122 : i32
    %dma_wait3A_238 = arith.constant 2 : i32
    %dma_wait3A_239 = arith.constant 0 : i32
    %dma_wait3A_240 = arith.constant 0 : i32
    %dma_wait3A_241 = tpu.memref_slice %arg7[%dma_wait3A_238, %dma_wait3A_239, %dma_wait3A_240] : memref<12x80x64xf32, #tpu.memory_space<vmem>> -> memref<1x80x64xf32, #tpu.memory_space<vmem>>
    %dma_wait3A_242 = tpu.memref_squeeze %dma_wait3A_241 : memref<1x80x64xf32, #tpu.memory_space<vmem>> -> memref<80x64xf32, #tpu.memory_space<vmem>>
    %dma_wait3A_243 = arith.constant 0 : i32
    %dma_wait3A_244 = tpu.memref_slice %arg5[%dma_wait3A_237, %dma_wait3A_243] : memref<125x80xi32, #tpu.memory_space<vmem>> -> memref<1x80xi32, #tpu.memory_space<vmem>>
    %dma_wait3A_245 = tpu.memref_squeeze %dma_wait3A_244 : memref<1x80xi32, #tpu.memory_space<vmem>> -> memref<80xi32, #tpu.memory_space<vmem>>
    %dma_wait3A_246 = arith.constant 0 : i32
    %dma_wait3A_247 = arith.constant 0 : i32
    %dma_wait3A_248 = tpu.memref_slice %arg2[%dma_wait3A_246, %dma_wait3A_247] : memref<10000x64xf32, #tpu.memory_space<hbm>> -> memref<10000x64xf32, #tpu.memory_space<hbm>>
    tpu.wait_indirect_dma semaphore(%arg12 : memref<!tpu.dma_semaphore, #tpu.memory_space<semaphore_mem>>) src(%dma_wait3A_248 : memref<10000x64xf32, #tpu.memory_space<hbm>>) dst(%dma_wait3A_242 : memref<80x64xf32, #tpu.memory_space<vmem>>)
    %dma_start3A_249 = arith.constant 2 : i32
    %dma_start3A_250 = arith.constant 122 : i32
    %dma_start3A_251 = arith.constant 0 : i32
    %dma_start3A_252 = arith.constant 0 : i32
    %dma_start3A_253 = tpu.memref_slice %arg7[%dma_start3A_249, %dma_start3A_251, %dma_start3A_252] : memref<12x80x64xf32, #tpu.memory_space<vmem>> -> memref<1x80x64xf32, #tpu.memory_space<vmem>>
    %dma_start3A_254 = tpu.memref_squeeze %dma_start3A_253 : memref<1x80x64xf32, #tpu.memory_space<vmem>> -> memref<80x64xf32, #tpu.memory_space<vmem>>
    %dma_start3A_255 = arith.constant 0 : i32
    %dma_start3A_256 = tpu.memref_slice %arg6[%dma_start3A_250, %dma_start3A_255] : memref<125x80xi32, #tpu.memory_space<vmem>> -> memref<1x80xi32, #tpu.memory_space<vmem>>
    %dma_start3A_257 = tpu.memref_squeeze %dma_start3A_256 : memref<1x80xi32, #tpu.memory_space<vmem>> -> memref<80xi32, #tpu.memory_space<vmem>>
    %dma_start3A_258 = arith.constant 0 : i32
    %dma_start3A_259 = arith.constant 0 : i32
    %dma_start3A_260 = tpu.memref_slice %arg9[%dma_start3A_258, %dma_start3A_259] : memref<10112x64xf32, #tpu.memory_space<vmem_shared>> -> memref<10112x64xf32, #tpu.memory_space<vmem_shared>>
    tpu.enqueue_indirect_dma source(%dma_start3A_254 : memref<80x64xf32, #tpu.memory_space<vmem>>) target(%dma_start3A_260 : memref<10112x64xf32, #tpu.memory_space<vmem_shared>>) offsets(%dma_start3A_257 : memref<80xi32, #tpu.memory_space<vmem>>) semaphore(%arg24 : memref<!tpu.dma_semaphore, #tpu.memory_space<semaphore_mem>>) {add = true}
    %dma_wait3A_261 = arith.constant 123 : i32
    %dma_wait3A_262 = arith.constant 3 : i32
    %dma_wait3A_263 = arith.constant 0 : i32
    %dma_wait3A_264 = arith.constant 0 : i32
    %dma_wait3A_265 = tpu.memref_slice %arg7[%dma_wait3A_262, %dma_wait3A_263, %dma_wait3A_264] : memref<12x80x64xf32, #tpu.memory_space<vmem>> -> memref<1x80x64xf32, #tpu.memory_space<vmem>>
    %dma_wait3A_266 = tpu.memref_squeeze %dma_wait3A_265 : memref<1x80x64xf32, #tpu.memory_space<vmem>> -> memref<80x64xf32, #tpu.memory_space<vmem>>
    %dma_wait3A_267 = arith.constant 0 : i32
    %dma_wait3A_268 = tpu.memref_slice %arg5[%dma_wait3A_261, %dma_wait3A_267] : memref<125x80xi32, #tpu.memory_space<vmem>> -> memref<1x80xi32, #tpu.memory_space<vmem>>
    %dma_wait3A_269 = tpu.memref_squeeze %dma_wait3A_268 : memref<1x80xi32, #tpu.memory_space<vmem>> -> memref<80xi32, #tpu.memory_space<vmem>>
    %dma_wait3A_270 = arith.constant 0 : i32
    %dma_wait3A_271 = arith.constant 0 : i32
    %dma_wait3A_272 = tpu.memref_slice %arg2[%dma_wait3A_270, %dma_wait3A_271] : memref<10000x64xf32, #tpu.memory_space<hbm>> -> memref<10000x64xf32, #tpu.memory_space<hbm>>
    tpu.wait_indirect_dma semaphore(%arg13 : memref<!tpu.dma_semaphore, #tpu.memory_space<semaphore_mem>>) src(%dma_wait3A_272 : memref<10000x64xf32, #tpu.memory_space<hbm>>) dst(%dma_wait3A_266 : memref<80x64xf32, #tpu.memory_space<vmem>>)
    %dma_start3A_273 = arith.constant 3 : i32
    %dma_start3A_274 = arith.constant 123 : i32
    %dma_start3A_275 = arith.constant 0 : i32
    %dma_start3A_276 = arith.constant 0 : i32
    %dma_start3A_277 = tpu.memref_slice %arg7[%dma_start3A_273, %dma_start3A_275, %dma_start3A_276] : memref<12x80x64xf32, #tpu.memory_space<vmem>> -> memref<1x80x64xf32, #tpu.memory_space<vmem>>
    %dma_start3A_278 = tpu.memref_squeeze %dma_start3A_277 : memref<1x80x64xf32, #tpu.memory_space<vmem>> -> memref<80x64xf32, #tpu.memory_space<vmem>>
    %dma_start3A_279 = arith.constant 0 : i32
    %dma_start3A_280 = tpu.memref_slice %arg6[%dma_start3A_274, %dma_start3A_279] : memref<125x80xi32, #tpu.memory_space<vmem>> -> memref<1x80xi32, #tpu.memory_space<vmem>>
    %dma_start3A_281 = tpu.memref_squeeze %dma_start3A_280 : memref<1x80xi32, #tpu.memory_space<vmem>> -> memref<80xi32, #tpu.memory_space<vmem>>
    %dma_start3A_282 = arith.constant 0 : i32
    %dma_start3A_283 = arith.constant 0 : i32
    %dma_start3A_284 = tpu.memref_slice %arg9[%dma_start3A_282, %dma_start3A_283] : memref<10112x64xf32, #tpu.memory_space<vmem_shared>> -> memref<10112x64xf32, #tpu.memory_space<vmem_shared>>
    tpu.enqueue_indirect_dma source(%dma_start3A_278 : memref<80x64xf32, #tpu.memory_space<vmem>>) target(%dma_start3A_284 : memref<10112x64xf32, #tpu.memory_space<vmem_shared>>) offsets(%dma_start3A_281 : memref<80xi32, #tpu.memory_space<vmem>>) semaphore(%arg25 : memref<!tpu.dma_semaphore, #tpu.memory_space<semaphore_mem>>) {add = true}
    %dma_wait3A_285 = arith.constant 124 : i32
    %dma_wait3A_286 = arith.constant 4 : i32
    %dma_wait3A_287 = arith.constant 0 : i32
    %dma_wait3A_288 = arith.constant 0 : i32
    %dma_wait3A_289 = tpu.memref_slice %arg7[%dma_wait3A_286, %dma_wait3A_287, %dma_wait3A_288] : memref<12x80x64xf32, #tpu.memory_space<vmem>> -> memref<1x80x64xf32, #tpu.memory_space<vmem>>
    %dma_wait3A_290 = tpu.memref_squeeze %dma_wait3A_289 : memref<1x80x64xf32, #tpu.memory_space<vmem>> -> memref<80x64xf32, #tpu.memory_space<vmem>>
    %dma_wait3A_291 = arith.constant 0 : i32
    %dma_wait3A_292 = tpu.memref_slice %arg5[%dma_wait3A_285, %dma_wait3A_291] : memref<125x80xi32, #tpu.memory_space<vmem>> -> memref<1x80xi32, #tpu.memory_space<vmem>>
    %dma_wait3A_293 = tpu.memref_squeeze %dma_wait3A_292 : memref<1x80xi32, #tpu.memory_space<vmem>> -> memref<80xi32, #tpu.memory_space<vmem>>
    %dma_wait3A_294 = arith.constant 0 : i32
    %dma_wait3A_295 = arith.constant 0 : i32
    %dma_wait3A_296 = tpu.memref_slice %arg2[%dma_wait3A_294, %dma_wait3A_295] : memref<10000x64xf32, #tpu.memory_space<hbm>> -> memref<10000x64xf32, #tpu.memory_space<hbm>>
    tpu.wait_indirect_dma semaphore(%arg14 : memref<!tpu.dma_semaphore, #tpu.memory_space<semaphore_mem>>) src(%dma_wait3A_296 : memref<10000x64xf32, #tpu.memory_space<hbm>>) dst(%dma_wait3A_290 : memref<80x64xf32, #tpu.memory_space<vmem>>)
    %dma_start3A_297 = arith.constant 4 : i32
    %dma_start3A_298 = arith.constant 124 : i32
    %dma_start3A_299 = arith.constant 0 : i32
    %dma_start3A_300 = arith.constant 0 : i32
    %dma_start3A_301 = tpu.memref_slice %arg7[%dma_start3A_297, %dma_start3A_299, %dma_start3A_300] : memref<12x80x64xf32, #tpu.memory_space<vmem>> -> memref<1x80x64xf32, #tpu.memory_space<vmem>>
    %dma_start3A_302 = tpu.memref_squeeze %dma_start3A_301 : memref<1x80x64xf32, #tpu.memory_space<vmem>> -> memref<80x64xf32, #tpu.memory_space<vmem>>
    %dma_start3A_303 = arith.constant 0 : i32
    %dma_start3A_304 = tpu.memref_slice %arg6[%dma_start3A_298, %dma_start3A_303] : memref<125x80xi32, #tpu.memory_space<vmem>> -> memref<1x80xi32, #tpu.memory_space<vmem>>
    %dma_start3A_305 = tpu.memref_squeeze %dma_start3A_304 : memref<1x80xi32, #tpu.memory_space<vmem>> -> memref<80xi32, #tpu.memory_space<vmem>>
    %dma_start3A_306 = arith.constant 0 : i32
    %dma_start3A_307 = arith.constant 0 : i32
    %dma_start3A_308 = tpu.memref_slice %arg9[%dma_start3A_306, %dma_start3A_307] : memref<10112x64xf32, #tpu.memory_space<vmem_shared>> -> memref<10112x64xf32, #tpu.memory_space<vmem_shared>>
    tpu.enqueue_indirect_dma source(%dma_start3A_302 : memref<80x64xf32, #tpu.memory_space<vmem>>) target(%dma_start3A_308 : memref<10112x64xf32, #tpu.memory_space<vmem_shared>>) offsets(%dma_start3A_305 : memref<80xi32, #tpu.memory_space<vmem>>) semaphore(%arg26 : memref<!tpu.dma_semaphore, #tpu.memory_space<semaphore_mem>>) {add = true}
    %dma_wait3A_309 = arith.constant 5 : i32
    %dma_wait3A_310 = arith.constant 113 : i32
    %dma_wait3A_311 = arith.constant 0 : i32
    %dma_wait3A_312 = arith.constant 0 : i32
    %dma_wait3A_313 = tpu.memref_slice %arg7[%dma_wait3A_309, %dma_wait3A_311, %dma_wait3A_312] : memref<12x80x64xf32, #tpu.memory_space<vmem>> -> memref<1x80x64xf32, #tpu.memory_space<vmem>>
    %dma_wait3A_314 = tpu.memref_squeeze %dma_wait3A_313 : memref<1x80x64xf32, #tpu.memory_space<vmem>> -> memref<80x64xf32, #tpu.memory_space<vmem>>
    %dma_wait3A_315 = arith.constant 0 : i32
    %dma_wait3A_316 = tpu.memref_slice %arg6[%dma_wait3A_310, %dma_wait3A_315] : memref<125x80xi32, #tpu.memory_space<vmem>> -> memref<1x80xi32, #tpu.memory_space<vmem>>
    %dma_wait3A_317 = tpu.memref_squeeze %dma_wait3A_316 : memref<1x80xi32, #tpu.memory_space<vmem>> -> memref<80xi32, #tpu.memory_space<vmem>>
    %dma_wait3A_318 = arith.constant 0 : i32
    %dma_wait3A_319 = arith.constant 0 : i32
    %dma_wait3A_320 = tpu.memref_slice %arg9[%dma_wait3A_318, %dma_wait3A_319] : memref<10112x64xf32, #tpu.memory_space<vmem_shared>> -> memref<10112x64xf32, #tpu.memory_space<vmem_shared>>
    tpu.wait_indirect_dma semaphore(%arg27 : memref<!tpu.dma_semaphore, #tpu.memory_space<semaphore_mem>>) src(%dma_wait3A_314 : memref<80x64xf32, #tpu.memory_space<vmem>>) dst(%dma_wait3A_320 : memref<10112x64xf32, #tpu.memory_space<vmem_shared>>)
    %dma_wait3A_321 = arith.constant 6 : i32
    %dma_wait3A_322 = arith.constant 114 : i32
    %dma_wait3A_323 = arith.constant 0 : i32
    %dma_wait3A_324 = arith.constant 0 : i32
    %dma_wait3A_325 = tpu.memref_slice %arg7[%dma_wait3A_321, %dma_wait3A_323, %dma_wait3A_324] : memref<12x80x64xf32, #tpu.memory_space<vmem>> -> memref<1x80x64xf32, #tpu.memory_space<vmem>>
    %dma_wait3A_326 = tpu.memref_squeeze %dma_wait3A_325 : memref<1x80x64xf32, #tpu.memory_space<vmem>> -> memref<80x64xf32, #tpu.memory_space<vmem>>
    %dma_wait3A_327 = arith.constant 0 : i32
    %dma_wait3A_328 = tpu.memref_slice %arg6[%dma_wait3A_322, %dma_wait3A_327] : memref<125x80xi32, #tpu.memory_space<vmem>> -> memref<1x80xi32, #tpu.memory_space<vmem>>
    %dma_wait3A_329 = tpu.memref_squeeze %dma_wait3A_328 : memref<1x80xi32, #tpu.memory_space<vmem>> -> memref<80xi32, #tpu.memory_space<vmem>>
    %dma_wait3A_330 = arith.constant 0 : i32
    %dma_wait3A_331 = arith.constant 0 : i32
    %dma_wait3A_332 = tpu.memref_slice %arg9[%dma_wait3A_330, %dma_wait3A_331] : memref<10112x64xf32, #tpu.memory_space<vmem_shared>> -> memref<10112x64xf32, #tpu.memory_space<vmem_shared>>
    tpu.wait_indirect_dma semaphore(%arg28 : memref<!tpu.dma_semaphore, #tpu.memory_space<semaphore_mem>>) src(%dma_wait3A_326 : memref<80x64xf32, #tpu.memory_space<vmem>>) dst(%dma_wait3A_332 : memref<10112x64xf32, #tpu.memory_space<vmem_shared>>)
    %dma_wait3A_333 = arith.constant 7 : i32
    %dma_wait3A_334 = arith.constant 115 : i32
    %dma_wait3A_335 = arith.constant 0 : i32
    %dma_wait3A_336 = arith.constant 0 : i32
    %dma_wait3A_337 = tpu.memref_slice %arg7[%dma_wait3A_333, %dma_wait3A_335, %dma_wait3A_336] : memref<12x80x64xf32, #tpu.memory_space<vmem>> -> memref<1x80x64xf32, #tpu.memory_space<vmem>>
    %dma_wait3A_338 = tpu.memref_squeeze %dma_wait3A_337 : memref<1x80x64xf32, #tpu.memory_space<vmem>> -> memref<80x64xf32, #tpu.memory_space<vmem>>
    %dma_wait3A_339 = arith.constant 0 : i32
    %dma_wait3A_340 = tpu.memref_slice %arg6[%dma_wait3A_334, %dma_wait3A_339] : memref<125x80xi32, #tpu.memory_space<vmem>> -> memref<1x80xi32, #tpu.memory_space<vmem>>
    %dma_wait3A_341 = tpu.memref_squeeze %dma_wait3A_340 : memref<1x80xi32, #tpu.memory_space<vmem>> -> memref<80xi32, #tpu.memory_space<vmem>>
    %dma_wait3A_342 = arith.constant 0 : i32
    %dma_wait3A_343 = arith.constant 0 : i32
    %dma_wait3A_344 = tpu.memref_slice %arg9[%dma_wait3A_342, %dma_wait3A_343] : memref<10112x64xf32, #tpu.memory_space<vmem_shared>> -> memref<10112x64xf32, #tpu.memory_space<vmem_shared>>
    tpu.wait_indirect_dma semaphore(%arg29 : memref<!tpu.dma_semaphore, #tpu.memory_space<semaphore_mem>>) src(%dma_wait3A_338 : memref<80x64xf32, #tpu.memory_space<vmem>>) dst(%dma_wait3A_344 : memref<10112x64xf32, #tpu.memory_space<vmem_shared>>)
    %dma_wait3A_345 = arith.constant 8 : i32
    %dma_wait3A_346 = arith.constant 116 : i32
    %dma_wait3A_347 = arith.constant 0 : i32
    %dma_wait3A_348 = arith.constant 0 : i32
    %dma_wait3A_349 = tpu.memref_slice %arg7[%dma_wait3A_345, %dma_wait3A_347, %dma_wait3A_348] : memref<12x80x64xf32, #tpu.memory_space<vmem>> -> memref<1x80x64xf32, #tpu.memory_space<vmem>>
    %dma_wait3A_350 = tpu.memref_squeeze %dma_wait3A_349 : memref<1x80x64xf32, #tpu.memory_space<vmem>> -> memref<80x64xf32, #tpu.memory_space<vmem>>
    %dma_wait3A_351 = arith.constant 0 : i32
    %dma_wait3A_352 = tpu.memref_slice %arg6[%dma_wait3A_346, %dma_wait3A_351] : memref<125x80xi32, #tpu.memory_space<vmem>> -> memref<1x80xi32, #tpu.memory_space<vmem>>
    %dma_wait3A_353 = tpu.memref_squeeze %dma_wait3A_352 : memref<1x80xi32, #tpu.memory_space<vmem>> -> memref<80xi32, #tpu.memory_space<vmem>>
    %dma_wait3A_354 = arith.constant 0 : i32
    %dma_wait3A_355 = arith.constant 0 : i32
    %dma_wait3A_356 = tpu.memref_slice %arg9[%dma_wait3A_354, %dma_wait3A_355] : memref<10112x64xf32, #tpu.memory_space<vmem_shared>> -> memref<10112x64xf32, #tpu.memory_space<vmem_shared>>
    tpu.wait_indirect_dma semaphore(%arg30 : memref<!tpu.dma_semaphore, #tpu.memory_space<semaphore_mem>>) src(%dma_wait3A_350 : memref<80x64xf32, #tpu.memory_space<vmem>>) dst(%dma_wait3A_356 : memref<10112x64xf32, #tpu.memory_space<vmem_shared>>)
    %dma_wait3A_357 = arith.constant 9 : i32
    %dma_wait3A_358 = arith.constant 117 : i32
    %dma_wait3A_359 = arith.constant 0 : i32
    %dma_wait3A_360 = arith.constant 0 : i32
    %dma_wait3A_361 = tpu.memref_slice %arg7[%dma_wait3A_357, %dma_wait3A_359, %dma_wait3A_360] : memref<12x80x64xf32, #tpu.memory_space<vmem>> -> memref<1x80x64xf32, #tpu.memory_space<vmem>>
    %dma_wait3A_362 = tpu.memref_squeeze %dma_wait3A_361 : memref<1x80x64xf32, #tpu.memory_space<vmem>> -> memref<80x64xf32, #tpu.memory_space<vmem>>
    %dma_wait3A_363 = arith.constant 0 : i32
    %dma_wait3A_364 = tpu.memref_slice %arg6[%dma_wait3A_358, %dma_wait3A_363] : memref<125x80xi32, #tpu.memory_space<vmem>> -> memref<1x80xi32, #tpu.memory_space<vmem>>
    %dma_wait3A_365 = tpu.memref_squeeze %dma_wait3A_364 : memref<1x80xi32, #tpu.memory_space<vmem>> -> memref<80xi32, #tpu.memory_space<vmem>>
    %dma_wait3A_366 = arith.constant 0 : i32
    %dma_wait3A_367 = arith.constant 0 : i32
    %dma_wait3A_368 = tpu.memref_slice %arg9[%dma_wait3A_366, %dma_wait3A_367] : memref<10112x64xf32, #tpu.memory_space<vmem_shared>> -> memref<10112x64xf32, #tpu.memory_space<vmem_shared>>
    tpu.wait_indirect_dma semaphore(%arg31 : memref<!tpu.dma_semaphore, #tpu.memory_space<semaphore_mem>>) src(%dma_wait3A_362 : memref<80x64xf32, #tpu.memory_space<vmem>>) dst(%dma_wait3A_368 : memref<10112x64xf32, #tpu.memory_space<vmem_shared>>)
    %dma_wait3A_369 = arith.constant 10 : i32
    %dma_wait3A_370 = arith.constant 118 : i32
    %dma_wait3A_371 = arith.constant 0 : i32
    %dma_wait3A_372 = arith.constant 0 : i32
    %dma_wait3A_373 = tpu.memref_slice %arg7[%dma_wait3A_369, %dma_wait3A_371, %dma_wait3A_372] : memref<12x80x64xf32, #tpu.memory_space<vmem>> -> memref<1x80x64xf32, #tpu.memory_space<vmem>>
    %dma_wait3A_374 = tpu.memref_squeeze %dma_wait3A_373 : memref<1x80x64xf32, #tpu.memory_space<vmem>> -> memref<80x64xf32, #tpu.memory_space<vmem>>
    %dma_wait3A_375 = arith.constant 0 : i32
    %dma_wait3A_376 = tpu.memref_slice %arg6[%dma_wait3A_370, %dma_wait3A_375] : memref<125x80xi32, #tpu.memory_space<vmem>> -> memref<1x80xi32, #tpu.memory_space<vmem>>
    %dma_wait3A_377 = tpu.memref_squeeze %dma_wait3A_376 : memref<1x80xi32, #tpu.memory_space<vmem>> -> memref<80xi32, #tpu.memory_space<vmem>>
    %dma_wait3A_378 = arith.constant 0 : i32
    %dma_wait3A_379 = arith.constant 0 : i32
    %dma_wait3A_380 = tpu.memref_slice %arg9[%dma_wait3A_378, %dma_wait3A_379] : memref<10112x64xf32, #tpu.memory_space<vmem_shared>> -> memref<10112x64xf32, #tpu.memory_space<vmem_shared>>
    tpu.wait_indirect_dma semaphore(%arg32 : memref<!tpu.dma_semaphore, #tpu.memory_space<semaphore_mem>>) src(%dma_wait3A_374 : memref<80x64xf32, #tpu.memory_space<vmem>>) dst(%dma_wait3A_380 : memref<10112x64xf32, #tpu.memory_space<vmem_shared>>)
    %dma_wait3A_381 = arith.constant 11 : i32
    %dma_wait3A_382 = arith.constant 119 : i32
    %dma_wait3A_383 = arith.constant 0 : i32
    %dma_wait3A_384 = arith.constant 0 : i32
    %dma_wait3A_385 = tpu.memref_slice %arg7[%dma_wait3A_381, %dma_wait3A_383, %dma_wait3A_384] : memref<12x80x64xf32, #tpu.memory_space<vmem>> -> memref<1x80x64xf32, #tpu.memory_space<vmem>>
    %dma_wait3A_386 = tpu.memref_squeeze %dma_wait3A_385 : memref<1x80x64xf32, #tpu.memory_space<vmem>> -> memref<80x64xf32, #tpu.memory_space<vmem>>
    %dma_wait3A_387 = arith.constant 0 : i32
    %dma_wait3A_388 = tpu.memref_slice %arg6[%dma_wait3A_382, %dma_wait3A_387] : memref<125x80xi32, #tpu.memory_space<vmem>> -> memref<1x80xi32, #tpu.memory_space<vmem>>
    %dma_wait3A_389 = tpu.memref_squeeze %dma_wait3A_388 : memref<1x80xi32, #tpu.memory_space<vmem>> -> memref<80xi32, #tpu.memory_space<vmem>>
    %dma_wait3A_390 = arith.constant 0 : i32
    %dma_wait3A_391 = arith.constant 0 : i32
    %dma_wait3A_392 = tpu.memref_slice %arg9[%dma_wait3A_390, %dma_wait3A_391] : memref<10112x64xf32, #tpu.memory_space<vmem_shared>> -> memref<10112x64xf32, #tpu.memory_space<vmem_shared>>
    tpu.wait_indirect_dma semaphore(%arg33 : memref<!tpu.dma_semaphore, #tpu.memory_space<semaphore_mem>>) src(%dma_wait3A_386 : memref<80x64xf32, #tpu.memory_space<vmem>>) dst(%dma_wait3A_392 : memref<10112x64xf32, #tpu.memory_space<vmem_shared>>)
    %dma_wait3A_393 = arith.constant 0 : i32
    %dma_wait3A_394 = arith.constant 120 : i32
    %dma_wait3A_395 = arith.constant 0 : i32
    %dma_wait3A_396 = arith.constant 0 : i32
    %dma_wait3A_397 = tpu.memref_slice %arg7[%dma_wait3A_393, %dma_wait3A_395, %dma_wait3A_396] : memref<12x80x64xf32, #tpu.memory_space<vmem>> -> memref<1x80x64xf32, #tpu.memory_space<vmem>>
    %dma_wait3A_398 = tpu.memref_squeeze %dma_wait3A_397 : memref<1x80x64xf32, #tpu.memory_space<vmem>> -> memref<80x64xf32, #tpu.memory_space<vmem>>
    %dma_wait3A_399 = arith.constant 0 : i32
    %dma_wait3A_400 = tpu.memref_slice %arg6[%dma_wait3A_394, %dma_wait3A_399] : memref<125x80xi32, #tpu.memory_space<vmem>> -> memref<1x80xi32, #tpu.memory_space<vmem>>
    %dma_wait3A_401 = tpu.memref_squeeze %dma_wait3A_400 : memref<1x80xi32, #tpu.memory_space<vmem>> -> memref<80xi32, #tpu.memory_space<vmem>>
    %dma_wait3A_402 = arith.constant 0 : i32
    %dma_wait3A_403 = arith.constant 0 : i32
    %dma_wait3A_404 = tpu.memref_slice %arg9[%dma_wait3A_402, %dma_wait3A_403] : memref<10112x64xf32, #tpu.memory_space<vmem_shared>> -> memref<10112x64xf32, #tpu.memory_space<vmem_shared>>
    tpu.wait_indirect_dma semaphore(%arg22 : memref<!tpu.dma_semaphore, #tpu.memory_space<semaphore_mem>>) src(%dma_wait3A_398 : memref<80x64xf32, #tpu.memory_space<vmem>>) dst(%dma_wait3A_404 : memref<10112x64xf32, #tpu.memory_space<vmem_shared>>)
    %dma_wait3A_405 = arith.constant 1 : i32
    %dma_wait3A_406 = arith.constant 121 : i32
    %dma_wait3A_407 = arith.constant 0 : i32
    %dma_wait3A_408 = arith.constant 0 : i32
    %dma_wait3A_409 = tpu.memref_slice %arg7[%dma_wait3A_405, %dma_wait3A_407, %dma_wait3A_408] : memref<12x80x64xf32, #tpu.memory_space<vmem>> -> memref<1x80x64xf32, #tpu.memory_space<vmem>>
    %dma_wait3A_410 = tpu.memref_squeeze %dma_wait3A_409 : memref<1x80x64xf32, #tpu.memory_space<vmem>> -> memref<80x64xf32, #tpu.memory_space<vmem>>
    %dma_wait3A_411 = arith.constant 0 : i32
    %dma_wait3A_412 = tpu.memref_slice %arg6[%dma_wait3A_406, %dma_wait3A_411] : memref<125x80xi32, #tpu.memory_space<vmem>> -> memref<1x80xi32, #tpu.memory_space<vmem>>
    %dma_wait3A_413 = tpu.memref_squeeze %dma_wait3A_412 : memref<1x80xi32, #tpu.memory_space<vmem>> -> memref<80xi32, #tpu.memory_space<vmem>>
    %dma_wait3A_414 = arith.constant 0 : i32
    %dma_wait3A_415 = arith.constant 0 : i32
    %dma_wait3A_416 = tpu.memref_slice %arg9[%dma_wait3A_414, %dma_wait3A_415] : memref<10112x64xf32, #tpu.memory_space<vmem_shared>> -> memref<10112x64xf32, #tpu.memory_space<vmem_shared>>
    tpu.wait_indirect_dma semaphore(%arg23 : memref<!tpu.dma_semaphore, #tpu.memory_space<semaphore_mem>>) src(%dma_wait3A_410 : memref<80x64xf32, #tpu.memory_space<vmem>>) dst(%dma_wait3A_416 : memref<10112x64xf32, #tpu.memory_space<vmem_shared>>)
    %dma_wait3A_417 = arith.constant 2 : i32
    %dma_wait3A_418 = arith.constant 122 : i32
    %dma_wait3A_419 = arith.constant 0 : i32
    %dma_wait3A_420 = arith.constant 0 : i32
    %dma_wait3A_421 = tpu.memref_slice %arg7[%dma_wait3A_417, %dma_wait3A_419, %dma_wait3A_420] : memref<12x80x64xf32, #tpu.memory_space<vmem>> -> memref<1x80x64xf32, #tpu.memory_space<vmem>>
    %dma_wait3A_422 = tpu.memref_squeeze %dma_wait3A_421 : memref<1x80x64xf32, #tpu.memory_space<vmem>> -> memref<80x64xf32, #tpu.memory_space<vmem>>
    %dma_wait3A_423 = arith.constant 0 : i32
    %dma_wait3A_424 = tpu.memref_slice %arg6[%dma_wait3A_418, %dma_wait3A_423] : memref<125x80xi32, #tpu.memory_space<vmem>> -> memref<1x80xi32, #tpu.memory_space<vmem>>
    %dma_wait3A_425 = tpu.memref_squeeze %dma_wait3A_424 : memref<1x80xi32, #tpu.memory_space<vmem>> -> memref<80xi32, #tpu.memory_space<vmem>>
    %dma_wait3A_426 = arith.constant 0 : i32
    %dma_wait3A_427 = arith.constant 0 : i32
    %dma_wait3A_428 = tpu.memref_slice %arg9[%dma_wait3A_426, %dma_wait3A_427] : memref<10112x64xf32, #tpu.memory_space<vmem_shared>> -> memref<10112x64xf32, #tpu.memory_space<vmem_shared>>
    tpu.wait_indirect_dma semaphore(%arg24 : memref<!tpu.dma_semaphore, #tpu.memory_space<semaphore_mem>>) src(%dma_wait3A_422 : memref<80x64xf32, #tpu.memory_space<vmem>>) dst(%dma_wait3A_428 : memref<10112x64xf32, #tpu.memory_space<vmem_shared>>)
    %dma_wait3A_429 = arith.constant 3 : i32
    %dma_wait3A_430 = arith.constant 123 : i32
    %dma_wait3A_431 = arith.constant 0 : i32
    %dma_wait3A_432 = arith.constant 0 : i32
    %dma_wait3A_433 = tpu.memref_slice %arg7[%dma_wait3A_429, %dma_wait3A_431, %dma_wait3A_432] : memref<12x80x64xf32, #tpu.memory_space<vmem>> -> memref<1x80x64xf32, #tpu.memory_space<vmem>>
    %dma_wait3A_434 = tpu.memref_squeeze %dma_wait3A_433 : memref<1x80x64xf32, #tpu.memory_space<vmem>> -> memref<80x64xf32, #tpu.memory_space<vmem>>
    %dma_wait3A_435 = arith.constant 0 : i32
    %dma_wait3A_436 = tpu.memref_slice %arg6[%dma_wait3A_430, %dma_wait3A_435] : memref<125x80xi32, #tpu.memory_space<vmem>> -> memref<1x80xi32, #tpu.memory_space<vmem>>
    %dma_wait3A_437 = tpu.memref_squeeze %dma_wait3A_436 : memref<1x80xi32, #tpu.memory_space<vmem>> -> memref<80xi32, #tpu.memory_space<vmem>>
    %dma_wait3A_438 = arith.constant 0 : i32
    %dma_wait3A_439 = arith.constant 0 : i32
    %dma_wait3A_440 = tpu.memref_slice %arg9[%dma_wait3A_438, %dma_wait3A_439] : memref<10112x64xf32, #tpu.memory_space<vmem_shared>> -> memref<10112x64xf32, #tpu.memory_space<vmem_shared>>
    tpu.wait_indirect_dma semaphore(%arg25 : memref<!tpu.dma_semaphore, #tpu.memory_space<semaphore_mem>>) src(%dma_wait3A_434 : memref<80x64xf32, #tpu.memory_space<vmem>>) dst(%dma_wait3A_440 : memref<10112x64xf32, #tpu.memory_space<vmem_shared>>)
    %dma_wait3A_441 = arith.constant 4 : i32
    %dma_wait3A_442 = arith.constant 124 : i32
    %dma_wait3A_443 = arith.constant 0 : i32
    %dma_wait3A_444 = arith.constant 0 : i32
    %dma_wait3A_445 = tpu.memref_slice %arg7[%dma_wait3A_441, %dma_wait3A_443, %dma_wait3A_444] : memref<12x80x64xf32, #tpu.memory_space<vmem>> -> memref<1x80x64xf32, #tpu.memory_space<vmem>>
    %dma_wait3A_446 = tpu.memref_squeeze %dma_wait3A_445 : memref<1x80x64xf32, #tpu.memory_space<vmem>> -> memref<80x64xf32, #tpu.memory_space<vmem>>
    %dma_wait3A_447 = arith.constant 0 : i32
    %dma_wait3A_448 = tpu.memref_slice %arg6[%dma_wait3A_442, %dma_wait3A_447] : memref<125x80xi32, #tpu.memory_space<vmem>> -> memref<1x80xi32, #tpu.memory_space<vmem>>
    %dma_wait3A_449 = tpu.memref_squeeze %dma_wait3A_448 : memref<1x80xi32, #tpu.memory_space<vmem>> -> memref<80xi32, #tpu.memory_space<vmem>>
    %dma_wait3A_450 = arith.constant 0 : i32
    %dma_wait3A_451 = arith.constant 0 : i32
    %dma_wait3A_452 = tpu.memref_slice %arg9[%dma_wait3A_450, %dma_wait3A_451] : memref<10112x64xf32, #tpu.memory_space<vmem_shared>> -> memref<10112x64xf32, #tpu.memory_space<vmem_shared>>
    tpu.wait_indirect_dma semaphore(%arg26 : memref<!tpu.dma_semaphore, #tpu.memory_space<semaphore_mem>>) src(%dma_wait3A_446 : memref<80x64xf32, #tpu.memory_space<vmem>>) dst(%dma_wait3A_452 : memref<10112x64xf32, #tpu.memory_space<vmem_shared>>)
    %barrier3A_453 = arith.constant 0 : index
    tpu.barrier barrier_id(%barrier3A_453)
    %mul3A_454 = arith.constant 632 : i32
    %mul3A_455 = arith.muli %arg1, %mul3A_454 : i32
    %mul3A_456 = arith.constant 632 : i32
    %mul3A_457 = arith.muli %arg1, %mul3A_456 : i32
    "tpu.region"() ({
      %run_scoped3A_458 = tpu.sem_alloc : memref<!tpu.dma_semaphore, #tpu.memory_space<semaphore_mem>>
      %dma_start3A_459 = arith.constant 0 : i32
      %dma_start3A_460 = tpu.memref_slice %arg4[%arg0, %mul3A_457, %dma_start3A_459] : memref<2x10112x128xf32, #tpu.memory_space<hbm>> -> memref<1x632x64xf32, #tpu.memory_space<hbm>>
      %dma_start3A_461 = tpu.memref_squeeze %dma_start3A_460 : memref<1x632x64xf32, #tpu.memory_space<hbm>> -> memref<632x64xf32, #tpu.memory_space<hbm>>
      %dma_start3A_462 = arith.constant 0 : i32
      %dma_start3A_463 = tpu.memref_slice %arg9[%mul3A_455, %dma_start3A_462] : memref<10112x64xf32, #tpu.memory_space<vmem_shared>> -> memref<632x64xf32, #tpu.memory_space<vmem_shared>>
      tpu.enqueue_dma source(%dma_start3A_463 : memref<632x64xf32, #tpu.memory_space<vmem_shared>>) target(%dma_start3A_461 : memref<632x64xf32, #tpu.memory_space<hbm>>) target_semaphore(%run_scoped3A_458 : memref<!tpu.dma_semaphore, #tpu.memory_space<semaphore_mem>>)
      %dma_wait3A_464 = arith.constant 0 : i32
      %dma_wait3A_465 = tpu.memref_slice %arg4[%arg0, %mul3A_457, %dma_wait3A_464] : memref<2x10112x128xf32, #tpu.memory_space<hbm>> -> memref<1x632x64xf32, #tpu.memory_space<hbm>>
      %dma_wait3A_466 = tpu.memref_squeeze %dma_wait3A_465 : memref<1x632x64xf32, #tpu.memory_space<hbm>> -> memref<632x64xf32, #tpu.memory_space<hbm>>
      %dma_wait3A_467 = arith.constant 0 : i32
      %dma_wait3A_468 = tpu.memref_slice %arg9[%mul3A_455, %dma_wait3A_467] : memref<10112x64xf32, #tpu.memory_space<vmem_shared>> -> memref<632x64xf32, #tpu.memory_space<vmem_shared>>
      tpu.wait_dma2 semaphore(%run_scoped3A_458 : memref<!tpu.dma_semaphore, #tpu.memory_space<semaphore_mem>>) src(%dma_wait3A_468 : memref<632x64xf32, #tpu.memory_space<vmem_shared>>) dst(%dma_wait3A_466 : memref<632x64xf32, #tpu.memory_space<hbm>>)
      tpu.yield
    }) : () -> ()
    return
  }
}

#map = affine_map<(d0, d1) -> (0, 0)>
#map1 = affine_map<(d0, d1) -> (0, 0, 0, 0)>
#map2 = affine_map<(d0, d1) -> (0, 0, 0)>
module attributes {stable_mosaic.version = 14 : i64} {
  func.func @body(%arg0: i32, %arg1: i32, %arg2: memref<10000x64xf32, #tpu.memory_space<hbm>>, %arg3: memref<2x32x125x80xi32, #tpu.memory_space<hbm>>, %arg4: memref<2x10112x128xf32, #tpu.memory_space<hbm>>, %arg5: memref<125x80xi32, #tpu.memory_space<vmem>>, %arg6: memref<125x80xi32, #tpu.memory_space<vmem>>, %arg7: memref<12x80x64xf32, #tpu.memory_space<vmem>>, %arg8: memref<80x64xf32, #tpu.memory_space<vmem>>, %arg9: memref<10112x64xf32, #tpu.memory_space<vmem_shared>>, %arg10: memref<!tpu.dma_semaphore, #tpu.memory_space<semaphore_mem>>, %arg11: memref<!tpu.dma_semaphore, #tpu.memory_space<semaphore_mem>>, %arg12: memref<!tpu.dma_semaphore, #tpu.memory_space<semaphore_mem>>, %arg13: memref<!tpu.dma_semaphore, #tpu.memory_space<semaphore_mem>>, %arg14: memref<!tpu.dma_semaphore, #tpu.memory_space<semaphore_mem>>, %arg15: memref<!tpu.dma_semaphore, #tpu.memory_space<semaphore_mem>>, %arg16: memref<!tpu.dma_semaphore, #tpu.memory_space<semaphore_mem>>, %arg17: memref<!tpu.dma_semaphore, #tpu.memory_space<semaphore_mem>>, %arg18: memref<!tpu.dma_semaphore, #tpu.memory_space<semaphore_mem>>, %arg19: memref<!tpu.dma_semaphore, #tpu.memory_space<semaphore_mem>>, %arg20: memref<!tpu.dma_semaphore, #tpu.memory_space<semaphore_mem>>, %arg21: memref<!tpu.dma_semaphore, #tpu.memory_space<semaphore_mem>>, %arg22: memref<!tpu.dma_semaphore, #tpu.memory_space<semaphore_mem>>, %arg23: memref<!tpu.dma_semaphore, #tpu.memory_space<semaphore_mem>>, %arg24: memref<!tpu.dma_semaphore, #tpu.memory_space<semaphore_mem>>, %arg25: memref<!tpu.dma_semaphore, #tpu.memory_space<semaphore_mem>>, %arg26: memref<!tpu.dma_semaphore, #tpu.memory_space<semaphore_mem>>, %arg27: memref<!tpu.dma_semaphore, #tpu.memory_space<semaphore_mem>>, %arg28: memref<!tpu.dma_semaphore, #tpu.memory_space<semaphore_mem>>, %arg29: memref<!tpu.dma_semaphore, #tpu.memory_space<semaphore_mem>>, %arg30: memref<!tpu.dma_semaphore, #tpu.memory_space<semaphore_mem>>, %arg31: memref<!tpu.dma_semaphore, #tpu.memory_space<semaphore_mem>>, %arg32: memref<!tpu.dma_semaphore, #tpu.memory_space<semaphore_mem>>, %arg33: memref<!tpu.dma_semaphore, #tpu.memory_space<semaphore_mem>>) attributes {dimension_semantics = [#tpu.dimension_semantics<core_parallel>, #tpu.dimension_semantics<subcore_parallel>], iteration_bounds = array<i64: 2, 16>, scalar_prefetch = 0 : i64, scratch_operands = 29 : i64, tpu.core_type = #tpu.core_type<sc_vector_subcore>, window_params = [{transform_indices = #map}, {transform_indices = #map1}, {transform_indices = #map2}]} {
    %mul3A = arith.constant 2 : i32
    %mul3A_0 = arith.muli %arg1, %mul3A : i32
    %add3A = arith.addi %mul3A_0, %arg0 : i32
    %run_scoped3A = arith.constant 0 : i32
    "tpu.region"() ({
      %run_scoped3A_458 = tpu.sem_alloc : memref<!tpu.dma_semaphore, #tpu.memory_space<semaphore_mem>>
      %dma_start3A_459 = arith.constant 0 : i32
      %dma_start3A_460 = arith.constant 0 : i32
      %dma_start3A_461 = tpu.memref_slice %arg3[%run_scoped3A, %add3A, %dma_start3A_459, %dma_start3A_460] : memref<2x32x125x80xi32, #tpu.memory_space<hbm>> -> memref<1x1x125x80xi32, #tpu.memory_space<hbm>>
      %dma_start3A_462 = tpu.memref_squeeze %dma_start3A_461 : memref<1x1x125x80xi32, #tpu.memory_space<hbm>> -> memref<125x80xi32, #tpu.memory_space<hbm>>
      %dma_start3A_463 = arith.constant 0 : i32
      %dma_start3A_464 = arith.constant 0 : i32
      %dma_start3A_465 = tpu.memref_slice %arg3[%run_scoped3A, %add3A, %dma_start3A_463, %dma_start3A_464] : memref<2x32x125x80xi32, #tpu.memory_space<hbm>> -> memref<1x1x125x80xi32, #tpu.memory_space<hbm>>
      %dma_start3A_466 = tpu.memref_squeeze %dma_start3A_465 : memref<1x1x125x80xi32, #tpu.memory_space<hbm>> -> memref<125x80xi32, #tpu.memory_space<hbm>>
      tpu.enqueue_dma source(%dma_start3A_466 : memref<125x80xi32, #tpu.memory_space<hbm>>) target(%arg5 : memref<125x80xi32, #tpu.memory_space<vmem>>) target_semaphore(%run_scoped3A_458 : memref<!tpu.dma_semaphore, #tpu.memory_space<semaphore_mem>>)
      %dma_wait3A_467 = arith.constant 0 : i32
      %dma_wait3A_468 = arith.constant 0 : i32
      %dma_wait3A_469 = tpu.memref_slice %arg3[%run_scoped3A, %add3A, %dma_wait3A_467, %dma_wait3A_468] : memref<2x32x125x80xi32, #tpu.memory_space<hbm>> -> memref<1x1x125x80xi32, #tpu.memory_space<hbm>>
      %dma_wait3A_470 = tpu.memref_squeeze %dma_wait3A_469 : memref<1x1x125x80xi32, #tpu.memory_space<hbm>> -> memref<125x80xi32, #tpu.memory_space<hbm>>
      %dma_wait3A_471 = arith.constant 0 : i32
      %dma_wait3A_472 = arith.constant 0 : i32
      %dma_wait3A_473 = tpu.memref_slice %arg3[%run_scoped3A, %add3A, %dma_wait3A_471, %dma_wait3A_472] : memref<2x32x125x80xi32, #tpu.memory_space<hbm>> -> memref<1x1x125x80xi32, #tpu.memory_space<hbm>>
      %dma_wait3A_474 = tpu.memref_squeeze %dma_wait3A_473 : memref<1x1x125x80xi32, #tpu.memory_space<hbm>> -> memref<125x80xi32, #tpu.memory_space<hbm>>
      tpu.wait_dma2 semaphore(%run_scoped3A_458 : memref<!tpu.dma_semaphore, #tpu.memory_space<semaphore_mem>>) src(%dma_wait3A_474 : memref<125x80xi32, #tpu.memory_space<hbm>>) dst(%arg5 : memref<125x80xi32, #tpu.memory_space<vmem>>)
      tpu.yield
    }) : () -> ()
    %run_scoped3A_1 = arith.constant 1 : i32
    "tpu.region"() ({
      %run_scoped3A_458 = tpu.sem_alloc : memref<!tpu.dma_semaphore, #tpu.memory_space<semaphore_mem>>
      %dma_start3A_459 = arith.constant 0 : i32
      %dma_start3A_460 = arith.constant 0 : i32
      %dma_start3A_461 = tpu.memref_slice %arg3[%run_scoped3A_1, %add3A, %dma_start3A_459, %dma_start3A_460] : memref<2x32x125x80xi32, #tpu.memory_space<hbm>> -> memref<1x1x125x80xi32, #tpu.memory_space<hbm>>
      %dma_start3A_462 = tpu.memref_squeeze %dma_start3A_461 : memref<1x1x125x80xi32, #tpu.memory_space<hbm>> -> memref<125x80xi32, #tpu.memory_space<hbm>>
      %dma_start3A_463 = arith.constant 0 : i32
      %dma_start3A_464 = arith.constant 0 : i32
      %dma_start3A_465 = tpu.memref_slice %arg3[%run_scoped3A_1, %add3A, %dma_start3A_463, %dma_start3A_464] : memref<2x32x125x80xi32, #tpu.memory_space<hbm>> -> memref<1x1x125x80xi32, #tpu.memory_space<hbm>>
      %dma_start3A_466 = tpu.memref_squeeze %dma_start3A_465 : memref<1x1x125x80xi32, #tpu.memory_space<hbm>> -> memref<125x80xi32, #tpu.memory_space<hbm>>
      tpu.enqueue_dma source(%dma_start3A_466 : memref<125x80xi32, #tpu.memory_space<hbm>>) target(%arg6 : memref<125x80xi32, #tpu.memory_space<vmem>>) target_semaphore(%run_scoped3A_458 : memref<!tpu.dma_semaphore, #tpu.memory_space<semaphore_mem>>)
      %dma_wait3A_467 = arith.constant 0 : i32
      %dma_wait3A_468 = arith.constant 0 : i32
      %dma_wait3A_469 = tpu.memref_slice %arg3[%run_scoped3A_1, %add3A, %dma_wait3A_467, %dma_wait3A_468] : memref<2x32x125x80xi32, #tpu.memory_space<hbm>> -> memref<1x1x125x80xi32, #tpu.memory_space<hbm>>
      %dma_wait3A_470 = tpu.memref_squeeze %dma_wait3A_469 : memref<1x1x125x80xi32, #tpu.memory_space<hbm>> -> memref<125x80xi32, #tpu.memory_space<hbm>>
      %dma_wait3A_471 = arith.constant 0 : i32
      %dma_wait3A_472 = arith.constant 0 : i32
      %dma_wait3A_473 = tpu.memref_slice %arg3[%run_scoped3A_1, %add3A, %dma_wait3A_471, %dma_wait3A_472] : memref<2x32x125x80xi32, #tpu.memory_space<hbm>> -> memref<1x1x125x80xi32, #tpu.memory_space<hbm>>
      %dma_wait3A_474 = tpu.memref_squeeze %dma_wait3A_473 : memref<1x1x125x80xi32, #tpu.memory_space<hbm>> -> memref<125x80xi32, #tpu.memory_space<hbm>>
      tpu.wait_dma2 semaphore(%run_scoped3A_458 : memref<!tpu.dma_semaphore, #tpu.memory_space<semaphore_mem>>) src(%dma_wait3A_474 : memref<125x80xi32, #tpu.memory_space<hbm>>) dst(%arg6 : memref<125x80xi32, #tpu.memory_space<vmem>>)
      tpu.yield
    }) : () -> ()
    %dma_start3A = arith.constant 0 : i32
    %dma_start3A_2 = arith.constant 0 : i32
    %dma_start3A_3 = arith.constant 0 : i32
    %dma_start3A_4 = arith.constant 0 : i32
    %dma_start3A_5 = tpu.memref_slice %arg7[%dma_start3A_2, %dma_start3A_3, %dma_start3A_4] : memref<12x80x64xf32, #tpu.memory_space<vmem>> -> memref<1x80x64xf32, #tpu.memory_space<vmem>>
    %dma_start3A_6 = tpu.memref_squeeze %dma_start3A_5 : memref<1x80x64xf32, #tpu.memory_space<vmem>> -> memref<80x64xf32, #tpu.memory_space<vmem>>
    %dma_start3A_7 = arith.constant 0 : i32
    %dma_start3A_8 = tpu.memref_slice %arg5[%dma_start3A, %dma_start3A_7] : memref<125x80xi32, #tpu.memory_space<vmem>> -> memref<1x80xi32, #tpu.memory_space<vmem>>
    %dma_start3A_9 = tpu.memref_squeeze %dma_start3A_8 : memref<1x80xi32, #tpu.memory_space<vmem>> -> memref<80xi32, #tpu.memory_space<vmem>>
    %dma_start3A_10 = arith.constant 0 : i32
    %dma_start3A_11 = arith.constant 0 : i32
    %dma_start3A_12 = tpu.memref_slice %arg2[%dma_start3A_10, %dma_start3A_11] : memref<10000x64xf32, #tpu.memory_space<hbm>> -> memref<10000x64xf32, #tpu.memory_space<hbm>>
    tpu.enqueue_indirect_dma source(%dma_start3A_12 : memref<10000x64xf32, #tpu.memory_space<hbm>>) target(%dma_start3A_6 : memref<80x64xf32, #tpu.memory_space<vmem>>) offsets(%dma_start3A_9 : memref<80xi32, #tpu.memory_space<vmem>>) semaphore(%arg10 : memref<!tpu.dma_semaphore, #tpu.memory_space<semaphore_mem>>)
    %dma_start3A_13 = arith.constant 1 : i32
    %dma_start3A_14 = arith.constant 1 : i32
    %dma_start3A_15 = arith.constant 0 : i32
    %dma_start3A_16 = arith.constant 0 : i32
    %dma_start3A_17 = tpu.memref_slice %arg7[%dma_start3A_14, %dma_start3A_15, %dma_start3A_16] : memref<12x80x64xf32, #tpu.memory_space<vmem>> -> memref<1x80x64xf32, #tpu.memory_space<vmem>>
    %dma_start3A_18 = tpu.memref_squeeze %dma_start3A_17 : memref<1x80x64xf32, #tpu.memory_space<vmem>> -> memref<80x64xf32, #tpu.memory_space<vmem>>
    %dma_start3A_19 = arith.constant 0 : i32
    %dma_start3A_20 = tpu.memref_slice %arg5[%dma_start3A_13, %dma_start3A_19] : memref<125x80xi32, #tpu.memory_space<vmem>> -> memref<1x80xi32, #tpu.memory_space<vmem>>
    %dma_start3A_21 = tpu.memref_squeeze %dma_start3A_20 : memref<1x80xi32, #tpu.memory_space<vmem>> -> memref<80xi32, #tpu.memory_space<vmem>>
    %dma_start3A_22 = arith.constant 0 : i32
    %dma_start3A_23 = arith.constant 0 : i32
    %dma_start3A_24 = tpu.memref_slice %arg2[%dma_start3A_22, %dma_start3A_23] : memref<10000x64xf32, #tpu.memory_space<hbm>> -> memref<10000x64xf32, #tpu.memory_space<hbm>>
    tpu.enqueue_indirect_dma source(%dma_start3A_24 : memref<10000x64xf32, #tpu.memory_space<hbm>>) target(%dma_start3A_18 : memref<80x64xf32, #tpu.memory_space<vmem>>) offsets(%dma_start3A_21 : memref<80xi32, #tpu.memory_space<vmem>>) semaphore(%arg11 : memref<!tpu.dma_semaphore, #tpu.memory_space<semaphore_mem>>)
    %dma_start3A_25 = arith.constant 2 : i32
    %dma_start3A_26 = arith.constant 2 : i32
    %dma_start3A_27 = arith.constant 0 : i32
    %dma_start3A_28 = arith.constant 0 : i32
    %dma_start3A_29 = tpu.memref_slice %arg7[%dma_start3A_26, %dma_start3A_27, %dma_start3A_28] : memref<12x80x64xf32, #tpu.memory_space<vmem>> -> memref<1x80x64xf32, #tpu.memory_space<vmem>>
    %dma_start3A_30 = tpu.memref_squeeze %dma_start3A_29 : memref<1x80x64xf32, #tpu.memory_space<vmem>> -> memref<80x64xf32, #tpu.memory_space<vmem>>
    %dma_start3A_31 = arith.constant 0 : i32
    %dma_start3A_32 = tpu.memref_slice %arg5[%dma_start3A_25, %dma_start3A_31] : memref<125x80xi32, #tpu.memory_space<vmem>> -> memref<1x80xi32, #tpu.memory_space<vmem>>
    %dma_start3A_33 = tpu.memref_squeeze %dma_start3A_32 : memref<1x80xi32, #tpu.memory_space<vmem>> -> memref<80xi32, #tpu.memory_space<vmem>>
    %dma_start3A_34 = arith.constant 0 : i32
    %dma_start3A_35 = arith.constant 0 : i32
    %dma_start3A_36 = tpu.memref_slice %arg2[%dma_start3A_34, %dma_start3A_35] : memref<10000x64xf32, #tpu.memory_space<hbm>> -> memref<10000x64xf32, #tpu.memory_space<hbm>>
    tpu.enqueue_indirect_dma source(%dma_start3A_36 : memref<10000x64xf32, #tpu.memory_space<hbm>>) target(%dma_start3A_30 : memref<80x64xf32, #tpu.memory_space<vmem>>) offsets(%dma_start3A_33 : memref<80xi32, #tpu.memory_space<vmem>>) semaphore(%arg12 : memref<!tpu.dma_semaphore, #tpu.memory_space<semaphore_mem>>)
    %dma_start3A_37 = arith.constant 3 : i32
    %dma_start3A_38 = arith.constant 3 : i32
    %dma_start3A_39 = arith.constant 0 : i32
    %dma_start3A_40 = arith.constant 0 : i32
    %dma_start3A_41 = tpu.memref_slice %arg7[%dma_start3A_38, %dma_start3A_39, %dma_start3A_40] : memref<12x80x64xf32, #tpu.memory_space<vmem>> -> memref<1x80x64xf32, #tpu.memory_space<vmem>>
    %dma_start3A_42 = tpu.memref_squeeze %dma_start3A_41 : memref<1x80x64xf32, #tpu.memory_space<vmem>> -> memref<80x64xf32, #tpu.memory_space<vmem>>
    %dma_start3A_43 = arith.constant 0 : i32
    %dma_start3A_44 = tpu.memref_slice %arg5[%dma_start3A_37, %dma_start3A_43] : memref<125x80xi32, #tpu.memory_space<vmem>> -> memref<1x80xi32, #tpu.memory_space<vmem>>
    %dma_start3A_45 = tpu.memref_squeeze %dma_start3A_44 : memref<1x80xi32, #tpu.memory_space<vmem>> -> memref<80xi32, #tpu.memory_space<vmem>>
    %dma_start3A_46 = arith.constant 0 : i32
    %dma_start3A_47 = arith.constant 0 : i32
    %dma_start3A_48 = tpu.memref_slice %arg2[%dma_start3A_46, %dma_start3A_47] : memref<10000x64xf32, #tpu.memory_space<hbm>> -> memref<10000x64xf32, #tpu.memory_space<hbm>>
    tpu.enqueue_indirect_dma source(%dma_start3A_48 : memref<10000x64xf32, #tpu.memory_space<hbm>>) target(%dma_start3A_42 : memref<80x64xf32, #tpu.memory_space<vmem>>) offsets(%dma_start3A_45 : memref<80xi32, #tpu.memory_space<vmem>>) semaphore(%arg13 : memref<!tpu.dma_semaphore, #tpu.memory_space<semaphore_mem>>)
    %dma_start3A_49 = arith.constant 4 : i32
    %dma_start3A_50 = arith.constant 4 : i32
    %dma_start3A_51 = arith.constant 0 : i32
    %dma_start3A_52 = arith.constant 0 : i32
    %dma_start3A_53 = tpu.memref_slice %arg7[%dma_start3A_50, %dma_start3A_51, %dma_start3A_52] : memref<12x80x64xf32, #tpu.memory_space<vmem>> -> memref<1x80x64xf32, #tpu.memory_space<vmem>>
    %dma_start3A_54 = tpu.memref_squeeze %dma_start3A_53 : memref<1x80x64xf32, #tpu.memory_space<vmem>> -> memref<80x64xf32, #tpu.memory_space<vmem>>
    %dma_start3A_55 = arith.constant 0 : i32
    %dma_start3A_56 = tpu.memref_slice %arg5[%dma_start3A_49, %dma_start3A_55] : memref<125x80xi32, #tpu.memory_space<vmem>> -> memref<1x80xi32, #tpu.memory_space<vmem>>
    %dma_start3A_57 = tpu.memref_squeeze %dma_start3A_56 : memref<1x80xi32, #tpu.memory_space<vmem>> -> memref<80xi32, #tpu.memory_space<vmem>>
    %dma_start3A_58 = arith.constant 0 : i32
    %dma_start3A_59 = arith.constant 0 : i32
    %dma_start3A_60 = tpu.memref_slice %arg2[%dma_start3A_58, %dma_start3A_59] : memref<10000x64xf32, #tpu.memory_space<hbm>> -> memref<10000x64xf32, #tpu.memory_space<hbm>>
    tpu.enqueue_indirect_dma source(%dma_start3A_60 : memref<10000x64xf32, #tpu.memory_space<hbm>>) target(%dma_start3A_54 : memref<80x64xf32, #tpu.memory_space<vmem>>) offsets(%dma_start3A_57 : memref<80xi32, #tpu.memory_space<vmem>>) semaphore(%arg14 : memref<!tpu.dma_semaphore, #tpu.memory_space<semaphore_mem>>)
    %dma_start3A_61 = arith.constant 5 : i32
    %dma_start3A_62 = arith.constant 5 : i32
    %dma_start3A_63 = arith.constant 0 : i32
    %dma_start3A_64 = arith.constant 0 : i32
    %dma_start3A_65 = tpu.memref_slice %arg7[%dma_start3A_62, %dma_start3A_63, %dma_start3A_64] : memref<12x80x64xf32, #tpu.memory_space<vmem>> -> memref<1x80x64xf32, #tpu.memory_space<vmem>>
    %dma_start3A_66 = tpu.memref_squeeze %dma_start3A_65 : memref<1x80x64xf32, #tpu.memory_space<vmem>> -> memref<80x64xf32, #tpu.memory_space<vmem>>
    %dma_start3A_67 = arith.constant 0 : i32
    %dma_start3A_68 = tpu.memref_slice %arg5[%dma_start3A_61, %dma_start3A_67] : memref<125x80xi32, #tpu.memory_space<vmem>> -> memref<1x80xi32, #tpu.memory_space<vmem>>
    %dma_start3A_69 = tpu.memref_squeeze %dma_start3A_68 : memref<1x80xi32, #tpu.memory_space<vmem>> -> memref<80xi32, #tpu.memory_space<vmem>>
    %dma_start3A_70 = arith.constant 0 : i32
    %dma_start3A_71 = arith.constant 0 : i32
    %dma_start3A_72 = tpu.memref_slice %arg2[%dma_start3A_70, %dma_start3A_71] : memref<10000x64xf32, #tpu.memory_space<hbm>> -> memref<10000x64xf32, #tpu.memory_space<hbm>>
    tpu.enqueue_indirect_dma source(%dma_start3A_72 : memref<10000x64xf32, #tpu.memory_space<hbm>>) target(%dma_start3A_66 : memref<80x64xf32, #tpu.memory_space<vmem>>) offsets(%dma_start3A_69 : memref<80xi32, #tpu.memory_space<vmem>>) semaphore(%arg15 : memref<!tpu.dma_semaphore, #tpu.memory_space<semaphore_mem>>)
    %dma_start3A_73 = arith.constant 6 : i32
    %dma_start3A_74 = arith.constant 6 : i32
    %dma_start3A_75 = arith.constant 0 : i32
    %dma_start3A_76 = arith.constant 0 : i32
    %dma_start3A_77 = tpu.memref_slice %arg7[%dma_start3A_74, %dma_start3A_75, %dma_start3A_76] : memref<12x80x64xf32, #tpu.memory_space<vmem>> -> memref<1x80x64xf32, #tpu.memory_space<vmem>>
    %dma_start3A_78 = tpu.memref_squeeze %dma_start3A_77 : memref<1x80x64xf32, #tpu.memory_space<vmem>> -> memref<80x64xf32, #tpu.memory_space<vmem>>
    %dma_start3A_79 = arith.constant 0 : i32
    %dma_start3A_80 = tpu.memref_slice %arg5[%dma_start3A_73, %dma_start3A_79] : memref<125x80xi32, #tpu.memory_space<vmem>> -> memref<1x80xi32, #tpu.memory_space<vmem>>
    %dma_start3A_81 = tpu.memref_squeeze %dma_start3A_80 : memref<1x80xi32, #tpu.memory_space<vmem>> -> memref<80xi32, #tpu.memory_space<vmem>>
    %dma_start3A_82 = arith.constant 0 : i32
    %dma_start3A_83 = arith.constant 0 : i32
    %dma_start3A_84 = tpu.memref_slice %arg2[%dma_start3A_82, %dma_start3A_83] : memref<10000x64xf32, #tpu.memory_space<hbm>> -> memref<10000x64xf32, #tpu.memory_space<hbm>>
    tpu.enqueue_indirect_dma source(%dma_start3A_84 : memref<10000x64xf32, #tpu.memory_space<hbm>>) target(%dma_start3A_78 : memref<80x64xf32, #tpu.memory_space<vmem>>) offsets(%dma_start3A_81 : memref<80xi32, #tpu.memory_space<vmem>>) semaphore(%arg16 : memref<!tpu.dma_semaphore, #tpu.memory_space<semaphore_mem>>)
    %dma_start3A_85 = arith.constant 7 : i32
    %dma_start3A_86 = arith.constant 7 : i32
    %dma_start3A_87 = arith.constant 0 : i32
    %dma_start3A_88 = arith.constant 0 : i32
    %dma_start3A_89 = tpu.memref_slice %arg7[%dma_start3A_86, %dma_start3A_87, %dma_start3A_88] : memref<12x80x64xf32, #tpu.memory_space<vmem>> -> memref<1x80x64xf32, #tpu.memory_space<vmem>>
    %dma_start3A_90 = tpu.memref_squeeze %dma_start3A_89 : memref<1x80x64xf32, #tpu.memory_space<vmem>> -> memref<80x64xf32, #tpu.memory_space<vmem>>
    %dma_start3A_91 = arith.constant 0 : i32
    %dma_start3A_92 = tpu.memref_slice %arg5[%dma_start3A_85, %dma_start3A_91] : memref<125x80xi32, #tpu.memory_space<vmem>> -> memref<1x80xi32, #tpu.memory_space<vmem>>
    %dma_start3A_93 = tpu.memref_squeeze %dma_start3A_92 : memref<1x80xi32, #tpu.memory_space<vmem>> -> memref<80xi32, #tpu.memory_space<vmem>>
    %dma_start3A_94 = arith.constant 0 : i32
    %dma_start3A_95 = arith.constant 0 : i32
    %dma_start3A_96 = tpu.memref_slice %arg2[%dma_start3A_94, %dma_start3A_95] : memref<10000x64xf32, #tpu.memory_space<hbm>> -> memref<10000x64xf32, #tpu.memory_space<hbm>>
    tpu.enqueue_indirect_dma source(%dma_start3A_96 : memref<10000x64xf32, #tpu.memory_space<hbm>>) target(%dma_start3A_90 : memref<80x64xf32, #tpu.memory_space<vmem>>) offsets(%dma_start3A_93 : memref<80xi32, #tpu.memory_space<vmem>>) semaphore(%arg17 : memref<!tpu.dma_semaphore, #tpu.memory_space<semaphore_mem>>)
    %dma_start3A_97 = arith.constant 8 : i32
    %dma_start3A_98 = arith.constant 8 : i32
    %dma_start3A_99 = arith.constant 0 : i32
    %dma_start3A_100 = arith.constant 0 : i32
    %dma_start3A_101 = tpu.memref_slice %arg7[%dma_start3A_98, %dma_start3A_99, %dma_start3A_100] : memref<12x80x64xf32, #tpu.memory_space<vmem>> -> memref<1x80x64xf32, #tpu.memory_space<vmem>>
    %dma_start3A_102 = tpu.memref_squeeze %dma_start3A_101 : memref<1x80x64xf32, #tpu.memory_space<vmem>> -> memref<80x64xf32, #tpu.memory_space<vmem>>
    %dma_start3A_103 = arith.constant 0 : i32
    %dma_start3A_104 = tpu.memref_slice %arg5[%dma_start3A_97, %dma_start3A_103] : memref<125x80xi32, #tpu.memory_space<vmem>> -> memref<1x80xi32, #tpu.memory_space<vmem>>
    %dma_start3A_105 = tpu.memref_squeeze %dma_start3A_104 : memref<1x80xi32, #tpu.memory_space<vmem>> -> memref<80xi32, #tpu.memory_space<vmem>>
    %dma_start3A_106 = arith.constant 0 : i32
    %dma_start3A_107 = arith.constant 0 : i32
    %dma_start3A_108 = tpu.memref_slice %arg2[%dma_start3A_106, %dma_start3A_107] : memref<10000x64xf32, #tpu.memory_space<hbm>> -> memref<10000x64xf32, #tpu.memory_space<hbm>>
    tpu.enqueue_indirect_dma source(%dma_start3A_108 : memref<10000x64xf32, #tpu.memory_space<hbm>>) target(%dma_start3A_102 : memref<80x64xf32, #tpu.memory_space<vmem>>) offsets(%dma_start3A_105 : memref<80xi32, #tpu.memory_space<vmem>>) semaphore(%arg18 : memref<!tpu.dma_semaphore, #tpu.memory_space<semaphore_mem>>)
    %dma_start3A_109 = arith.constant 9 : i32
    %dma_start3A_110 = arith.constant 9 : i32
    %dma_start3A_111 = arith.constant 0 : i32
    %dma_start3A_112 = arith.constant 0 : i32
    %dma_start3A_113 = tpu.memref_slice %arg7[%dma_start3A_110, %dma_start3A_111, %dma_start3A_112] : memref<12x80x64xf32, #tpu.memory_space<vmem>> -> memref<1x80x64xf32, #tpu.memory_space<vmem>>
    %dma_start3A_114 = tpu.memref_squeeze %dma_start3A_113 : memref<1x80x64xf32, #tpu.memory_space<vmem>> -> memref<80x64xf32, #tpu.memory_space<vmem>>
    %dma_start3A_115 = arith.constant 0 : i32
    %dma_start3A_116 = tpu.memref_slice %arg5[%dma_start3A_109, %dma_start3A_115] : memref<125x80xi32, #tpu.memory_space<vmem>> -> memref<1x80xi32, #tpu.memory_space<vmem>>
    %dma_start3A_117 = tpu.memref_squeeze %dma_start3A_116 : memref<1x80xi32, #tpu.memory_space<vmem>> -> memref<80xi32, #tpu.memory_space<vmem>>
    %dma_start3A_118 = arith.constant 0 : i32
    %dma_start3A_119 = arith.constant 0 : i32
    %dma_start3A_120 = tpu.memref_slice %arg2[%dma_start3A_118, %dma_start3A_119] : memref<10000x64xf32, #tpu.memory_space<hbm>> -> memref<10000x64xf32, #tpu.memory_space<hbm>>
    tpu.enqueue_indirect_dma source(%dma_start3A_120 : memref<10000x64xf32, #tpu.memory_space<hbm>>) target(%dma_start3A_114 : memref<80x64xf32, #tpu.memory_space<vmem>>) offsets(%dma_start3A_117 : memref<80xi32, #tpu.memory_space<vmem>>) semaphore(%arg19 : memref<!tpu.dma_semaphore, #tpu.memory_space<semaphore_mem>>)
    %dma_start3A_121 = arith.constant 10 : i32
    %dma_start3A_122 = arith.constant 10 : i32
    %dma_start3A_123 = arith.constant 0 : i32
    %dma_start3A_124 = arith.constant 0 : i32
    %dma_start3A_125 = tpu.memref_slice %arg7[%dma_start3A_122, %dma_start3A_123, %dma_start3A_124] : memref<12x80x64xf32, #tpu.memory_space<vmem>> -> memref<1x80x64xf32, #tpu.memory_space<vmem>>
    %dma_start3A_126 = tpu.memref_squeeze %dma_start3A_125 : memref<1x80x64xf32, #tpu.memory_space<vmem>> -> memref<80x64xf32, #tpu.memory_space<vmem>>
    %dma_start3A_127 = arith.constant 0 : i32
    %dma_start3A_128 = tpu.memref_slice %arg5[%dma_start3A_121, %dma_start3A_127] : memref<125x80xi32, #tpu.memory_space<vmem>> -> memref<1x80xi32, #tpu.memory_space<vmem>>
    %dma_start3A_129 = tpu.memref_squeeze %dma_start3A_128 : memref<1x80xi32, #tpu.memory_space<vmem>> -> memref<80xi32, #tpu.memory_space<vmem>>
    %dma_start3A_130 = arith.constant 0 : i32
    %dma_start3A_131 = arith.constant 0 : i32
    %dma_start3A_132 = tpu.memref_slice %arg2[%dma_start3A_130, %dma_start3A_131] : memref<10000x64xf32, #tpu.memory_space<hbm>> -> memref<10000x64xf32, #tpu.memory_space<hbm>>
    tpu.enqueue_indirect_dma source(%dma_start3A_132 : memref<10000x64xf32, #tpu.memory_space<hbm>>) target(%dma_start3A_126 : memref<80x64xf32, #tpu.memory_space<vmem>>) offsets(%dma_start3A_129 : memref<80xi32, #tpu.memory_space<vmem>>) semaphore(%arg20 : memref<!tpu.dma_semaphore, #tpu.memory_space<semaphore_mem>>)
    %dma_start3A_133 = arith.constant 11 : i32
    %dma_start3A_134 = arith.constant 11 : i32
    %dma_start3A_135 = arith.constant 0 : i32
    %dma_start3A_136 = arith.constant 0 : i32
    %dma_start3A_137 = tpu.memref_slice %arg7[%dma_start3A_134, %dma_start3A_135, %dma_start3A_136] : memref<12x80x64xf32, #tpu.memory_space<vmem>> -> memref<1x80x64xf32, #tpu.memory_space<vmem>>
    %dma_start3A_138 = tpu.memref_squeeze %dma_start3A_137 : memref<1x80x64xf32, #tpu.memory_space<vmem>> -> memref<80x64xf32, #tpu.memory_space<vmem>>
    %dma_start3A_139 = arith.constant 0 : i32
    %dma_start3A_140 = tpu.memref_slice %arg5[%dma_start3A_133, %dma_start3A_139] : memref<125x80xi32, #tpu.memory_space<vmem>> -> memref<1x80xi32, #tpu.memory_space<vmem>>
    %dma_start3A_141 = tpu.memref_squeeze %dma_start3A_140 : memref<1x80xi32, #tpu.memory_space<vmem>> -> memref<80xi32, #tpu.memory_space<vmem>>
    %dma_start3A_142 = arith.constant 0 : i32
    %dma_start3A_143 = arith.constant 0 : i32
    %dma_start3A_144 = tpu.memref_slice %arg2[%dma_start3A_142, %dma_start3A_143] : memref<10000x64xf32, #tpu.memory_space<hbm>> -> memref<10000x64xf32, #tpu.memory_space<hbm>>
    tpu.enqueue_indirect_dma source(%dma_start3A_144 : memref<10000x64xf32, #tpu.memory_space<hbm>>) target(%dma_start3A_138 : memref<80x64xf32, #tpu.memory_space<vmem>>) offsets(%dma_start3A_141 : memref<80xi32, #tpu.memory_space<vmem>>) semaphore(%arg21 : memref<!tpu.dma_semaphore, #tpu.memory_space<semaphore_mem>>)
    %scan3A = arith.constant 0 : i32
    %scan3A_145 = arith.constant 0 : i32
    %scan3A_146 = arith.constant 80 : i32
    %scan3A_147 = arith.addi %scan3A_145, %scan3A_146 : i32
    %scan3A_148 = arith.constant 1 : i32
    %scan3A_149 = scf.for %scan3A_458 = %scan3A_145 to %scan3A_147 step %scan3A_148 iter_args(%scan3A_459 = %scan3A) -> (i32)  : i32 {
      %broadcast_in_dim3A = arith.constant 0.000000e+00 : f32
      %broadcast_in_dim3A_460 = vector.broadcast %broadcast_in_dim3A : f32 to vector<16xf32>
      %swap3A = arith.index_cast %scan3A_458 : i32 to index
      %swap3A_461 = arith.constant 0 : index
      %swap3A_462 = tpu.vector_load %arg8[%swap3A, %swap3A_461] {strides = array<i32>} : memref<80x64xf32, #tpu.memory_space<vmem>>, vector<1x16xf32>,
      %swap3A_463 = vector.shape_cast %swap3A_462 : vector<1x16xf32> to vector<16xf32>
      %swap3A_464 = vector.shape_cast %broadcast_in_dim3A_460 : vector<16xf32> to vector<1x16xf32>
      tpu.vector_store %arg8[%swap3A, %swap3A_461], %swap3A_464 {strides = array<i32>} : memref<80x64xf32, #tpu.memory_space<vmem>>, vector<1x16xf32>,
      %broadcast_in_dim3A_465 = arith.constant 0.000000e+00 : f32
      %broadcast_in_dim3A_466 = vector.broadcast %broadcast_in_dim3A_465 : f32 to vector<16xf32>
      %swap3A_467 = arith.index_cast %scan3A_458 : i32 to index
      %swap3A_468 = arith.constant 16 : index
      %swap3A_469 = tpu.vector_load %arg8[%swap3A_467, %swap3A_468] {strides = array<i32>} : memref<80x64xf32, #tpu.memory_space<vmem>>, vector<1x16xf32>,
      %swap3A_470 = vector.shape_cast %swap3A_469 : vector<1x16xf32> to vector<16xf32>
      %swap3A_471 = vector.shape_cast %broadcast_in_dim3A_466 : vector<16xf32> to vector<1x16xf32>
      tpu.vector_store %arg8[%swap3A_467, %swap3A_468], %swap3A_471 {strides = array<i32>} : memref<80x64xf32, #tpu.memory_space<vmem>>, vector<1x16xf32>,
      %broadcast_in_dim3A_472 = arith.constant 0.000000e+00 : f32
      %broadcast_in_dim3A_473 = vector.broadcast %broadcast_in_dim3A_472 : f32 to vector<16xf32>
      %swap3A_474 = arith.index_cast %scan3A_458 : i32 to index
      %swap3A_475 = arith.constant 32 : index
      %swap3A_476 = tpu.vector_load %arg8[%swap3A_474, %swap3A_475] {strides = array<i32>} : memref<80x64xf32, #tpu.memory_space<vmem>>, vector<1x16xf32>,
      %swap3A_477 = vector.shape_cast %swap3A_476 : vector<1x16xf32> to vector<16xf32>
      %swap3A_478 = vector.shape_cast %broadcast_in_dim3A_473 : vector<16xf32> to vector<1x16xf32>
      tpu.vector_store %arg8[%swap3A_474, %swap3A_475], %swap3A_478 {strides = array<i32>} : memref<80x64xf32, #tpu.memory_space<vmem>>, vector<1x16xf32>,
      %broadcast_in_dim3A_479 = arith.constant 0.000000e+00 : f32
      %broadcast_in_dim3A_480 = vector.broadcast %broadcast_in_dim3A_479 : f32 to vector<16xf32>
      %swap3A_481 = arith.index_cast %scan3A_458 : i32 to index
      %swap3A_482 = arith.constant 48 : index
      %swap3A_483 = tpu.vector_load %arg8[%swap3A_481, %swap3A_482] {strides = array<i32>} : memref<80x64xf32, #tpu.memory_space<vmem>>, vector<1x16xf32>,
      %swap3A_484 = vector.shape_cast %swap3A_483 : vector<1x16xf32> to vector<16xf32>
      %swap3A_485 = vector.shape_cast %broadcast_in_dim3A_480 : vector<16xf32> to vector<1x16xf32>
      tpu.vector_store %arg8[%swap3A_481, %swap3A_482], %swap3A_485 {strides = array<i32>} : memref<80x64xf32, #tpu.memory_space<vmem>>, vector<1x16xf32>,
      %scan3A_486 = arith.constant 0 : i32
      scf.yield %scan3A_486 : i32
    }
    %scan3A_150 = arith.constant 80 : i32
    %mul3A_151 = arith.constant 632 : i32
    %mul3A_152 = arith.muli %arg1, %mul3A_151 : i32
    %add3A_153 = arith.constant 0 : i32
    %add3A_154 = arith.addi %mul3A_152, %add3A_153 : i32
    "tpu.region"() ({
      %run_scoped3A_458 = tpu.sem_alloc : memref<!tpu.dma_semaphore, #tpu.memory_space<semaphore_mem>>
      %dma_start3A_459 = arith.constant 0 : i32
      %dma_start3A_460 = tpu.memref_slice %arg9[%add3A_154, %dma_start3A_459] : memref<10112x64xf32, #tpu.memory_space<vmem_shared>> -> memref<80x64xf32, #tpu.memory_space<vmem_shared>>
      %dma_start3A_461 = arith.constant 0 : i32
      %dma_start3A_462 = tpu.memref_slice %arg9[%add3A_154, %dma_start3A_461] : memref<10112x64xf32, #tpu.memory_space<vmem_shared>> -> memref<80x64xf32, #tpu.memory_space<vmem_shared>>
      tpu.enqueue_dma source(%arg8 : memref<80x64xf32, #tpu.memory_space<vmem>>) target(%dma_start3A_462 : memref<80x64xf32, #tpu.memory_space<vmem_shared>>) target_semaphore(%run_scoped3A_458 : memref<!tpu.dma_semaphore, #tpu.memory_space<semaphore_mem>>)
      %dma_wait3A_463 = arith.constant 0 : i32
      %dma_wait3A_464 = tpu.memref_slice %arg9[%add3A_154, %dma_wait3A_463] : memref<10112x64xf32, #tpu.memory_space<vmem_shared>> -> memref<80x64xf32, #tpu.memory_space<vmem_shared>>
      %dma_wait3A_465 = arith.constant 0 : i32
      %dma_wait3A_466 = tpu.memref_slice %arg9[%add3A_154, %dma_wait3A_465] : memref<10112x64xf32, #tpu.memory_space<vmem_shared>> -> memref<80x64xf32, #tpu.memory_space<vmem_shared>>
      tpu.wait_dma2 semaphore(%run_scoped3A_458 : memref<!tpu.dma_semaphore, #tpu.memory_space<semaphore_mem>>) src(%arg8 : memref<80x64xf32, #tpu.memory_space<vmem>>) dst(%dma_wait3A_466 : memref<80x64xf32, #tpu.memory_space<vmem_shared>>)
      tpu.yield
    }) : () -> ()
    %mul3A_155 = arith.constant 632 : i32
    %mul3A_156 = arith.muli %arg1, %mul3A_155 : i32
    %add3A_157 = arith.constant 80 : i32
    %add3A_158 = arith.addi %mul3A_156, %add3A_157 : i32
    "tpu.region"() ({
      %run_scoped3A_458 = tpu.sem_alloc : memref<!tpu.dma_semaphore, #tpu.memory_space<semaphore_mem>>
      %dma_start3A_459 = arith.constant 0 : i32
      %dma_start3A_460 = tpu.memref_slice %arg9[%add3A_158, %dma_start3A_459] : memref<10112x64xf32, #tpu.memory_space<vmem_shared>> -> memref<80x64xf32, #tpu.memory_space<vmem_shared>>
      %dma_start3A_461 = arith.constant 0 : i32
      %dma_start3A_462 = tpu.memref_slice %arg9[%add3A_158, %dma_start3A_461] : memref<10112x64xf32, #tpu.memory_space<vmem_shared>> -> memref<80x64xf32, #tpu.memory_space<vmem_shared>>
      tpu.enqueue_dma source(%arg8 : memref<80x64xf32, #tpu.memory_space<vmem>>) target(%dma_start3A_462 : memref<80x64xf32, #tpu.memory_space<vmem_shared>>) target_semaphore(%run_scoped3A_458 : memref<!tpu.dma_semaphore, #tpu.memory_space<semaphore_mem>>)
      %dma_wait3A_463 = arith.constant 0 : i32
      %dma_wait3A_464 = tpu.memref_slice %arg9[%add3A_158, %dma_wait3A_463] : memref<10112x64xf32, #tpu.memory_space<vmem_shared>> -> memref<80x64xf32, #tpu.memory_space<vmem_shared>>
      %dma_wait3A_465 = arith.constant 0 : i32
      %dma_wait3A_466 = tpu.memref_slice %arg9[%add3A_158, %dma_wait3A_465] : memref<10112x64xf32, #tpu.memory_space<vmem_shared>> -> memref<80x64xf32, #tpu.memory_space<vmem_shared>>
      tpu.wait_dma2 semaphore(%run_scoped3A_458 : memref<!tpu.dma_semaphore, #tpu.memory_space<semaphore_mem>>) src(%arg8 : memref<80x64xf32, #tpu.memory_space<vmem>>) dst(%dma_wait3A_466 : memref<80x64xf32, #tpu.memory_space<vmem_shared>>)
      tpu.yield
    }) : () -> ()
    %mul3A_159 = arith.constant 632 : i32
    %mul3A_160 = arith.muli %arg1, %mul3A_159 : i32
    %add3A_161 = arith.constant 160 : i32
    %add3A_162 = arith.addi %mul3A_160, %add3A_161 : i32
    "tpu.region"() ({
      %run_scoped3A_458 = tpu.sem_alloc : memref<!tpu.dma_semaphore, #tpu.memory_space<semaphore_mem>>
      %dma_start3A_459 = arith.constant 0 : i32
      %dma_start3A_460 = tpu.memref_slice %arg9[%add3A_162, %dma_start3A_459] : memref<10112x64xf32, #tpu.memory_space<vmem_shared>> -> memref<80x64xf32, #tpu.memory_space<vmem_shared>>
      %dma_start3A_461 = arith.constant 0 : i32
      %dma_start3A_462 = tpu.memref_slice %arg9[%add3A_162, %dma_start3A_461] : memref<10112x64xf32, #tpu.memory_space<vmem_shared>> -> memref<80x64xf32, #tpu.memory_space<vmem_shared>>
      tpu.enqueue_dma source(%arg8 : memref<80x64xf32, #tpu.memory_space<vmem>>) target(%dma_start3A_462 : memref<80x64xf32, #tpu.memory_space<vmem_shared>>) target_semaphore(%run_scoped3A_458 : memref<!tpu.dma_semaphore, #tpu.memory_space<semaphore_mem>>)
      %dma_wait3A_463 = arith.constant 0 : i32
      %dma_wait3A_464 = tpu.memref_slice %arg9[%add3A_162, %dma_wait3A_463] : memref<10112x64xf32, #tpu.memory_space<vmem_shared>> -> memref<80x64xf32, #tpu.memory_space<vmem_shared>>
      %dma_wait3A_465 = arith.constant 0 : i32
      %dma_wait3A_466 = tpu.memref_slice %arg9[%add3A_162, %dma_wait3A_465] : memref<10112x64xf32, #tpu.memory_space<vmem_shared>> -> memref<80x64xf32, #tpu.memory_space<vmem_shared>>
      tpu.wait_dma2 semaphore(%run_scoped3A_458 : memref<!tpu.dma_semaphore, #tpu.memory_space<semaphore_mem>>) src(%arg8 : memref<80x64xf32, #tpu.memory_space<vmem>>) dst(%dma_wait3A_466 : memref<80x64xf32, #tpu.memory_space<vmem_shared>>)
      tpu.yield
    }) : () -> ()
    %mul3A_163 = arith.constant 632 : i32
    %mul3A_164 = arith.muli %arg1, %mul3A_163 : i32
    %add3A_165 = arith.constant 240 : i32
    %add3A_166 = arith.addi %mul3A_164, %add3A_165 : i32
    "tpu.region"() ({
      %run_scoped3A_458 = tpu.sem_alloc : memref<!tpu.dma_semaphore, #tpu.memory_space<semaphore_mem>>
      %dma_start3A_459 = arith.constant 0 : i32
      %dma_start3A_460 = tpu.memref_slice %arg9[%add3A_166, %dma_start3A_459] : memref<10112x64xf32, #tpu.memory_space<vmem_shared>> -> memref<80x64xf32, #tpu.memory_space<vmem_shared>>
      %dma_start3A_461 = arith.constant 0 : i32
      %dma_start3A_462 = tpu.memref_slice %arg9[%add3A_166, %dma_start3A_461] : memref<10112x64xf32, #tpu.memory_space<vmem_shared>> -> memref<80x64xf32, #tpu.memory_space<vmem_shared>>
      tpu.enqueue_dma source(%arg8 : memref<80x64xf32, #tpu.memory_space<vmem>>) target(%dma_start3A_462 : memref<80x64xf32, #tpu.memory_space<vmem_shared>>) target_semaphore(%run_scoped3A_458 : memref<!tpu.dma_semaphore, #tpu.memory_space<semaphore_mem>>)
      %dma_wait3A_463 = arith.constant 0 : i32
      %dma_wait3A_464 = tpu.memref_slice %arg9[%add3A_166, %dma_wait3A_463] : memref<10112x64xf32, #tpu.memory_space<vmem_shared>> -> memref<80x64xf32, #tpu.memory_space<vmem_shared>>
      %dma_wait3A_465 = arith.constant 0 : i32
      %dma_wait3A_466 = tpu.memref_slice %arg9[%add3A_166, %dma_wait3A_465] : memref<10112x64xf32, #tpu.memory_space<vmem_shared>> -> memref<80x64xf32, #tpu.memory_space<vmem_shared>>
      tpu.wait_dma2 semaphore(%run_scoped3A_458 : memref<!tpu.dma_semaphore, #tpu.memory_space<semaphore_mem>>) src(%arg8 : memref<80x64xf32, #tpu.memory_space<vmem>>) dst(%dma_wait3A_466 : memref<80x64xf32, #tpu.memory_space<vmem_shared>>)
      tpu.yield
    }) : () -> ()
    %mul3A_167 = arith.constant 632 : i32
    %mul3A_168 = arith.muli %arg1, %mul3A_167 : i32
    %add3A_169 = arith.constant 320 : i32
    %add3A_170 = arith.addi %mul3A_168, %add3A_169 : i32
    "tpu.region"() ({
      %run_scoped3A_458 = tpu.sem_alloc : memref<!tpu.dma_semaphore, #tpu.memory_space<semaphore_mem>>
      %dma_start3A_459 = arith.constant 0 : i32
      %dma_start3A_460 = tpu.memref_slice %arg9[%add3A_170, %dma_start3A_459] : memref<10112x64xf32, #tpu.memory_space<vmem_shared>> -> memref<80x64xf32, #tpu.memory_space<vmem_shared>>
      %dma_start3A_461 = arith.constant 0 : i32
      %dma_start3A_462 = tpu.memref_slice %arg9[%add3A_170, %dma_start3A_461] : memref<10112x64xf32, #tpu.memory_space<vmem_shared>> -> memref<80x64xf32, #tpu.memory_space<vmem_shared>>
      tpu.enqueue_dma source(%arg8 : memref<80x64xf32, #tpu.memory_space<vmem>>) target(%dma_start3A_462 : memref<80x64xf32, #tpu.memory_space<vmem_shared>>) target_semaphore(%run_scoped3A_458 : memref<!tpu.dma_semaphore, #tpu.memory_space<semaphore_mem>>)
      %dma_wait3A_463 = arith.constant 0 : i32
      %dma_wait3A_464 = tpu.memref_slice %arg9[%add3A_170, %dma_wait3A_463] : memref<10112x64xf32, #tpu.memory_space<vmem_shared>> -> memref<80x64xf32, #tpu.memory_space<vmem_shared>>
      %dma_wait3A_465 = arith.constant 0 : i32
      %dma_wait3A_466 = tpu.memref_slice %arg9[%add3A_170, %dma_wait3A_465] : memref<10112x64xf32, #tpu.memory_space<vmem_shared>> -> memref<80x64xf32, #tpu.memory_space<vmem_shared>>
      tpu.wait_dma2 semaphore(%run_scoped3A_458 : memref<!tpu.dma_semaphore, #tpu.memory_space<semaphore_mem>>) src(%arg8 : memref<80x64xf32, #tpu.memory_space<vmem>>) dst(%dma_wait3A_466 : memref<80x64xf32, #tpu.memory_space<vmem_shared>>)
      tpu.yield
    }) : () -> ()
    %mul3A_171 = arith.constant 632 : i32
    %mul3A_172 = arith.muli %arg1, %mul3A_171 : i32
    %add3A_173 = arith.constant 400 : i32
    %add3A_174 = arith.addi %mul3A_172, %add3A_173 : i32
    "tpu.region"() ({
      %run_scoped3A_458 = tpu.sem_alloc : memref<!tpu.dma_semaphore, #tpu.memory_space<semaphore_mem>>
      %dma_start3A_459 = arith.constant 0 : i32
      %dma_start3A_460 = tpu.memref_slice %arg9[%add3A_174, %dma_start3A_459] : memref<10112x64xf32, #tpu.memory_space<vmem_shared>> -> memref<80x64xf32, #tpu.memory_space<vmem_shared>>
      %dma_start3A_461 = arith.constant 0 : i32
      %dma_start3A_462 = tpu.memref_slice %arg9[%add3A_174, %dma_start3A_461] : memref<10112x64xf32, #tpu.memory_space<vmem_shared>> -> memref<80x64xf32, #tpu.memory_space<vmem_shared>>
      tpu.enqueue_dma source(%arg8 : memref<80x64xf32, #tpu.memory_space<vmem>>) target(%dma_start3A_462 : memref<80x64xf32, #tpu.memory_space<vmem_shared>>) target_semaphore(%run_scoped3A_458 : memref<!tpu.dma_semaphore, #tpu.memory_space<semaphore_mem>>)
      %dma_wait3A_463 = arith.constant 0 : i32
      %dma_wait3A_464 = tpu.memref_slice %arg9[%add3A_174, %dma_wait3A_463] : memref<10112x64xf32, #tpu.memory_space<vmem_shared>> -> memref<80x64xf32, #tpu.memory_space<vmem_shared>>
      %dma_wait3A_465 = arith.constant 0 : i32
      %dma_wait3A_466 = tpu.memref_slice %arg9[%add3A_174, %dma_wait3A_465] : memref<10112x64xf32, #tpu.memory_space<vmem_shared>> -> memref<80x64xf32, #tpu.memory_space<vmem_shared>>
      tpu.wait_dma2 semaphore(%run_scoped3A_458 : memref<!tpu.dma_semaphore, #tpu.memory_space<semaphore_mem>>) src(%arg8 : memref<80x64xf32, #tpu.memory_space<vmem>>) dst(%dma_wait3A_466 : memref<80x64xf32, #tpu.memory_space<vmem_shared>>)
      tpu.yield
    }) : () -> ()
    %mul3A_175 = arith.constant 632 : i32
    %mul3A_176 = arith.muli %arg1, %mul3A_175 : i32
    %add3A_177 = arith.constant 480 : i32
    %add3A_178 = arith.addi %mul3A_176, %add3A_177 : i32
    "tpu.region"() ({
      %run_scoped3A_458 = tpu.sem_alloc : memref<!tpu.dma_semaphore, #tpu.memory_space<semaphore_mem>>
      %dma_start3A_459 = arith.constant 0 : i32
      %dma_start3A_460 = tpu.memref_slice %arg9[%add3A_178, %dma_start3A_459] : memref<10112x64xf32, #tpu.memory_space<vmem_shared>> -> memref<80x64xf32, #tpu.memory_space<vmem_shared>>
      %dma_start3A_461 = arith.constant 0 : i32
      %dma_start3A_462 = tpu.memref_slice %arg9[%add3A_178, %dma_start3A_461] : memref<10112x64xf32, #tpu.memory_space<vmem_shared>> -> memref<80x64xf32, #tpu.memory_space<vmem_shared>>
      tpu.enqueue_dma source(%arg8 : memref<80x64xf32, #tpu.memory_space<vmem>>) target(%dma_start3A_462 : memref<80x64xf32, #tpu.memory_space<vmem_shared>>) target_semaphore(%run_scoped3A_458 : memref<!tpu.dma_semaphore, #tpu.memory_space<semaphore_mem>>)
      %dma_wait3A_463 = arith.constant 0 : i32
      %dma_wait3A_464 = tpu.memref_slice %arg9[%add3A_178, %dma_wait3A_463] : memref<10112x64xf32, #tpu.memory_space<vmem_shared>> -> memref<80x64xf32, #tpu.memory_space<vmem_shared>>
      %dma_wait3A_465 = arith.constant 0 : i32
      %dma_wait3A_466 = tpu.memref_slice %arg9[%add3A_178, %dma_wait3A_465] : memref<10112x64xf32, #tpu.memory_space<vmem_shared>> -> memref<80x64xf32, #tpu.memory_space<vmem_shared>>
      tpu.wait_dma2 semaphore(%run_scoped3A_458 : memref<!tpu.dma_semaphore, #tpu.memory_space<semaphore_mem>>) src(%arg8 : memref<80x64xf32, #tpu.memory_space<vmem>>) dst(%dma_wait3A_466 : memref<80x64xf32, #tpu.memory_space<vmem_shared>>)
      tpu.yield
    }) : () -> ()
    %mul3A_179 = arith.constant 632 : i32
    %mul3A_180 = arith.muli %arg1, %mul3A_179 : i32
    %add3A_181 = arith.constant 560 : i32
    %add3A_182 = arith.addi %mul3A_180, %add3A_181 : i32
    "tpu.region"() ({
      %run_scoped3A_458 = tpu.sem_alloc : memref<!tpu.dma_semaphore, #tpu.memory_space<semaphore_mem>>
      %dma_start3A_459 = arith.constant 0 : i32
      %dma_start3A_460 = arith.constant 0 : i32
      %dma_start3A_461 = tpu.memref_slice %arg8[%dma_start3A_459, %dma_start3A_460] : memref<80x64xf32, #tpu.memory_space<vmem>> -> memref<72x64xf32, #tpu.memory_space<vmem>>
      %dma_start3A_462 = arith.constant 0 : i32
      %dma_start3A_463 = tpu.memref_slice %arg9[%add3A_182, %dma_start3A_462] : memref<10112x64xf32, #tpu.memory_space<vmem_shared>> -> memref<72x64xf32, #tpu.memory_space<vmem_shared>>
      %dma_start3A_464 = arith.constant 0 : i32
      %dma_start3A_465 = tpu.memref_slice %arg9[%add3A_182, %dma_start3A_464] : memref<10112x64xf32, #tpu.memory_space<vmem_shared>> -> memref<72x64xf32, #tpu.memory_space<vmem_shared>>
      %dma_start3A_466 = arith.constant 0 : i32
      %dma_start3A_467 = arith.constant 0 : i32
      %dma_start3A_468 = tpu.memref_slice %arg8[%dma_start3A_466, %dma_start3A_467] : memref<80x64xf32, #tpu.memory_space<vmem>> -> memref<72x64xf32, #tpu.memory_space<vmem>>
      tpu.enqueue_dma source(%dma_start3A_468 : memref<72x64xf32, #tpu.memory_space<vmem>>) target(%dma_start3A_465 : memref<72x64xf32, #tpu.memory_space<vmem_shared>>) target_semaphore(%run_scoped3A_458 : memref<!tpu.dma_semaphore, #tpu.memory_space<semaphore_mem>>)
      %dma_wait3A_469 = arith.constant 0 : i32
      %dma_wait3A_470 = arith.constant 0 : i32
      %dma_wait3A_471 = tpu.memref_slice %arg8[%dma_wait3A_469, %dma_wait3A_470] : memref<80x64xf32, #tpu.memory_space<vmem>> -> memref<72x64xf32, #tpu.memory_space<vmem>>
      %dma_wait3A_472 = arith.constant 0 : i32
      %dma_wait3A_473 = tpu.memref_slice %arg9[%add3A_182, %dma_wait3A_472] : memref<10112x64xf32, #tpu.memory_space<vmem_shared>> -> memref<72x64xf32, #tpu.memory_space<vmem_shared>>
      %dma_wait3A_474 = arith.constant 0 : i32
      %dma_wait3A_475 = tpu.memref_slice %arg9[%add3A_182, %dma_wait3A_474] : memref<10112x64xf32, #tpu.memory_space<vmem_shared>> -> memref<72x64xf32, #tpu.memory_space<vmem_shared>>
      %dma_wait3A_476 = arith.constant 0 : i32
      %dma_wait3A_477 = arith.constant 0 : i32
      %dma_wait3A_478 = tpu.memref_slice %arg8[%dma_wait3A_476, %dma_wait3A_477] : memref<80x64xf32, #tpu.memory_space<vmem>> -> memref<72x64xf32, #tpu.memory_space<vmem>>
      tpu.wait_dma2 semaphore(%run_scoped3A_458 : memref<!tpu.dma_semaphore, #tpu.memory_space<semaphore_mem>>) src(%dma_wait3A_478 : memref<72x64xf32, #tpu.memory_space<vmem>>) dst(%dma_wait3A_475 : memref<72x64xf32, #tpu.memory_space<vmem_shared>>)
      tpu.yield
    }) : () -> ()
    %barrier3A = arith.constant 0 : index
    tpu.barrier barrier_id(%barrier3A)
    %scan3A_183 = arith.constant 0 : i32
    %scan3A_184 = arith.constant 0 : i32
    %scan3A_185 = arith.constant 10 : i32
    %scan3A_186 = arith.addi %scan3A_184, %scan3A_185 : i32
    %scan3A_187 = arith.constant 1 : i32
    %scan3A_188 = scf.for %scan3A_458 = %scan3A_184 to %scan3A_186 step %scan3A_187 iter_args(%scan3A_459 = %scan3A_183) -> (i32)  : i32 {
      %mul3A_460 = arith.constant 12 : i32
      %mul3A_461 = arith.muli %mul3A_460, %scan3A_458 : i32
      %add3A_462 = arith.constant 0 : i32
      %add3A_463 = arith.addi %mul3A_461, %add3A_462 : i32
      %dma_wait3A_464 = arith.constant 0 : i32
      %dma_wait3A_465 = arith.constant 0 : i32
      %dma_wait3A_466 = arith.constant 0 : i32
      %dma_wait3A_467 = tpu.memref_slice %arg7[%dma_wait3A_464, %dma_wait3A_465, %dma_wait3A_466] : memref<12x80x64xf32, #tpu.memory_space<vmem>> -> memref<1x80x64xf32, #tpu.memory_space<vmem>>
      %dma_wait3A_468 = tpu.memref_squeeze %dma_wait3A_467 : memref<1x80x64xf32, #tpu.memory_space<vmem>> -> memref<80x64xf32, #tpu.memory_space<vmem>>
      %dma_wait3A_469 = arith.constant 0 : i32
      %dma_wait3A_470 = tpu.memref_slice %arg5[%add3A_463, %dma_wait3A_469] : memref<125x80xi32, #tpu.memory_space<vmem>> -> memref<1x80xi32, #tpu.memory_space<vmem>>
      %dma_wait3A_471 = tpu.memref_squeeze %dma_wait3A_470 : memref<1x80xi32, #tpu.memory_space<vmem>> -> memref<80xi32, #tpu.memory_space<vmem>>
      %dma_wait3A_472 = arith.constant 0 : i32
      %dma_wait3A_473 = arith.constant 0 : i32
      %dma_wait3A_474 = tpu.memref_slice %arg2[%dma_wait3A_472, %dma_wait3A_473] : memref<10000x64xf32, #tpu.memory_space<hbm>> -> memref<10000x64xf32, #tpu.memory_space<hbm>>
      tpu.wait_indirect_dma semaphore(%arg10 : memref<!tpu.dma_semaphore, #tpu.memory_space<semaphore_mem>>) src(%dma_wait3A_474 : memref<10000x64xf32, #tpu.memory_space<hbm>>) dst(%dma_wait3A_468 : memref<80x64xf32, #tpu.memory_space<vmem>>)
      %add3A_475 = arith.constant 0 : i32
      %add3A_476 = arith.addi %mul3A_461, %add3A_475 : i32
      %dma_start3A_477 = arith.constant 0 : i32
      %dma_start3A_478 = arith.constant 0 : i32
      %dma_start3A_479 = arith.constant 0 : i32
      %dma_start3A_480 = tpu.memref_slice %arg7[%dma_start3A_477, %dma_start3A_478, %dma_start3A_479] : memref<12x80x64xf32, #tpu.memory_space<vmem>> -> memref<1x80x64xf32, #tpu.memory_space<vmem>>
      %dma_start3A_481 = tpu.memref_squeeze %dma_start3A_480 : memref<1x80x64xf32, #tpu.memory_space<vmem>> -> memref<80x64xf32, #tpu.memory_space<vmem>>
      %dma_start3A_482 = arith.constant 0 : i32
      %dma_start3A_483 = tpu.memref_slice %arg6[%add3A_476, %dma_start3A_482] : memref<125x80xi32, #tpu.memory_space<vmem>> -> memref<1x80xi32, #tpu.memory_space<vmem>>
      %dma_start3A_484 = tpu.memref_squeeze %dma_start3A_483 : memref<1x80xi32, #tpu.memory_space<vmem>> -> memref<80xi32, #tpu.memory_space<vmem>>
      %dma_start3A_485 = arith.constant 0 : i32
      %dma_start3A_486 = arith.constant 0 : i32
      %dma_start3A_487 = tpu.memref_slice %arg9[%dma_start3A_485, %dma_start3A_486] : memref<10112x64xf32, #tpu.memory_space<vmem_shared>> -> memref<10112x64xf32, #tpu.memory_space<vmem_shared>>
      tpu.enqueue_indirect_dma source(%dma_start3A_481 : memref<80x64xf32, #tpu.memory_space<vmem>>) target(%dma_start3A_487 : memref<10112x64xf32, #tpu.memory_space<vmem_shared>>) offsets(%dma_start3A_484 : memref<80xi32, #tpu.memory_space<vmem>>) semaphore(%arg22 : memref<!tpu.dma_semaphore, #tpu.memory_space<semaphore_mem>>) {add = true}
      %add3A_488 = arith.constant 1 : i32
      %add3A_489 = arith.addi %mul3A_461, %add3A_488 : i32
      %dma_wait3A_490 = arith.constant 1 : i32
      %dma_wait3A_491 = arith.constant 0 : i32
      %dma_wait3A_492 = arith.constant 0 : i32
      %dma_wait3A_493 = tpu.memref_slice %arg7[%dma_wait3A_490, %dma_wait3A_491, %dma_wait3A_492] : memref<12x80x64xf32, #tpu.memory_space<vmem>> -> memref<1x80x64xf32, #tpu.memory_space<vmem>>
      %dma_wait3A_494 = tpu.memref_squeeze %dma_wait3A_493 : memref<1x80x64xf32, #tpu.memory_space<vmem>> -> memref<80x64xf32, #tpu.memory_space<vmem>>
      %dma_wait3A_495 = arith.constant 0 : i32
      %dma_wait3A_496 = tpu.memref_slice %arg5[%add3A_489, %dma_wait3A_495] : memref<125x80xi32, #tpu.memory_space<vmem>> -> memref<1x80xi32, #tpu.memory_space<vmem>>
      %dma_wait3A_497 = tpu.memref_squeeze %dma_wait3A_496 : memref<1x80xi32, #tpu.memory_space<vmem>> -> memref<80xi32, #tpu.memory_space<vmem>>
      %dma_wait3A_498 = arith.constant 0 : i32
      %dma_wait3A_499 = arith.constant 0 : i32
      %dma_wait3A_500 = tpu.memref_slice %arg2[%dma_wait3A_498, %dma_wait3A_499] : memref<10000x64xf32, #tpu.memory_space<hbm>> -> memref<10000x64xf32, #tpu.memory_space<hbm>>
      tpu.wait_indirect_dma semaphore(%arg11 : memref<!tpu.dma_semaphore, #tpu.memory_space<semaphore_mem>>) src(%dma_wait3A_500 : memref<10000x64xf32, #tpu.memory_space<hbm>>) dst(%dma_wait3A_494 : memref<80x64xf32, #tpu.memory_space<vmem>>)
      %add3A_501 = arith.constant 1 : i32
      %add3A_502 = arith.addi %mul3A_461, %add3A_501 : i32
      %dma_start3A_503 = arith.constant 1 : i32
      %dma_start3A_504 = arith.constant 0 : i32
      %dma_start3A_505 = arith.constant 0 : i32
      %dma_start3A_506 = tpu.memref_slice %arg7[%dma_start3A_503, %dma_start3A_504, %dma_start3A_505] : memref<12x80x64xf32, #tpu.memory_space<vmem>> -> memref<1x80x64xf32, #tpu.memory_space<vmem>>
      %dma_start3A_507 = tpu.memref_squeeze %dma_start3A_506 : memref<1x80x64xf32, #tpu.memory_space<vmem>> -> memref<80x64xf32, #tpu.memory_space<vmem>>
      %dma_start3A_508 = arith.constant 0 : i32
      %dma_start3A_509 = tpu.memref_slice %arg6[%add3A_502, %dma_start3A_508] : memref<125x80xi32, #tpu.memory_space<vmem>> -> memref<1x80xi32, #tpu.memory_space<vmem>>
      %dma_start3A_510 = tpu.memref_squeeze %dma_start3A_509 : memref<1x80xi32, #tpu.memory_space<vmem>> -> memref<80xi32, #tpu.memory_space<vmem>>
      %dma_start3A_511 = arith.constant 0 : i32
      %dma_start3A_512 = arith.constant 0 : i32
      %dma_start3A_513 = tpu.memref_slice %arg9[%dma_start3A_511, %dma_start3A_512] : memref<10112x64xf32, #tpu.memory_space<vmem_shared>> -> memref<10112x64xf32, #tpu.memory_space<vmem_shared>>
      tpu.enqueue_indirect_dma source(%dma_start3A_507 : memref<80x64xf32, #tpu.memory_space<vmem>>) target(%dma_start3A_513 : memref<10112x64xf32, #tpu.memory_space<vmem_shared>>) offsets(%dma_start3A_510 : memref<80xi32, #tpu.memory_space<vmem>>) semaphore(%arg23 : memref<!tpu.dma_semaphore, #tpu.memory_space<semaphore_mem>>) {add = true}
      %add3A_514 = arith.constant 2 : i32
      %add3A_515 = arith.addi %mul3A_461, %add3A_514 : i32
      %dma_wait3A_516 = arith.constant 2 : i32
      %dma_wait3A_517 = arith.constant 0 : i32
      %dma_wait3A_518 = arith.constant 0 : i32
      %dma_wait3A_519 = tpu.memref_slice %arg7[%dma_wait3A_516, %dma_wait3A_517, %dma_wait3A_518] : memref<12x80x64xf32, #tpu.memory_space<vmem>> -> memref<1x80x64xf32, #tpu.memory_space<vmem>>
      %dma_wait3A_520 = tpu.memref_squeeze %dma_wait3A_519 : memref<1x80x64xf32, #tpu.memory_space<vmem>> -> memref<80x64xf32, #tpu.memory_space<vmem>>
      %dma_wait3A_521 = arith.constant 0 : i32
      %dma_wait3A_522 = tpu.memref_slice %arg5[%add3A_515, %dma_wait3A_521] : memref<125x80xi32, #tpu.memory_space<vmem>> -> memref<1x80xi32, #tpu.memory_space<vmem>>
      %dma_wait3A_523 = tpu.memref_squeeze %dma_wait3A_522 : memref<1x80xi32, #tpu.memory_space<vmem>> -> memref<80xi32, #tpu.memory_space<vmem>>
      %dma_wait3A_524 = arith.constant 0 : i32
      %dma_wait3A_525 = arith.constant 0 : i32
      %dma_wait3A_526 = tpu.memref_slice %arg2[%dma_wait3A_524, %dma_wait3A_525] : memref<10000x64xf32, #tpu.memory_space<hbm>> -> memref<10000x64xf32, #tpu.memory_space<hbm>>
      tpu.wait_indirect_dma semaphore(%arg12 : memref<!tpu.dma_semaphore, #tpu.memory_space<semaphore_mem>>) src(%dma_wait3A_526 : memref<10000x64xf32, #tpu.memory_space<hbm>>) dst(%dma_wait3A_520 : memref<80x64xf32, #tpu.memory_space<vmem>>)
      %add3A_527 = arith.constant 2 : i32
      %add3A_528 = arith.addi %mul3A_461, %add3A_527 : i32
      %dma_start3A_529 = arith.constant 2 : i32
      %dma_start3A_530 = arith.constant 0 : i32
      %dma_start3A_531 = arith.constant 0 : i32
      %dma_start3A_532 = tpu.memref_slice %arg7[%dma_start3A_529, %dma_start3A_530, %dma_start3A_531] : memref<12x80x64xf32, #tpu.memory_space<vmem>> -> memref<1x80x64xf32, #tpu.memory_space<vmem>>
      %dma_start3A_533 = tpu.memref_squeeze %dma_start3A_532 : memref<1x80x64xf32, #tpu.memory_space<vmem>> -> memref<80x64xf32, #tpu.memory_space<vmem>>
      %dma_start3A_534 = arith.constant 0 : i32
      %dma_start3A_535 = tpu.memref_slice %arg6[%add3A_528, %dma_start3A_534] : memref<125x80xi32, #tpu.memory_space<vmem>> -> memref<1x80xi32, #tpu.memory_space<vmem>>
      %dma_start3A_536 = tpu.memref_squeeze %dma_start3A_535 : memref<1x80xi32, #tpu.memory_space<vmem>> -> memref<80xi32, #tpu.memory_space<vmem>>
      %dma_start3A_537 = arith.constant 0 : i32
      %dma_start3A_538 = arith.constant 0 : i32
      %dma_start3A_539 = tpu.memref_slice %arg9[%dma_start3A_537, %dma_start3A_538] : memref<10112x64xf32, #tpu.memory_space<vmem_shared>> -> memref<10112x64xf32, #tpu.memory_space<vmem_shared>>
      tpu.enqueue_indirect_dma source(%dma_start3A_533 : memref<80x64xf32, #tpu.memory_space<vmem>>) target(%dma_start3A_539 : memref<10112x64xf32, #tpu.memory_space<vmem_shared>>) offsets(%dma_start3A_536 : memref<80xi32, #tpu.memory_space<vmem>>) semaphore(%arg24 : memref<!tpu.dma_semaphore, #tpu.memory_space<semaphore_mem>>) {add = true}
      %add3A_540 = arith.constant 3 : i32
      %add3A_541 = arith.addi %mul3A_461, %add3A_540 : i32
      %dma_wait3A_542 = arith.constant 3 : i32
      %dma_wait3A_543 = arith.constant 0 : i32
      %dma_wait3A_544 = arith.constant 0 : i32
      %dma_wait3A_545 = tpu.memref_slice %arg7[%dma_wait3A_542, %dma_wait3A_543, %dma_wait3A_544] : memref<12x80x64xf32, #tpu.memory_space<vmem>> -> memref<1x80x64xf32, #tpu.memory_space<vmem>>
      %dma_wait3A_546 = tpu.memref_squeeze %dma_wait3A_545 : memref<1x80x64xf32, #tpu.memory_space<vmem>> -> memref<80x64xf32, #tpu.memory_space<vmem>>
      %dma_wait3A_547 = arith.constant 0 : i32
      %dma_wait3A_548 = tpu.memref_slice %arg5[%add3A_541, %dma_wait3A_547] : memref<125x80xi32, #tpu.memory_space<vmem>> -> memref<1x80xi32, #tpu.memory_space<vmem>>
      %dma_wait3A_549 = tpu.memref_squeeze %dma_wait3A_548 : memref<1x80xi32, #tpu.memory_space<vmem>> -> memref<80xi32, #tpu.memory_space<vmem>>
      %dma_wait3A_550 = arith.constant 0 : i32
      %dma_wait3A_551 = arith.constant 0 : i32
      %dma_wait3A_552 = tpu.memref_slice %arg2[%dma_wait3A_550, %dma_wait3A_551] : memref<10000x64xf32, #tpu.memory_space<hbm>> -> memref<10000x64xf32, #tpu.memory_space<hbm>>
      tpu.wait_indirect_dma semaphore(%arg13 : memref<!tpu.dma_semaphore, #tpu.memory_space<semaphore_mem>>) src(%dma_wait3A_552 : memref<10000x64xf32, #tpu.memory_space<hbm>>) dst(%dma_wait3A_546 : memref<80x64xf32, #tpu.memory_space<vmem>>)
      %add3A_553 = arith.constant 3 : i32
      %add3A_554 = arith.addi %mul3A_461, %add3A_553 : i32
      %dma_start3A_555 = arith.constant 3 : i32
      %dma_start3A_556 = arith.constant 0 : i32
      %dma_start3A_557 = arith.constant 0 : i32
      %dma_start3A_558 = tpu.memref_slice %arg7[%dma_start3A_555, %dma_start3A_556, %dma_start3A_557] : memref<12x80x64xf32, #tpu.memory_space<vmem>> -> memref<1x80x64xf32, #tpu.memory_space<vmem>>
      %dma_start3A_559 = tpu.memref_squeeze %dma_start3A_558 : memref<1x80x64xf32, #tpu.memory_space<vmem>> -> memref<80x64xf32, #tpu.memory_space<vmem>>
      %dma_start3A_560 = arith.constant 0 : i32
      %dma_start3A_561 = tpu.memref_slice %arg6[%add3A_554, %dma_start3A_560] : memref<125x80xi32, #tpu.memory_space<vmem>> -> memref<1x80xi32, #tpu.memory_space<vmem>>
      %dma_start3A_562 = tpu.memref_squeeze %dma_start3A_561 : memref<1x80xi32, #tpu.memory_space<vmem>> -> memref<80xi32, #tpu.memory_space<vmem>>
      %dma_start3A_563 = arith.constant 0 : i32
      %dma_start3A_564 = arith.constant 0 : i32
      %dma_start3A_565 = tpu.memref_slice %arg9[%dma_start3A_563, %dma_start3A_564] : memref<10112x64xf32, #tpu.memory_space<vmem_shared>> -> memref<10112x64xf32, #tpu.memory_space<vmem_shared>>
      tpu.enqueue_indirect_dma source(%dma_start3A_559 : memref<80x64xf32, #tpu.memory_space<vmem>>) target(%dma_start3A_565 : memref<10112x64xf32, #tpu.memory_space<vmem_shared>>) offsets(%dma_start3A_562 : memref<80xi32, #tpu.memory_space<vmem>>) semaphore(%arg25 : memref<!tpu.dma_semaphore, #tpu.memory_space<semaphore_mem>>) {add = true}
      %add3A_566 = arith.constant 4 : i32
      %add3A_567 = arith.addi %mul3A_461, %add3A_566 : i32
      %dma_wait3A_568 = arith.constant 4 : i32
      %dma_wait3A_569 = arith.constant 0 : i32
      %dma_wait3A_570 = arith.constant 0 : i32
      %dma_wait3A_571 = tpu.memref_slice %arg7[%dma_wait3A_568, %dma_wait3A_569, %dma_wait3A_570] : memref<12x80x64xf32, #tpu.memory_space<vmem>> -> memref<1x80x64xf32, #tpu.memory_space<vmem>>
      %dma_wait3A_572 = tpu.memref_squeeze %dma_wait3A_571 : memref<1x80x64xf32, #tpu.memory_space<vmem>> -> memref<80x64xf32, #tpu.memory_space<vmem>>
      %dma_wait3A_573 = arith.constant 0 : i32
      %dma_wait3A_574 = tpu.memref_slice %arg5[%add3A_567, %dma_wait3A_573] : memref<125x80xi32, #tpu.memory_space<vmem>> -> memref<1x80xi32, #tpu.memory_space<vmem>>
      %dma_wait3A_575 = tpu.memref_squeeze %dma_wait3A_574 : memref<1x80xi32, #tpu.memory_space<vmem>> -> memref<80xi32, #tpu.memory_space<vmem>>
      %dma_wait3A_576 = arith.constant 0 : i32
      %dma_wait3A_577 = arith.constant 0 : i32
      %dma_wait3A_578 = tpu.memref_slice %arg2[%dma_wait3A_576, %dma_wait3A_577] : memref<10000x64xf32, #tpu.memory_space<hbm>> -> memref<10000x64xf32, #tpu.memory_space<hbm>>
      tpu.wait_indirect_dma semaphore(%arg14 : memref<!tpu.dma_semaphore, #tpu.memory_space<semaphore_mem>>) src(%dma_wait3A_578 : memref<10000x64xf32, #tpu.memory_space<hbm>>) dst(%dma_wait3A_572 : memref<80x64xf32, #tpu.memory_space<vmem>>)
      %add3A_579 = arith.constant 4 : i32
      %add3A_580 = arith.addi %mul3A_461, %add3A_579 : i32
      %dma_start3A_581 = arith.constant 4 : i32
      %dma_start3A_582 = arith.constant 0 : i32
      %dma_start3A_583 = arith.constant 0 : i32
      %dma_start3A_584 = tpu.memref_slice %arg7[%dma_start3A_581, %dma_start3A_582, %dma_start3A_583] : memref<12x80x64xf32, #tpu.memory_space<vmem>> -> memref<1x80x64xf32, #tpu.memory_space<vmem>>
      %dma_start3A_585 = tpu.memref_squeeze %dma_start3A_584 : memref<1x80x64xf32, #tpu.memory_space<vmem>> -> memref<80x64xf32, #tpu.memory_space<vmem>>
      %dma_start3A_586 = arith.constant 0 : i32
      %dma_start3A_587 = tpu.memref_slice %arg6[%add3A_580, %dma_start3A_586] : memref<125x80xi32, #tpu.memory_space<vmem>> -> memref<1x80xi32, #tpu.memory_space<vmem>>
      %dma_start3A_588 = tpu.memref_squeeze %dma_start3A_587 : memref<1x80xi32, #tpu.memory_space<vmem>> -> memref<80xi32, #tpu.memory_space<vmem>>
      %dma_start3A_589 = arith.constant 0 : i32
      %dma_start3A_590 = arith.constant 0 : i32
      %dma_start3A_591 = tpu.memref_slice %arg9[%dma_start3A_589, %dma_start3A_590] : memref<10112x64xf32, #tpu.memory_space<vmem_shared>> -> memref<10112x64xf32, #tpu.memory_space<vmem_shared>>
      tpu.enqueue_indirect_dma source(%dma_start3A_585 : memref<80x64xf32, #tpu.memory_space<vmem>>) target(%dma_start3A_591 : memref<10112x64xf32, #tpu.memory_space<vmem_shared>>) offsets(%dma_start3A_588 : memref<80xi32, #tpu.memory_space<vmem>>) semaphore(%arg26 : memref<!tpu.dma_semaphore, #tpu.memory_space<semaphore_mem>>) {add = true}
      %add3A_592 = arith.constant 5 : i32
      %add3A_593 = arith.addi %mul3A_461, %add3A_592 : i32
      %dma_wait3A_594 = arith.constant 5 : i32
      %dma_wait3A_595 = arith.constant 0 : i32
      %dma_wait3A_596 = arith.constant 0 : i32
      %dma_wait3A_597 = tpu.memref_slice %arg7[%dma_wait3A_594, %dma_wait3A_595, %dma_wait3A_596] : memref<12x80x64xf32, #tpu.memory_space<vmem>> -> memref<1x80x64xf32, #tpu.memory_space<vmem>>
      %dma_wait3A_598 = tpu.memref_squeeze %dma_wait3A_597 : memref<1x80x64xf32, #tpu.memory_space<vmem>> -> memref<80x64xf32, #tpu.memory_space<vmem>>
      %dma_wait3A_599 = arith.constant 0 : i32
      %dma_wait3A_600 = tpu.memref_slice %arg5[%add3A_593, %dma_wait3A_599] : memref<125x80xi32, #tpu.memory_space<vmem>> -> memref<1x80xi32, #tpu.memory_space<vmem>>
      %dma_wait3A_601 = tpu.memref_squeeze %dma_wait3A_600 : memref<1x80xi32, #tpu.memory_space<vmem>> -> memref<80xi32, #tpu.memory_space<vmem>>
      %dma_wait3A_602 = arith.constant 0 : i32
      %dma_wait3A_603 = arith.constant 0 : i32
      %dma_wait3A_604 = tpu.memref_slice %arg2[%dma_wait3A_602, %dma_wait3A_603] : memref<10000x64xf32, #tpu.memory_space<hbm>> -> memref<10000x64xf32, #tpu.memory_space<hbm>>
      tpu.wait_indirect_dma semaphore(%arg15 : memref<!tpu.dma_semaphore, #tpu.memory_space<semaphore_mem>>) src(%dma_wait3A_604 : memref<10000x64xf32, #tpu.memory_space<hbm>>) dst(%dma_wait3A_598 : memref<80x64xf32, #tpu.memory_space<vmem>>)
      %add3A_605 = arith.constant 5 : i32
      %add3A_606 = arith.addi %mul3A_461, %add3A_605 : i32
      %dma_start3A_607 = arith.constant 5 : i32
      %dma_start3A_608 = arith.constant 0 : i32
      %dma_start3A_609 = arith.constant 0 : i32
      %dma_start3A_610 = tpu.memref_slice %arg7[%dma_start3A_607, %dma_start3A_608, %dma_start3A_609] : memref<12x80x64xf32, #tpu.memory_space<vmem>> -> memref<1x80x64xf32, #tpu.memory_space<vmem>>
      %dma_start3A_611 = tpu.memref_squeeze %dma_start3A_610 : memref<1x80x64xf32, #tpu.memory_space<vmem>> -> memref<80x64xf32, #tpu.memory_space<vmem>>
      %dma_start3A_612 = arith.constant 0 : i32
      %dma_start3A_613 = tpu.memref_slice %arg6[%add3A_606, %dma_start3A_612] : memref<125x80xi32, #tpu.memory_space<vmem>> -> memref<1x80xi32, #tpu.memory_space<vmem>>
      %dma_start3A_614 = tpu.memref_squeeze %dma_start3A_613 : memref<1x80xi32, #tpu.memory_space<vmem>> -> memref<80xi32, #tpu.memory_space<vmem>>
      %dma_start3A_615 = arith.constant 0 : i32
      %dma_start3A_616 = arith.constant 0 : i32
      %dma_start3A_617 = tpu.memref_slice %arg9[%dma_start3A_615, %dma_start3A_616] : memref<10112x64xf32, #tpu.memory_space<vmem_shared>> -> memref<10112x64xf32, #tpu.memory_space<vmem_shared>>
      tpu.enqueue_indirect_dma source(%dma_start3A_611 : memref<80x64xf32, #tpu.memory_space<vmem>>) target(%dma_start3A_617 : memref<10112x64xf32, #tpu.memory_space<vmem_shared>>) offsets(%dma_start3A_614 : memref<80xi32, #tpu.memory_space<vmem>>) semaphore(%arg27 : memref<!tpu.dma_semaphore, #tpu.memory_space<semaphore_mem>>) {add = true}
      %add3A_618 = arith.constant 6 : i32
      %add3A_619 = arith.addi %mul3A_461, %add3A_618 : i32
      %dma_wait3A_620 = arith.constant 6 : i32
      %dma_wait3A_621 = arith.constant 0 : i32
      %dma_wait3A_622 = arith.constant 0 : i32
      %dma_wait3A_623 = tpu.memref_slice %arg7[%dma_wait3A_620, %dma_wait3A_621, %dma_wait3A_622] : memref<12x80x64xf32, #tpu.memory_space<vmem>> -> memref<1x80x64xf32, #tpu.memory_space<vmem>>
      %dma_wait3A_624 = tpu.memref_squeeze %dma_wait3A_623 : memref<1x80x64xf32, #tpu.memory_space<vmem>> -> memref<80x64xf32, #tpu.memory_space<vmem>>
      %dma_wait3A_625 = arith.constant 0 : i32
      %dma_wait3A_626 = tpu.memref_slice %arg5[%add3A_619, %dma_wait3A_625] : memref<125x80xi32, #tpu.memory_space<vmem>> -> memref<1x80xi32, #tpu.memory_space<vmem>>
      %dma_wait3A_627 = tpu.memref_squeeze %dma_wait3A_626 : memref<1x80xi32, #tpu.memory_space<vmem>> -> memref<80xi32, #tpu.memory_space<vmem>>
      %dma_wait3A_628 = arith.constant 0 : i32
      %dma_wait3A_629 = arith.constant 0 : i32
      %dma_wait3A_630 = tpu.memref_slice %arg2[%dma_wait3A_628, %dma_wait3A_629] : memref<10000x64xf32, #tpu.memory_space<hbm>> -> memref<10000x64xf32, #tpu.memory_space<hbm>>
      tpu.wait_indirect_dma semaphore(%arg16 : memref<!tpu.dma_semaphore, #tpu.memory_space<semaphore_mem>>) src(%dma_wait3A_630 : memref<10000x64xf32, #tpu.memory_space<hbm>>) dst(%dma_wait3A_624 : memref<80x64xf32, #tpu.memory_space<vmem>>)
      %add3A_631 = arith.constant 6 : i32
      %add3A_632 = arith.addi %mul3A_461, %add3A_631 : i32
      %dma_start3A_633 = arith.constant 6 : i32
      %dma_start3A_634 = arith.constant 0 : i32
      %dma_start3A_635 = arith.constant 0 : i32
      %dma_start3A_636 = tpu.memref_slice %arg7[%dma_start3A_633, %dma_start3A_634, %dma_start3A_635] : memref<12x80x64xf32, #tpu.memory_space<vmem>> -> memref<1x80x64xf32, #tpu.memory_space<vmem>>
      %dma_start3A_637 = tpu.memref_squeeze %dma_start3A_636 : memref<1x80x64xf32, #tpu.memory_space<vmem>> -> memref<80x64xf32, #tpu.memory_space<vmem>>
      %dma_start3A_638 = arith.constant 0 : i32
      %dma_start3A_639 = tpu.memref_slice %arg6[%add3A_632, %dma_start3A_638] : memref<125x80xi32, #tpu.memory_space<vmem>> -> memref<1x80xi32, #tpu.memory_space<vmem>>
      %dma_start3A_640 = tpu.memref_squeeze %dma_start3A_639 : memref<1x80xi32, #tpu.memory_space<vmem>> -> memref<80xi32, #tpu.memory_space<vmem>>
      %dma_start3A_641 = arith.constant 0 : i32
      %dma_start3A_642 = arith.constant 0 : i32
      %dma_start3A_643 = tpu.memref_slice %arg9[%dma_start3A_641, %dma_start3A_642] : memref<10112x64xf32, #tpu.memory_space<vmem_shared>> -> memref<10112x64xf32, #tpu.memory_space<vmem_shared>>
      tpu.enqueue_indirect_dma source(%dma_start3A_637 : memref<80x64xf32, #tpu.memory_space<vmem>>) target(%dma_start3A_643 : memref<10112x64xf32, #tpu.memory_space<vmem_shared>>) offsets(%dma_start3A_640 : memref<80xi32, #tpu.memory_space<vmem>>) semaphore(%arg28 : memref<!tpu.dma_semaphore, #tpu.memory_space<semaphore_mem>>) {add = true}
      %add3A_644 = arith.constant 7 : i32
      %add3A_645 = arith.addi %mul3A_461, %add3A_644 : i32
      %dma_wait3A_646 = arith.constant 7 : i32
      %dma_wait3A_647 = arith.constant 0 : i32
      %dma_wait3A_648 = arith.constant 0 : i32
      %dma_wait3A_649 = tpu.memref_slice %arg7[%dma_wait3A_646, %dma_wait3A_647, %dma_wait3A_648] : memref<12x80x64xf32, #tpu.memory_space<vmem>> -> memref<1x80x64xf32, #tpu.memory_space<vmem>>
      %dma_wait3A_650 = tpu.memref_squeeze %dma_wait3A_649 : memref<1x80x64xf32, #tpu.memory_space<vmem>> -> memref<80x64xf32, #tpu.memory_space<vmem>>
      %dma_wait3A_651 = arith.constant 0 : i32
      %dma_wait3A_652 = tpu.memref_slice %arg5[%add3A_645, %dma_wait3A_651] : memref<125x80xi32, #tpu.memory_space<vmem>> -> memref<1x80xi32, #tpu.memory_space<vmem>>
      %dma_wait3A_653 = tpu.memref_squeeze %dma_wait3A_652 : memref<1x80xi32, #tpu.memory_space<vmem>> -> memref<80xi32, #tpu.memory_space<vmem>>
      %dma_wait3A_654 = arith.constant 0 : i32
      %dma_wait3A_655 = arith.constant 0 : i32
      %dma_wait3A_656 = tpu.memref_slice %arg2[%dma_wait3A_654, %dma_wait3A_655] : memref<10000x64xf32, #tpu.memory_space<hbm>> -> memref<10000x64xf32, #tpu.memory_space<hbm>>
      tpu.wait_indirect_dma semaphore(%arg17 : memref<!tpu.dma_semaphore, #tpu.memory_space<semaphore_mem>>) src(%dma_wait3A_656 : memref<10000x64xf32, #tpu.memory_space<hbm>>) dst(%dma_wait3A_650 : memref<80x64xf32, #tpu.memory_space<vmem>>)
      %add3A_657 = arith.constant 7 : i32
      %add3A_658 = arith.addi %mul3A_461, %add3A_657 : i32
      %dma_start3A_659 = arith.constant 7 : i32
      %dma_start3A_660 = arith.constant 0 : i32
      %dma_start3A_661 = arith.constant 0 : i32
      %dma_start3A_662 = tpu.memref_slice %arg7[%dma_start3A_659, %dma_start3A_660, %dma_start3A_661] : memref<12x80x64xf32, #tpu.memory_space<vmem>> -> memref<1x80x64xf32, #tpu.memory_space<vmem>>
      %dma_start3A_663 = tpu.memref_squeeze %dma_start3A_662 : memref<1x80x64xf32, #tpu.memory_space<vmem>> -> memref<80x64xf32, #tpu.memory_space<vmem>>
      %dma_start3A_664 = arith.constant 0 : i32
      %dma_start3A_665 = tpu.memref_slice %arg6[%add3A_658, %dma_start3A_664] : memref<125x80xi32, #tpu.memory_space<vmem>> -> memref<1x80xi32, #tpu.memory_space<vmem>>
      %dma_start3A_666 = tpu.memref_squeeze %dma_start3A_665 : memref<1x80xi32, #tpu.memory_space<vmem>> -> memref<80xi32, #tpu.memory_space<vmem>>
      %dma_start3A_667 = arith.constant 0 : i32
      %dma_start3A_668 = arith.constant 0 : i32
      %dma_start3A_669 = tpu.memref_slice %arg9[%dma_start3A_667, %dma_start3A_668] : memref<10112x64xf32, #tpu.memory_space<vmem_shared>> -> memref<10112x64xf32, #tpu.memory_space<vmem_shared>>
      tpu.enqueue_indirect_dma source(%dma_start3A_663 : memref<80x64xf32, #tpu.memory_space<vmem>>) target(%dma_start3A_669 : memref<10112x64xf32, #tpu.memory_space<vmem_shared>>) offsets(%dma_start3A_666 : memref<80xi32, #tpu.memory_space<vmem>>) semaphore(%arg29 : memref<!tpu.dma_semaphore, #tpu.memory_space<semaphore_mem>>) {add = true}
      %add3A_670 = arith.constant 8 : i32
      %add3A_671 = arith.addi %mul3A_461, %add3A_670 : i32
      %dma_wait3A_672 = arith.constant 8 : i32
      %dma_wait3A_673 = arith.constant 0 : i32
      %dma_wait3A_674 = arith.constant 0 : i32
      %dma_wait3A_675 = tpu.memref_slice %arg7[%dma_wait3A_672, %dma_wait3A_673, %dma_wait3A_674] : memref<12x80x64xf32, #tpu.memory_space<vmem>> -> memref<1x80x64xf32, #tpu.memory_space<vmem>>
      %dma_wait3A_676 = tpu.memref_squeeze %dma_wait3A_675 : memref<1x80x64xf32, #tpu.memory_space<vmem>> -> memref<80x64xf32, #tpu.memory_space<vmem>>
      %dma_wait3A_677 = arith.constant 0 : i32
      %dma_wait3A_678 = tpu.memref_slice %arg5[%add3A_671, %dma_wait3A_677] : memref<125x80xi32, #tpu.memory_space<vmem>> -> memref<1x80xi32, #tpu.memory_space<vmem>>
      %dma_wait3A_679 = tpu.memref_squeeze %dma_wait3A_678 : memref<1x80xi32, #tpu.memory_space<vmem>> -> memref<80xi32, #tpu.memory_space<vmem>>
      %dma_wait3A_680 = arith.constant 0 : i32
      %dma_wait3A_681 = arith.constant 0 : i32
      %dma_wait3A_682 = tpu.memref_slice %arg2[%dma_wait3A_680, %dma_wait3A_681] : memref<10000x64xf32, #tpu.memory_space<hbm>> -> memref<10000x64xf32, #tpu.memory_space<hbm>>
      tpu.wait_indirect_dma semaphore(%arg18 : memref<!tpu.dma_semaphore, #tpu.memory_space<semaphore_mem>>) src(%dma_wait3A_682 : memref<10000x64xf32, #tpu.memory_space<hbm>>) dst(%dma_wait3A_676 : memref<80x64xf32, #tpu.memory_space<vmem>>)
      %add3A_683 = arith.constant 8 : i32
      %add3A_684 = arith.addi %mul3A_461, %add3A_683 : i32
      %dma_start3A_685 = arith.constant 8 : i32
      %dma_start3A_686 = arith.constant 0 : i32
      %dma_start3A_687 = arith.constant 0 : i32
      %dma_start3A_688 = tpu.memref_slice %arg7[%dma_start3A_685, %dma_start3A_686, %dma_start3A_687] : memref<12x80x64xf32, #tpu.memory_space<vmem>> -> memref<1x80x64xf32, #tpu.memory_space<vmem>>
      %dma_start3A_689 = tpu.memref_squeeze %dma_start3A_688 : memref<1x80x64xf32, #tpu.memory_space<vmem>> -> memref<80x64xf32, #tpu.memory_space<vmem>>
      %dma_start3A_690 = arith.constant 0 : i32
      %dma_start3A_691 = tpu.memref_slice %arg6[%add3A_684, %dma_start3A_690] : memref<125x80xi32, #tpu.memory_space<vmem>> -> memref<1x80xi32, #tpu.memory_space<vmem>>
      %dma_start3A_692 = tpu.memref_squeeze %dma_start3A_691 : memref<1x80xi32, #tpu.memory_space<vmem>> -> memref<80xi32, #tpu.memory_space<vmem>>
      %dma_start3A_693 = arith.constant 0 : i32
      %dma_start3A_694 = arith.constant 0 : i32
      %dma_start3A_695 = tpu.memref_slice %arg9[%dma_start3A_693, %dma_start3A_694] : memref<10112x64xf32, #tpu.memory_space<vmem_shared>> -> memref<10112x64xf32, #tpu.memory_space<vmem_shared>>
      tpu.enqueue_indirect_dma source(%dma_start3A_689 : memref<80x64xf32, #tpu.memory_space<vmem>>) target(%dma_start3A_695 : memref<10112x64xf32, #tpu.memory_space<vmem_shared>>) offsets(%dma_start3A_692 : memref<80xi32, #tpu.memory_space<vmem>>) semaphore(%arg30 : memref<!tpu.dma_semaphore, #tpu.memory_space<semaphore_mem>>) {add = true}
      %add3A_696 = arith.constant 9 : i32
      %add3A_697 = arith.addi %mul3A_461, %add3A_696 : i32
      %dma_wait3A_698 = arith.constant 9 : i32
      %dma_wait3A_699 = arith.constant 0 : i32
      %dma_wait3A_700 = arith.constant 0 : i32
      %dma_wait3A_701 = tpu.memref_slice %arg7[%dma_wait3A_698, %dma_wait3A_699, %dma_wait3A_700] : memref<12x80x64xf32, #tpu.memory_space<vmem>> -> memref<1x80x64xf32, #tpu.memory_space<vmem>>
      %dma_wait3A_702 = tpu.memref_squeeze %dma_wait3A_701 : memref<1x80x64xf32, #tpu.memory_space<vmem>> -> memref<80x64xf32, #tpu.memory_space<vmem>>
      %dma_wait3A_703 = arith.constant 0 : i32
      %dma_wait3A_704 = tpu.memref_slice %arg5[%add3A_697, %dma_wait3A_703] : memref<125x80xi32, #tpu.memory_space<vmem>> -> memref<1x80xi32, #tpu.memory_space<vmem>>
      %dma_wait3A_705 = tpu.memref_squeeze %dma_wait3A_704 : memref<1x80xi32, #tpu.memory_space<vmem>> -> memref<80xi32, #tpu.memory_space<vmem>>
      %dma_wait3A_706 = arith.constant 0 : i32
      %dma_wait3A_707 = arith.constant 0 : i32
      %dma_wait3A_708 = tpu.memref_slice %arg2[%dma_wait3A_706, %dma_wait3A_707] : memref<10000x64xf32, #tpu.memory_space<hbm>> -> memref<10000x64xf32, #tpu.memory_space<hbm>>
      tpu.wait_indirect_dma semaphore(%arg19 : memref<!tpu.dma_semaphore, #tpu.memory_space<semaphore_mem>>) src(%dma_wait3A_708 : memref<10000x64xf32, #tpu.memory_space<hbm>>) dst(%dma_wait3A_702 : memref<80x64xf32, #tpu.memory_space<vmem>>)
      %add3A_709 = arith.constant 9 : i32
      %add3A_710 = arith.addi %mul3A_461, %add3A_709 : i32
      %dma_start3A_711 = arith.constant 9 : i32
      %dma_start3A_712 = arith.constant 0 : i32
      %dma_start3A_713 = arith.constant 0 : i32
      %dma_start3A_714 = tpu.memref_slice %arg7[%dma_start3A_711, %dma_start3A_712, %dma_start3A_713] : memref<12x80x64xf32, #tpu.memory_space<vmem>> -> memref<1x80x64xf32, #tpu.memory_space<vmem>>
      %dma_start3A_715 = tpu.memref_squeeze %dma_start3A_714 : memref<1x80x64xf32, #tpu.memory_space<vmem>> -> memref<80x64xf32, #tpu.memory_space<vmem>>
      %dma_start3A_716 = arith.constant 0 : i32
      %dma_start3A_717 = tpu.memref_slice %arg6[%add3A_710, %dma_start3A_716] : memref<125x80xi32, #tpu.memory_space<vmem>> -> memref<1x80xi32, #tpu.memory_space<vmem>>
      %dma_start3A_718 = tpu.memref_squeeze %dma_start3A_717 : memref<1x80xi32, #tpu.memory_space<vmem>> -> memref<80xi32, #tpu.memory_space<vmem>>
      %dma_start3A_719 = arith.constant 0 : i32
      %dma_start3A_720 = arith.constant 0 : i32
      %dma_start3A_721 = tpu.memref_slice %arg9[%dma_start3A_719, %dma_start3A_720] : memref<10112x64xf32, #tpu.memory_space<vmem_shared>> -> memref<10112x64xf32, #tpu.memory_space<vmem_shared>>
      tpu.enqueue_indirect_dma source(%dma_start3A_715 : memref<80x64xf32, #tpu.memory_space<vmem>>) target(%dma_start3A_721 : memref<10112x64xf32, #tpu.memory_space<vmem_shared>>) offsets(%dma_start3A_718 : memref<80xi32, #tpu.memory_space<vmem>>) semaphore(%arg31 : memref<!tpu.dma_semaphore, #tpu.memory_space<semaphore_mem>>) {add = true}
      %add3A_722 = arith.constant 10 : i32
      %add3A_723 = arith.addi %mul3A_461, %add3A_722 : i32
      %dma_wait3A_724 = arith.constant 10 : i32
      %dma_wait3A_725 = arith.constant 0 : i32
      %dma_wait3A_726 = arith.constant 0 : i32
      %dma_wait3A_727 = tpu.memref_slice %arg7[%dma_wait3A_724, %dma_wait3A_725, %dma_wait3A_726] : memref<12x80x64xf32, #tpu.memory_space<vmem>> -> memref<1x80x64xf32, #tpu.memory_space<vmem>>
      %dma_wait3A_728 = tpu.memref_squeeze %dma_wait3A_727 : memref<1x80x64xf32, #tpu.memory_space<vmem>> -> memref<80x64xf32, #tpu.memory_space<vmem>>
      %dma_wait3A_729 = arith.constant 0 : i32
      %dma_wait3A_730 = tpu.memref_slice %arg5[%add3A_723, %dma_wait3A_729] : memref<125x80xi32, #tpu.memory_space<vmem>> -> memref<1x80xi32, #tpu.memory_space<vmem>>
      %dma_wait3A_731 = tpu.memref_squeeze %dma_wait3A_730 : memref<1x80xi32, #tpu.memory_space<vmem>> -> memref<80xi32, #tpu.memory_space<vmem>>
      %dma_wait3A_732 = arith.constant 0 : i32
      %dma_wait3A_733 = arith.constant 0 : i32
      %dma_wait3A_734 = tpu.memref_slice %arg2[%dma_wait3A_732, %dma_wait3A_733] : memref<10000x64xf32, #tpu.memory_space<hbm>> -> memref<10000x64xf32, #tpu.memory_space<hbm>>
      tpu.wait_indirect_dma semaphore(%arg20 : memref<!tpu.dma_semaphore, #tpu.memory_space<semaphore_mem>>) src(%dma_wait3A_734 : memref<10000x64xf32, #tpu.memory_space<hbm>>) dst(%dma_wait3A_728 : memref<80x64xf32, #tpu.memory_space<vmem>>)
      %add3A_735 = arith.constant 10 : i32
      %add3A_736 = arith.addi %mul3A_461, %add3A_735 : i32
      %dma_start3A_737 = arith.constant 10 : i32
      %dma_start3A_738 = arith.constant 0 : i32
      %dma_start3A_739 = arith.constant 0 : i32
      %dma_start3A_740 = tpu.memref_slice %arg7[%dma_start3A_737, %dma_start3A_738, %dma_start3A_739] : memref<12x80x64xf32, #tpu.memory_space<vmem>> -> memref<1x80x64xf32, #tpu.memory_space<vmem>>
      %dma_start3A_741 = tpu.memref_squeeze %dma_start3A_740 : memref<1x80x64xf32, #tpu.memory_space<vmem>> -> memref<80x64xf32, #tpu.memory_space<vmem>>
      %dma_start3A_742 = arith.constant 0 : i32
      %dma_start3A_743 = tpu.memref_slice %arg6[%add3A_736, %dma_start3A_742] : memref<125x80xi32, #tpu.memory_space<vmem>> -> memref<1x80xi32, #tpu.memory_space<vmem>>
      %dma_start3A_744 = tpu.memref_squeeze %dma_start3A_743 : memref<1x80xi32, #tpu.memory_space<vmem>> -> memref<80xi32, #tpu.memory_space<vmem>>
      %dma_start3A_745 = arith.constant 0 : i32
      %dma_start3A_746 = arith.constant 0 : i32
      %dma_start3A_747 = tpu.memref_slice %arg9[%dma_start3A_745, %dma_start3A_746] : memref<10112x64xf32, #tpu.memory_space<vmem_shared>> -> memref<10112x64xf32, #tpu.memory_space<vmem_shared>>
      tpu.enqueue_indirect_dma source(%dma_start3A_741 : memref<80x64xf32, #tpu.memory_space<vmem>>) target(%dma_start3A_747 : memref<10112x64xf32, #tpu.memory_space<vmem_shared>>) offsets(%dma_start3A_744 : memref<80xi32, #tpu.memory_space<vmem>>) semaphore(%arg32 : memref<!tpu.dma_semaphore, #tpu.memory_space<semaphore_mem>>) {add = true}
      %add3A_748 = arith.constant 11 : i32
      %add3A_749 = arith.addi %mul3A_461, %add3A_748 : i32
      %dma_wait3A_750 = arith.constant 11 : i32
      %dma_wait3A_751 = arith.constant 0 : i32
      %dma_wait3A_752 = arith.constant 0 : i32
      %dma_wait3A_753 = tpu.memref_slice %arg7[%dma_wait3A_750, %dma_wait3A_751, %dma_wait3A_752] : memref<12x80x64xf32, #tpu.memory_space<vmem>> -> memref<1x80x64xf32, #tpu.memory_space<vmem>>
      %dma_wait3A_754 = tpu.memref_squeeze %dma_wait3A_753 : memref<1x80x64xf32, #tpu.memory_space<vmem>> -> memref<80x64xf32, #tpu.memory_space<vmem>>
      %dma_wait3A_755 = arith.constant 0 : i32
      %dma_wait3A_756 = tpu.memref_slice %arg5[%add3A_749, %dma_wait3A_755] : memref<125x80xi32, #tpu.memory_space<vmem>> -> memref<1x80xi32, #tpu.memory_space<vmem>>
      %dma_wait3A_757 = tpu.memref_squeeze %dma_wait3A_756 : memref<1x80xi32, #tpu.memory_space<vmem>> -> memref<80xi32, #tpu.memory_space<vmem>>
      %dma_wait3A_758 = arith.constant 0 : i32
      %dma_wait3A_759 = arith.constant 0 : i32
      %dma_wait3A_760 = tpu.memref_slice %arg2[%dma_wait3A_758, %dma_wait3A_759] : memref<10000x64xf32, #tpu.memory_space<hbm>> -> memref<10000x64xf32, #tpu.memory_space<hbm>>
      tpu.wait_indirect_dma semaphore(%arg21 : memref<!tpu.dma_semaphore, #tpu.memory_space<semaphore_mem>>) src(%dma_wait3A_760 : memref<10000x64xf32, #tpu.memory_space<hbm>>) dst(%dma_wait3A_754 : memref<80x64xf32, #tpu.memory_space<vmem>>)
      %add3A_761 = arith.constant 11 : i32
      %add3A_762 = arith.addi %mul3A_461, %add3A_761 : i32
      %dma_start3A_763 = arith.constant 11 : i32
      %dma_start3A_764 = arith.constant 0 : i32
      %dma_start3A_765 = arith.constant 0 : i32
      %dma_start3A_766 = tpu.memref_slice %arg7[%dma_start3A_763, %dma_start3A_764, %dma_start3A_765] : memref<12x80x64xf32, #tpu.memory_space<vmem>> -> memref<1x80x64xf32, #tpu.memory_space<vmem>>
      %dma_start3A_767 = tpu.memref_squeeze %dma_start3A_766 : memref<1x80x64xf32, #tpu.memory_space<vmem>> -> memref<80x64xf32, #tpu.memory_space<vmem>>
      %dma_start3A_768 = arith.constant 0 : i32
      %dma_start3A_769 = tpu.memref_slice %arg6[%add3A_762, %dma_start3A_768] : memref<125x80xi32, #tpu.memory_space<vmem>> -> memref<1x80xi32, #tpu.memory_space<vmem>>
      %dma_start3A_770 = tpu.memref_squeeze %dma_start3A_769 : memref<1x80xi32, #tpu.memory_space<vmem>> -> memref<80xi32, #tpu.memory_space<vmem>>
      %dma_start3A_771 = arith.constant 0 : i32
      %dma_start3A_772 = arith.constant 0 : i32
      %dma_start3A_773 = tpu.memref_slice %arg9[%dma_start3A_771, %dma_start3A_772] : memref<10112x64xf32, #tpu.memory_space<vmem_shared>> -> memref<10112x64xf32, #tpu.memory_space<vmem_shared>>
      tpu.enqueue_indirect_dma source(%dma_start3A_767 : memref<80x64xf32, #tpu.memory_space<vmem>>) target(%dma_start3A_773 : memref<10112x64xf32, #tpu.memory_space<vmem_shared>>) offsets(%dma_start3A_770 : memref<80xi32, #tpu.memory_space<vmem>>) semaphore(%arg33 : memref<!tpu.dma_semaphore, #tpu.memory_space<semaphore_mem>>) {add = true}
      %add3A_774 = arith.constant 0 : i32
      %add3A_775 = arith.addi %mul3A_461, %add3A_774 : i32
      %add3A_776 = arith.constant 12 : i32
      %add3A_777 = arith.addi %add3A_775, %add3A_776 : i32
      %lt3A = arith.constant 125 : i32
      %lt3A_778 = arith.cmpi slt, %add3A_777, %lt3A : i32
      %convert_element_type3A = arith.extui %lt3A_778 : i1 to i32
      %cond3A = arith.constant 0 : i32
      %cond3A_779 = arith.cmpi ne, %convert_element_type3A, %cond3A : i32
      scf.if %cond3A_779 {
        %dma_wait3A_880 = arith.constant 0 : i32
        %dma_wait3A_881 = arith.constant 0 : i32
        %dma_wait3A_882 = arith.constant 0 : i32
        %dma_wait3A_883 = tpu.memref_slice %arg7[%dma_wait3A_880, %dma_wait3A_881, %dma_wait3A_882] : memref<12x80x64xf32, #tpu.memory_space<vmem>> -> memref<1x80x64xf32, #tpu.memory_space<vmem>>
        %dma_wait3A_884 = tpu.memref_squeeze %dma_wait3A_883 : memref<1x80x64xf32, #tpu.memory_space<vmem>> -> memref<80x64xf32, #tpu.memory_space<vmem>>
        %dma_wait3A_885 = arith.constant 0 : i32
        %dma_wait3A_886 = tpu.memref_slice %arg6[%add3A_775, %dma_wait3A_885] : memref<125x80xi32, #tpu.memory_space<vmem>> -> memref<1x80xi32, #tpu.memory_space<vmem>>
        %dma_wait3A_887 = tpu.memref_squeeze %dma_wait3A_886 : memref<1x80xi32, #tpu.memory_space<vmem>> -> memref<80xi32, #tpu.memory_space<vmem>>
        %dma_wait3A_888 = arith.constant 0 : i32
        %dma_wait3A_889 = arith.constant 0 : i32
        %dma_wait3A_890 = tpu.memref_slice %arg9[%dma_wait3A_888, %dma_wait3A_889] : memref<10112x64xf32, #tpu.memory_space<vmem_shared>> -> memref<10112x64xf32, #tpu.memory_space<vmem_shared>>
        tpu.wait_indirect_dma semaphore(%arg22 : memref<!tpu.dma_semaphore, #tpu.memory_space<semaphore_mem>>) src(%dma_wait3A_884 : memref<80x64xf32, #tpu.memory_space<vmem>>) dst(%dma_wait3A_890 : memref<10112x64xf32, #tpu.memory_space<vmem_shared>>)
        %add3A_891 = arith.constant 12 : i32
        %add3A_892 = arith.addi %add3A_775, %add3A_891 : i32
        %dma_start3A_893 = arith.constant 0 : i32
        %dma_start3A_894 = arith.constant 0 : i32
        %dma_start3A_895 = arith.constant 0 : i32
        %dma_start3A_896 = tpu.memref_slice %arg7[%dma_start3A_893, %dma_start3A_894, %dma_start3A_895] : memref<12x80x64xf32, #tpu.memory_space<vmem>> -> memref<1x80x64xf32, #tpu.memory_space<vmem>>
        %dma_start3A_897 = tpu.memref_squeeze %dma_start3A_896 : memref<1x80x64xf32, #tpu.memory_space<vmem>> -> memref<80x64xf32, #tpu.memory_space<vmem>>
        %dma_start3A_898 = arith.constant 0 : i32
        %dma_start3A_899 = tpu.memref_slice %arg5[%add3A_892, %dma_start3A_898] : memref<125x80xi32, #tpu.memory_space<vmem>> -> memref<1x80xi32, #tpu.memory_space<vmem>>
        %dma_start3A_900 = tpu.memref_squeeze %dma_start3A_899 : memref<1x80xi32, #tpu.memory_space<vmem>> -> memref<80xi32, #tpu.memory_space<vmem>>
        %dma_start3A_901 = arith.constant 0 : i32
        %dma_start3A_902 = arith.constant 0 : i32
        %dma_start3A_903 = tpu.memref_slice %arg2[%dma_start3A_901, %dma_start3A_902] : memref<10000x64xf32, #tpu.memory_space<hbm>> -> memref<10000x64xf32, #tpu.memory_space<hbm>>
        tpu.enqueue_indirect_dma source(%dma_start3A_903 : memref<10000x64xf32, #tpu.memory_space<hbm>>) target(%dma_start3A_897 : memref<80x64xf32, #tpu.memory_space<vmem>>) offsets(%dma_start3A_900 : memref<80xi32, #tpu.memory_space<vmem>>) semaphore(%arg10 : memref<!tpu.dma_semaphore, #tpu.memory_space<semaphore_mem>>)
      } else {
      }
      %add3A_780 = arith.constant 1 : i32
      %add3A_781 = arith.addi %mul3A_461, %add3A_780 : i32
      %add3A_782 = arith.constant 12 : i32
      %add3A_783 = arith.addi %add3A_781, %add3A_782 : i32
      %lt3A_784 = arith.constant 125 : i32
      %lt3A_785 = arith.cmpi slt, %add3A_783, %lt3A_784 : i32
      %convert_element_type3A_786 = arith.extui %lt3A_785 : i1 to i32
      %cond3A_787 = arith.constant 0 : i32
      %cond3A_788 = arith.cmpi ne, %convert_element_type3A_786, %cond3A_787 : i32
      scf.if %cond3A_788 {
        %dma_wait3A_880 = arith.constant 1 : i32
        %dma_wait3A_881 = arith.constant 0 : i32
        %dma_wait3A_882 = arith.constant 0 : i32
        %dma_wait3A_883 = tpu.memref_slice %arg7[%dma_wait3A_880, %dma_wait3A_881, %dma_wait3A_882] : memref<12x80x64xf32, #tpu.memory_space<vmem>> -> memref<1x80x64xf32, #tpu.memory_space<vmem>>
        %dma_wait3A_884 = tpu.memref_squeeze %dma_wait3A_883 : memref<1x80x64xf32, #tpu.memory_space<vmem>> -> memref<80x64xf32, #tpu.memory_space<vmem>>
        %dma_wait3A_885 = arith.constant 0 : i32
        %dma_wait3A_886 = tpu.memref_slice %arg6[%add3A_781, %dma_wait3A_885] : memref<125x80xi32, #tpu.memory_space<vmem>> -> memref<1x80xi32, #tpu.memory_space<vmem>>
        %dma_wait3A_887 = tpu.memref_squeeze %dma_wait3A_886 : memref<1x80xi32, #tpu.memory_space<vmem>> -> memref<80xi32, #tpu.memory_space<vmem>>
        %dma_wait3A_888 = arith.constant 0 : i32
        %dma_wait3A_889 = arith.constant 0 : i32
        %dma_wait3A_890 = tpu.memref_slice %arg9[%dma_wait3A_888, %dma_wait3A_889] : memref<10112x64xf32, #tpu.memory_space<vmem_shared>> -> memref<10112x64xf32, #tpu.memory_space<vmem_shared>>
        tpu.wait_indirect_dma semaphore(%arg23 : memref<!tpu.dma_semaphore, #tpu.memory_space<semaphore_mem>>) src(%dma_wait3A_884 : memref<80x64xf32, #tpu.memory_space<vmem>>) dst(%dma_wait3A_890 : memref<10112x64xf32, #tpu.memory_space<vmem_shared>>)
        %add3A_891 = arith.constant 12 : i32
        %add3A_892 = arith.addi %add3A_781, %add3A_891 : i32
        %dma_start3A_893 = arith.constant 1 : i32
        %dma_start3A_894 = arith.constant 0 : i32
        %dma_start3A_895 = arith.constant 0 : i32
        %dma_start3A_896 = tpu.memref_slice %arg7[%dma_start3A_893, %dma_start3A_894, %dma_start3A_895] : memref<12x80x64xf32, #tpu.memory_space<vmem>> -> memref<1x80x64xf32, #tpu.memory_space<vmem>>
        %dma_start3A_897 = tpu.memref_squeeze %dma_start3A_896 : memref<1x80x64xf32, #tpu.memory_space<vmem>> -> memref<80x64xf32, #tpu.memory_space<vmem>>
        %dma_start3A_898 = arith.constant 0 : i32
        %dma_start3A_899 = tpu.memref_slice %arg5[%add3A_892, %dma_start3A_898] : memref<125x80xi32, #tpu.memory_space<vmem>> -> memref<1x80xi32, #tpu.memory_space<vmem>>
        %dma_start3A_900 = tpu.memref_squeeze %dma_start3A_899 : memref<1x80xi32, #tpu.memory_space<vmem>> -> memref<80xi32, #tpu.memory_space<vmem>>
        %dma_start3A_901 = arith.constant 0 : i32
        %dma_start3A_902 = arith.constant 0 : i32
        %dma_start3A_903 = tpu.memref_slice %arg2[%dma_start3A_901, %dma_start3A_902] : memref<10000x64xf32, #tpu.memory_space<hbm>> -> memref<10000x64xf32, #tpu.memory_space<hbm>>
        tpu.enqueue_indirect_dma source(%dma_start3A_903 : memref<10000x64xf32, #tpu.memory_space<hbm>>) target(%dma_start3A_897 : memref<80x64xf32, #tpu.memory_space<vmem>>) offsets(%dma_start3A_900 : memref<80xi32, #tpu.memory_space<vmem>>) semaphore(%arg11 : memref<!tpu.dma_semaphore, #tpu.memory_space<semaphore_mem>>)
      } else {
      }
      %add3A_789 = arith.constant 2 : i32
      %add3A_790 = arith.addi %mul3A_461, %add3A_789 : i32
      %add3A_791 = arith.constant 12 : i32
      %add3A_792 = arith.addi %add3A_790, %add3A_791 : i32
      %lt3A_793 = arith.constant 125 : i32
      %lt3A_794 = arith.cmpi slt, %add3A_792, %lt3A_793 : i32
      %convert_element_type3A_795 = arith.extui %lt3A_794 : i1 to i32
      %cond3A_796 = arith.constant 0 : i32
      %cond3A_797 = arith.cmpi ne, %convert_element_type3A_795, %cond3A_796 : i32
      scf.if %cond3A_797 {
        %dma_wait3A_880 = arith.constant 2 : i32
        %dma_wait3A_881 = arith.constant 0 : i32
        %dma_wait3A_882 = arith.constant 0 : i32
        %dma_wait3A_883 = tpu.memref_slice %arg7[%dma_wait3A_880, %dma_wait3A_881, %dma_wait3A_882] : memref<12x80x64xf32, #tpu.memory_space<vmem>> -> memref<1x80x64xf32, #tpu.memory_space<vmem>>
        %dma_wait3A_884 = tpu.memref_squeeze %dma_wait3A_883 : memref<1x80x64xf32, #tpu.memory_space<vmem>> -> memref<80x64xf32, #tpu.memory_space<vmem>>
        %dma_wait3A_885 = arith.constant 0 : i32
        %dma_wait3A_886 = tpu.memref_slice %arg6[%add3A_790, %dma_wait3A_885] : memref<125x80xi32, #tpu.memory_space<vmem>> -> memref<1x80xi32, #tpu.memory_space<vmem>>
        %dma_wait3A_887 = tpu.memref_squeeze %dma_wait3A_886 : memref<1x80xi32, #tpu.memory_space<vmem>> -> memref<80xi32, #tpu.memory_space<vmem>>
        %dma_wait3A_888 = arith.constant 0 : i32
        %dma_wait3A_889 = arith.constant 0 : i32
        %dma_wait3A_890 = tpu.memref_slice %arg9[%dma_wait3A_888, %dma_wait3A_889] : memref<10112x64xf32, #tpu.memory_space<vmem_shared>> -> memref<10112x64xf32, #tpu.memory_space<vmem_shared>>
        tpu.wait_indirect_dma semaphore(%arg24 : memref<!tpu.dma_semaphore, #tpu.memory_space<semaphore_mem>>) src(%dma_wait3A_884 : memref<80x64xf32, #tpu.memory_space<vmem>>) dst(%dma_wait3A_890 : memref<10112x64xf32, #tpu.memory_space<vmem_shared>>)
        %add3A_891 = arith.constant 12 : i32
        %add3A_892 = arith.addi %add3A_790, %add3A_891 : i32
        %dma_start3A_893 = arith.constant 2 : i32
        %dma_start3A_894 = arith.constant 0 : i32
        %dma_start3A_895 = arith.constant 0 : i32
        %dma_start3A_896 = tpu.memref_slice %arg7[%dma_start3A_893, %dma_start3A_894, %dma_start3A_895] : memref<12x80x64xf32, #tpu.memory_space<vmem>> -> memref<1x80x64xf32, #tpu.memory_space<vmem>>
        %dma_start3A_897 = tpu.memref_squeeze %dma_start3A_896 : memref<1x80x64xf32, #tpu.memory_space<vmem>> -> memref<80x64xf32, #tpu.memory_space<vmem>>
        %dma_start3A_898 = arith.constant 0 : i32
        %dma_start3A_899 = tpu.memref_slice %arg5[%add3A_892, %dma_start3A_898] : memref<125x80xi32, #tpu.memory_space<vmem>> -> memref<1x80xi32, #tpu.memory_space<vmem>>
        %dma_start3A_900 = tpu.memref_squeeze %dma_start3A_899 : memref<1x80xi32, #tpu.memory_space<vmem>> -> memref<80xi32, #tpu.memory_space<vmem>>
        %dma_start3A_901 = arith.constant 0 : i32
        %dma_start3A_902 = arith.constant 0 : i32
        %dma_start3A_903 = tpu.memref_slice %arg2[%dma_start3A_901, %dma_start3A_902] : memref<10000x64xf32, #tpu.memory_space<hbm>> -> memref<10000x64xf32, #tpu.memory_space<hbm>>
        tpu.enqueue_indirect_dma source(%dma_start3A_903 : memref<10000x64xf32, #tpu.memory_space<hbm>>) target(%dma_start3A_897 : memref<80x64xf32, #tpu.memory_space<vmem>>) offsets(%dma_start3A_900 : memref<80xi32, #tpu.memory_space<vmem>>) semaphore(%arg12 : memref<!tpu.dma_semaphore, #tpu.memory_space<semaphore_mem>>)
      } else {
      }
      %add3A_798 = arith.constant 3 : i32
      %add3A_799 = arith.addi %mul3A_461, %add3A_798 : i32
      %add3A_800 = arith.constant 12 : i32
      %add3A_801 = arith.addi %add3A_799, %add3A_800 : i32
      %lt3A_802 = arith.constant 125 : i32
      %lt3A_803 = arith.cmpi slt, %add3A_801, %lt3A_802 : i32
      %convert_element_type3A_804 = arith.extui %lt3A_803 : i1 to i32
      %cond3A_805 = arith.constant 0 : i32
      %cond3A_806 = arith.cmpi ne, %convert_element_type3A_804, %cond3A_805 : i32
      scf.if %cond3A_806 {
        %dma_wait3A_880 = arith.constant 3 : i32
        %dma_wait3A_881 = arith.constant 0 : i32
        %dma_wait3A_882 = arith.constant 0 : i32
        %dma_wait3A_883 = tpu.memref_slice %arg7[%dma_wait3A_880, %dma_wait3A_881, %dma_wait3A_882] : memref<12x80x64xf32, #tpu.memory_space<vmem>> -> memref<1x80x64xf32, #tpu.memory_space<vmem>>
        %dma_wait3A_884 = tpu.memref_squeeze %dma_wait3A_883 : memref<1x80x64xf32, #tpu.memory_space<vmem>> -> memref<80x64xf32, #tpu.memory_space<vmem>>
        %dma_wait3A_885 = arith.constant 0 : i32
        %dma_wait3A_886 = tpu.memref_slice %arg6[%add3A_799, %dma_wait3A_885] : memref<125x80xi32, #tpu.memory_space<vmem>> -> memref<1x80xi32, #tpu.memory_space<vmem>>
        %dma_wait3A_887 = tpu.memref_squeeze %dma_wait3A_886 : memref<1x80xi32, #tpu.memory_space<vmem>> -> memref<80xi32, #tpu.memory_space<vmem>>
        %dma_wait3A_888 = arith.constant 0 : i32
        %dma_wait3A_889 = arith.constant 0 : i32
        %dma_wait3A_890 = tpu.memref_slice %arg9[%dma_wait3A_888, %dma_wait3A_889] : memref<10112x64xf32, #tpu.memory_space<vmem_shared>> -> memref<10112x64xf32, #tpu.memory_space<vmem_shared>>
        tpu.wait_indirect_dma semaphore(%arg25 : memref<!tpu.dma_semaphore, #tpu.memory_space<semaphore_mem>>) src(%dma_wait3A_884 : memref<80x64xf32, #tpu.memory_space<vmem>>) dst(%dma_wait3A_890 : memref<10112x64xf32, #tpu.memory_space<vmem_shared>>)
        %add3A_891 = arith.constant 12 : i32
        %add3A_892 = arith.addi %add3A_799, %add3A_891 : i32
        %dma_start3A_893 = arith.constant 3 : i32
        %dma_start3A_894 = arith.constant 0 : i32
        %dma_start3A_895 = arith.constant 0 : i32
        %dma_start3A_896 = tpu.memref_slice %arg7[%dma_start3A_893, %dma_start3A_894, %dma_start3A_895] : memref<12x80x64xf32, #tpu.memory_space<vmem>> -> memref<1x80x64xf32, #tpu.memory_space<vmem>>
        %dma_start3A_897 = tpu.memref_squeeze %dma_start3A_896 : memref<1x80x64xf32, #tpu.memory_space<vmem>> -> memref<80x64xf32, #tpu.memory_space<vmem>>
        %dma_start3A_898 = arith.constant 0 : i32
        %dma_start3A_899 = tpu.memref_slice %arg5[%add3A_892, %dma_start3A_898] : memref<125x80xi32, #tpu.memory_space<vmem>> -> memref<1x80xi32, #tpu.memory_space<vmem>>
        %dma_start3A_900 = tpu.memref_squeeze %dma_start3A_899 : memref<1x80xi32, #tpu.memory_space<vmem>> -> memref<80xi32, #tpu.memory_space<vmem>>
        %dma_start3A_901 = arith.constant 0 : i32
        %dma_start3A_902 = arith.constant 0 : i32
        %dma_start3A_903 = tpu.memref_slice %arg2[%dma_start3A_901, %dma_start3A_902] : memref<10000x64xf32, #tpu.memory_space<hbm>> -> memref<10000x64xf32, #tpu.memory_space<hbm>>
        tpu.enqueue_indirect_dma source(%dma_start3A_903 : memref<10000x64xf32, #tpu.memory_space<hbm>>) target(%dma_start3A_897 : memref<80x64xf32, #tpu.memory_space<vmem>>) offsets(%dma_start3A_900 : memref<80xi32, #tpu.memory_space<vmem>>) semaphore(%arg13 : memref<!tpu.dma_semaphore, #tpu.memory_space<semaphore_mem>>)
      } else {
      }
      %add3A_807 = arith.constant 4 : i32
      %add3A_808 = arith.addi %mul3A_461, %add3A_807 : i32
      %add3A_809 = arith.constant 12 : i32
      %add3A_810 = arith.addi %add3A_808, %add3A_809 : i32
      %lt3A_811 = arith.constant 125 : i32
      %lt3A_812 = arith.cmpi slt, %add3A_810, %lt3A_811 : i32
      %convert_element_type3A_813 = arith.extui %lt3A_812 : i1 to i32
      %cond3A_814 = arith.constant 0 : i32
      %cond3A_815 = arith.cmpi ne, %convert_element_type3A_813, %cond3A_814 : i32
      scf.if %cond3A_815 {
        %dma_wait3A_880 = arith.constant 4 : i32
        %dma_wait3A_881 = arith.constant 0 : i32
        %dma_wait3A_882 = arith.constant 0 : i32
        %dma_wait3A_883 = tpu.memref_slice %arg7[%dma_wait3A_880, %dma_wait3A_881, %dma_wait3A_882] : memref<12x80x64xf32, #tpu.memory_space<vmem>> -> memref<1x80x64xf32, #tpu.memory_space<vmem>>
        %dma_wait3A_884 = tpu.memref_squeeze %dma_wait3A_883 : memref<1x80x64xf32, #tpu.memory_space<vmem>> -> memref<80x64xf32, #tpu.memory_space<vmem>>
        %dma_wait3A_885 = arith.constant 0 : i32
        %dma_wait3A_886 = tpu.memref_slice %arg6[%add3A_808, %dma_wait3A_885] : memref<125x80xi32, #tpu.memory_space<vmem>> -> memref<1x80xi32, #tpu.memory_space<vmem>>
        %dma_wait3A_887 = tpu.memref_squeeze %dma_wait3A_886 : memref<1x80xi32, #tpu.memory_space<vmem>> -> memref<80xi32, #tpu.memory_space<vmem>>
        %dma_wait3A_888 = arith.constant 0 : i32
        %dma_wait3A_889 = arith.constant 0 : i32
        %dma_wait3A_890 = tpu.memref_slice %arg9[%dma_wait3A_888, %dma_wait3A_889] : memref<10112x64xf32, #tpu.memory_space<vmem_shared>> -> memref<10112x64xf32, #tpu.memory_space<vmem_shared>>
        tpu.wait_indirect_dma semaphore(%arg26 : memref<!tpu.dma_semaphore, #tpu.memory_space<semaphore_mem>>) src(%dma_wait3A_884 : memref<80x64xf32, #tpu.memory_space<vmem>>) dst(%dma_wait3A_890 : memref<10112x64xf32, #tpu.memory_space<vmem_shared>>)
        %add3A_891 = arith.constant 12 : i32
        %add3A_892 = arith.addi %add3A_808, %add3A_891 : i32
        %dma_start3A_893 = arith.constant 4 : i32
        %dma_start3A_894 = arith.constant 0 : i32
        %dma_start3A_895 = arith.constant 0 : i32
        %dma_start3A_896 = tpu.memref_slice %arg7[%dma_start3A_893, %dma_start3A_894, %dma_start3A_895] : memref<12x80x64xf32, #tpu.memory_space<vmem>> -> memref<1x80x64xf32, #tpu.memory_space<vmem>>
        %dma_start3A_897 = tpu.memref_squeeze %dma_start3A_896 : memref<1x80x64xf32, #tpu.memory_space<vmem>> -> memref<80x64xf32, #tpu.memory_space<vmem>>
        %dma_start3A_898 = arith.constant 0 : i32
        %dma_start3A_899 = tpu.memref_slice %arg5[%add3A_892, %dma_start3A_898] : memref<125x80xi32, #tpu.memory_space<vmem>> -> memref<1x80xi32, #tpu.memory_space<vmem>>
        %dma_start3A_900 = tpu.memref_squeeze %dma_start3A_899 : memref<1x80xi32, #tpu.memory_space<vmem>> -> memref<80xi32, #tpu.memory_space<vmem>>
        %dma_start3A_901 = arith.constant 0 : i32
        %dma_start3A_902 = arith.constant 0 : i32
        %dma_start3A_903 = tpu.memref_slice %arg2[%dma_start3A_901, %dma_start3A_902] : memref<10000x64xf32, #tpu.memory_space<hbm>> -> memref<10000x64xf32, #tpu.memory_space<hbm>>
        tpu.enqueue_indirect_dma source(%dma_start3A_903 : memref<10000x64xf32, #tpu.memory_space<hbm>>) target(%dma_start3A_897 : memref<80x64xf32, #tpu.memory_space<vmem>>) offsets(%dma_start3A_900 : memref<80xi32, #tpu.memory_space<vmem>>) semaphore(%arg14 : memref<!tpu.dma_semaphore, #tpu.memory_space<semaphore_mem>>)
      } else {
      }
      %add3A_816 = arith.constant 5 : i32
      %add3A_817 = arith.addi %mul3A_461, %add3A_816 : i32
      %add3A_818 = arith.constant 12 : i32
      %add3A_819 = arith.addi %add3A_817, %add3A_818 : i32
      %lt3A_820 = arith.constant 125 : i32
      %lt3A_821 = arith.cmpi slt, %add3A_819, %lt3A_820 : i32
      %convert_element_type3A_822 = arith.extui %lt3A_821 : i1 to i32
      %cond3A_823 = arith.constant 0 : i32
      %cond3A_824 = arith.cmpi ne, %convert_element_type3A_822, %cond3A_823 : i32
      scf.if %cond3A_824 {
        %dma_wait3A_880 = arith.constant 5 : i32
        %dma_wait3A_881 = arith.constant 0 : i32
        %dma_wait3A_882 = arith.constant 0 : i32
        %dma_wait3A_883 = tpu.memref_slice %arg7[%dma_wait3A_880, %dma_wait3A_881, %dma_wait3A_882] : memref<12x80x64xf32, #tpu.memory_space<vmem>> -> memref<1x80x64xf32, #tpu.memory_space<vmem>>
        %dma_wait3A_884 = tpu.memref_squeeze %dma_wait3A_883 : memref<1x80x64xf32, #tpu.memory_space<vmem>> -> memref<80x64xf32, #tpu.memory_space<vmem>>
        %dma_wait3A_885 = arith.constant 0 : i32
        %dma_wait3A_886 = tpu.memref_slice %arg6[%add3A_817, %dma_wait3A_885] : memref<125x80xi32, #tpu.memory_space<vmem>> -> memref<1x80xi32, #tpu.memory_space<vmem>>
        %dma_wait3A_887 = tpu.memref_squeeze %dma_wait3A_886 : memref<1x80xi32, #tpu.memory_space<vmem>> -> memref<80xi32, #tpu.memory_space<vmem>>
        %dma_wait3A_888 = arith.constant 0 : i32
        %dma_wait3A_889 = arith.constant 0 : i32
        %dma_wait3A_890 = tpu.memref_slice %arg9[%dma_wait3A_888, %dma_wait3A_889] : memref<10112x64xf32, #tpu.memory_space<vmem_shared>> -> memref<10112x64xf32, #tpu.memory_space<vmem_shared>>
        tpu.wait_indirect_dma semaphore(%arg27 : memref<!tpu.dma_semaphore, #tpu.memory_space<semaphore_mem>>) src(%dma_wait3A_884 : memref<80x64xf32, #tpu.memory_space<vmem>>) dst(%dma_wait3A_890 : memref<10112x64xf32, #tpu.memory_space<vmem_shared>>)
        %add3A_891 = arith.constant 12 : i32
        %add3A_892 = arith.addi %add3A_817, %add3A_891 : i32
        %dma_start3A_893 = arith.constant 5 : i32
        %dma_start3A_894 = arith.constant 0 : i32
        %dma_start3A_895 = arith.constant 0 : i32
        %dma_start3A_896 = tpu.memref_slice %arg7[%dma_start3A_893, %dma_start3A_894, %dma_start3A_895] : memref<12x80x64xf32, #tpu.memory_space<vmem>> -> memref<1x80x64xf32, #tpu.memory_space<vmem>>
        %dma_start3A_897 = tpu.memref_squeeze %dma_start3A_896 : memref<1x80x64xf32, #tpu.memory_space<vmem>> -> memref<80x64xf32, #tpu.memory_space<vmem>>
        %dma_start3A_898 = arith.constant 0 : i32
        %dma_start3A_899 = tpu.memref_slice %arg5[%add3A_892, %dma_start3A_898] : memref<125x80xi32, #tpu.memory_space<vmem>> -> memref<1x80xi32, #tpu.memory_space<vmem>>
        %dma_start3A_900 = tpu.memref_squeeze %dma_start3A_899 : memref<1x80xi32, #tpu.memory_space<vmem>> -> memref<80xi32, #tpu.memory_space<vmem>>
        %dma_start3A_901 = arith.constant 0 : i32
        %dma_start3A_902 = arith.constant 0 : i32
        %dma_start3A_903 = tpu.memref_slice %arg2[%dma_start3A_901, %dma_start3A_902] : memref<10000x64xf32, #tpu.memory_space<hbm>> -> memref<10000x64xf32, #tpu.memory_space<hbm>>
        tpu.enqueue_indirect_dma source(%dma_start3A_903 : memref<10000x64xf32, #tpu.memory_space<hbm>>) target(%dma_start3A_897 : memref<80x64xf32, #tpu.memory_space<vmem>>) offsets(%dma_start3A_900 : memref<80xi32, #tpu.memory_space<vmem>>) semaphore(%arg15 : memref<!tpu.dma_semaphore, #tpu.memory_space<semaphore_mem>>)
      } else {
      }
      %add3A_825 = arith.constant 6 : i32
      %add3A_826 = arith.addi %mul3A_461, %add3A_825 : i32
      %add3A_827 = arith.constant 12 : i32
      %add3A_828 = arith.addi %add3A_826, %add3A_827 : i32
      %lt3A_829 = arith.constant 125 : i32
      %lt3A_830 = arith.cmpi slt, %add3A_828, %lt3A_829 : i32
      %convert_element_type3A_831 = arith.extui %lt3A_830 : i1 to i32
      %cond3A_832 = arith.constant 0 : i32
      %cond3A_833 = arith.cmpi ne, %convert_element_type3A_831, %cond3A_832 : i32
      scf.if %cond3A_833 {
        %dma_wait3A_880 = arith.constant 6 : i32
        %dma_wait3A_881 = arith.constant 0 : i32
        %dma_wait3A_882 = arith.constant 0 : i32
        %dma_wait3A_883 = tpu.memref_slice %arg7[%dma_wait3A_880, %dma_wait3A_881, %dma_wait3A_882] : memref<12x80x64xf32, #tpu.memory_space<vmem>> -> memref<1x80x64xf32, #tpu.memory_space<vmem>>
        %dma_wait3A_884 = tpu.memref_squeeze %dma_wait3A_883 : memref<1x80x64xf32, #tpu.memory_space<vmem>> -> memref<80x64xf32, #tpu.memory_space<vmem>>
        %dma_wait3A_885 = arith.constant 0 : i32
        %dma_wait3A_886 = tpu.memref_slice %arg6[%add3A_826, %dma_wait3A_885] : memref<125x80xi32, #tpu.memory_space<vmem>> -> memref<1x80xi32, #tpu.memory_space<vmem>>
        %dma_wait3A_887 = tpu.memref_squeeze %dma_wait3A_886 : memref<1x80xi32, #tpu.memory_space<vmem>> -> memref<80xi32, #tpu.memory_space<vmem>>
        %dma_wait3A_888 = arith.constant 0 : i32
        %dma_wait3A_889 = arith.constant 0 : i32
        %dma_wait3A_890 = tpu.memref_slice %arg9[%dma_wait3A_888, %dma_wait3A_889] : memref<10112x64xf32, #tpu.memory_space<vmem_shared>> -> memref<10112x64xf32, #tpu.memory_space<vmem_shared>>
        tpu.wait_indirect_dma semaphore(%arg28 : memref<!tpu.dma_semaphore, #tpu.memory_space<semaphore_mem>>) src(%dma_wait3A_884 : memref<80x64xf32, #tpu.memory_space<vmem>>) dst(%dma_wait3A_890 : memref<10112x64xf32, #tpu.memory_space<vmem_shared>>)
        %add3A_891 = arith.constant 12 : i32
        %add3A_892 = arith.addi %add3A_826, %add3A_891 : i32
        %dma_start3A_893 = arith.constant 6 : i32
        %dma_start3A_894 = arith.constant 0 : i32
        %dma_start3A_895 = arith.constant 0 : i32
        %dma_start3A_896 = tpu.memref_slice %arg7[%dma_start3A_893, %dma_start3A_894, %dma_start3A_895] : memref<12x80x64xf32, #tpu.memory_space<vmem>> -> memref<1x80x64xf32, #tpu.memory_space<vmem>>
        %dma_start3A_897 = tpu.memref_squeeze %dma_start3A_896 : memref<1x80x64xf32, #tpu.memory_space<vmem>> -> memref<80x64xf32, #tpu.memory_space<vmem>>
        %dma_start3A_898 = arith.constant 0 : i32
        %dma_start3A_899 = tpu.memref_slice %arg5[%add3A_892, %dma_start3A_898] : memref<125x80xi32, #tpu.memory_space<vmem>> -> memref<1x80xi32, #tpu.memory_space<vmem>>
        %dma_start3A_900 = tpu.memref_squeeze %dma_start3A_899 : memref<1x80xi32, #tpu.memory_space<vmem>> -> memref<80xi32, #tpu.memory_space<vmem>>
        %dma_start3A_901 = arith.constant 0 : i32
        %dma_start3A_902 = arith.constant 0 : i32
        %dma_start3A_903 = tpu.memref_slice %arg2[%dma_start3A_901, %dma_start3A_902] : memref<10000x64xf32, #tpu.memory_space<hbm>> -> memref<10000x64xf32, #tpu.memory_space<hbm>>
        tpu.enqueue_indirect_dma source(%dma_start3A_903 : memref<10000x64xf32, #tpu.memory_space<hbm>>) target(%dma_start3A_897 : memref<80x64xf32, #tpu.memory_space<vmem>>) offsets(%dma_start3A_900 : memref<80xi32, #tpu.memory_space<vmem>>) semaphore(%arg16 : memref<!tpu.dma_semaphore, #tpu.memory_space<semaphore_mem>>)
      } else {
      }
      %add3A_834 = arith.constant 7 : i32
      %add3A_835 = arith.addi %mul3A_461, %add3A_834 : i32
      %add3A_836 = arith.constant 12 : i32
      %add3A_837 = arith.addi %add3A_835, %add3A_836 : i32
      %lt3A_838 = arith.constant 125 : i32
      %lt3A_839 = arith.cmpi slt, %add3A_837, %lt3A_838 : i32
      %convert_element_type3A_840 = arith.extui %lt3A_839 : i1 to i32
      %cond3A_841 = arith.constant 0 : i32
      %cond3A_842 = arith.cmpi ne, %convert_element_type3A_840, %cond3A_841 : i32
      scf.if %cond3A_842 {
        %dma_wait3A_880 = arith.constant 7 : i32
        %dma_wait3A_881 = arith.constant 0 : i32
        %dma_wait3A_882 = arith.constant 0 : i32
        %dma_wait3A_883 = tpu.memref_slice %arg7[%dma_wait3A_880, %dma_wait3A_881, %dma_wait3A_882] : memref<12x80x64xf32, #tpu.memory_space<vmem>> -> memref<1x80x64xf32, #tpu.memory_space<vmem>>
        %dma_wait3A_884 = tpu.memref_squeeze %dma_wait3A_883 : memref<1x80x64xf32, #tpu.memory_space<vmem>> -> memref<80x64xf32, #tpu.memory_space<vmem>>
        %dma_wait3A_885 = arith.constant 0 : i32
        %dma_wait3A_886 = tpu.memref_slice %arg6[%add3A_835, %dma_wait3A_885] : memref<125x80xi32, #tpu.memory_space<vmem>> -> memref<1x80xi32, #tpu.memory_space<vmem>>
        %dma_wait3A_887 = tpu.memref_squeeze %dma_wait3A_886 : memref<1x80xi32, #tpu.memory_space<vmem>> -> memref<80xi32, #tpu.memory_space<vmem>>
        %dma_wait3A_888 = arith.constant 0 : i32
        %dma_wait3A_889 = arith.constant 0 : i32
        %dma_wait3A_890 = tpu.memref_slice %arg9[%dma_wait3A_888, %dma_wait3A_889] : memref<10112x64xf32, #tpu.memory_space<vmem_shared>> -> memref<10112x64xf32, #tpu.memory_space<vmem_shared>>
        tpu.wait_indirect_dma semaphore(%arg29 : memref<!tpu.dma_semaphore, #tpu.memory_space<semaphore_mem>>) src(%dma_wait3A_884 : memref<80x64xf32, #tpu.memory_space<vmem>>) dst(%dma_wait3A_890 : memref<10112x64xf32, #tpu.memory_space<vmem_shared>>)
        %add3A_891 = arith.constant 12 : i32
        %add3A_892 = arith.addi %add3A_835, %add3A_891 : i32
        %dma_start3A_893 = arith.constant 7 : i32
        %dma_start3A_894 = arith.constant 0 : i32
        %dma_start3A_895 = arith.constant 0 : i32
        %dma_start3A_896 = tpu.memref_slice %arg7[%dma_start3A_893, %dma_start3A_894, %dma_start3A_895] : memref<12x80x64xf32, #tpu.memory_space<vmem>> -> memref<1x80x64xf32, #tpu.memory_space<vmem>>
        %dma_start3A_897 = tpu.memref_squeeze %dma_start3A_896 : memref<1x80x64xf32, #tpu.memory_space<vmem>> -> memref<80x64xf32, #tpu.memory_space<vmem>>
        %dma_start3A_898 = arith.constant 0 : i32
        %dma_start3A_899 = tpu.memref_slice %arg5[%add3A_892, %dma_start3A_898] : memref<125x80xi32, #tpu.memory_space<vmem>> -> memref<1x80xi32, #tpu.memory_space<vmem>>
        %dma_start3A_900 = tpu.memref_squeeze %dma_start3A_899 : memref<1x80xi32, #tpu.memory_space<vmem>> -> memref<80xi32, #tpu.memory_space<vmem>>
        %dma_start3A_901 = arith.constant 0 : i32
        %dma_start3A_902 = arith.constant 0 : i32
        %dma_start3A_903 = tpu.memref_slice %arg2[%dma_start3A_901, %dma_start3A_902] : memref<10000x64xf32, #tpu.memory_space<hbm>> -> memref<10000x64xf32, #tpu.memory_space<hbm>>
        tpu.enqueue_indirect_dma source(%dma_start3A_903 : memref<10000x64xf32, #tpu.memory_space<hbm>>) target(%dma_start3A_897 : memref<80x64xf32, #tpu.memory_space<vmem>>) offsets(%dma_start3A_900 : memref<80xi32, #tpu.memory_space<vmem>>) semaphore(%arg17 : memref<!tpu.dma_semaphore, #tpu.memory_space<semaphore_mem>>)
      } else {
      }
      %add3A_843 = arith.constant 8 : i32
      %add3A_844 = arith.addi %mul3A_461, %add3A_843 : i32
      %add3A_845 = arith.constant 12 : i32
      %add3A_846 = arith.addi %add3A_844, %add3A_845 : i32
      %lt3A_847 = arith.constant 125 : i32
      %lt3A_848 = arith.cmpi slt, %add3A_846, %lt3A_847 : i32
      %convert_element_type3A_849 = arith.extui %lt3A_848 : i1 to i32
      %cond3A_850 = arith.constant 0 : i32
      %cond3A_851 = arith.cmpi ne, %convert_element_type3A_849, %cond3A_850 : i32
      scf.if %cond3A_851 {
        %dma_wait3A_880 = arith.constant 8 : i32
        %dma_wait3A_881 = arith.constant 0 : i32
        %dma_wait3A_882 = arith.constant 0 : i32
        %dma_wait3A_883 = tpu.memref_slice %arg7[%dma_wait3A_880, %dma_wait3A_881, %dma_wait3A_882] : memref<12x80x64xf32, #tpu.memory_space<vmem>> -> memref<1x80x64xf32, #tpu.memory_space<vmem>>
        %dma_wait3A_884 = tpu.memref_squeeze %dma_wait3A_883 : memref<1x80x64xf32, #tpu.memory_space<vmem>> -> memref<80x64xf32, #tpu.memory_space<vmem>>
        %dma_wait3A_885 = arith.constant 0 : i32
        %dma_wait3A_886 = tpu.memref_slice %arg6[%add3A_844, %dma_wait3A_885] : memref<125x80xi32, #tpu.memory_space<vmem>> -> memref<1x80xi32, #tpu.memory_space<vmem>>
        %dma_wait3A_887 = tpu.memref_squeeze %dma_wait3A_886 : memref<1x80xi32, #tpu.memory_space<vmem>> -> memref<80xi32, #tpu.memory_space<vmem>>
        %dma_wait3A_888 = arith.constant 0 : i32
        %dma_wait3A_889 = arith.constant 0 : i32
        %dma_wait3A_890 = tpu.memref_slice %arg9[%dma_wait3A_888, %dma_wait3A_889] : memref<10112x64xf32, #tpu.memory_space<vmem_shared>> -> memref<10112x64xf32, #tpu.memory_space<vmem_shared>>
        tpu.wait_indirect_dma semaphore(%arg30 : memref<!tpu.dma_semaphore, #tpu.memory_space<semaphore_mem>>) src(%dma_wait3A_884 : memref<80x64xf32, #tpu.memory_space<vmem>>) dst(%dma_wait3A_890 : memref<10112x64xf32, #tpu.memory_space<vmem_shared>>)
        %add3A_891 = arith.constant 12 : i32
        %add3A_892 = arith.addi %add3A_844, %add3A_891 : i32
        %dma_start3A_893 = arith.constant 8 : i32
        %dma_start3A_894 = arith.constant 0 : i32
        %dma_start3A_895 = arith.constant 0 : i32
        %dma_start3A_896 = tpu.memref_slice %arg7[%dma_start3A_893, %dma_start3A_894, %dma_start3A_895] : memref<12x80x64xf32, #tpu.memory_space<vmem>> -> memref<1x80x64xf32, #tpu.memory_space<vmem>>
        %dma_start3A_897 = tpu.memref_squeeze %dma_start3A_896 : memref<1x80x64xf32, #tpu.memory_space<vmem>> -> memref<80x64xf32, #tpu.memory_space<vmem>>
        %dma_start3A_898 = arith.constant 0 : i32
        %dma_start3A_899 = tpu.memref_slice %arg5[%add3A_892, %dma_start3A_898] : memref<125x80xi32, #tpu.memory_space<vmem>> -> memref<1x80xi32, #tpu.memory_space<vmem>>
        %dma_start3A_900 = tpu.memref_squeeze %dma_start3A_899 : memref<1x80xi32, #tpu.memory_space<vmem>> -> memref<80xi32, #tpu.memory_space<vmem>>
        %dma_start3A_901 = arith.constant 0 : i32
        %dma_start3A_902 = arith.constant 0 : i32
        %dma_start3A_903 = tpu.memref_slice %arg2[%dma_start3A_901, %dma_start3A_902] : memref<10000x64xf32, #tpu.memory_space<hbm>> -> memref<10000x64xf32, #tpu.memory_space<hbm>>
        tpu.enqueue_indirect_dma source(%dma_start3A_903 : memref<10000x64xf32, #tpu.memory_space<hbm>>) target(%dma_start3A_897 : memref<80x64xf32, #tpu.memory_space<vmem>>) offsets(%dma_start3A_900 : memref<80xi32, #tpu.memory_space<vmem>>) semaphore(%arg18 : memref<!tpu.dma_semaphore, #tpu.memory_space<semaphore_mem>>)
      } else {
      }
      %add3A_852 = arith.constant 9 : i32
      %add3A_853 = arith.addi %mul3A_461, %add3A_852 : i32
      %add3A_854 = arith.constant 12 : i32
      %add3A_855 = arith.addi %add3A_853, %add3A_854 : i32
      %lt3A_856 = arith.constant 125 : i32
      %lt3A_857 = arith.cmpi slt, %add3A_855, %lt3A_856 : i32
      %convert_element_type3A_858 = arith.extui %lt3A_857 : i1 to i32
      %cond3A_859 = arith.constant 0 : i32
      %cond3A_860 = arith.cmpi ne, %convert_element_type3A_858, %cond3A_859 : i32
      scf.if %cond3A_860 {
        %dma_wait3A_880 = arith.constant 9 : i32
        %dma_wait3A_881 = arith.constant 0 : i32
        %dma_wait3A_882 = arith.constant 0 : i32
        %dma_wait3A_883 = tpu.memref_slice %arg7[%dma_wait3A_880, %dma_wait3A_881, %dma_wait3A_882] : memref<12x80x64xf32, #tpu.memory_space<vmem>> -> memref<1x80x64xf32, #tpu.memory_space<vmem>>
        %dma_wait3A_884 = tpu.memref_squeeze %dma_wait3A_883 : memref<1x80x64xf32, #tpu.memory_space<vmem>> -> memref<80x64xf32, #tpu.memory_space<vmem>>
        %dma_wait3A_885 = arith.constant 0 : i32
        %dma_wait3A_886 = tpu.memref_slice %arg6[%add3A_853, %dma_wait3A_885] : memref<125x80xi32, #tpu.memory_space<vmem>> -> memref<1x80xi32, #tpu.memory_space<vmem>>
        %dma_wait3A_887 = tpu.memref_squeeze %dma_wait3A_886 : memref<1x80xi32, #tpu.memory_space<vmem>> -> memref<80xi32, #tpu.memory_space<vmem>>
        %dma_wait3A_888 = arith.constant 0 : i32
        %dma_wait3A_889 = arith.constant 0 : i32
        %dma_wait3A_890 = tpu.memref_slice %arg9[%dma_wait3A_888, %dma_wait3A_889] : memref<10112x64xf32, #tpu.memory_space<vmem_shared>> -> memref<10112x64xf32, #tpu.memory_space<vmem_shared>>
        tpu.wait_indirect_dma semaphore(%arg31 : memref<!tpu.dma_semaphore, #tpu.memory_space<semaphore_mem>>) src(%dma_wait3A_884 : memref<80x64xf32, #tpu.memory_space<vmem>>) dst(%dma_wait3A_890 : memref<10112x64xf32, #tpu.memory_space<vmem_shared>>)
        %add3A_891 = arith.constant 12 : i32
        %add3A_892 = arith.addi %add3A_853, %add3A_891 : i32
        %dma_start3A_893 = arith.constant 9 : i32
        %dma_start3A_894 = arith.constant 0 : i32
        %dma_start3A_895 = arith.constant 0 : i32
        %dma_start3A_896 = tpu.memref_slice %arg7[%dma_start3A_893, %dma_start3A_894, %dma_start3A_895] : memref<12x80x64xf32, #tpu.memory_space<vmem>> -> memref<1x80x64xf32, #tpu.memory_space<vmem>>
        %dma_start3A_897 = tpu.memref_squeeze %dma_start3A_896 : memref<1x80x64xf32, #tpu.memory_space<vmem>> -> memref<80x64xf32, #tpu.memory_space<vmem>>
        %dma_start3A_898 = arith.constant 0 : i32
        %dma_start3A_899 = tpu.memref_slice %arg5[%add3A_892, %dma_start3A_898] : memref<125x80xi32, #tpu.memory_space<vmem>> -> memref<1x80xi32, #tpu.memory_space<vmem>>
        %dma_start3A_900 = tpu.memref_squeeze %dma_start3A_899 : memref<1x80xi32, #tpu.memory_space<vmem>> -> memref<80xi32, #tpu.memory_space<vmem>>
        %dma_start3A_901 = arith.constant 0 : i32
        %dma_start3A_902 = arith.constant 0 : i32
        %dma_start3A_903 = tpu.memref_slice %arg2[%dma_start3A_901, %dma_start3A_902] : memref<10000x64xf32, #tpu.memory_space<hbm>> -> memref<10000x64xf32, #tpu.memory_space<hbm>>
        tpu.enqueue_indirect_dma source(%dma_start3A_903 : memref<10000x64xf32, #tpu.memory_space<hbm>>) target(%dma_start3A_897 : memref<80x64xf32, #tpu.memory_space<vmem>>) offsets(%dma_start3A_900 : memref<80xi32, #tpu.memory_space<vmem>>) semaphore(%arg19 : memref<!tpu.dma_semaphore, #tpu.memory_space<semaphore_mem>>)
      } else {
      }
      %add3A_861 = arith.constant 10 : i32
      %add3A_862 = arith.addi %mul3A_461, %add3A_861 : i32
      %add3A_863 = arith.constant 12 : i32
      %add3A_864 = arith.addi %add3A_862, %add3A_863 : i32
      %lt3A_865 = arith.constant 125 : i32
      %lt3A_866 = arith.cmpi slt, %add3A_864, %lt3A_865 : i32
      %convert_element_type3A_867 = arith.extui %lt3A_866 : i1 to i32
      %cond3A_868 = arith.constant 0 : i32
      %cond3A_869 = arith.cmpi ne, %convert_element_type3A_867, %cond3A_868 : i32
      scf.if %cond3A_869 {
        %dma_wait3A_880 = arith.constant 10 : i32
        %dma_wait3A_881 = arith.constant 0 : i32
        %dma_wait3A_882 = arith.constant 0 : i32
        %dma_wait3A_883 = tpu.memref_slice %arg7[%dma_wait3A_880, %dma_wait3A_881, %dma_wait3A_882] : memref<12x80x64xf32, #tpu.memory_space<vmem>> -> memref<1x80x64xf32, #tpu.memory_space<vmem>>
        %dma_wait3A_884 = tpu.memref_squeeze %dma_wait3A_883 : memref<1x80x64xf32, #tpu.memory_space<vmem>> -> memref<80x64xf32, #tpu.memory_space<vmem>>
        %dma_wait3A_885 = arith.constant 0 : i32
        %dma_wait3A_886 = tpu.memref_slice %arg6[%add3A_862, %dma_wait3A_885] : memref<125x80xi32, #tpu.memory_space<vmem>> -> memref<1x80xi32, #tpu.memory_space<vmem>>
        %dma_wait3A_887 = tpu.memref_squeeze %dma_wait3A_886 : memref<1x80xi32, #tpu.memory_space<vmem>> -> memref<80xi32, #tpu.memory_space<vmem>>
        %dma_wait3A_888 = arith.constant 0 : i32
        %dma_wait3A_889 = arith.constant 0 : i32
        %dma_wait3A_890 = tpu.memref_slice %arg9[%dma_wait3A_888, %dma_wait3A_889] : memref<10112x64xf32, #tpu.memory_space<vmem_shared>> -> memref<10112x64xf32, #tpu.memory_space<vmem_shared>>
        tpu.wait_indirect_dma semaphore(%arg32 : memref<!tpu.dma_semaphore, #tpu.memory_space<semaphore_mem>>) src(%dma_wait3A_884 : memref<80x64xf32, #tpu.memory_space<vmem>>) dst(%dma_wait3A_890 : memref<10112x64xf32, #tpu.memory_space<vmem_shared>>)
        %add3A_891 = arith.constant 12 : i32
        %add3A_892 = arith.addi %add3A_862, %add3A_891 : i32
        %dma_start3A_893 = arith.constant 10 : i32
        %dma_start3A_894 = arith.constant 0 : i32
        %dma_start3A_895 = arith.constant 0 : i32
        %dma_start3A_896 = tpu.memref_slice %arg7[%dma_start3A_893, %dma_start3A_894, %dma_start3A_895] : memref<12x80x64xf32, #tpu.memory_space<vmem>> -> memref<1x80x64xf32, #tpu.memory_space<vmem>>
        %dma_start3A_897 = tpu.memref_squeeze %dma_start3A_896 : memref<1x80x64xf32, #tpu.memory_space<vmem>> -> memref<80x64xf32, #tpu.memory_space<vmem>>
        %dma_start3A_898 = arith.constant 0 : i32
        %dma_start3A_899 = tpu.memref_slice %arg5[%add3A_892, %dma_start3A_898] : memref<125x80xi32, #tpu.memory_space<vmem>> -> memref<1x80xi32, #tpu.memory_space<vmem>>
        %dma_start3A_900 = tpu.memref_squeeze %dma_start3A_899 : memref<1x80xi32, #tpu.memory_space<vmem>> -> memref<80xi32, #tpu.memory_space<vmem>>
        %dma_start3A_901 = arith.constant 0 : i32
        %dma_start3A_902 = arith.constant 0 : i32
        %dma_start3A_903 = tpu.memref_slice %arg2[%dma_start3A_901, %dma_start3A_902] : memref<10000x64xf32, #tpu.memory_space<hbm>> -> memref<10000x64xf32, #tpu.memory_space<hbm>>
        tpu.enqueue_indirect_dma source(%dma_start3A_903 : memref<10000x64xf32, #tpu.memory_space<hbm>>) target(%dma_start3A_897 : memref<80x64xf32, #tpu.memory_space<vmem>>) offsets(%dma_start3A_900 : memref<80xi32, #tpu.memory_space<vmem>>) semaphore(%arg20 : memref<!tpu.dma_semaphore, #tpu.memory_space<semaphore_mem>>)
      } else {
      }
      %add3A_870 = arith.constant 11 : i32
      %add3A_871 = arith.addi %mul3A_461, %add3A_870 : i32
      %add3A_872 = arith.constant 12 : i32
      %add3A_873 = arith.addi %add3A_871, %add3A_872 : i32
      %lt3A_874 = arith.constant 125 : i32
      %lt3A_875 = arith.cmpi slt, %add3A_873, %lt3A_874 : i32
      %convert_element_type3A_876 = arith.extui %lt3A_875 : i1 to i32
      %cond3A_877 = arith.constant 0 : i32
      %cond3A_878 = arith.cmpi ne, %convert_element_type3A_876, %cond3A_877 : i32
      scf.if %cond3A_878 {
        %dma_wait3A_880 = arith.constant 11 : i32
        %dma_wait3A_881 = arith.constant 0 : i32
        %dma_wait3A_882 = arith.constant 0 : i32
        %dma_wait3A_883 = tpu.memref_slice %arg7[%dma_wait3A_880, %dma_wait3A_881, %dma_wait3A_882] : memref<12x80x64xf32, #tpu.memory_space<vmem>> -> memref<1x80x64xf32, #tpu.memory_space<vmem>>
        %dma_wait3A_884 = tpu.memref_squeeze %dma_wait3A_883 : memref<1x80x64xf32, #tpu.memory_space<vmem>> -> memref<80x64xf32, #tpu.memory_space<vmem>>
        %dma_wait3A_885 = arith.constant 0 : i32
        %dma_wait3A_886 = tpu.memref_slice %arg6[%add3A_871, %dma_wait3A_885] : memref<125x80xi32, #tpu.memory_space<vmem>> -> memref<1x80xi32, #tpu.memory_space<vmem>>
        %dma_wait3A_887 = tpu.memref_squeeze %dma_wait3A_886 : memref<1x80xi32, #tpu.memory_space<vmem>> -> memref<80xi32, #tpu.memory_space<vmem>>
        %dma_wait3A_888 = arith.constant 0 : i32
        %dma_wait3A_889 = arith.constant 0 : i32
        %dma_wait3A_890 = tpu.memref_slice %arg9[%dma_wait3A_888, %dma_wait3A_889] : memref<10112x64xf32, #tpu.memory_space<vmem_shared>> -> memref<10112x64xf32, #tpu.memory_space<vmem_shared>>
        tpu.wait_indirect_dma semaphore(%arg33 : memref<!tpu.dma_semaphore, #tpu.memory_space<semaphore_mem>>) src(%dma_wait3A_884 : memref<80x64xf32, #tpu.memory_space<vmem>>) dst(%dma_wait3A_890 : memref<10112x64xf32, #tpu.memory_space<vmem_shared>>)
        %add3A_891 = arith.constant 12 : i32
        %add3A_892 = arith.addi %add3A_871, %add3A_891 : i32
        %dma_start3A_893 = arith.constant 11 : i32
        %dma_start3A_894 = arith.constant 0 : i32
        %dma_start3A_895 = arith.constant 0 : i32
        %dma_start3A_896 = tpu.memref_slice %arg7[%dma_start3A_893, %dma_start3A_894, %dma_start3A_895] : memref<12x80x64xf32, #tpu.memory_space<vmem>> -> memref<1x80x64xf32, #tpu.memory_space<vmem>>
        %dma_start3A_897 = tpu.memref_squeeze %dma_start3A_896 : memref<1x80x64xf32, #tpu.memory_space<vmem>> -> memref<80x64xf32, #tpu.memory_space<vmem>>
        %dma_start3A_898 = arith.constant 0 : i32
        %dma_start3A_899 = tpu.memref_slice %arg5[%add3A_892, %dma_start3A_898] : memref<125x80xi32, #tpu.memory_space<vmem>> -> memref<1x80xi32, #tpu.memory_space<vmem>>
        %dma_start3A_900 = tpu.memref_squeeze %dma_start3A_899 : memref<1x80xi32, #tpu.memory_space<vmem>> -> memref<80xi32, #tpu.memory_space<vmem>>
        %dma_start3A_901 = arith.constant 0 : i32
        %dma_start3A_902 = arith.constant 0 : i32
        %dma_start3A_903 = tpu.memref_slice %arg2[%dma_start3A_901, %dma_start3A_902] : memref<10000x64xf32, #tpu.memory_space<hbm>> -> memref<10000x64xf32, #tpu.memory_space<hbm>>
        tpu.enqueue_indirect_dma source(%dma_start3A_903 : memref<10000x64xf32, #tpu.memory_space<hbm>>) target(%dma_start3A_897 : memref<80x64xf32, #tpu.memory_space<vmem>>) offsets(%dma_start3A_900 : memref<80xi32, #tpu.memory_space<vmem>>) semaphore(%arg21 : memref<!tpu.dma_semaphore, #tpu.memory_space<semaphore_mem>>)
      } else {
      }
      %scan3A_879 = arith.constant 0 : i32
      scf.yield %scan3A_879 : i32
    }
    %scan3A_189 = arith.constant 10 : i32
    %dma_wait3A = arith.constant 120 : i32
    %dma_wait3A_190 = arith.constant 0 : i32
    %dma_wait3A_191 = arith.constant 0 : i32
    %dma_wait3A_192 = arith.constant 0 : i32
    %dma_wait3A_193 = tpu.memref_slice %arg7[%dma_wait3A_190, %dma_wait3A_191, %dma_wait3A_192] : memref<12x80x64xf32, #tpu.memory_space<vmem>> -> memref<1x80x64xf32, #tpu.memory_space<vmem>>
    %dma_wait3A_194 = tpu.memref_squeeze %dma_wait3A_193 : memref<1x80x64xf32, #tpu.memory_space<vmem>> -> memref<80x64xf32, #tpu.memory_space<vmem>>
    %dma_wait3A_195 = arith.constant 0 : i32
    %dma_wait3A_196 = tpu.memref_slice %arg5[%dma_wait3A, %dma_wait3A_195] : memref<125x80xi32, #tpu.memory_space<vmem>> -> memref<1x80xi32, #tpu.memory_space<vmem>>
    %dma_wait3A_197 = tpu.memref_squeeze %dma_wait3A_196 : memref<1x80xi32, #tpu.memory_space<vmem>> -> memref<80xi32, #tpu.memory_space<vmem>>
    %dma_wait3A_198 = arith.constant 0 : i32
    %dma_wait3A_199 = arith.constant 0 : i32
    %dma_wait3A_200 = tpu.memref_slice %arg2[%dma_wait3A_198, %dma_wait3A_199] : memref<10000x64xf32, #tpu.memory_space<hbm>> -> memref<10000x64xf32, #tpu.memory_space<hbm>>
    tpu.wait_indirect_dma semaphore(%arg10 : memref<!tpu.dma_semaphore, #tpu.memory_space<semaphore_mem>>) src(%dma_wait3A_200 : memref<10000x64xf32, #tpu.memory_space<hbm>>) dst(%dma_wait3A_194 : memref<80x64xf32, #tpu.memory_space<vmem>>)
    %dma_start3A_201 = arith.constant 0 : i32
    %dma_start3A_202 = arith.constant 120 : i32
    %dma_start3A_203 = arith.constant 0 : i32
    %dma_start3A_204 = arith.constant 0 : i32
    %dma_start3A_205 = tpu.memref_slice %arg7[%dma_start3A_201, %dma_start3A_203, %dma_start3A_204] : memref<12x80x64xf32, #tpu.memory_space<vmem>> -> memref<1x80x64xf32, #tpu.memory_space<vmem>>
    %dma_start3A_206 = tpu.memref_squeeze %dma_start3A_205 : memref<1x80x64xf32, #tpu.memory_space<vmem>> -> memref<80x64xf32, #tpu.memory_space<vmem>>
    %dma_start3A_207 = arith.constant 0 : i32
    %dma_start3A_208 = tpu.memref_slice %arg6[%dma_start3A_202, %dma_start3A_207] : memref<125x80xi32, #tpu.memory_space<vmem>> -> memref<1x80xi32, #tpu.memory_space<vmem>>
    %dma_start3A_209 = tpu.memref_squeeze %dma_start3A_208 : memref<1x80xi32, #tpu.memory_space<vmem>> -> memref<80xi32, #tpu.memory_space<vmem>>
    %dma_start3A_210 = arith.constant 0 : i32
    %dma_start3A_211 = arith.constant 0 : i32
    %dma_start3A_212 = tpu.memref_slice %arg9[%dma_start3A_210, %dma_start3A_211] : memref<10112x64xf32, #tpu.memory_space<vmem_shared>> -> memref<10112x64xf32, #tpu.memory_space<vmem_shared>>
    tpu.enqueue_indirect_dma source(%dma_start3A_206 : memref<80x64xf32, #tpu.memory_space<vmem>>) target(%dma_start3A_212 : memref<10112x64xf32, #tpu.memory_space<vmem_shared>>) offsets(%dma_start3A_209 : memref<80xi32, #tpu.memory_space<vmem>>) semaphore(%arg22 : memref<!tpu.dma_semaphore, #tpu.memory_space<semaphore_mem>>) {add = true}
    %dma_wait3A_213 = arith.constant 121 : i32
    %dma_wait3A_214 = arith.constant 1 : i32
    %dma_wait3A_215 = arith.constant 0 : i32
    %dma_wait3A_216 = arith.constant 0 : i32
    %dma_wait3A_217 = tpu.memref_slice %arg7[%dma_wait3A_214, %dma_wait3A_215, %dma_wait3A_216] : memref<12x80x64xf32, #tpu.memory_space<vmem>> -> memref<1x80x64xf32, #tpu.memory_space<vmem>>
    %dma_wait3A_218 = tpu.memref_squeeze %dma_wait3A_217 : memref<1x80x64xf32, #tpu.memory_space<vmem>> -> memref<80x64xf32, #tpu.memory_space<vmem>>
    %dma_wait3A_219 = arith.constant 0 : i32
    %dma_wait3A_220 = tpu.memref_slice %arg5[%dma_wait3A_213, %dma_wait3A_219] : memref<125x80xi32, #tpu.memory_space<vmem>> -> memref<1x80xi32, #tpu.memory_space<vmem>>
    %dma_wait3A_221 = tpu.memref_squeeze %dma_wait3A_220 : memref<1x80xi32, #tpu.memory_space<vmem>> -> memref<80xi32, #tpu.memory_space<vmem>>
    %dma_wait3A_222 = arith.constant 0 : i32
    %dma_wait3A_223 = arith.constant 0 : i32
    %dma_wait3A_224 = tpu.memref_slice %arg2[%dma_wait3A_222, %dma_wait3A_223] : memref<10000x64xf32, #tpu.memory_space<hbm>> -> memref<10000x64xf32, #tpu.memory_space<hbm>>
    tpu.wait_indirect_dma semaphore(%arg11 : memref<!tpu.dma_semaphore, #tpu.memory_space<semaphore_mem>>) src(%dma_wait3A_224 : memref<10000x64xf32, #tpu.memory_space<hbm>>) dst(%dma_wait3A_218 : memref<80x64xf32, #tpu.memory_space<vmem>>)
    %dma_start3A_225 = arith.constant 1 : i32
    %dma_start3A_226 = arith.constant 121 : i32
    %dma_start3A_227 = arith.constant 0 : i32
    %dma_start3A_228 = arith.constant 0 : i32
    %dma_start3A_229 = tpu.memref_slice %arg7[%dma_start3A_225, %dma_start3A_227, %dma_start3A_228] : memref<12x80x64xf32, #tpu.memory_space<vmem>> -> memref<1x80x64xf32, #tpu.memory_space<vmem>>
    %dma_start3A_230 = tpu.memref_squeeze %dma_start3A_229 : memref<1x80x64xf32, #tpu.memory_space<vmem>> -> memref<80x64xf32, #tpu.memory_space<vmem>>
    %dma_start3A_231 = arith.constant 0 : i32
    %dma_start3A_232 = tpu.memref_slice %arg6[%dma_start3A_226, %dma_start3A_231] : memref<125x80xi32, #tpu.memory_space<vmem>> -> memref<1x80xi32, #tpu.memory_space<vmem>>
    %dma_start3A_233 = tpu.memref_squeeze %dma_start3A_232 : memref<1x80xi32, #tpu.memory_space<vmem>> -> memref<80xi32, #tpu.memory_space<vmem>>
    %dma_start3A_234 = arith.constant 0 : i32
    %dma_start3A_235 = arith.constant 0 : i32
    %dma_start3A_236 = tpu.memref_slice %arg9[%dma_start3A_234, %dma_start3A_235] : memref<10112x64xf32, #tpu.memory_space<vmem_shared>> -> memref<10112x64xf32, #tpu.memory_space<vmem_shared>>
    tpu.enqueue_indirect_dma source(%dma_start3A_230 : memref<80x64xf32, #tpu.memory_space<vmem>>) target(%dma_start3A_236 : memref<10112x64xf32, #tpu.memory_space<vmem_shared>>) offsets(%dma_start3A_233 : memref<80xi32, #tpu.memory_space<vmem>>) semaphore(%arg23 : memref<!tpu.dma_semaphore, #tpu.memory_space<semaphore_mem>>) {add = true}
    %dma_wait3A_237 = arith.constant 122 : i32
    %dma_wait3A_238 = arith.constant 2 : i32
    %dma_wait3A_239 = arith.constant 0 : i32
    %dma_wait3A_240 = arith.constant 0 : i32
    %dma_wait3A_241 = tpu.memref_slice %arg7[%dma_wait3A_238, %dma_wait3A_239, %dma_wait3A_240] : memref<12x80x64xf32, #tpu.memory_space<vmem>> -> memref<1x80x64xf32, #tpu.memory_space<vmem>>
    %dma_wait3A_242 = tpu.memref_squeeze %dma_wait3A_241 : memref<1x80x64xf32, #tpu.memory_space<vmem>> -> memref<80x64xf32, #tpu.memory_space<vmem>>
    %dma_wait3A_243 = arith.constant 0 : i32
    %dma_wait3A_244 = tpu.memref_slice %arg5[%dma_wait3A_237, %dma_wait3A_243] : memref<125x80xi32, #tpu.memory_space<vmem>> -> memref<1x80xi32, #tpu.memory_space<vmem>>
    %dma_wait3A_245 = tpu.memref_squeeze %dma_wait3A_244 : memref<1x80xi32, #tpu.memory_space<vmem>> -> memref<80xi32, #tpu.memory_space<vmem>>
    %dma_wait3A_246 = arith.constant 0 : i32
    %dma_wait3A_247 = arith.constant 0 : i32
    %dma_wait3A_248 = tpu.memref_slice %arg2[%dma_wait3A_246, %dma_wait3A_247] : memref<10000x64xf32, #tpu.memory_space<hbm>> -> memref<10000x64xf32, #tpu.memory_space<hbm>>
    tpu.wait_indirect_dma semaphore(%arg12 : memref<!tpu.dma_semaphore, #tpu.memory_space<semaphore_mem>>) src(%dma_wait3A_248 : memref<10000x64xf32, #tpu.memory_space<hbm>>) dst(%dma_wait3A_242 : memref<80x64xf32, #tpu.memory_space<vmem>>)
    %dma_start3A_249 = arith.constant 2 : i32
    %dma_start3A_250 = arith.constant 122 : i32
    %dma_start3A_251 = arith.constant 0 : i32
    %dma_start3A_252 = arith.constant 0 : i32
    %dma_start3A_253 = tpu.memref_slice %arg7[%dma_start3A_249, %dma_start3A_251, %dma_start3A_252] : memref<12x80x64xf32, #tpu.memory_space<vmem>> -> memref<1x80x64xf32, #tpu.memory_space<vmem>>
    %dma_start3A_254 = tpu.memref_squeeze %dma_start3A_253 : memref<1x80x64xf32, #tpu.memory_space<vmem>> -> memref<80x64xf32, #tpu.memory_space<vmem>>
    %dma_start3A_255 = arith.constant 0 : i32
    %dma_start3A_256 = tpu.memref_slice %arg6[%dma_start3A_250, %dma_start3A_255] : memref<125x80xi32, #tpu.memory_space<vmem>> -> memref<1x80xi32, #tpu.memory_space<vmem>>
    %dma_start3A_257 = tpu.memref_squeeze %dma_start3A_256 : memref<1x80xi32, #tpu.memory_space<vmem>> -> memref<80xi32, #tpu.memory_space<vmem>>
    %dma_start3A_258 = arith.constant 0 : i32
    %dma_start3A_259 = arith.constant 0 : i32
    %dma_start3A_260 = tpu.memref_slice %arg9[%dma_start3A_258, %dma_start3A_259] : memref<10112x64xf32, #tpu.memory_space<vmem_shared>> -> memref<10112x64xf32, #tpu.memory_space<vmem_shared>>
    tpu.enqueue_indirect_dma source(%dma_start3A_254 : memref<80x64xf32, #tpu.memory_space<vmem>>) target(%dma_start3A_260 : memref<10112x64xf32, #tpu.memory_space<vmem_shared>>) offsets(%dma_start3A_257 : memref<80xi32, #tpu.memory_space<vmem>>) semaphore(%arg24 : memref<!tpu.dma_semaphore, #tpu.memory_space<semaphore_mem>>) {add = true}
    %dma_wait3A_261 = arith.constant 123 : i32
    %dma_wait3A_262 = arith.constant 3 : i32
    %dma_wait3A_263 = arith.constant 0 : i32
    %dma_wait3A_264 = arith.constant 0 : i32
    %dma_wait3A_265 = tpu.memref_slice %arg7[%dma_wait3A_262, %dma_wait3A_263, %dma_wait3A_264] : memref<12x80x64xf32, #tpu.memory_space<vmem>> -> memref<1x80x64xf32, #tpu.memory_space<vmem>>
    %dma_wait3A_266 = tpu.memref_squeeze %dma_wait3A_265 : memref<1x80x64xf32, #tpu.memory_space<vmem>> -> memref<80x64xf32, #tpu.memory_space<vmem>>
    %dma_wait3A_267 = arith.constant 0 : i32
    %dma_wait3A_268 = tpu.memref_slice %arg5[%dma_wait3A_261, %dma_wait3A_267] : memref<125x80xi32, #tpu.memory_space<vmem>> -> memref<1x80xi32, #tpu.memory_space<vmem>>
    %dma_wait3A_269 = tpu.memref_squeeze %dma_wait3A_268 : memref<1x80xi32, #tpu.memory_space<vmem>> -> memref<80xi32, #tpu.memory_space<vmem>>
    %dma_wait3A_270 = arith.constant 0 : i32
    %dma_wait3A_271 = arith.constant 0 : i32
    %dma_wait3A_272 = tpu.memref_slice %arg2[%dma_wait3A_270, %dma_wait3A_271] : memref<10000x64xf32, #tpu.memory_space<hbm>> -> memref<10000x64xf32, #tpu.memory_space<hbm>>
    tpu.wait_indirect_dma semaphore(%arg13 : memref<!tpu.dma_semaphore, #tpu.memory_space<semaphore_mem>>) src(%dma_wait3A_272 : memref<10000x64xf32, #tpu.memory_space<hbm>>) dst(%dma_wait3A_266 : memref<80x64xf32, #tpu.memory_space<vmem>>)
    %dma_start3A_273 = arith.constant 3 : i32
    %dma_start3A_274 = arith.constant 123 : i32
    %dma_start3A_275 = arith.constant 0 : i32
    %dma_start3A_276 = arith.constant 0 : i32
    %dma_start3A_277 = tpu.memref_slice %arg7[%dma_start3A_273, %dma_start3A_275, %dma_start3A_276] : memref<12x80x64xf32, #tpu.memory_space<vmem>> -> memref<1x80x64xf32, #tpu.memory_space<vmem>>
    %dma_start3A_278 = tpu.memref_squeeze %dma_start3A_277 : memref<1x80x64xf32, #tpu.memory_space<vmem>> -> memref<80x64xf32, #tpu.memory_space<vmem>>
    %dma_start3A_279 = arith.constant 0 : i32
    %dma_start3A_280 = tpu.memref_slice %arg6[%dma_start3A_274, %dma_start3A_279] : memref<125x80xi32, #tpu.memory_space<vmem>> -> memref<1x80xi32, #tpu.memory_space<vmem>>
    %dma_start3A_281 = tpu.memref_squeeze %dma_start3A_280 : memref<1x80xi32, #tpu.memory_space<vmem>> -> memref<80xi32, #tpu.memory_space<vmem>>
    %dma_start3A_282 = arith.constant 0 : i32
    %dma_start3A_283 = arith.constant 0 : i32
    %dma_start3A_284 = tpu.memref_slice %arg9[%dma_start3A_282, %dma_start3A_283] : memref<10112x64xf32, #tpu.memory_space<vmem_shared>> -> memref<10112x64xf32, #tpu.memory_space<vmem_shared>>
    tpu.enqueue_indirect_dma source(%dma_start3A_278 : memref<80x64xf32, #tpu.memory_space<vmem>>) target(%dma_start3A_284 : memref<10112x64xf32, #tpu.memory_space<vmem_shared>>) offsets(%dma_start3A_281 : memref<80xi32, #tpu.memory_space<vmem>>) semaphore(%arg25 : memref<!tpu.dma_semaphore, #tpu.memory_space<semaphore_mem>>) {add = true}
    %dma_wait3A_285 = arith.constant 124 : i32
    %dma_wait3A_286 = arith.constant 4 : i32
    %dma_wait3A_287 = arith.constant 0 : i32
    %dma_wait3A_288 = arith.constant 0 : i32
    %dma_wait3A_289 = tpu.memref_slice %arg7[%dma_wait3A_286, %dma_wait3A_287, %dma_wait3A_288] : memref<12x80x64xf32, #tpu.memory_space<vmem>> -> memref<1x80x64xf32, #tpu.memory_space<vmem>>
    %dma_wait3A_290 = tpu.memref_squeeze %dma_wait3A_289 : memref<1x80x64xf32, #tpu.memory_space<vmem>> -> memref<80x64xf32, #tpu.memory_space<vmem>>
    %dma_wait3A_291 = arith.constant 0 : i32
    %dma_wait3A_292 = tpu.memref_slice %arg5[%dma_wait3A_285, %dma_wait3A_291] : memref<125x80xi32, #tpu.memory_space<vmem>> -> memref<1x80xi32, #tpu.memory_space<vmem>>
    %dma_wait3A_293 = tpu.memref_squeeze %dma_wait3A_292 : memref<1x80xi32, #tpu.memory_space<vmem>> -> memref<80xi32, #tpu.memory_space<vmem>>
    %dma_wait3A_294 = arith.constant 0 : i32
    %dma_wait3A_295 = arith.constant 0 : i32
    %dma_wait3A_296 = tpu.memref_slice %arg2[%dma_wait3A_294, %dma_wait3A_295] : memref<10000x64xf32, #tpu.memory_space<hbm>> -> memref<10000x64xf32, #tpu.memory_space<hbm>>
    tpu.wait_indirect_dma semaphore(%arg14 : memref<!tpu.dma_semaphore, #tpu.memory_space<semaphore_mem>>) src(%dma_wait3A_296 : memref<10000x64xf32, #tpu.memory_space<hbm>>) dst(%dma_wait3A_290 : memref<80x64xf32, #tpu.memory_space<vmem>>)
    %dma_start3A_297 = arith.constant 4 : i32
    %dma_start3A_298 = arith.constant 124 : i32
    %dma_start3A_299 = arith.constant 0 : i32
    %dma_start3A_300 = arith.constant 0 : i32
    %dma_start3A_301 = tpu.memref_slice %arg7[%dma_start3A_297, %dma_start3A_299, %dma_start3A_300] : memref<12x80x64xf32, #tpu.memory_space<vmem>> -> memref<1x80x64xf32, #tpu.memory_space<vmem>>
    %dma_start3A_302 = tpu.memref_squeeze %dma_start3A_301 : memref<1x80x64xf32, #tpu.memory_space<vmem>> -> memref<80x64xf32, #tpu.memory_space<vmem>>
    %dma_start3A_303 = arith.constant 0 : i32
    %dma_start3A_304 = tpu.memref_slice %arg6[%dma_start3A_298, %dma_start3A_303] : memref<125x80xi32, #tpu.memory_space<vmem>> -> memref<1x80xi32, #tpu.memory_space<vmem>>
    %dma_start3A_305 = tpu.memref_squeeze %dma_start3A_304 : memref<1x80xi32, #tpu.memory_space<vmem>> -> memref<80xi32, #tpu.memory_space<vmem>>
    %dma_start3A_306 = arith.constant 0 : i32
    %dma_start3A_307 = arith.constant 0 : i32
    %dma_start3A_308 = tpu.memref_slice %arg9[%dma_start3A_306, %dma_start3A_307] : memref<10112x64xf32, #tpu.memory_space<vmem_shared>> -> memref<10112x64xf32, #tpu.memory_space<vmem_shared>>
    tpu.enqueue_indirect_dma source(%dma_start3A_302 : memref<80x64xf32, #tpu.memory_space<vmem>>) target(%dma_start3A_308 : memref<10112x64xf32, #tpu.memory_space<vmem_shared>>) offsets(%dma_start3A_305 : memref<80xi32, #tpu.memory_space<vmem>>) semaphore(%arg26 : memref<!tpu.dma_semaphore, #tpu.memory_space<semaphore_mem>>) {add = true}
    %dma_wait3A_309 = arith.constant 5 : i32
    %dma_wait3A_310 = arith.constant 113 : i32
    %dma_wait3A_311 = arith.constant 0 : i32
    %dma_wait3A_312 = arith.constant 0 : i32
    %dma_wait3A_313 = tpu.memref_slice %arg7[%dma_wait3A_309, %dma_wait3A_311, %dma_wait3A_312] : memref<12x80x64xf32, #tpu.memory_space<vmem>> -> memref<1x80x64xf32, #tpu.memory_space<vmem>>
    %dma_wait3A_314 = tpu.memref_squeeze %dma_wait3A_313 : memref<1x80x64xf32, #tpu.memory_space<vmem>> -> memref<80x64xf32, #tpu.memory_space<vmem>>
    %dma_wait3A_315 = arith.constant 0 : i32
    %dma_wait3A_316 = tpu.memref_slice %arg6[%dma_wait3A_310, %dma_wait3A_315] : memref<125x80xi32, #tpu.memory_space<vmem>> -> memref<1x80xi32, #tpu.memory_space<vmem>>
    %dma_wait3A_317 = tpu.memref_squeeze %dma_wait3A_316 : memref<1x80xi32, #tpu.memory_space<vmem>> -> memref<80xi32, #tpu.memory_space<vmem>>
    %dma_wait3A_318 = arith.constant 0 : i32
    %dma_wait3A_319 = arith.constant 0 : i32
    %dma_wait3A_320 = tpu.memref_slice %arg9[%dma_wait3A_318, %dma_wait3A_319] : memref<10112x64xf32, #tpu.memory_space<vmem_shared>> -> memref<10112x64xf32, #tpu.memory_space<vmem_shared>>
    tpu.wait_indirect_dma semaphore(%arg27 : memref<!tpu.dma_semaphore, #tpu.memory_space<semaphore_mem>>) src(%dma_wait3A_314 : memref<80x64xf32, #tpu.memory_space<vmem>>) dst(%dma_wait3A_320 : memref<10112x64xf32, #tpu.memory_space<vmem_shared>>)
    %dma_wait3A_321 = arith.constant 6 : i32
    %dma_wait3A_322 = arith.constant 114 : i32
    %dma_wait3A_323 = arith.constant 0 : i32
    %dma_wait3A_324 = arith.constant 0 : i32
    %dma_wait3A_325 = tpu.memref_slice %arg7[%dma_wait3A_321, %dma_wait3A_323, %dma_wait3A_324] : memref<12x80x64xf32, #tpu.memory_space<vmem>> -> memref<1x80x64xf32, #tpu.memory_space<vmem>>
    %dma_wait3A_326 = tpu.memref_squeeze %dma_wait3A_325 : memref<1x80x64xf32, #tpu.memory_space<vmem>> -> memref<80x64xf32, #tpu.memory_space<vmem>>
    %dma_wait3A_327 = arith.constant 0 : i32
    %dma_wait3A_328 = tpu.memref_slice %arg6[%dma_wait3A_322, %dma_wait3A_327] : memref<125x80xi32, #tpu.memory_space<vmem>> -> memref<1x80xi32, #tpu.memory_space<vmem>>
    %dma_wait3A_329 = tpu.memref_squeeze %dma_wait3A_328 : memref<1x80xi32, #tpu.memory_space<vmem>> -> memref<80xi32, #tpu.memory_space<vmem>>
    %dma_wait3A_330 = arith.constant 0 : i32
    %dma_wait3A_331 = arith.constant 0 : i32
    %dma_wait3A_332 = tpu.memref_slice %arg9[%dma_wait3A_330, %dma_wait3A_331] : memref<10112x64xf32, #tpu.memory_space<vmem_shared>> -> memref<10112x64xf32, #tpu.memory_space<vmem_shared>>
    tpu.wait_indirect_dma semaphore(%arg28 : memref<!tpu.dma_semaphore, #tpu.memory_space<semaphore_mem>>) src(%dma_wait3A_326 : memref<80x64xf32, #tpu.memory_space<vmem>>) dst(%dma_wait3A_332 : memref<10112x64xf32, #tpu.memory_space<vmem_shared>>)
    %dma_wait3A_333 = arith.constant 7 : i32
    %dma_wait3A_334 = arith.constant 115 : i32
    %dma_wait3A_335 = arith.constant 0 : i32
    %dma_wait3A_336 = arith.constant 0 : i32
    %dma_wait3A_337 = tpu.memref_slice %arg7[%dma_wait3A_333, %dma_wait3A_335, %dma_wait3A_336] : memref<12x80x64xf32, #tpu.memory_space<vmem>> -> memref<1x80x64xf32, #tpu.memory_space<vmem>>
    %dma_wait3A_338 = tpu.memref_squeeze %dma_wait3A_337 : memref<1x80x64xf32, #tpu.memory_space<vmem>> -> memref<80x64xf32, #tpu.memory_space<vmem>>
    %dma_wait3A_339 = arith.constant 0 : i32
    %dma_wait3A_340 = tpu.memref_slice %arg6[%dma_wait3A_334, %dma_wait3A_339] : memref<125x80xi32, #tpu.memory_space<vmem>> -> memref<1x80xi32, #tpu.memory_space<vmem>>
    %dma_wait3A_341 = tpu.memref_squeeze %dma_wait3A_340 : memref<1x80xi32, #tpu.memory_space<vmem>> -> memref<80xi32, #tpu.memory_space<vmem>>
    %dma_wait3A_342 = arith.constant 0 : i32
    %dma_wait3A_343 = arith.constant 0 : i32
    %dma_wait3A_344 = tpu.memref_slice %arg9[%dma_wait3A_342, %dma_wait3A_343] : memref<10112x64xf32, #tpu.memory_space<vmem_shared>> -> memref<10112x64xf32, #tpu.memory_space<vmem_shared>>
    tpu.wait_indirect_dma semaphore(%arg29 : memref<!tpu.dma_semaphore, #tpu.memory_space<semaphore_mem>>) src(%dma_wait3A_338 : memref<80x64xf32, #tpu.memory_space<vmem>>) dst(%dma_wait3A_344 : memref<10112x64xf32, #tpu.memory_space<vmem_shared>>)
    %dma_wait3A_345 = arith.constant 8 : i32
    %dma_wait3A_346 = arith.constant 116 : i32
    %dma_wait3A_347 = arith.constant 0 : i32
    %dma_wait3A_348 = arith.constant 0 : i32
    %dma_wait3A_349 = tpu.memref_slice %arg7[%dma_wait3A_345, %dma_wait3A_347, %dma_wait3A_348] : memref<12x80x64xf32, #tpu.memory_space<vmem>> -> memref<1x80x64xf32, #tpu.memory_space<vmem>>
    %dma_wait3A_350 = tpu.memref_squeeze %dma_wait3A_349 : memref<1x80x64xf32, #tpu.memory_space<vmem>> -> memref<80x64xf32, #tpu.memory_space<vmem>>
    %dma_wait3A_351 = arith.constant 0 : i32
    %dma_wait3A_352 = tpu.memref_slice %arg6[%dma_wait3A_346, %dma_wait3A_351] : memref<125x80xi32, #tpu.memory_space<vmem>> -> memref<1x80xi32, #tpu.memory_space<vmem>>
    %dma_wait3A_353 = tpu.memref_squeeze %dma_wait3A_352 : memref<1x80xi32, #tpu.memory_space<vmem>> -> memref<80xi32, #tpu.memory_space<vmem>>
    %dma_wait3A_354 = arith.constant 0 : i32
    %dma_wait3A_355 = arith.constant 0 : i32
    %dma_wait3A_356 = tpu.memref_slice %arg9[%dma_wait3A_354, %dma_wait3A_355] : memref<10112x64xf32, #tpu.memory_space<vmem_shared>> -> memref<10112x64xf32, #tpu.memory_space<vmem_shared>>
    tpu.wait_indirect_dma semaphore(%arg30 : memref<!tpu.dma_semaphore, #tpu.memory_space<semaphore_mem>>) src(%dma_wait3A_350 : memref<80x64xf32, #tpu.memory_space<vmem>>) dst(%dma_wait3A_356 : memref<10112x64xf32, #tpu.memory_space<vmem_shared>>)
    %dma_wait3A_357 = arith.constant 9 : i32
    %dma_wait3A_358 = arith.constant 117 : i32
    %dma_wait3A_359 = arith.constant 0 : i32
    %dma_wait3A_360 = arith.constant 0 : i32
    %dma_wait3A_361 = tpu.memref_slice %arg7[%dma_wait3A_357, %dma_wait3A_359, %dma_wait3A_360] : memref<12x80x64xf32, #tpu.memory_space<vmem>> -> memref<1x80x64xf32, #tpu.memory_space<vmem>>
    %dma_wait3A_362 = tpu.memref_squeeze %dma_wait3A_361 : memref<1x80x64xf32, #tpu.memory_space<vmem>> -> memref<80x64xf32, #tpu.memory_space<vmem>>
    %dma_wait3A_363 = arith.constant 0 : i32
    %dma_wait3A_364 = tpu.memref_slice %arg6[%dma_wait3A_358, %dma_wait3A_363] : memref<125x80xi32, #tpu.memory_space<vmem>> -> memref<1x80xi32, #tpu.memory_space<vmem>>
    %dma_wait3A_365 = tpu.memref_squeeze %dma_wait3A_364 : memref<1x80xi32, #tpu.memory_space<vmem>> -> memref<80xi32, #tpu.memory_space<vmem>>
    %dma_wait3A_366 = arith.constant 0 : i32
    %dma_wait3A_367 = arith.constant 0 : i32
    %dma_wait3A_368 = tpu.memref_slice %arg9[%dma_wait3A_366, %dma_wait3A_367] : memref<10112x64xf32, #tpu.memory_space<vmem_shared>> -> memref<10112x64xf32, #tpu.memory_space<vmem_shared>>
    tpu.wait_indirect_dma semaphore(%arg31 : memref<!tpu.dma_semaphore, #tpu.memory_space<semaphore_mem>>) src(%dma_wait3A_362 : memref<80x64xf32, #tpu.memory_space<vmem>>) dst(%dma_wait3A_368 : memref<10112x64xf32, #tpu.memory_space<vmem_shared>>)
    %dma_wait3A_369 = arith.constant 10 : i32
    %dma_wait3A_370 = arith.constant 118 : i32
    %dma_wait3A_371 = arith.constant 0 : i32
    %dma_wait3A_372 = arith.constant 0 : i32
    %dma_wait3A_373 = tpu.memref_slice %arg7[%dma_wait3A_369, %dma_wait3A_371, %dma_wait3A_372] : memref<12x80x64xf32, #tpu.memory_space<vmem>> -> memref<1x80x64xf32, #tpu.memory_space<vmem>>
    %dma_wait3A_374 = tpu.memref_squeeze %dma_wait3A_373 : memref<1x80x64xf32, #tpu.memory_space<vmem>> -> memref<80x64xf32, #tpu.memory_space<vmem>>
    %dma_wait3A_375 = arith.constant 0 : i32
    %dma_wait3A_376 = tpu.memref_slice %arg6[%dma_wait3A_370, %dma_wait3A_375] : memref<125x80xi32, #tpu.memory_space<vmem>> -> memref<1x80xi32, #tpu.memory_space<vmem>>
    %dma_wait3A_377 = tpu.memref_squeeze %dma_wait3A_376 : memref<1x80xi32, #tpu.memory_space<vmem>> -> memref<80xi32, #tpu.memory_space<vmem>>
    %dma_wait3A_378 = arith.constant 0 : i32
    %dma_wait3A_379 = arith.constant 0 : i32
    %dma_wait3A_380 = tpu.memref_slice %arg9[%dma_wait3A_378, %dma_wait3A_379] : memref<10112x64xf32, #tpu.memory_space<vmem_shared>> -> memref<10112x64xf32, #tpu.memory_space<vmem_shared>>
    tpu.wait_indirect_dma semaphore(%arg32 : memref<!tpu.dma_semaphore, #tpu.memory_space<semaphore_mem>>) src(%dma_wait3A_374 : memref<80x64xf32, #tpu.memory_space<vmem>>) dst(%dma_wait3A_380 : memref<10112x64xf32, #tpu.memory_space<vmem_shared>>)
    %dma_wait3A_381 = arith.constant 11 : i32
    %dma_wait3A_382 = arith.constant 119 : i32
    %dma_wait3A_383 = arith.constant 0 : i32
    %dma_wait3A_384 = arith.constant 0 : i32
    %dma_wait3A_385 = tpu.memref_slice %arg7[%dma_wait3A_381, %dma_wait3A_383, %dma_wait3A_384] : memref<12x80x64xf32, #tpu.memory_space<vmem>> -> memref<1x80x64xf32, #tpu.memory_space<vmem>>
    %dma_wait3A_386 = tpu.memref_squeeze %dma_wait3A_385 : memref<1x80x64xf32, #tpu.memory_space<vmem>> -> memref<80x64xf32, #tpu.memory_space<vmem>>
    %dma_wait3A_387 = arith.constant 0 : i32
    %dma_wait3A_388 = tpu.memref_slice %arg6[%dma_wait3A_382, %dma_wait3A_387] : memref<125x80xi32, #tpu.memory_space<vmem>> -> memref<1x80xi32, #tpu.memory_space<vmem>>
    %dma_wait3A_389 = tpu.memref_squeeze %dma_wait3A_388 : memref<1x80xi32, #tpu.memory_space<vmem>> -> memref<80xi32, #tpu.memory_space<vmem>>
    %dma_wait3A_390 = arith.constant 0 : i32
    %dma_wait3A_391 = arith.constant 0 : i32
    %dma_wait3A_392 = tpu.memref_slice %arg9[%dma_wait3A_390, %dma_wait3A_391] : memref<10112x64xf32, #tpu.memory_space<vmem_shared>> -> memref<10112x64xf32, #tpu.memory_space<vmem_shared>>
    tpu.wait_indirect_dma semaphore(%arg33 : memref<!tpu.dma_semaphore, #tpu.memory_space<semaphore_mem>>) src(%dma_wait3A_386 : memref<80x64xf32, #tpu.memory_space<vmem>>) dst(%dma_wait3A_392 : memref<10112x64xf32, #tpu.memory_space<vmem_shared>>)
    %dma_wait3A_393 = arith.constant 0 : i32
    %dma_wait3A_394 = arith.constant 120 : i32
    %dma_wait3A_395 = arith.constant 0 : i32
    %dma_wait3A_396 = arith.constant 0 : i32
    %dma_wait3A_397 = tpu.memref_slice %arg7[%dma_wait3A_393, %dma_wait3A_395, %dma_wait3A_396] : memref<12x80x64xf32, #tpu.memory_space<vmem>> -> memref<1x80x64xf32, #tpu.memory_space<vmem>>
    %dma_wait3A_398 = tpu.memref_squeeze %dma_wait3A_397 : memref<1x80x64xf32, #tpu.memory_space<vmem>> -> memref<80x64xf32, #tpu.memory_space<vmem>>
    %dma_wait3A_399 = arith.constant 0 : i32
    %dma_wait3A_400 = tpu.memref_slice %arg6[%dma_wait3A_394, %dma_wait3A_399] : memref<125x80xi32, #tpu.memory_space<vmem>> -> memref<1x80xi32, #tpu.memory_space<vmem>>
    %dma_wait3A_401 = tpu.memref_squeeze %dma_wait3A_400 : memref<1x80xi32, #tpu.memory_space<vmem>> -> memref<80xi32, #tpu.memory_space<vmem>>
    %dma_wait3A_402 = arith.constant 0 : i32
    %dma_wait3A_403 = arith.constant 0 : i32
    %dma_wait3A_404 = tpu.memref_slice %arg9[%dma_wait3A_402, %dma_wait3A_403] : memref<10112x64xf32, #tpu.memory_space<vmem_shared>> -> memref<10112x64xf32, #tpu.memory_space<vmem_shared>>
    tpu.wait_indirect_dma semaphore(%arg22 : memref<!tpu.dma_semaphore, #tpu.memory_space<semaphore_mem>>) src(%dma_wait3A_398 : memref<80x64xf32, #tpu.memory_space<vmem>>) dst(%dma_wait3A_404 : memref<10112x64xf32, #tpu.memory_space<vmem_shared>>)
    %dma_wait3A_405 = arith.constant 1 : i32
    %dma_wait3A_406 = arith.constant 121 : i32
    %dma_wait3A_407 = arith.constant 0 : i32
    %dma_wait3A_408 = arith.constant 0 : i32
    %dma_wait3A_409 = tpu.memref_slice %arg7[%dma_wait3A_405, %dma_wait3A_407, %dma_wait3A_408] : memref<12x80x64xf32, #tpu.memory_space<vmem>> -> memref<1x80x64xf32, #tpu.memory_space<vmem>>
    %dma_wait3A_410 = tpu.memref_squeeze %dma_wait3A_409 : memref<1x80x64xf32, #tpu.memory_space<vmem>> -> memref<80x64xf32, #tpu.memory_space<vmem>>
    %dma_wait3A_411 = arith.constant 0 : i32
    %dma_wait3A_412 = tpu.memref_slice %arg6[%dma_wait3A_406, %dma_wait3A_411] : memref<125x80xi32, #tpu.memory_space<vmem>> -> memref<1x80xi32, #tpu.memory_space<vmem>>
    %dma_wait3A_413 = tpu.memref_squeeze %dma_wait3A_412 : memref<1x80xi32, #tpu.memory_space<vmem>> -> memref<80xi32, #tpu.memory_space<vmem>>
    %dma_wait3A_414 = arith.constant 0 : i32
    %dma_wait3A_415 = arith.constant 0 : i32
    %dma_wait3A_416 = tpu.memref_slice %arg9[%dma_wait3A_414, %dma_wait3A_415] : memref<10112x64xf32, #tpu.memory_space<vmem_shared>> -> memref<10112x64xf32, #tpu.memory_space<vmem_shared>>
    tpu.wait_indirect_dma semaphore(%arg23 : memref<!tpu.dma_semaphore, #tpu.memory_space<semaphore_mem>>) src(%dma_wait3A_410 : memref<80x64xf32, #tpu.memory_space<vmem>>) dst(%dma_wait3A_416 : memref<10112x64xf32, #tpu.memory_space<vmem_shared>>)
    %dma_wait3A_417 = arith.constant 2 : i32
    %dma_wait3A_418 = arith.constant 122 : i32
    %dma_wait3A_419 = arith.constant 0 : i32
    %dma_wait3A_420 = arith.constant 0 : i32
    %dma_wait3A_421 = tpu.memref_slice %arg7[%dma_wait3A_417, %dma_wait3A_419, %dma_wait3A_420] : memref<12x80x64xf32, #tpu.memory_space<vmem>> -> memref<1x80x64xf32, #tpu.memory_space<vmem>>
    %dma_wait3A_422 = tpu.memref_squeeze %dma_wait3A_421 : memref<1x80x64xf32, #tpu.memory_space<vmem>> -> memref<80x64xf32, #tpu.memory_space<vmem>>
    %dma_wait3A_423 = arith.constant 0 : i32
    %dma_wait3A_424 = tpu.memref_slice %arg6[%dma_wait3A_418, %dma_wait3A_423] : memref<125x80xi32, #tpu.memory_space<vmem>> -> memref<1x80xi32, #tpu.memory_space<vmem>>
    %dma_wait3A_425 = tpu.memref_squeeze %dma_wait3A_424 : memref<1x80xi32, #tpu.memory_space<vmem>> -> memref<80xi32, #tpu.memory_space<vmem>>
    %dma_wait3A_426 = arith.constant 0 : i32
    %dma_wait3A_427 = arith.constant 0 : i32
    %dma_wait3A_428 = tpu.memref_slice %arg9[%dma_wait3A_426, %dma_wait3A_427] : memref<10112x64xf32, #tpu.memory_space<vmem_shared>> -> memref<10112x64xf32, #tpu.memory_space<vmem_shared>>
    tpu.wait_indirect_dma semaphore(%arg24 : memref<!tpu.dma_semaphore, #tpu.memory_space<semaphore_mem>>) src(%dma_wait3A_422 : memref<80x64xf32, #tpu.memory_space<vmem>>) dst(%dma_wait3A_428 : memref<10112x64xf32, #tpu.memory_space<vmem_shared>>)
    %dma_wait3A_429 = arith.constant 3 : i32
    %dma_wait3A_430 = arith.constant 123 : i32
    %dma_wait3A_431 = arith.constant 0 : i32
    %dma_wait3A_432 = arith.constant 0 : i32
    %dma_wait3A_433 = tpu.memref_slice %arg7[%dma_wait3A_429, %dma_wait3A_431, %dma_wait3A_432] : memref<12x80x64xf32, #tpu.memory_space<vmem>> -> memref<1x80x64xf32, #tpu.memory_space<vmem>>
    %dma_wait3A_434 = tpu.memref_squeeze %dma_wait3A_433 : memref<1x80x64xf32, #tpu.memory_space<vmem>> -> memref<80x64xf32, #tpu.memory_space<vmem>>
    %dma_wait3A_435 = arith.constant 0 : i32
    %dma_wait3A_436 = tpu.memref_slice %arg6[%dma_wait3A_430, %dma_wait3A_435] : memref<125x80xi32, #tpu.memory_space<vmem>> -> memref<1x80xi32, #tpu.memory_space<vmem>>
    %dma_wait3A_437 = tpu.memref_squeeze %dma_wait3A_436 : memref<1x80xi32, #tpu.memory_space<vmem>> -> memref<80xi32, #tpu.memory_space<vmem>>
    %dma_wait3A_438 = arith.constant 0 : i32
    %dma_wait3A_439 = arith.constant 0 : i32
    %dma_wait3A_440 = tpu.memref_slice %arg9[%dma_wait3A_438, %dma_wait3A_439] : memref<10112x64xf32, #tpu.memory_space<vmem_shared>> -> memref<10112x64xf32, #tpu.memory_space<vmem_shared>>
    tpu.wait_indirect_dma semaphore(%arg25 : memref<!tpu.dma_semaphore, #tpu.memory_space<semaphore_mem>>) src(%dma_wait3A_434 : memref<80x64xf32, #tpu.memory_space<vmem>>) dst(%dma_wait3A_440 : memref<10112x64xf32, #tpu.memory_space<vmem_shared>>)
    %dma_wait3A_441 = arith.constant 4 : i32
    %dma_wait3A_442 = arith.constant 124 : i32
    %dma_wait3A_443 = arith.constant 0 : i32
    %dma_wait3A_444 = arith.constant 0 : i32
    %dma_wait3A_445 = tpu.memref_slice %arg7[%dma_wait3A_441, %dma_wait3A_443, %dma_wait3A_444] : memref<12x80x64xf32, #tpu.memory_space<vmem>> -> memref<1x80x64xf32, #tpu.memory_space<vmem>>
    %dma_wait3A_446 = tpu.memref_squeeze %dma_wait3A_445 : memref<1x80x64xf32, #tpu.memory_space<vmem>> -> memref<80x64xf32, #tpu.memory_space<vmem>>
    %dma_wait3A_447 = arith.constant 0 : i32
    %dma_wait3A_448 = tpu.memref_slice %arg6[%dma_wait3A_442, %dma_wait3A_447] : memref<125x80xi32, #tpu.memory_space<vmem>> -> memref<1x80xi32, #tpu.memory_space<vmem>>
    %dma_wait3A_449 = tpu.memref_squeeze %dma_wait3A_448 : memref<1x80xi32, #tpu.memory_space<vmem>> -> memref<80xi32, #tpu.memory_space<vmem>>
    %dma_wait3A_450 = arith.constant 0 : i32
    %dma_wait3A_451 = arith.constant 0 : i32
    %dma_wait3A_452 = tpu.memref_slice %arg9[%dma_wait3A_450, %dma_wait3A_451] : memref<10112x64xf32, #tpu.memory_space<vmem_shared>> -> memref<10112x64xf32, #tpu.memory_space<vmem_shared>>
    tpu.wait_indirect_dma semaphore(%arg26 : memref<!tpu.dma_semaphore, #tpu.memory_space<semaphore_mem>>) src(%dma_wait3A_446 : memref<80x64xf32, #tpu.memory_space<vmem>>) dst(%dma_wait3A_452 : memref<10112x64xf32, #tpu.memory_space<vmem_shared>>)
    %barrier3A_453 = arith.constant 0 : index
    tpu.barrier barrier_id(%barrier3A_453)
    %mul3A_454 = arith.constant 632 : i32
    %mul3A_455 = arith.muli %arg1, %mul3A_454 : i32
    %mul3A_456 = arith.constant 632 : i32
    %mul3A_457 = arith.muli %arg1, %mul3A_456 : i32
    "tpu.region"() ({
      %run_scoped3A_458 = tpu.sem_alloc : memref<!tpu.dma_semaphore, #tpu.memory_space<semaphore_mem>>
      %dma_start3A_459 = arith.constant 0 : i32
      %dma_start3A_460 = tpu.memref_slice %arg4[%arg0, %mul3A_457, %dma_start3A_459] : memref<2x10112x128xf32, #tpu.memory_space<hbm>> -> memref<1x632x64xf32, #tpu.memory_space<hbm>>
      %dma_start3A_461 = tpu.memref_squeeze %dma_start3A_460 : memref<1x632x64xf32, #tpu.memory_space<hbm>> -> memref<632x64xf32, #tpu.memory_space<hbm>>
      %dma_start3A_462 = arith.constant 0 : i32
      %dma_start3A_463 = tpu.memref_slice %arg9[%mul3A_455, %dma_start3A_462] : memref<10112x64xf32, #tpu.memory_space<vmem_shared>> -> memref<632x64xf32, #tpu.memory_space<vmem_shared>>
      tpu.enqueue_dma source(%dma_start3A_463 : memref<632x64xf32, #tpu.memory_space<vmem_shared>>) target(%dma_start3A_461 : memref<632x64xf32, #tpu.memory_space<hbm>>) target_semaphore(%run_scoped3A_458 : memref<!tpu.dma_semaphore, #tpu.memory_space<semaphore_mem>>)
      %dma_wait3A_464 = arith.constant 0 : i32
      %dma_wait3A_465 = tpu.memref_slice %arg4[%arg0, %mul3A_457, %dma_wait3A_464] : memref<2x10112x128xf32, #tpu.memory_space<hbm>> -> memref<1x632x64xf32, #tpu.memory_space<hbm>>
      %dma_wait3A_466 = tpu.memref_squeeze %dma_wait3A_465 : memref<1x632x64xf32, #tpu.memory_space<hbm>> -> memref<632x64xf32, #tpu.memory_space<hbm>>
      %dma_wait3A_467 = arith.constant 0 : i32
      %dma_wait3A_468 = tpu.memref_slice %arg9[%mul3A_455, %dma_wait3A_467] : memref<10112x64xf32, #tpu.memory_space<vmem_shared>> -> memref<632x64xf32, #tpu.memory_space<vmem_shared>>
      tpu.wait_dma2 semaphore(%run_scoped3A_458 : memref<!tpu.dma_semaphore, #tpu.memory_space<semaphore_mem>>) src(%dma_wait3A_468 : memref<632x64xf32, #tpu.memory_space<vmem_shared>>) dst(%dma_wait3A_466 : memref<632x64xf32, #tpu.memory_space<hbm>>)
      tpu.yield
    }) : () -> ()
    return
  }
}

module attributes {stable_mosaic.version = 14 : i64} {
  func.func @body(%arg0: i32, %arg1: memref<2x2000x128xf32, #tpu.memory_space<vmem>>, %arg2: memref<128x32xf32, #tpu.memory_space<vmem>>, %arg3: memref<1x32xf32, #tpu.memory_space<vmem>>, %arg4: memref<64x64xf32, #tpu.memory_space<vmem>>, %arg5: memref<2000x64xf32, #tpu.memory_space<vmem>>, %arg6: memref<2000x64xf32, #tpu.memory_space<vmem>>) attributes {dimension_semantics = [#tpu.dimension_semantics<arbitrary>], iteration_bounds = array<i64: 5>, scalar_prefetch = 0 : i64, scratch_operands = 0 : i64, tpu.core_type = #tpu.core_type<tc>, window_params = [{transform_indices = @transform_0, window_bounds = array<i64: 2, 2000, 128>}, {pipeline_mode = #tpu.pipeline_mode<synchronous>, transform_indices = @transform_1, window_bounds = array<i64: 128, 32>}, {pipeline_mode = #tpu.pipeline_mode<synchronous>, transform_indices = @transform_2, window_bounds = array<i64: 1, 32>}, {pipeline_mode = #tpu.pipeline_mode<synchronous>, transform_indices = @transform_3, window_bounds = array<i64: 64, 64>}, {transform_indices = @transform_4, window_bounds = array<i64: 2000, 64>}, {transform_indices = @transform_5, window_bounds = array<i64: 2000, 64>}]} {
    %get3A = arith.constant 0 : index
    %get3A_0 = arith.constant 0 : index
    %get3A_1 = vector.load %arg2[%get3A, %get3A_0] : memref<128x32xf32, #tpu.memory_space<vmem>>, vector<128x32xf32>
    %get3A_2 = arith.constant 0 : index
    %get3A_3 = arith.constant 0 : index
    %get3A_4 = vector.load %arg3[%get3A_2, %get3A_3] : memref<1x32xf32, #tpu.memory_space<vmem>>, vector<1x32xf32>
    %get3A_5 = arith.constant 0 : index
    %get3A_6 = arith.constant 0 : index
    %get3A_7 = arith.constant 0 : index
    %get3A_8 = vector.load %arg1[%get3A_5, %get3A_6, %get3A_7] : memref<2x2000x128xf32, #tpu.memory_space<vmem>>, vector<1x2000x128xf32>
    %get3A_9 = vector.shape_cast %get3A_8 : vector<1x2000x128xf32> to vector<2000x128xf32>
    %dot_general3A = arith.constant dense<0.000000e+00> : vector<2000x32xf32>
    %dot_general3A_10 = tpu.matmul %get3A_9, %get3A_1, %dot_general3A {dimension_numbers = #tpu.dot_dimension_numbers<[1], [0], [0], [1], [0, 0, 1, 1], [], []>, transpose_lhs_hint = false} : vector<2000x128xf32>, vector<128x32xf32>, vector<2000x32xf32> -> vector<2000x32xf32>
    %add3A = vector.broadcast %get3A_4 : vector<1x32xf32> to vector<2000x32xf32>
    %add3A_11 = arith.addf %dot_general3A_10, %add3A : vector<2000x32xf32>
    %gt3A = arith.constant 0.000000e+00 : f32
    %gt3A_12 = vector.broadcast %gt3A : f32 to vector<2000x32xf32>
    %gt3A_13 = arith.cmpf ogt, %add3A_11, %gt3A_12 : vector<2000x32xf32>
    %min3A = arith.constant 0.000000e+00 : f32
    %min3A_14 = vector.broadcast %min3A : f32 to vector<2000x32xf32>
    %min3A_15 = arith.minimumf %add3A_11, %min3A_14 : vector<2000x32xf32>
    %exp3A = math.exp %min3A_15 : vector<2000x32xf32>
    %sub3A = arith.constant 1.000000e+00 : f32
    %sub3A_16 = vector.broadcast %sub3A : f32 to vector<2000x32xf32>
    %sub3A_17 = arith.subf %exp3A, %sub3A_16 : vector<2000x32xf32>
    %select_n3A = arith.select %gt3A_13, %add3A_11, %sub3A_17 : vector<2000x32xi1>, vector<2000x32xf32>
    %get3A_18 = arith.constant 1 : index
    %get3A_19 = arith.constant 0 : index
    %get3A_20 = arith.constant 0 : index
    %get3A_21 = vector.load %arg1[%get3A_18, %get3A_19, %get3A_20] : memref<2x2000x128xf32, #tpu.memory_space<vmem>>, vector<1x2000x128xf32>
    %get3A_22 = vector.shape_cast %get3A_21 : vector<1x2000x128xf32> to vector<2000x128xf32>
    %dot_general3A_23 = arith.constant dense<0.000000e+00> : vector<2000x32xf32>
    %dot_general3A_24 = tpu.matmul %get3A_22, %get3A_1, %dot_general3A_23 {dimension_numbers = #tpu.dot_dimension_numbers<[1], [0], [0], [1], [0, 0, 1, 1], [], []>, transpose_lhs_hint = false} : vector<2000x128xf32>, vector<128x32xf32>, vector<2000x32xf32> -> vector<2000x32xf32>
    %add3A_25 = vector.broadcast %get3A_4 : vector<1x32xf32> to vector<2000x32xf32>
    %add3A_26 = arith.addf %dot_general3A_24, %add3A_25 : vector<2000x32xf32>
    %gt3A_27 = arith.constant 0.000000e+00 : f32
    %gt3A_28 = vector.broadcast %gt3A_27 : f32 to vector<2000x32xf32>
    %gt3A_29 = arith.cmpf ogt, %add3A_26, %gt3A_28 : vector<2000x32xf32>
    %min3A_30 = arith.constant 0.000000e+00 : f32
    %min3A_31 = vector.broadcast %min3A_30 : f32 to vector<2000x32xf32>
    %min3A_32 = arith.minimumf %add3A_26, %min3A_31 : vector<2000x32xf32>
    %exp3A_33 = math.exp %min3A_32 : vector<2000x32xf32>
    %sub3A_34 = arith.constant 1.000000e+00 : f32
    %sub3A_35 = vector.broadcast %sub3A_34 : f32 to vector<2000x32xf32>
    %sub3A_36 = arith.subf %exp3A_33, %sub3A_35 : vector<2000x32xf32>
    %select_n3A_37 = arith.select %gt3A_29, %add3A_26, %sub3A_36 : vector<2000x32xi1>, vector<2000x32xf32>
    %concatenate3A = tpu.concatenate %select_n3A, %select_n3A_37 in 1 : vector<2000x32xf32>, vector<2000x32xf32> -> vector<2000x64xf32>
    %swap3A = arith.constant 0 : index
    %swap3A_38 = arith.constant 0 : index
    %swap3A_39 = vector.load %arg5[%swap3A, %swap3A_38] : memref<2000x64xf32, #tpu.memory_space<vmem>>, vector<2000x64xf32>
    tpu.vector_store %arg5[%swap3A, %swap3A_38], %concatenate3A {strides = array<i32>} : memref<2000x64xf32, #tpu.memory_space<vmem>>, vector<2000x64xf32>,
    %get3A_40 = arith.constant 0 : index
    %get3A_41 = arith.constant 0 : index
    %get3A_42 = vector.load %arg4[%get3A_40, %get3A_41] : memref<64x64xf32, #tpu.memory_space<vmem>>, vector<64x64xf32>
    %dot_general3A_43 = arith.constant dense<0.000000e+00> : vector<2000x64xf32>
    %dot_general3A_44 = tpu.matmul %concatenate3A, %get3A_42, %dot_general3A_43 {dimension_numbers = #tpu.dot_dimension_numbers<[1], [0], [0], [1], [0, 0, 1, 1], [], []>, transpose_lhs_hint = false} : vector<2000x64xf32>, vector<64x64xf32>, vector<2000x64xf32> -> vector<2000x64xf32>
    %gt3A_45 = arith.constant 0.000000e+00 : f32
    %gt3A_46 = vector.broadcast %gt3A_45 : f32 to vector<2000x64xf32>
    %gt3A_47 = arith.cmpf ogt, %dot_general3A_44, %gt3A_46 : vector<2000x64xf32>
    %min3A_48 = arith.constant 0.000000e+00 : f32
    %min3A_49 = vector.broadcast %min3A_48 : f32 to vector<2000x64xf32>
    %min3A_50 = arith.minimumf %dot_general3A_44, %min3A_49 : vector<2000x64xf32>
    %exp3A_51 = math.exp %min3A_50 : vector<2000x64xf32>
    %sub3A_52 = arith.constant 1.000000e+00 : f32
    %sub3A_53 = vector.broadcast %sub3A_52 : f32 to vector<2000x64xf32>
    %sub3A_54 = arith.subf %exp3A_51, %sub3A_53 : vector<2000x64xf32>
    %select_n3A_55 = arith.select %gt3A_47, %dot_general3A_44, %sub3A_54 : vector<2000x64xi1>, vector<2000x64xf32>
    %swap3A_56 = arith.constant 0 : index
    %swap3A_57 = arith.constant 0 : index
    %swap3A_58 = vector.load %arg6[%swap3A_56, %swap3A_57] : memref<2000x64xf32, #tpu.memory_space<vmem>>, vector<2000x64xf32>
    tpu.vector_store %arg6[%swap3A_56, %swap3A_57], %select_n3A_55 {strides = array<i32>} : memref<2000x64xf32, #tpu.memory_space<vmem>>, vector<2000x64xf32>,
    return
  }
  func.func @transform_0(%arg0: i32) -> (i32, i32, i32) {
    %c0_i32 = arith.constant 0 : i32
    %c0_i32_0 = arith.constant 0 : i32
    %c0_i32_1 = arith.constant 0 : i32
    return %c0_i32, %arg0, %c0_i32_0 : i32, i32, i32
  }
  func.func @transform_1(%arg0: i32) -> (i32, i32) {
    %c0_i32 = arith.constant 0 : i32
    %c0_i32_0 = arith.constant 0 : i32
    %c0_i32_1 = arith.constant 0 : i32
    return %c0_i32, %c0_i32_0 : i32, i32
  }
  func.func @transform_2(%arg0: i32) -> (i32, i32) {
    %c0_i32 = arith.constant 0 : i32
    %c0_i32_0 = arith.constant 0 : i32
    %c0_i32_1 = arith.constant 0 : i32
    return %c0_i32, %c0_i32_0 : i32, i32
  }
  func.func @transform_3(%arg0: i32) -> (i32, i32) {
    %c0_i32 = arith.constant 0 : i32
    %c0_i32_0 = arith.constant 0 : i32
    %c0_i32_1 = arith.constant 0 : i32
    return %c0_i32, %c0_i32_0 : i32, i32
  }
  func.func @transform_4(%arg0: i32) -> (i32, i32) {
    %c0_i32 = arith.constant 0 : i32
    %c0_i32_0 = arith.constant 0 : i32
    return %arg0, %c0_i32 : i32, i32
  }
  func.func @transform_5(%arg0: i32) -> (i32, i32) {
    %c0_i32 = arith.constant 0 : i32
    %c0_i32_0 = arith.constant 0 : i32
    return %arg0, %c0_i32 : i32, i32
  }
}

module attributes {stable_mosaic.version = 14 : i64} {
  func.func @body(%arg0: i32, %arg1: memref<2000x64xf32, #tpu.memory_space<vmem>>, %arg2: memref<2x2000x128xf32, #tpu.memory_space<vmem>>, %arg3: memref<128x64xf32, #tpu.memory_space<vmem>>, %arg4: memref<1x64xf32, #tpu.memory_space<vmem>>, %arg5: memref<64x64xf32, #tpu.memory_space<vmem>>, %arg6: memref<2000x64xf32, #tpu.memory_space<vmem>>, %arg7: memref<2000x64xf32, #tpu.memory_space<vmem>>) attributes {dimension_semantics = [#tpu.dimension_semantics<arbitrary>], iteration_bounds = array<i64: 5>, scalar_prefetch = 0 : i64, scratch_operands = 0 : i64, tpu.core_type = #tpu.core_type<tc>, window_params = [{transform_indices = @transform_0, window_bounds = array<i64: 2000, 64>}, {transform_indices = @transform_1, window_bounds = array<i64: 2, 2000, 128>}, {pipeline_mode = #tpu.pipeline_mode<synchronous>, transform_indices = @transform_2, window_bounds = array<i64: 128, 64>}, {pipeline_mode = #tpu.pipeline_mode<synchronous>, transform_indices = @transform_3, window_bounds = array<i64: 1, 64>}, {pipeline_mode = #tpu.pipeline_mode<synchronous>, transform_indices = @transform_4, window_bounds = array<i64: 64, 64>}, {transform_indices = @transform_5, window_bounds = array<i64: 2000, 64>}, {transform_indices = @transform_6, window_bounds = array<i64: 2000, 64>}]} {
    %get3A = arith.constant 0 : index
    %get3A_0 = arith.constant 0 : index
    %get3A_1 = arith.constant 0 : index
    %get3A_2 = vector.load %arg2[%get3A, %get3A_0, %get3A_1] : memref<2x2000x128xf32, #tpu.memory_space<vmem>>, vector<1x2000x64xf32>
    %get3A_3 = vector.shape_cast %get3A_2 : vector<1x2000x64xf32> to vector<2000x64xf32>
    %get3A_4 = arith.constant 1 : index
    %get3A_5 = arith.constant 0 : index
    %get3A_6 = arith.constant 0 : index
    %get3A_7 = vector.load %arg2[%get3A_4, %get3A_5, %get3A_6] : memref<2x2000x128xf32, #tpu.memory_space<vmem>>, vector<1x2000x64xf32>
    %get3A_8 = vector.shape_cast %get3A_7 : vector<1x2000x64xf32> to vector<2000x64xf32>
    %add3A = arith.addf %get3A_3, %get3A_8 : vector<2000x64xf32>
    %get3A_9 = arith.constant 0 : index
    %get3A_10 = arith.constant 0 : index
    %get3A_11 = vector.load %arg1[%get3A_9, %get3A_10] : memref<2000x64xf32, #tpu.memory_space<vmem>>, vector<2000x64xf32>
    %get3A_12 = arith.constant 0 : index
    %get3A_13 = arith.constant 0 : index
    %get3A_14 = vector.load %arg3[%get3A_12, %get3A_13] : memref<128x64xf32, #tpu.memory_space<vmem>>, vector<128x64xf32>
    %get3A_15 = arith.constant 0 : index
    %get3A_16 = arith.constant 0 : index
    %get3A_17 = vector.load %arg4[%get3A_15, %get3A_16] : memref<1x64xf32, #tpu.memory_space<vmem>>, vector<1x64xf32>
    %concatenate3A = tpu.concatenate %get3A_11, %add3A in 1 : vector<2000x64xf32>, vector<2000x64xf32> -> vector<2000x128xf32>
    %dot_general3A = arith.constant dense<0.000000e+00> : vector<2000x64xf32>
    %dot_general3A_18 = tpu.matmul %concatenate3A, %get3A_14, %dot_general3A {dimension_numbers = #tpu.dot_dimension_numbers<[1], [0], [0], [1], [0, 0, 1, 1], [], []>, transpose_lhs_hint = false} : vector<2000x128xf32>, vector<128x64xf32>, vector<2000x64xf32> -> vector<2000x64xf32>
    %add3A_19 = vector.broadcast %get3A_17 : vector<1x64xf32> to vector<2000x64xf32>
    %add3A_20 = arith.addf %dot_general3A_18, %add3A_19 : vector<2000x64xf32>
    %mul3A = arith.mulf %add3A_20, %add3A_20 : vector<2000x64xf32>
    %slice3A = vector.extract_strided_slice %add3A_20 {offsets = [0, 0], sizes = [2000, 32], strides = [1, 1]} : vector<2000x64xf32> to vector<2000x32xf32>
    %slice3A_21 = vector.extract_strided_slice %mul3A {offsets = [0, 0], sizes = [2000, 32], strides = [1, 1]} : vector<2000x64xf32> to vector<2000x32xf32>
    %reduce_sum3A = arith.constant dense<0.000000e+00> : vector<2000xf32>
    %reduce_sum3A_22 = vector.multi_reduction <add>, %slice3A_21, %reduce_sum3A [1] : vector<2000x32xf32> to vector<2000xf32>
    %broadcast_in_dim3A = vector.shape_cast %reduce_sum3A_22 : vector<2000xf32> to vector<2000x1xf32>
    %max3A = arith.constant 9.99999996E-13 : f32
    %max3A_23 = vector.broadcast %max3A : f32 to vector<2000x1xf32>
    %max3A_24 = arith.maximumf %broadcast_in_dim3A, %max3A_23 : vector<2000x1xf32>
    %rsqrt3A = math.rsqrt %max3A_24 : vector<2000x1xf32>
    %mul3A_25 = vector.broadcast %rsqrt3A : vector<2000x1xf32> to vector<2000x32xf32>
    %mul3A_26 = arith.mulf %slice3A, %mul3A_25 : vector<2000x32xf32>
    %slice3A_27 = vector.extract_strided_slice %add3A_20 {offsets = [0, 32], sizes = [2000, 32], strides = [1, 1]} : vector<2000x64xf32> to vector<2000x32xf32>
    %slice3A_28 = vector.extract_strided_slice %mul3A {offsets = [0, 32], sizes = [2000, 32], strides = [1, 1]} : vector<2000x64xf32> to vector<2000x32xf32>
    %reduce_sum3A_29 = arith.constant dense<0.000000e+00> : vector<2000xf32>
    %reduce_sum3A_30 = vector.multi_reduction <add>, %slice3A_28, %reduce_sum3A_29 [1] : vector<2000x32xf32> to vector<2000xf32>
    %broadcast_in_dim3A_31 = vector.shape_cast %reduce_sum3A_30 : vector<2000xf32> to vector<2000x1xf32>
    %max3A_32 = arith.constant 9.99999996E-13 : f32
    %max3A_33 = vector.broadcast %max3A_32 : f32 to vector<2000x1xf32>
    %max3A_34 = arith.maximumf %broadcast_in_dim3A_31, %max3A_33 : vector<2000x1xf32>
    %rsqrt3A_35 = math.rsqrt %max3A_34 : vector<2000x1xf32>
    %mul3A_36 = vector.broadcast %rsqrt3A_35 : vector<2000x1xf32> to vector<2000x32xf32>
    %mul3A_37 = arith.mulf %slice3A_27, %mul3A_36 : vector<2000x32xf32>
    %concatenate3A_38 = tpu.concatenate %mul3A_26, %mul3A_37 in 1 : vector<2000x32xf32>, vector<2000x32xf32> -> vector<2000x64xf32>
    %swap3A = arith.constant 0 : index
    %swap3A_39 = arith.constant 0 : index
    %swap3A_40 = vector.load %arg6[%swap3A, %swap3A_39] : memref<2000x64xf32, #tpu.memory_space<vmem>>, vector<2000x64xf32>
    tpu.vector_store %arg6[%swap3A, %swap3A_39], %concatenate3A_38 {strides = array<i32>} : memref<2000x64xf32, #tpu.memory_space<vmem>>, vector<2000x64xf32>,
    %get3A_41 = arith.constant 0 : index
    %get3A_42 = arith.constant 0 : index
    %get3A_43 = vector.load %arg5[%get3A_41, %get3A_42] : memref<64x64xf32, #tpu.memory_space<vmem>>, vector<64x64xf32>
    %dot_general3A_44 = arith.constant dense<0.000000e+00> : vector<2000x64xf32>
    %dot_general3A_45 = tpu.matmul %concatenate3A_38, %get3A_43, %dot_general3A_44 {dimension_numbers = #tpu.dot_dimension_numbers<[1], [0], [0], [1], [0, 0, 1, 1], [], []>, transpose_lhs_hint = false} : vector<2000x64xf32>, vector<64x64xf32>, vector<2000x64xf32> -> vector<2000x64xf32>
    %gt3A = arith.constant 0.000000e+00 : f32
    %gt3A_46 = vector.broadcast %gt3A : f32 to vector<2000x64xf32>
    %gt3A_47 = arith.cmpf ogt, %dot_general3A_45, %gt3A_46 : vector<2000x64xf32>
    %min3A = arith.constant 0.000000e+00 : f32
    %min3A_48 = vector.broadcast %min3A : f32 to vector<2000x64xf32>
    %min3A_49 = arith.minimumf %dot_general3A_45, %min3A_48 : vector<2000x64xf32>
    %exp3A = math.exp %min3A_49 : vector<2000x64xf32>
    %sub3A = arith.constant 1.000000e+00 : f32
    %sub3A_50 = vector.broadcast %sub3A : f32 to vector<2000x64xf32>
    %sub3A_51 = arith.subf %exp3A, %sub3A_50 : vector<2000x64xf32>
    %select_n3A = arith.select %gt3A_47, %dot_general3A_45, %sub3A_51 : vector<2000x64xi1>, vector<2000x64xf32>
    %swap3A_52 = arith.constant 0 : index
    %swap3A_53 = arith.constant 0 : index
    %swap3A_54 = vector.load %arg7[%swap3A_52, %swap3A_53] : memref<2000x64xf32, #tpu.memory_space<vmem>>, vector<2000x64xf32>
    tpu.vector_store %arg7[%swap3A_52, %swap3A_53], %select_n3A {strides = array<i32>} : memref<2000x64xf32, #tpu.memory_space<vmem>>, vector<2000x64xf32>,
    return
  }
  func.func @transform_0(%arg0: i32) -> (i32, i32) {
    %c0_i32 = arith.constant 0 : i32
    %c0_i32_0 = arith.constant 0 : i32
    return %arg0, %c0_i32 : i32, i32
  }
  func.func @transform_1(%arg0: i32) -> (i32, i32, i32) {
    %c0_i32 = arith.constant 0 : i32
    %c0_i32_0 = arith.constant 0 : i32
    %c0_i32_1 = arith.constant 0 : i32
    return %c0_i32, %arg0, %c0_i32_0 : i32, i32, i32
  }
  func.func @transform_2(%arg0: i32) -> (i32, i32) {
    %c0_i32 = arith.constant 0 : i32
    %c0_i32_0 = arith.constant 0 : i32
    %c0_i32_1 = arith.constant 0 : i32
    return %c0_i32, %c0_i32_0 : i32, i32
  }
  func.func @transform_3(%arg0: i32) -> (i32, i32) {
    %c0_i32 = arith.constant 0 : i32
    %c0_i32_0 = arith.constant 0 : i32
    %c0_i32_1 = arith.constant 0 : i32
    return %c0_i32, %c0_i32_0 : i32, i32
  }
  func.func @transform_4(%arg0: i32) -> (i32, i32) {
    %c0_i32 = arith.constant 0 : i32
    %c0_i32_0 = arith.constant 0 : i32
    %c0_i32_1 = arith.constant 0 : i32
    return %c0_i32, %c0_i32_0 : i32, i32
  }
  func.func @transform_5(%arg0: i32) -> (i32, i32) {
    %c0_i32 = arith.constant 0 : i32
    %c0_i32_0 = arith.constant 0 : i32
    return %arg0, %c0_i32 : i32, i32
  }
  func.func @transform_6(%arg0: i32) -> (i32, i32) {
    %c0_i32 = arith.constant 0 : i32
    %c0_i32_0 = arith.constant 0 : i32
    return %arg0, %c0_i32 : i32, i32
  }
}

module attributes {stable_mosaic.version = 14 : i64} {
  func.func @body(%arg0: i32, %arg1: memref<2000x64xf32, #tpu.memory_space<vmem>>, %arg2: memref<2x2000x128xf32, #tpu.memory_space<vmem>>, %arg3: memref<128x64xf32, #tpu.memory_space<vmem>>, %arg4: memref<1x64xf32, #tpu.memory_space<vmem>>, %arg5: memref<64x256xf32, #tpu.memory_space<vmem>>, %arg6: memref<1x256xf32, #tpu.memory_space<vmem>>, %arg7: memref<256x8xf32, #tpu.memory_space<vmem>>, %arg8: memref<1x8xf32, #tpu.memory_space<vmem>>, %arg9: memref<2000x8xf32, #tpu.memory_space<vmem>>) attributes {dimension_semantics = [#tpu.dimension_semantics<arbitrary>], iteration_bounds = array<i64: 5>, scalar_prefetch = 0 : i64, scratch_operands = 0 : i64, tpu.core_type = #tpu.core_type<tc>, window_params = [{transform_indices = @transform_0, window_bounds = array<i64: 2000, 64>}, {transform_indices = @transform_1, window_bounds = array<i64: 2, 2000, 128>}, {pipeline_mode = #tpu.pipeline_mode<synchronous>, transform_indices = @transform_2, window_bounds = array<i64: 128, 64>}, {pipeline_mode = #tpu.pipeline_mode<synchronous>, transform_indices = @transform_3, window_bounds = array<i64: 1, 64>}, {pipeline_mode = #tpu.pipeline_mode<synchronous>, transform_indices = @transform_4, window_bounds = array<i64: 64, 256>}, {pipeline_mode = #tpu.pipeline_mode<synchronous>, transform_indices = @transform_5, window_bounds = array<i64: 1, 256>}, {pipeline_mode = #tpu.pipeline_mode<synchronous>, transform_indices = @transform_6, window_bounds = array<i64: 256, 8>}, {pipeline_mode = #tpu.pipeline_mode<synchronous>, transform_indices = @transform_7, window_bounds = array<i64: 1, 8>}, {transform_indices = @transform_8, window_bounds = array<i64: 2000, 8>}]} {
    %get3A = arith.constant 0 : index
    %get3A_0 = arith.constant 0 : index
    %get3A_1 = arith.constant 0 : index
    %get3A_2 = vector.load %arg2[%get3A, %get3A_0, %get3A_1] : memref<2x2000x128xf32, #tpu.memory_space<vmem>>, vector<1x2000x64xf32>
    %get3A_3 = vector.shape_cast %get3A_2 : vector<1x2000x64xf32> to vector<2000x64xf32>
    %get3A_4 = arith.constant 1 : index
    %get3A_5 = arith.constant 0 : index
    %get3A_6 = arith.constant 0 : index
    %get3A_7 = vector.load %arg2[%get3A_4, %get3A_5, %get3A_6] : memref<2x2000x128xf32, #tpu.memory_space<vmem>>, vector<1x2000x64xf32>
    %get3A_8 = vector.shape_cast %get3A_7 : vector<1x2000x64xf32> to vector<2000x64xf32>
    %add3A = arith.addf %get3A_3, %get3A_8 : vector<2000x64xf32>
    %get3A_9 = arith.constant 0 : index
    %get3A_10 = arith.constant 0 : index
    %get3A_11 = vector.load %arg1[%get3A_9, %get3A_10] : memref<2000x64xf32, #tpu.memory_space<vmem>>, vector<2000x64xf32>
    %get3A_12 = arith.constant 0 : index
    %get3A_13 = arith.constant 0 : index
    %get3A_14 = vector.load %arg3[%get3A_12, %get3A_13] : memref<128x64xf32, #tpu.memory_space<vmem>>, vector<128x64xf32>
    %get3A_15 = arith.constant 0 : index
    %get3A_16 = arith.constant 0 : index
    %get3A_17 = vector.load %arg4[%get3A_15, %get3A_16] : memref<1x64xf32, #tpu.memory_space<vmem>>, vector<1x64xf32>
    %concatenate3A = tpu.concatenate %get3A_11, %add3A in 1 : vector<2000x64xf32>, vector<2000x64xf32> -> vector<2000x128xf32>
    %dot_general3A = arith.constant dense<0.000000e+00> : vector<2000x64xf32>
    %dot_general3A_18 = tpu.matmul %concatenate3A, %get3A_14, %dot_general3A {dimension_numbers = #tpu.dot_dimension_numbers<[1], [0], [0], [1], [0, 0, 1, 1], [], []>, transpose_lhs_hint = false} : vector<2000x128xf32>, vector<128x64xf32>, vector<2000x64xf32> -> vector<2000x64xf32>
    %add3A_19 = vector.broadcast %get3A_17 : vector<1x64xf32> to vector<2000x64xf32>
    %add3A_20 = arith.addf %dot_general3A_18, %add3A_19 : vector<2000x64xf32>
    %mul3A = arith.mulf %add3A_20, %add3A_20 : vector<2000x64xf32>
    %slice3A = vector.extract_strided_slice %add3A_20 {offsets = [0, 0], sizes = [2000, 32], strides = [1, 1]} : vector<2000x64xf32> to vector<2000x32xf32>
    %slice3A_21 = vector.extract_strided_slice %mul3A {offsets = [0, 0], sizes = [2000, 32], strides = [1, 1]} : vector<2000x64xf32> to vector<2000x32xf32>
    %reduce_sum3A = arith.constant dense<0.000000e+00> : vector<2000xf32>
    %reduce_sum3A_22 = vector.multi_reduction <add>, %slice3A_21, %reduce_sum3A [1] : vector<2000x32xf32> to vector<2000xf32>
    %broadcast_in_dim3A = vector.shape_cast %reduce_sum3A_22 : vector<2000xf32> to vector<2000x1xf32>
    %max3A = arith.constant 9.99999996E-13 : f32
    %max3A_23 = vector.broadcast %max3A : f32 to vector<2000x1xf32>
    %max3A_24 = arith.maximumf %broadcast_in_dim3A, %max3A_23 : vector<2000x1xf32>
    %rsqrt3A = math.rsqrt %max3A_24 : vector<2000x1xf32>
    %mul3A_25 = vector.broadcast %rsqrt3A : vector<2000x1xf32> to vector<2000x32xf32>
    %mul3A_26 = arith.mulf %slice3A, %mul3A_25 : vector<2000x32xf32>
    %slice3A_27 = vector.extract_strided_slice %add3A_20 {offsets = [0, 32], sizes = [2000, 32], strides = [1, 1]} : vector<2000x64xf32> to vector<2000x32xf32>
    %slice3A_28 = vector.extract_strided_slice %mul3A {offsets = [0, 32], sizes = [2000, 32], strides = [1, 1]} : vector<2000x64xf32> to vector<2000x32xf32>
    %reduce_sum3A_29 = arith.constant dense<0.000000e+00> : vector<2000xf32>
    %reduce_sum3A_30 = vector.multi_reduction <add>, %slice3A_28, %reduce_sum3A_29 [1] : vector<2000x32xf32> to vector<2000xf32>
    %broadcast_in_dim3A_31 = vector.shape_cast %reduce_sum3A_30 : vector<2000xf32> to vector<2000x1xf32>
    %max3A_32 = arith.constant 9.99999996E-13 : f32
    %max3A_33 = vector.broadcast %max3A_32 : f32 to vector<2000x1xf32>
    %max3A_34 = arith.maximumf %broadcast_in_dim3A_31, %max3A_33 : vector<2000x1xf32>
    %rsqrt3A_35 = math.rsqrt %max3A_34 : vector<2000x1xf32>
    %mul3A_36 = vector.broadcast %rsqrt3A_35 : vector<2000x1xf32> to vector<2000x32xf32>
    %mul3A_37 = arith.mulf %slice3A_27, %mul3A_36 : vector<2000x32xf32>
    %concatenate3A_38 = tpu.concatenate %mul3A_26, %mul3A_37 in 1 : vector<2000x32xf32>, vector<2000x32xf32> -> vector<2000x64xf32>
    %get3A_39 = arith.constant 0 : index
    %get3A_40 = arith.constant 0 : index
    %get3A_41 = vector.load %arg5[%get3A_39, %get3A_40] : memref<64x256xf32, #tpu.memory_space<vmem>>, vector<64x256xf32>
    %dot_general3A_42 = arith.constant dense<0.000000e+00> : vector<2000x256xf32>
    %dot_general3A_43 = tpu.matmul %concatenate3A_38, %get3A_41, %dot_general3A_42 {dimension_numbers = #tpu.dot_dimension_numbers<[1], [0], [0], [1], [0, 0, 1, 1], [], []>, transpose_lhs_hint = false} : vector<2000x64xf32>, vector<64x256xf32>, vector<2000x256xf32> -> vector<2000x256xf32>
    %get3A_44 = arith.constant 0 : index
    %get3A_45 = arith.constant 0 : index
    %get3A_46 = vector.load %arg6[%get3A_44, %get3A_45] : memref<1x256xf32, #tpu.memory_space<vmem>>, vector<1x256xf32>
    %add3A_47 = vector.broadcast %get3A_46 : vector<1x256xf32> to vector<2000x256xf32>
    %add3A_48 = arith.addf %dot_general3A_43, %add3A_47 : vector<2000x256xf32>
    %gt3A = arith.constant 0.000000e+00 : f32
    %gt3A_49 = vector.broadcast %gt3A : f32 to vector<2000x256xf32>
    %gt3A_50 = arith.cmpf ogt, %add3A_48, %gt3A_49 : vector<2000x256xf32>
    %min3A = arith.constant 0.000000e+00 : f32
    %min3A_51 = vector.broadcast %min3A : f32 to vector<2000x256xf32>
    %min3A_52 = arith.minimumf %add3A_48, %min3A_51 : vector<2000x256xf32>
    %exp3A = math.exp %min3A_52 : vector<2000x256xf32>
    %sub3A = arith.constant 1.000000e+00 : f32
    %sub3A_53 = vector.broadcast %sub3A : f32 to vector<2000x256xf32>
    %sub3A_54 = arith.subf %exp3A, %sub3A_53 : vector<2000x256xf32>
    %select_n3A = arith.select %gt3A_50, %add3A_48, %sub3A_54 : vector<2000x256xi1>, vector<2000x256xf32>
    %get3A_55 = arith.constant 0 : index
    %get3A_56 = arith.constant 0 : index
    %get3A_57 = vector.load %arg7[%get3A_55, %get3A_56] : memref<256x8xf32, #tpu.memory_space<vmem>>, vector<256x8xf32>
    %dot_general3A_58 = arith.constant dense<0.000000e+00> : vector<2000x8xf32>
    %dot_general3A_59 = tpu.matmul %select_n3A, %get3A_57, %dot_general3A_58 {dimension_numbers = #tpu.dot_dimension_numbers<[1], [0], [0], [1], [0, 0, 1, 1], [], []>, transpose_lhs_hint = false} : vector<2000x256xf32>, vector<256x8xf32>, vector<2000x8xf32> -> vector<2000x8xf32>
    %get3A_60 = arith.constant 0 : index
    %get3A_61 = arith.constant 0 : index
    %get3A_62 = vector.load %arg8[%get3A_60, %get3A_61] : memref<1x8xf32, #tpu.memory_space<vmem>>, vector<1x8xf32>
    %add3A_63 = vector.broadcast %get3A_62 : vector<1x8xf32> to vector<2000x8xf32>
    %add3A_64 = arith.addf %dot_general3A_59, %add3A_63 : vector<2000x8xf32>
    %swap3A = arith.constant 0 : index
    %swap3A_65 = arith.constant 0 : index
    %swap3A_66 = vector.load %arg9[%swap3A, %swap3A_65] : memref<2000x8xf32, #tpu.memory_space<vmem>>, vector<2000x8xf32>
    tpu.vector_store %arg9[%swap3A, %swap3A_65], %add3A_64 {strides = array<i32>} : memref<2000x8xf32, #tpu.memory_space<vmem>>, vector<2000x8xf32>,
    return
  }
  func.func @transform_0(%arg0: i32) -> (i32, i32) {
    %c0_i32 = arith.constant 0 : i32
    %c0_i32_0 = arith.constant 0 : i32
    return %arg0, %c0_i32 : i32, i32
  }
  func.func @transform_1(%arg0: i32) -> (i32, i32, i32) {
    %c0_i32 = arith.constant 0 : i32
    %c0_i32_0 = arith.constant 0 : i32
    %c0_i32_1 = arith.constant 0 : i32
    return %c0_i32, %arg0, %c0_i32_0 : i32, i32, i32
  }
  func.func @transform_2(%arg0: i32) -> (i32, i32) {
    %c0_i32 = arith.constant 0 : i32
    %c0_i32_0 = arith.constant 0 : i32
    %c0_i32_1 = arith.constant 0 : i32
    return %c0_i32, %c0_i32_0 : i32, i32
  }
  func.func @transform_3(%arg0: i32) -> (i32, i32) {
    %c0_i32 = arith.constant 0 : i32
    %c0_i32_0 = arith.constant 0 : i32
    %c0_i32_1 = arith.constant 0 : i32
    return %c0_i32, %c0_i32_0 : i32, i32
  }
  func.func @transform_4(%arg0: i32) -> (i32, i32) {
    %c0_i32 = arith.constant 0 : i32
    %c0_i32_0 = arith.constant 0 : i32
    %c0_i32_1 = arith.constant 0 : i32
    return %c0_i32, %c0_i32_0 : i32, i32
  }
  func.func @transform_5(%arg0: i32) -> (i32, i32) {
    %c0_i32 = arith.constant 0 : i32
    %c0_i32_0 = arith.constant 0 : i32
    %c0_i32_1 = arith.constant 0 : i32
    return %c0_i32, %c0_i32_0 : i32, i32
  }
  func.func @transform_6(%arg0: i32) -> (i32, i32) {
    %c0_i32 = arith.constant 0 : i32
    %c0_i32_0 = arith.constant 0 : i32
    %c0_i32_1 = arith.constant 0 : i32
    return %c0_i32, %c0_i32_0 : i32, i32
  }
  func.func @transform_7(%arg0: i32) -> (i32, i32) {
    %c0_i32 = arith.constant 0 : i32
    %c0_i32_0 = arith.constant 0 : i32
    %c0_i32_1 = arith.constant 0 : i32
    return %c0_i32, %c0_i32_0 : i32, i32
  }
  func.func @transform_8(%arg0: i32) -> (i32, i32) {
    %c0_i32 = arith.constant 0 : i32
    %c0_i32_0 = arith.constant 0 : i32
    return %arg0, %c0_i32 : i32, i32
  }
}

</mosaic_0001>

<sc_bundles>
// kernel: kernel.10.cloned.1.call-start
scs
__scs_entry_jumppad:
0x0: {  	(pc) =	sbr.rel $0x88, $3  }
0x1: {  	(tag) =	ssettag $0x0;
	lr =	simm.s32 $0x1  }
0x2: {  	[smem:$0x3F8F] =	sst lr;
	_ =	strace $0xD0000000  }
0x3: {  	_ = 	snop  }
0x4: {  	_ = 	snop  }
0x5: {  	_ = 	snop  }
0x6: {  	_ = 	snop  }
0x7: {  	_ = 	snop  }
__scs_overlays_trampoline_lowered:
0x8: {  	[smem:$0x3F9E] =	sst s0  }
0x9: {  	[smem:$0x3F9F] =	sst s1  }
0xa: {  	[smem:$0x3FA0] =	sst s2  }
0xb: {  	[smem:$0x3FA1] =	sst s3  }
0xc: {  	[smem:$0x3FA2] =	sst s4  }
0xd: {  	[smem:$0x3FA3] =	sst s5  }
0xe: {  	[smem:$0x3FA4] =	sst s6  }
0xf: {  	[smem:$0x3FA5] =	sst s7  }
0x10: {  	[smem:$0x3FA6] =	sst s8  }
0x11: {  	[smem:$0x3FA7] =	sst s9;
	s0 =	simm.s32 @!p0 $0x0  }
0x12: {  	s1 =	sld [smem:$0x3F8D];
	s0 =	simm.s32 @p0 $0x1  }
0x13: {  	[smem:$0x3FA8] =	sst s0;
	s0 =	simm.s32 @!p1 $0x0  }
0x14: {  	s2 =	sld [smem:$0x3F8C];
	s0 =	simm.s32 @p1 $0x1  }
0x15: {  	[smem:$0x3FA9] =	sst s0;
	s0 =	simm.s32 @!p2 $0x0  }
0x16: {  	s3 =	sld [smem:$0x3FDB];
	s0 =	simm.s32 @p2 $0x1  }
0x17: {  	s4 =	simm.s32 $0x1BF5;
	[smem:$0x3FAB] =	sst s0  }
0x18: {  	s0 =	sld [smem:$0x3F8E];
	_ =	swait.ge [sflag:s4], $0x0  }
0x19: {  	s7 =	sld [smem:$0x3F8F]  }
0x1a: {  	s8 =	sadd.s32 $0xFFFFE003, lr  }
0x1b: {  	s9 =	sadd.s32 $0xFFFFFEF7, lr;
	s5 =	simm.s32 $0xFFFFFFFF;
	p2 =	slt.u32 s8, $0xFFFFF086  }
0x1c: {  	p1 =	slt.u32 s9, $0xF7A;
	s5 =	simm.s32 @!p2 $0x0  }
0x1d: {  	s5 =	simm.s32 @p1 $0x1;
	p0 =	seq.s32 s7, s2  }
0x1e: {  	s7 =	smul.u32 @!p0 $0xF7A, s2;
	p2 =	seq.s32 @!p0 s5, $0x0  }
0x1f: {  	s9 =	smul.u32 $0xF7A, s1;
	s8 =	simm.s32 @!p0 $0x1BF5;
	p2 =	por !p2, p0  }
0x20: {  	[sflag:s8] =	ssyncset.s32 @!p0 $0xFFFFF086;
	s6 =	sadd.s32 @!p0 s3, s7;
	s7 =	simm.s32 @!p0 $0x108  }
0x21: {  	s3 =	sadd.s32 s3, s9;
	s6 =	sadd.s32 @!p0 $0x88, s6;
	s7 =	simm.s32 @p2 $0x1082  }
0x22: {  	[simem:s7], [sflag:s8] =	dma.local @!p0 [hbm:s6], $0xF7A  }
0x23: {  	s9 =	sor.u32 $0xD0000000, s2;
	s6 =	simm.s32 $0x108;
	_ =	swait.ge @!p0 [sflag:s8], $0x0  }
0x24: {  	s3 =	sadd.s32 $0x88, s3;
	s6 =	simm.s32 @!p1 $0x1082;
	[sflag:s4] =	ssyncset.s32 $0xFFFFF086  }
0x25: {  	[simem:s6], [sflag:s4] =	dma.local [hbm:s3], $0xF7A  }
0x26: {  	[smem:$0x3F8F] =	sst s1;
	(tag) =	ssettag s2;
	_ =	strace s9  }
0x27: {  	s1 =	sld [smem:$0x3F9F]  }
0x28: {  	s2 =	sld [smem:$0x3FA0]  }
0x29: {  	s4 =	sld [smem:$0x3FA2]  }
0x2a: {  	p0 =	seq.s32 s5, $0x0;
	s5 =	sld [smem:$0x3FA3]  }
0x2b: {  	s6 =	sld [smem:$0x3FA4]  }
0x2c: {  	s7 =	sld [smem:$0x3FA5]  }
0x2d: {  	s3 =	simm.s32 $0x108;
	s8 =	sld [smem:$0x3FA6]  }
0x2e: {  	s3 =	simm.s32 @!p0 $0x1082;
	s9 =	sld [smem:$0x3FA7]  }
0x2f: {  	lr =	sadd.s32 s0, s3;
	s0 =	sld [smem:$0x3F9E]  }
0x30: {  	s3 =	sld [smem:$0x3FA1]  }
0x31: {  	[smem:$0x3FAA] =	sst s10  }
0x32: {  	s10 =	sld [smem:$0x3FA8];
	_ =	sdelay $0x3  }
0x33: {  	p0 =	seq.s32 s10, $0x1;
	s10 =	sld [smem:$0x3FAA];
	_ =	sdelay $0x3  }
0x34: {  	[smem:$0x3FAA] =	sst s10  }
0x35: {  	s10 =	sld [smem:$0x3FA9];
	_ =	sdelay $0x3  }
0x36: {  	p1 =	seq.s32 s10, $0x1;
	s10 =	sld [smem:$0x3FAA];
	_ =	sdelay $0x3  }
0x37: {  	[smem:$0x3FAA] =	sst s10  }
0x38: {  	s10 =	sld [smem:$0x3FAB]  }
0x39: {  	_ = 	snop;
	(pc) =	sbr.ind lr, $3  }
0x3a: {  	_ = 	snop  }
0x3b: {  	_ = 	snop  }
0x3c: {  	p2 =	seq.s32 s10, $0x1;
	s10 =	sld [smem:$0x3FAA]  }
0x3d: {  	_ =	shalt  }
0x3e: {  	_ =	shalt  }
0x3f: {  	_ =	shalt  }
0x40: {  	_ =	shalt  }
0x41: {  	_ =	shalt  }
0x42: {  	_ =	shalt  }
0x43: {  	_ =	shalt  }
0x44: {  	_ =	shalt  }
0x45: {  	_ =	shalt  }
0x46: {  	_ =	shalt  }
0x47: {  	_ =	shalt  }
0x48: {  	_ =	shalt  }
0x49: {  	_ =	shalt  }
0x4a: {  	_ =	shalt  }
0x4b: {  	_ =	shalt  }
0x4c: {  	_ =	shalt  }
0x4d: {  	_ =	shalt  }
0x4e: {  	_ =	shalt  }
0x4f: {  	_ =	shalt  }
0x50: {  	_ =	shalt  }
0x51: {  	_ =	shalt  }
0x52: {  	_ =	shalt  }
0x53: {  	_ =	shalt  }
0x54: {  	_ =	shalt  }
0x55: {  	_ =	shalt  }
0x56: {  	_ =	shalt  }
0x57: {  	_ =	shalt  }
0x58: {  	_ =	shalt  }
0x59: {  	_ =	shalt  }
0x5a: {  	_ =	shalt  }
0x5b: {  	_ =	shalt  }
0x5c: {  	_ =	shalt  }
0x5d: {  	_ =	shalt  }
0x5e: {  	_ =	shalt  }
0x5f: {  	_ =	shalt  }
0x60: {  	_ =	shalt  }
0x61: {  	_ =	shalt  }
0x62: {  	_ =	shalt  }
0x63: {  	_ =	shalt  }
0x64: {  	_ =	shalt  }
0x65: {  	_ =	shalt  }
0x66: {  	_ =	shalt  }
0x67: {  	_ =	shalt  }
0x68: {  	_ =	shalt  }
0x69: {  	_ =	shalt  }
0x6a: {  	_ =	shalt  }
0x6b: {  	_ =	shalt  }
0x6c: {  	_ =	shalt  }
0x6d: {  	_ =	shalt  }
0x6e: {  	_ =	shalt  }
0x6f: {  	_ =	shalt  }
0x70: {  	_ =	shalt  }
0x71: {  	_ =	shalt  }
0x72: {  	_ =	shalt  }
0x73: {  	_ =	shalt  }
0x74: {  	_ =	shalt  }
0x75: {  	_ =	shalt  }
0x76: {  	_ =	shalt  }
0x77: {  	_ =	shalt  }
0x78: {  	_ =	shalt  }
0x79: {  	_ =	shalt  }
0x7a: {  	_ =	shalt  }
0x7b: {  	_ =	shalt  }
0x7c: {  	_ =	shalt  }
0x7d: {  	_ =	shalt  }
0x7e: {  	_ =	shalt  }
0x7f: {  	_ =	shalt  }
0x80: {  	_ =	shalt  }
0x81: {  	_ =	shalt  }
0x82: {  	_ =	shalt  }
0x83: {  	_ =	shalt  }
0x84: {  	_ =	shalt  }
0x85: {  	_ =	shalt  }
0x86: {  	_ =	shalt  }
0x87: {  	_ =	shalt  }
.Lfunc_end0:
.L_simem_size_0:
called_computation.1_lowered:
.L_overlay_start_0:
0x88: {  	s2 =	sld [smem:$0x3FD9]  }
0x89: {  	s3 =	sld [smem:$0x3FFE];
	_ =	sdelay $0x1  }
0x8a: {  	s1 =	srdreg.scid  }
0x8b: {  	s0 =	sand.u32 $0x1, s1  }
0x8c: {  	s16 =	sshll.u32 s0, $0xA;
	s2 =	sadd.s32 s3, s2  }
0x8d: {  	s2 =	sadd.s32 s2, s16  }
0x8e: {  	[smem:$0x3FB6] =	sst s2  }
0x8f: {  	_ = 	snop  }
0x90: {  	(tm) =	ssettm $0x1  }
0x91: {  	s17 =	sld [smem:$0x3FFB];
	_ =	sdelay $0x3  }
0x92: {  	_ =	strace s17  }
0x93: {  	s2 =	sld [smem:$0x3FFC];
	_ =	sdelay $0x3  }
0x94: {  	_ =	strace s2  }
0x95: {  	s2 =	sld [smem:$0x3FFD];
	_ =	sdelay $0x3  }
0x96: {  	_ =	strace s2  }
0x97: {  	_ =	strace $0x8FFFFFFF  }
0x98: {  	s18 =	sld [smem:$0x3FDB];
	_ =	sdelay $0x1  }
0x99: {  	s19 =	simm.s32 $_scs_section_size  }
0x9a: {  	s4 =	simm.s32 $_size__tile_overlayer_lowered;
	s5 =	simm.s32 $_tile_overlayer_lowered  }
0x9b: {  	s22 =	simm.s32 $0x1BFF;
	s21 =	sshll.u32 s5, $0x1;
	s2 =	sadd.s32 s19, s18  }
0x9c: {  	s6 =	simm.s32 $0x0;
	s20 =	sshll.u32 s4, $0x1;
	s4 =	sadd.s32 s21, s2  }
0x9d: {  	[timem:s6], [sflag:s22] =	dma.local [hbm:s4], s20  }
0x9e: {  	_ =	swait.ge [sflag:s22], s20  }
0x9f: {  	s3 =	ssub.s32 $0x0, s20;
	[sflag:s22] =	ssyncset.done $0x0  }
0xa0: {  	[sflag:s22] =	ssyncadd.s32 s3;
	_ =	sdelay $0x1  }
0xa1: {  	s23 =	simm.s32 $0x1B8B  }
0xa2: {  	_ =	swait.ge [sflag:s23], $0x1  }
0xa3: {  	[sflag:s23] =	ssyncset.done $0x0  }
0xa4: {  	s25 =	simm.s32 $0x1B8E;
	s24 =	sld [smem:$0x3FFE];
	[sflag:s23] =	ssyncadd.s32 $0xFFFFFFFF  }
0xa5: {  	s26 =	simm.s32 $execute0_lowered;
	[smem:$0x3FD2] =	sst s25  }
0xa6: {  	s4 =	sshll.u32 s26, $0x1;
	_ =	strace $0x80000049;
	[dreg:$0x1] =	wrdreg $0xFFFFFFFF  }
0xa7: {  	s28 =	simm.s32 $_size_execute0_lowered;
	s2 =	sadd.s32 s2, s4;
	[dreg:$0x0] =	wrdreg $0x0  }
0xa8: {  	s4 =	sshll.u32 s28, $0x1;
	[dreg:$0x2] =	wrdreg s2  }
0xa9: {  	[dreg:$0x3] =	wrdreg s4  }
0xaa: {  	[dreg:$0x4] =	wrdreg $0xC0  }
0xab: {  	_ =	task [dreg:s6], $0x5FFFF  }
0xac: {  	[dreg:$0x1] =	wrdreg $0xFFFFFFFF  }
0xad: {  	[dreg:$0x0] =	wrdreg $0x60  }
0xae: {  	[dreg:$0x2] =	wrdreg s24  }
0xaf: {  	[dreg:$0x3] =	wrdreg $0x152200  }
0xb0: {  	[dreg:$0x4] =	wrdreg $0x9  }
0xb1: {  	_ =	task.clear_ibuf [dreg:s6], $0x5FFFF;
	_ =	strace $0x90000049  }
0xb2: {  	s29 =	simm.s32 $0x9;
	_ =	strace $0x8000004B  }
0xb3: {  	_ =	swait.ge [sflag:s29], $0x1  }
0xb4: {  	[sflag:s29] =	ssyncadd.s32 $0xFFFFFFFF  }
0xb5: {  	_ =	strace $0x9000004B  }
0xb6: {  	_ =	sfence  }
0xb7: {  	s30 =	sld [smem:$0x0];
	_ =	sdelay $0x2  }
0xb8: {  	s31 =	sshll.u32 s1, $0xD;
	s1 =	sshrl.u32 s1, $0x2  }
0xb9: {  	s3 =	sand.u32 $0x4000, s31;
	s1 =	sadd.s32 s1, s30  }
0xba: {  	s0 =	sor.u32 s3, s0;
	s1 =	sshll.u32 s1, $0x11  }
0xbb: {  	s0 =	sor.u32 s1, s0  }
0xbc: {  	s0 =	sadd.s32 $0x8F2B, s0  }
0xbd: {  	[sflag:s0] =	ssyncadd.remote.s32 $0x1  }
0xbe: {  	_ =	sfence.sel $0xFFFF  }
0xbf: {  	[dreg:$0x0] =	wrdreg $0xFFFFFFFF;
	(pc) =	sbr.abs _section_cstart, $3  }
0xc0: {  	[dreg:$0x1] =	wrdreg $0xFFFFFFFF  }
0xc1: {  	_ =	task.clear_ibuf [dreg:s6], $0x2FFFF;
	_ =	strace $0x9FFFFFFF  }
0xc2: {  	(tm) =	ssettm $0x7FFFFFFF  }
0xc3: {  	_ =	shalt  }
tec
execute0_lowered:
.L_overlay_start_1:
0x0: {  	(tag) =	ssettag $0x1  }
0x1: {  	s0 =	srdreg.scid;
	s3 =	rddreg [dreg:$0x0]  }
0x2: {  	s7 =	stileid.u32;
	s2 =	rddreg [dreg:$0x1]  }
0x3: {  	s4 =	simm.s32 $0x0;
	s29 =	simm.s32 $0x19;
	s11 =	simm.s32 $0x4E20  }
0x4: {  	s13 =	simm.s32 $0xB220;
	s14 =	simm.s32 $0xC620;
	s12 =	simm.s32 $0xDA20  }
0x5: {  	s15 =	simm.s32 $0xEE20;
	s8 =	simm.s32 $0x12A20;
	s9 =	simm.s32 $0x5  }
0x6: {  	s31 =	simm.s32 $0xF;
	s30 =	simm.s32 $0x11;
	s10 =	simm.s32 $0x0  }
0x7: {  	s0 =	sand.u32 $0x1, s0;
	s1 =	sshll.u32 s7, $0x1;
	s6 =	smul.u32 $0x13C00, s7  }
0x8: {  	[smem:$0x7FF] =	sst s4;
	s4 =	sadd.s32 $0x2E00, s3;
	s16 =	smul.u32 $0x27800, s7  }
0x9: {  	s7 =	simm.s32 $0x11620;
	s1 =	sor.u32 s0, s1;
	s5 =	smul.u32 $0x13C000, s0  }
0xa: {  	_ =	strace $0x8000004A;
	s0 =	ssub.s32 $0x2, s0;
	s1 =	smul.u32 $0x2710, s1  }
0xb: {  	s17 =	sshrl.u32 s0, $0x1;
	s5 =	sadd.s32 s6, s5;
	s6 =	sshrl.u32 s16, $0x2  }
0xc: {  	s0 =	ssub.s32 s0, s17;
	s17 =	simm.s32 $0x10;
	s16 =	simm.s32 $0xEE20  }
0xd: {  	s1 =	sshrl.u32 s1, $0x3;
	s5 =	sshrl.u32 s5, $0x3;
	s19 =	sadd.s32 s6, s2  }
0xe: {  	s0 =	smax.u32 s0, $0x1;
	s6 =	simm.s32 $0xE;
	[dreg:$0x4] =	wrdreg s19  }
0xf: {  	s1 =	sadd.s32 s1, s3;
	s20 =	sadd.s32 $0x1400, s19;
	[dreg:$0xe] =	wrdreg s0  }
0x10: {  	s3 =	sadd.s32 s5, s3;
	s21 =	sadd.s32 $0x2800, s19;
	[dreg:$0x6] =	wrdreg s20  }
0x11: {  	s22 =	sadd.s32 $0x3C00, s19;
	s23 =	sadd.s32 $0x5000, s19;
	[dreg:$0x7] =	wrdreg s21  }
0x12: {  	s24 =	sadd.s32 $0x6400, s19;
	s25 =	sadd.s32 $0x7800, s19;
	[dreg:$0x8] =	wrdreg s22  }
0x13: {  	s26 =	sadd.s32 $0x8C00, s19;
	s19 =	simm.s32 $0x50;
	[dreg:$0x9] =	wrdreg s23  }
0x14: {  	s5 =	simm.s32 $0x10220;
	s0 =	simm.s32 $0x15;
	[dreg:$0xa] =	wrdreg s24  }
0x15: {  	s18 =	sadd.s32 $0x16800, s1;
	s1 =	sadd.s32 $0x20440, s1;
	[dreg:$0xb] =	wrdreg s25  }
.Ltmp0:
0x16: {  	[dreg:$0xc] =	wrdreg s26;
	s28 =	sadd.s32 $0x2A200, s3;
	(pc) =	sbr.rel .LBB2_1-.Ltmp0, $4  }
0x17: {  	s26 =	simm.s32 $0x6220;
	s3 =	simm.s32 $0xD;
	s20 =	simm.s32 $0x12  }
0x18: {  	s21 =	simm.s32 $0x14;
	s23 =	simm.s32 $0x16;
	[dreg:$0x3] =	wrdreg s18  }
0x19: {  	s24 =	simm.s32 $0x17;
	s25 =	simm.s32 $0x18;
	[dreg:$0x5] =	wrdreg s1  }
0x1a: {  	v0 =	vimm.f32 $0.0e+00;
	s22 =	simm.s32 $0x8;
	[dreg:$0xd] =	wrdreg s28;
	s1 =	simm.s32 $0x13  }
.LBB2_6:
0x1b: {  	s7 =	simm.s32 $0x1  }
0x1c: {  	_ =	swait.ge [sflag:s7], $0x1400  }
0x1d: {  	s11 =	simm.s32 $0x4E20;
	[sflag:s7] =	ssyncset.done $0x0  }
0x1e: {  	s5 =	simm.s32 $0x4C90;
	s15 =	simm.s32 $0x2;
	[sflag:s7] =	ssyncadd.s32 $0xFFFFEC00  }
0x1f: {  	[spmem:s2] =	stream.indirect.scatter.add.f32 [tilespmem:s11], [sflag:$0xD], $0x40, s5, s19, $0xb8;
	[tilespmem:$0x1F020] =	vst v63  }
0x20: {  	_ =	swait.ge [sflag:s15], $0x1400  }
0x21: {  	[sflag:s15] =	ssyncset.done $0x0  }
0x22: {  	s18 =	simm.s32 $0x4CE0;
	s28 =	simm.s32 $0x3;
	[sflag:s15] =	ssyncadd.s32 $0xFFFFEC00  }
0x23: {  	[spmem:s2] =	stream.indirect.scatter.add.f32 [tilespmem:s26], [sflag:$0xE], $0x40, s18, s19, $0xb8;
	[tilespmem:$0x1F020] =	vst v63  }
0x24: {  	_ =	swait.ge [sflag:s28], $0x1400  }
0x25: {  	[sflag:s28] =	ssyncset.done $0x0  }
0x26: {  	s8 =	simm.s32 $0x4D30;
	[sflag:s28] =	ssyncadd.s32 $0xFFFFEC00  }
0x27: {  	[spmem:s2] =	stream.indirect.scatter.add.f32 [tilespmem:s10], [sflag:$0xF], $0x40, s8, s19, $0xb8;
	[tilespmem:$0x1F020] =	vst v63  }
0x28: {  	s10 =	simm.s32 $0x4  }
0x29: {  	_ =	swait.ge [sflag:s10], $0x1400  }
0x2a: {  	[sflag:s10] =	ssyncset.done $0x0  }
0x2b: {  	s12 =	simm.s32 $0x8A20;
	s13 =	simm.s32 $0x4D80;
	[sflag:s10] =	ssyncadd.s32 $0xFFFFEC00  }
0x2c: {  	[spmem:s2] =	stream.indirect.scatter.add.f32 [tilespmem:s12], [sflag:$0x10], $0x40, s13, s19, $0xb8;
	[tilespmem:$0x1F020] =	vst v63  }
0x2d: {  	_ =	swait.ge [sflag:s9], $0x1400  }
0x2e: {  	[sflag:s9] =	ssyncset.done $0x0  }
0x2f: {  	s14 =	simm.s32 $0x9E20;
	s15 =	simm.s32 $0x4DD0;
	[sflag:s9] =	ssyncadd.s32 $0xFFFFEC00  }
0x30: {  	[spmem:s2] =	stream.indirect.scatter.add.f32 [tilespmem:s14], [sflag:$0x11], $0x40, s15, s19, $0xb8;
	[tilespmem:$0x1F020] =	vst v63  }
0x31: {  	_ =	swait.ge [sflag:s20], $0x1400  }
0x32: {  	[sflag:s20] =	ssyncset.done $0x0  }
0x33: {  	[sflag:s20] =	ssyncadd.s32 $0xFFFFEC00  }
0x34: {  	_ =	swait.ge [sflag:s1], $0x1400  }
0x35: {  	[sflag:s1] =	ssyncset.done $0x0  }
0x36: {  	[sflag:s1] =	ssyncadd.s32 $0xFFFFEC00  }
0x37: {  	_ =	swait.ge [sflag:s21], $0x1400  }
0x38: {  	[sflag:s21] =	ssyncset.done $0x0  }
0x39: {  	[sflag:s21] =	ssyncadd.s32 $0xFFFFEC00  }
0x3a: {  	_ =	swait.ge [sflag:s0], $0x1400  }
0x3b: {  	[sflag:s0] =	ssyncset.done $0x0  }
0x3c: {  	[sflag:s0] =	ssyncadd.s32 $0xFFFFEC00  }
0x3d: {  	_ =	swait.ge [sflag:s23], $0x1400  }
0x3e: {  	[sflag:s23] =	ssyncset.done $0x0  }
0x3f: {  	[sflag:s23] =	ssyncadd.s32 $0xFFFFEC00  }
0x40: {  	_ =	swait.ge [sflag:s24], $0x1400  }
0x41: {  	[sflag:s24] =	ssyncset.done $0x0  }
0x42: {  	[sflag:s24] =	ssyncadd.s32 $0xFFFFEC00  }
0x43: {  	_ =	swait.ge [sflag:s25], $0x1400  }
0x44: {  	[sflag:s25] =	ssyncset.done $0x0  }
0x45: {  	[sflag:s25] =	ssyncadd.s32 $0xFFFFEC00  }
0x46: {  	_ =	swait.ge [sflag:s3], $0x1400  }
0x47: {  	[sflag:s3] =	ssyncset.done $0x0  }
0x48: {  	[sflag:s3] =	ssyncadd.s32 $0xFFFFEC00  }
0x49: {  	_ =	swait.ge [sflag:s6], $0x1400  }
0x4a: {  	[sflag:s6] =	ssyncset.done $0x0  }
0x4b: {  	[sflag:s6] =	ssyncadd.s32 $0xFFFFEC00  }
0x4c: {  	_ =	swait.ge [sflag:s31], $0x1400  }
0x4d: {  	[sflag:s31] =	ssyncset.done $0x0  }
0x4e: {  	[sflag:s31] =	ssyncadd.s32 $0xFFFFEC00  }
0x4f: {  	_ =	swait.ge [sflag:s17], $0x1400  }
0x50: {  	[sflag:s17] =	ssyncset.done $0x0  }
0x51: {  	[sflag:s17] =	ssyncadd.s32 $0xFFFFEC00  }
0x52: {  	_ =	swait.ge [sflag:s30], $0x1400  }
0x53: {  	[sflag:s30] =	ssyncset.done $0x0  }
0x54: {  	[sflag:s30] =	ssyncadd.s32 $0xFFFFEC00  }
0x55: {  	s18 =	stileid.u32;
	[bflag:$0x0] =	sbarrier.arrive $0xFFFF  }
0x56: {  	s18 =	sshll.u32 s18, $0x6;
	s28 =	rddreg [dreg:$0x4]  }
0x57: {  	s18 =	sor.u32 $0x1C19, s18;
	s29 =	rddreg [dreg:$0xd];
	s28 =	sshrl.u32 s28, $0x3  }
0x58: {  	[hbm:s29@s17], [sflag:s18] =	dma.strided [spmem:s28@s22], $0x13C0, s7, $0x8   }
0x59: {  	s29 =	simm.s32 $0x19  }
0x5a: {  	_ =	swait.ge [sflag:s29], $0x13C0  }
0x5b: {  	s18 =	rddreg [dreg:$0xf]  }
0x5c: {  	s28 =	rddreg [dreg:$0xe];
	s10 =	sadd.s32 $0x1, s18  }
0x5d: {  	p0 =	sne.s32 s10, s28  }
.Ltmp1:
0x5e: {  	_ = 	snop;
	(pc) =	sbr.rel @!p0 .LBB2_7-.Ltmp1, $4  }
0x5f: {  	_ = 	snop  }
0x60: {  	s5 =	simm.s32 $0x10220;
	s8 =	simm.s32 $0x12A20;
	s13 =	simm.s32 $0xB220  }
0x61: {  	s12 =	simm.s32 $0xDA20;
	s14 =	simm.s32 $0xC620;
	[sflag:s29] =	ssyncset.done $0x0  }
0x62: {  	s15 =	simm.s32 $0xEE20;
	s7 =	simm.s32 $0x11620;
	[sflag:s29] =	ssyncadd.s32 $0xFFFFEC40  }
.LBB2_1:
0x63: {  	[dreg:$0xf] =	wrdreg s10  }
0x64: {  	s10 =	simm.s32 $0x0;
	s28 =	rddreg [dreg:$0x3]  }
0x65: {  	[tilespmem:s10], [sflag:$0x19] =	stream.linear.gather [hbm4b:s28+s10], $0x2710, $0x38;
	[tilespmem:$0x1F020] =	vst v63  }
0x66: {  	_ =	swait.ge [sflag:s29], $0x2710  }
0x67: {  	[sflag:s29] =	ssyncset.done $0x0  }
0x68: {  	s18 =	simm.s32 $0x2710;
	s28 =	rddreg [dreg:$0x5];
	[sflag:s29] =	ssyncadd.s32 $0xFFFFD8F0  }
0x69: {  	[tilespmem:s18], [sflag:$0x19] =	stream.linear.gather [hbm4b:s28+s10], $0x2710, $0x38;
	[tilespmem:$0x1F020] =	vst v63  }
0x6a: {  	_ =	swait.ge [sflag:s29], $0x2710  }
0x6b: {  	[sflag:s29] =	ssyncset.done $0x0  }
0x6c: {  	[sflag:s29] =	ssyncadd.s32 $0xFFFFD8F0  }
0x6d: {  	[tilespmem:s11], [sflag:$0x1] =	stream.indirect.gather [hbm4b:s4+s19], $0x40, s10, s19, $0xb8;
	[tilespmem:$0x1F020] =	vst v63  }
0x6e: {  	_ = 	snop  }
0x6f: {  	[tilespmem:s26], [sflag:$0x2] =	stream.indirect.gather [hbm4b:s4+s19], $0x40, s19, s19, $0xb8;
	[tilespmem:$0x1F020] =	vst v63  }
0x70: {  	s18 =	simm.s32 $0x7620;
	s10 =	simm.s32 $0xA0  }
0x71: {  	[tilespmem:s18], [sflag:$0x3] =	stream.indirect.gather [hbm4b:s4+s19], $0x40, s10, s19, $0xb8;
	[tilespmem:$0x1F020] =	vst v63  }
0x72: {  	s26 =	simm.s32 $0x8A20;
	s18 =	simm.s32 $0xF0  }
0x73: {  	[tilespmem:s26], [sflag:$0x4] =	stream.indirect.gather [hbm4b:s4+s19], $0x40, s18, s19, $0xb8;
	[tilespmem:$0x1F020] =	vst v63  }
0x74: {  	s11 =	simm.s32 $0x9E20;
	s18 =	simm.s32 $0x140  }
0x75: {  	[tilespmem:s11], [sflag:$0x5] =	stream.indirect.gather [hbm4b:s4+s19], $0x40, s18, s19, $0xb8;
	[tilespmem:$0x1F020] =	vst v63  }
0x76: {  	s26 =	simm.s32 $0x190  }
0x77: {  	[tilespmem:s13], [sflag:$0x6] =	stream.indirect.gather [hbm4b:s4+s19], $0x40, s26, s19, $0xb8;
	[tilespmem:$0x1F020] =	vst v63  }
0x78: {  	s11 =	simm.s32 $0x1E0  }
0x79: {  	[tilespmem:s14], [sflag:$0x7] =	stream.indirect.gather [hbm4b:s4+s19], $0x40, s11, s19, $0xb8;
	[tilespmem:$0x1F020] =	vst v63  }
0x7a: {  	s13 =	simm.s32 $0x230  }
0x7b: {  	[tilespmem:s12], [sflag:$0x8] =	stream.indirect.gather [hbm4b:s4+s19], $0x40, s13, s19, $0xb8;
	[tilespmem:$0x1F020] =	vst v63  }
0x7c: {  	s14 =	simm.s32 $0x280  }
0x7d: {  	[tilespmem:s15], [sflag:$0x9] =	stream.indirect.gather [hbm4b:s4+s19], $0x40, s14, s19, $0xb8;
	[tilespmem:$0x1F020] =	vst v63  }
0x7e: {  	s15 =	simm.s32 $0x2D0  }
0x7f: {  	[tilespmem:s5], [sflag:$0xA] =	stream.indirect.gather [hbm4b:s4+s19], $0x40, s15, s19, $0xb8;
	[tilespmem:$0x1F020] =	vst v63  }
0x80: {  	s18 =	simm.s32 $0x320  }
0x81: {  	[tilespmem:s7], [sflag:$0xB] =	stream.indirect.gather [hbm4b:s4+s19], $0x40, s18, s19, $0xb8;
	[tilespmem:$0x1F020] =	vst v63  }
0x82: {  	s28 =	simm.s32 $0x0;
	s29 =	simm.s32 $0x100;
	s26 =	simm.s32 $0x370  }
0x83: {  	[tilespmem:s8], [sflag:$0xC] =	stream.indirect.gather [hbm4b:s4+s19], $0x40, s26, s19, $0xb8;
	[tilespmem:$0x1F020] =	vst v63  }
.LBB2_2:
0x84: {  	p0 =	sne.s32 s29, $0x4F00;
	[tilespmem:s28+$0x13E50] =	vst v0;
	s18 =	smov.u32 s29;
	s29 =	sadd.s32 $0x100, s29  }
.Ltmp2:
0x85: {  	[tilespmem:s28+$0x13E40] =	vst v0;
	(pc) =	sbr.rel @p0 .LBB2_2-.Ltmp2, $3  }
0x86: {  	[tilespmem:s28+$0x13E20] =	vst v0  }
0x87: {  	[tilespmem:s28+$0x13E30] =	vst v0;
	_ =	sdelay $0x1  }
0x88: {  	s28 =	sshra.s32 s18, $0x2  }
0x89: {  	[tilespmem:s28+$0x13E50] =	vst v0  }
0x8a: {  	[tilespmem:s28+$0x13E40] =	vst v0  }
0x8b: {  	[tilespmem:s28+$0x13E20] =	vst v0  }
0x8c: {  	[tilespmem:s28+$0x13E30] =	vst v0;
	s18 =	rddreg [dreg:$0x4];
	s5 =	simm.s32 $0x13E20;
	s8 =	simm.s32 $0x19  }
0x8d: {  	[spmem:s18] =	stream.linear.scatter [tilespmem:s5], [sflag:$0x19], $0x1400, $0x38;
	[tilespmem:$0x1F020] =	vst v63  }
0x8e: {  	_ =	swait.ge [sflag:s8], $0x1400  }
0x8f: {  	[sflag:s8] =	ssyncset.done $0x0  }
0x90: {  	s10 =	rddreg [dreg:$0x6];
	[sflag:s8] =	ssyncadd.s32 $0xFFFFEC00  }
0x91: {  	[spmem:s10] =	stream.linear.scatter [tilespmem:s5], [sflag:$0x19], $0x1400, $0x38;
	[tilespmem:$0x1F020] =	vst v63  }
0x92: {  	_ =	swait.ge [sflag:s8], $0x1400  }
0x93: {  	[sflag:s8] =	ssyncset.done $0x0  }
0x94: {  	s11 =	rddreg [dreg:$0x7];
	[sflag:s8] =	ssyncadd.s32 $0xFFFFEC00  }
0x95: {  	[spmem:s11] =	stream.linear.scatter [tilespmem:s5], [sflag:$0x19], $0x1400, $0x38;
	[tilespmem:$0x1F020] =	vst v63  }
0x96: {  	_ =	swait.ge [sflag:s8], $0x1400  }
0x97: {  	[sflag:s8] =	ssyncset.done $0x0  }
0x98: {  	s12 =	rddreg [dreg:$0x8];
	[sflag:s8] =	ssyncadd.s32 $0xFFFFEC00  }
0x99: {  	[spmem:s12] =	stream.linear.scatter [tilespmem:s5], [sflag:$0x19], $0x1400, $0x38;
	[tilespmem:$0x1F020] =	vst v63  }
0x9a: {  	_ =	swait.ge [sflag:s8], $0x1400  }
0x9b: {  	[sflag:s8] =	ssyncset.done $0x0  }
0x9c: {  	s13 =	rddreg [dreg:$0x9];
	[sflag:s8] =	ssyncadd.s32 $0xFFFFEC00  }
0x9d: {  	[spmem:s13] =	stream.linear.scatter [tilespmem:s5], [sflag:$0x19], $0x1400, $0x38;
	[tilespmem:$0x1F020] =	vst v63  }
0x9e: {  	_ =	swait.ge [sflag:s8], $0x1400  }
0x9f: {  	[sflag:s8] =	ssyncset.done $0x0  }
0xa0: {  	s14 =	rddreg [dreg:$0xa];
	[sflag:s8] =	ssyncadd.s32 $0xFFFFEC00  }
0xa1: {  	[spmem:s14] =	stream.linear.scatter [tilespmem:s5], [sflag:$0x19], $0x1400, $0x38;
	[tilespmem:$0x1F020] =	vst v63  }
0xa2: {  	_ =	swait.ge [sflag:s8], $0x1400  }
0xa3: {  	[sflag:s8] =	ssyncset.done $0x0  }
0xa4: {  	s15 =	rddreg [dreg:$0xb];
	[sflag:s8] =	ssyncadd.s32 $0xFFFFEC00  }
0xa5: {  	[spmem:s15] =	stream.linear.scatter [tilespmem:s5], [sflag:$0x19], $0x1400, $0x38;
	[tilespmem:$0x1F020] =	vst v63  }
0xa6: {  	_ =	swait.ge [sflag:s8], $0x1400  }
0xa7: {  	[sflag:s8] =	ssyncset.done $0x0  }
0xa8: {  	s26 =	rddreg [dreg:$0xc];
	[sflag:s8] =	ssyncadd.s32 $0xFFFFEC00  }
0xa9: {  	[spmem:s26] =	stream.linear.scatter [tilespmem:s5], [sflag:$0x19], $0x1200, $0x38;
	[tilespmem:$0x1F020] =	vst v63  }
0xaa: {  	s29 =	simm.s32 $0x0;
	_ =	swait.ge [sflag:s8], $0x1200  }
0xab: {  	s7 =	simm.s32 $0x11620;
	s12 =	simm.s32 $0xDA20;
	[sflag:s8] =	ssyncset.done $0x0  }
0xac: {  	s14 =	simm.s32 $0xB220;
	s15 =	simm.s32 $0xC620;
	[sflag:s8] =	ssyncadd.s32 $0xFFFFEE00  }
0xad: {  	s5 =	simm.s32 $0x10220;
	s8 =	simm.s32 $0x12A20;
	[bflag:$0x0] =	sbarrier.arrive $0xFFFF  }
.LBB2_4:
0xae: {  	s10 =	simm.s32 $0x1  }
0xaf: {  	_ =	swait.ge [sflag:s10], $0x1400  }
0xb0: {  	s28 =	sshra.s32 s29, $0x2;
	[sflag:s10] =	ssyncset.done $0x0  }
0xb1: {  	s26 =	simm.s32 $0x4E20;
	s18 =	sadd.s32 $0x2710, s28;
	[sflag:s10] =	ssyncadd.s32 $0xFFFFEC00  }
0xb2: {  	[spmem:s2] =	stream.indirect.scatter.add.f32 [tilespmem:s26], [sflag:$0xD], $0x40, s18, s19, $0xb8;
	[tilespmem:$0x1F020] =	vst v63  }
0xb3: {  	s18 =	simm.s32 $0x2  }
0xb4: {  	_ =	swait.ge [sflag:s18], $0x1400  }
0xb5: {  	s13 =	simm.s32 $0x6220;
	[sflag:s18] =	ssyncset.done $0x0  }
0xb6: {  	s11 =	sadd.s32 $0x2760, s28;
	[sflag:s18] =	ssyncadd.s32 $0xFFFFEC00;
	s18 =	simm.s32 $0x3  }
0xb7: {  	[spmem:s2] =	stream.indirect.scatter.add.f32 [tilespmem:s13], [sflag:$0xE], $0x40, s11, s19, $0xb8;
	[tilespmem:$0x1F020] =	vst v63  }
0xb8: {  	_ =	swait.ge [sflag:s18], $0x1400  }
0xb9: {  	[sflag:s18] =	ssyncset.done $0x0  }
0xba: {  	s10 =	simm.s32 $0x7620;
	s11 =	sadd.s32 $0x27B0, s28;
	[sflag:s18] =	ssyncadd.s32 $0xFFFFEC00  }
0xbb: {  	[spmem:s2] =	stream.indirect.scatter.add.f32 [tilespmem:s10], [sflag:$0xF], $0x40, s11, s19, $0xb8;
	[tilespmem:$0x1F020] =	vst v63  }
0xbc: {  	s11 =	simm.s32 $0x4  }
0xbd: {  	_ =	swait.ge [sflag:s11], $0x1400  }
0xbe: {  	[sflag:s11] =	ssyncset.done $0x0  }
0xbf: {  	s13 =	sadd.s32 $0x2800, s28;
	[sflag:s11] =	ssyncadd.s32 $0xFFFFEC00;
	s11 =	simm.s32 $0x8A20  }
0xc0: {  	[spmem:s2] =	stream.indirect.scatter.add.f32 [tilespmem:s11], [sflag:$0x10], $0x40, s13, s19, $0xb8;
	[tilespmem:$0x1F020] =	vst v63  }
0xc1: {  	_ =	swait.ge [sflag:s9], $0x1400  }
0xc2: {  	[sflag:s9] =	ssyncset.done $0x0  }
0xc3: {  	s18 =	sadd.s32 $0x2850, s28;
	s13 =	simm.s32 $0x9E20;
	[sflag:s9] =	ssyncadd.s32 $0xFFFFEC00  }
0xc4: {  	[spmem:s2] =	stream.indirect.scatter.add.f32 [tilespmem:s13], [sflag:$0x11], $0x40, s18, s19, $0xb8;
	[tilespmem:$0x1F020] =	vst v63  }
0xc5: {  	s18 =	simm.s32 $0x6  }
0xc6: {  	_ =	swait.ge [sflag:s18], $0x1400  }
0xc7: {  	[sflag:s18] =	ssyncset.done $0x0  }
0xc8: {  	[sflag:s18] =	ssyncadd.s32 $0xFFFFEC00;
	s18 =	sadd.s32 $0x28A0, s28  }
0xc9: {  	[spmem:s2] =	stream.indirect.scatter.add.f32 [tilespmem:s14], [sflag:$0x12], $0x40, s18, s19, $0xb8;
	[tilespmem:$0x1F020] =	vst v63  }
0xca: {  	s18 =	simm.s32 $0x7  }
0xcb: {  	_ =	swait.ge [sflag:s18], $0x1400  }
0xcc: {  	[sflag:s18] =	ssyncset.done $0x0  }
0xcd: {  	[sflag:s18] =	ssyncadd.s32 $0xFFFFEC00;
	s18 =	sadd.s32 $0x28F0, s28  }
0xce: {  	[spmem:s2] =	stream.indirect.scatter.add.f32 [tilespmem:s15], [sflag:$0x13], $0x40, s18, s19, $0xb8;
	[tilespmem:$0x1F020] =	vst v63  }
0xcf: {  	s18 =	simm.s32 $0x8  }
0xd0: {  	_ =	swait.ge [sflag:s18], $0x1400  }
0xd1: {  	[sflag:s18] =	ssyncset.done $0x0  }
0xd2: {  	[sflag:s18] =	ssyncadd.s32 $0xFFFFEC00;
	s18 =	sadd.s32 $0x2940, s28  }
0xd3: {  	[spmem:s2] =	stream.indirect.scatter.add.f32 [tilespmem:s12], [sflag:$0x14], $0x40, s18, s19, $0xb8;
	[tilespmem:$0x1F020] =	vst v63  }
0xd4: {  	s18 =	simm.s32 $0x9  }
0xd5: {  	_ =	swait.ge [sflag:s18], $0x1400  }
0xd6: {  	[sflag:s18] =	ssyncset.done $0x0  }
0xd7: {  	[sflag:s18] =	ssyncadd.s32 $0xFFFFEC00;
	s18 =	sadd.s32 $0x2990, s28  }
0xd8: {  	[spmem:s2] =	stream.indirect.scatter.add.f32 [tilespmem:s16], [sflag:$0x15], $0x40, s18, s19, $0xb8;
	[tilespmem:$0x1F020] =	vst v63  }
0xd9: {  	s18 =	simm.s32 $0xA  }
0xda: {  	_ =	swait.ge [sflag:s18], $0x1400  }
0xdb: {  	[sflag:s18] =	ssyncset.done $0x0  }
0xdc: {  	[sflag:s18] =	ssyncadd.s32 $0xFFFFEC00;
	s18 =	sadd.s32 $0x29E0, s28  }
0xdd: {  	[spmem:s2] =	stream.indirect.scatter.add.f32 [tilespmem:s5], [sflag:$0x16], $0x40, s18, s19, $0xb8;
	[tilespmem:$0x1F020] =	vst v63  }
0xde: {  	s18 =	simm.s32 $0xB  }
0xdf: {  	_ =	swait.ge [sflag:s18], $0x1400  }
0xe0: {  	[sflag:s18] =	ssyncset.done $0x0  }
0xe1: {  	[sflag:s18] =	ssyncadd.s32 $0xFFFFEC00;
	s18 =	sadd.s32 $0x2A30, s28  }
0xe2: {  	[spmem:s2] =	stream.indirect.scatter.add.f32 [tilespmem:s7], [sflag:$0x17], $0x40, s18, s19, $0xb8;
	[tilespmem:$0x1F020] =	vst v63  }
0xe3: {  	s18 =	simm.s32 $0xC  }
0xe4: {  	_ =	swait.ge [sflag:s18], $0x1400  }
0xe5: {  	[sflag:s18] =	ssyncset.done $0x0  }
0xe6: {  	[sflag:s18] =	ssyncadd.s32 $0xFFFFEC00;
	s18 =	sadd.s32 $0x2A80, s28  }
0xe7: {  	[spmem:s2] =	stream.indirect.scatter.add.f32 [tilespmem:s8], [sflag:$0x18], $0x40, s18, s19, $0xb8;
	[tilespmem:$0x1F020] =	vst v63  }
0xe8: {  	_ =	swait.ge [sflag:s3], $0x1400  }
0xe9: {  	[sflag:s3] =	ssyncset.done $0x0  }
0xea: {  	s18 =	sadd.s32 $0x3C0, s28;
	[sflag:s3] =	ssyncadd.s32 $0xFFFFEC00  }
0xeb: {  	[tilespmem:s26], [sflag:$0x1] =	stream.indirect.gather [hbm4b:s4+s19], $0x40, s18, s19, $0xb8;
	[tilespmem:$0x1F020] =	vst v63  }
0xec: {  	_ =	swait.ge [sflag:s6], $0x1400  }
0xed: {  	[sflag:s6] =	ssyncset.done $0x0  }
0xee: {  	s26 =	simm.s32 $0x6220;
	s18 =	sadd.s32 $0x410, s28;
	[sflag:s6] =	ssyncadd.s32 $0xFFFFEC00  }
0xef: {  	[tilespmem:s26], [sflag:$0x2] =	stream.indirect.gather [hbm4b:s4+s19], $0x40, s18, s19, $0xb8;
	[tilespmem:$0x1F020] =	vst v63  }
0xf0: {  	_ =	swait.ge [sflag:s31], $0x1400  }
0xf1: {  	[sflag:s31] =	ssyncset.done $0x0  }
0xf2: {  	s18 =	sadd.s32 $0x460, s28;
	[sflag:s31] =	ssyncadd.s32 $0xFFFFEC00  }
0xf3: {  	[tilespmem:s10], [sflag:$0x3] =	stream.indirect.gather [hbm4b:s4+s19], $0x40, s18, s19, $0xb8;
	[tilespmem:$0x1F020] =	vst v63  }
0xf4: {  	_ =	swait.ge [sflag:s17], $0x1400  }
0xf5: {  	[sflag:s17] =	ssyncset.done $0x0  }
0xf6: {  	p0 =	seq.s32 s29, $0x8700;
	s18 =	sadd.s32 $0x4B0, s28;
	[sflag:s17] =	ssyncadd.s32 $0xFFFFEC00  }
0xf7: {  	[tilespmem:s11], [sflag:$0x4] =	stream.indirect.gather [hbm4b:s4+s19], $0x40, s18, s19, $0xb8;
	[tilespmem:$0x1F020] =	vst v63  }
.Ltmp3:
0xf8: {  	_ = 	snop;
	(pc) =	sbr.rel @p0 .LBB2_6-.Ltmp3, $4  }
0xf9: {  	_ =	swait.ge [sflag:s30], $0x1400  }
0xfa: {  	[sflag:s30] =	ssyncset.done $0x0  }
0xfb: {  	s11 =	sadd.s32 $0x500, s28;
	[sflag:s30] =	ssyncadd.s32 $0xFFFFEC00  }
0xfc: {  	[tilespmem:s13], [sflag:$0x5] =	stream.indirect.gather [hbm4b:s4+s19], $0x40, s11, s19, $0xb8;
	[tilespmem:$0x1F020] =	vst v63  }
0xfd: {  	_ =	swait.ge [sflag:s20], $0x1400  }
0xfe: {  	[sflag:s20] =	ssyncset.done $0x0  }
0xff: {  	s18 =	sadd.s32 $0x550, s28;
	[sflag:s20] =	ssyncadd.s32 $0xFFFFEC00  }
0x100: {  	[tilespmem:s14], [sflag:$0x6] =	stream.indirect.gather [hbm4b:s4+s19], $0x40, s18, s19, $0xb8;
	[tilespmem:$0x1F020] =	vst v63  }
0x101: {  	_ =	swait.ge [sflag:s1], $0x1400  }
0x102: {  	[sflag:s1] =	ssyncset.done $0x0  }
0x103: {  	s26 =	sadd.s32 $0x5A0, s28;
	[sflag:s1] =	ssyncadd.s32 $0xFFFFEC00  }
0x104: {  	[tilespmem:s15], [sflag:$0x7] =	stream.indirect.gather [hbm4b:s4+s19], $0x40, s26, s19, $0xb8;
	[tilespmem:$0x1F020] =	vst v63  }
0x105: {  	_ =	swait.ge [sflag:s21], $0x1400  }
0x106: {  	[sflag:s21] =	ssyncset.done $0x0  }
0x107: {  	s10 =	sadd.s32 $0x5F0, s28;
	[sflag:s21] =	ssyncadd.s32 $0xFFFFEC00  }
0x108: {  	[tilespmem:s12], [sflag:$0x8] =	stream.indirect.gather [hbm4b:s4+s19], $0x40, s10, s19, $0xb8;
	[tilespmem:$0x1F020] =	vst v63  }
0x109: {  	_ =	swait.ge [sflag:s0], $0x1400  }
0x10a: {  	[sflag:s0] =	ssyncset.done $0x0  }
0x10b: {  	s11 =	sadd.s32 $0x640, s28;
	[sflag:s0] =	ssyncadd.s32 $0xFFFFEC00  }
0x10c: {  	[tilespmem:s16], [sflag:$0x9] =	stream.indirect.gather [hbm4b:s4+s19], $0x40, s11, s19, $0xb8;
	[tilespmem:$0x1F020] =	vst v63  }
0x10d: {  	_ =	swait.ge [sflag:s23], $0x1400  }
0x10e: {  	[sflag:s23] =	ssyncset.done $0x0  }
0x10f: {  	s13 =	sadd.s32 $0x690, s28;
	[sflag:s23] =	ssyncadd.s32 $0xFFFFEC00  }
0x110: {  	[tilespmem:s5], [sflag:$0xA] =	stream.indirect.gather [hbm4b:s4+s19], $0x40, s13, s19, $0xb8;
	[tilespmem:$0x1F020] =	vst v63  }
0x111: {  	_ =	swait.ge [sflag:s24], $0x1400  }
0x112: {  	[sflag:s24] =	ssyncset.done $0x0  }
0x113: {  	s26 =	sadd.s32 $0x6E0, s28;
	[sflag:s24] =	ssyncadd.s32 $0xFFFFEC00  }
0x114: {  	[tilespmem:s7], [sflag:$0xB] =	stream.indirect.gather [hbm4b:s4+s19], $0x40, s26, s19, $0xb8;
	[tilespmem:$0x1F020] =	vst v63  }
.Ltmp4:
0x115: {  	_ = 	snop;
	(pc) =	sbr.rel .LBB2_4-.Ltmp4, $4  }
0x116: {  	_ =	swait.ge [sflag:s25], $0x1400  }
0x117: {  	[sflag:s25] =	ssyncset.done $0x0  }
0x118: {  	s29 =	sadd.s32 $0xF00, s29;
	s28 =	sadd.s32 $0x730, s28;
	[sflag:s25] =	ssyncadd.s32 $0xFFFFEC00  }
0x119: {  	[tilespmem:s8], [sflag:$0xC] =	stream.indirect.gather [hbm4b:s4+s19], $0x40, s28, s19, $0xb8;
	[tilespmem:$0x1F020] =	vst v63  }
.LBB2_7:
0x11a: {  	_ =	sfence.sel $0x180000  }
0x11b: {  	[bflag:$0x0] =	sbarrier.arrive $0xFFFF  }
0x11c: {  	_ =	strace $0x9000004A  }
0x11d: {  	s0 =	stileid.u32;
	[bflag:$0x2] =	sbarrier.arrive $0xFFFF  }
0x11e: {  	p0 =	sne.s32 s0, $0x0;
	s0 =	rddreg [dreg:$0x2]  }
0x11f: {  	s0 =	sadd.s32 @!p0 $0x100000, s0  }
0x120: {  	[sflag:s0] =	ssyncadd.tile.s32 @!p0 $0x1;
	_ =	shalt  }
.Lfunc_end2:
_tile_overlayer_lowered:
.L_overlay_start_2:
0x121: {  	(tag) =	ssettag $0x2  }
0x122: {  	s0 =	rddreg [dreg:$0x0];
	s2 =	stileid.u32  }
0x123: {  	s1 =	rddreg [dreg:$0x1];
	p0 =	sne.s32 s2, $0x0  }
0x124: {  	s3 =	rddreg [dreg:$0x2];
	[bflag:$0x3] =	sbarrier.arrive $0xFFFF;
	s2 =	simm.s32 @!p0 $0x1C19  }
0x125: {  	[timem:s3], [sflag:s2] =	dma.local @!p0 [hbm:s0], s1  }
0x126: {  	s0 =	simm.s32 @!p0 $0x19  }
0x127: {  	_ =	swait.ge @!p0 [sflag:s0], s1  }
0x128: {  	s1 =	ssub.s32 @!p0 $0x0, s1;
	[sflag:s0] =	ssyncset.done @!p0 $0x0  }
0x129: {  	[sflag:s0] =	ssyncadd.s32 @!p0 s1  }
0x12a: {  	[bflag:$0x3] =	sbarrier.arrive $0xFFFF  }
0x12b: {  	_ =	shalt  }

// kernel: kernel.7.cloned.1.call-start
scs
__scs_entry_jumppad:
0x0: {  	(pc) =	sbr.rel $0x88, $3  }
0x1: {  	(tag) =	ssettag $0x0;
	lr =	simm.s32 $0x1  }
0x2: {  	[smem:$0x3F8F] =	sst lr;
	_ =	strace $0xD0000000  }
0x3: {  	_ = 	snop  }
0x4: {  	_ = 	snop  }
0x5: {  	_ = 	snop  }
0x6: {  	_ = 	snop  }
0x7: {  	_ = 	snop  }
__scs_overlays_trampoline_lowered:
0x8: {  	[smem:$0x3F9E] =	sst s0  }
0x9: {  	[smem:$0x3F9F] =	sst s1  }
0xa: {  	[smem:$0x3FA0] =	sst s2  }
0xb: {  	[smem:$0x3FA1] =	sst s3  }
0xc: {  	[smem:$0x3FA2] =	sst s4  }
0xd: {  	[smem:$0x3FA3] =	sst s5  }
0xe: {  	[smem:$0x3FA4] =	sst s6  }
0xf: {  	[smem:$0x3FA5] =	sst s7  }
0x10: {  	[smem:$0x3FA6] =	sst s8  }
0x11: {  	[smem:$0x3FA7] =	sst s9;
	s0 =	simm.s32 @!p0 $0x0  }
0x12: {  	s1 =	sld [smem:$0x3F8D];
	s0 =	simm.s32 @p0 $0x1  }
0x13: {  	[smem:$0x3FA8] =	sst s0;
	s0 =	simm.s32 @!p1 $0x0  }
0x14: {  	s2 =	sld [smem:$0x3F8C];
	s0 =	simm.s32 @p1 $0x1  }
0x15: {  	[smem:$0x3FA9] =	sst s0;
	s0 =	simm.s32 @!p2 $0x0  }
0x16: {  	s3 =	sld [smem:$0x3FDB];
	s0 =	simm.s32 @p2 $0x1  }
0x17: {  	s4 =	simm.s32 $0x1BF5;
	[smem:$0x3FAB] =	sst s0  }
0x18: {  	s0 =	sld [smem:$0x3F8E];
	_ =	swait.ge [sflag:s4], $0x0  }
0x19: {  	s7 =	sld [smem:$0x3F8F]  }
0x1a: {  	s8 =	sadd.s32 $0xFFFFE003, lr  }
0x1b: {  	s9 =	sadd.s32 $0xFFFFFEF7, lr;
	s5 =	simm.s32 $0xFFFFFFFF;
	p2 =	slt.u32 s8, $0xFFFFF086  }
0x1c: {  	p1 =	slt.u32 s9, $0xF7A;
	s5 =	simm.s32 @!p2 $0x0  }
0x1d: {  	s5 =	simm.s32 @p1 $0x1;
	p0 =	seq.s32 s7, s2  }
0x1e: {  	s7 =	smul.u32 @!p0 $0xF7A, s2;
	p2 =	seq.s32 @!p0 s5, $0x0  }
0x1f: {  	s9 =	smul.u32 $0xF7A, s1;
	s8 =	simm.s32 @!p0 $0x1BF5;
	p2 =	por !p2, p0  }
0x20: {  	[sflag:s8] =	ssyncset.s32 @!p0 $0xFFFFF086;
	s6 =	sadd.s32 @!p0 s3, s7;
	s7 =	simm.s32 @!p0 $0x108  }
0x21: {  	s3 =	sadd.s32 s3, s9;
	s6 =	sadd.s32 @!p0 $0x88, s6;
	s7 =	simm.s32 @p2 $0x1082  }
0x22: {  	[simem:s7], [sflag:s8] =	dma.local @!p0 [hbm:s6], $0xF7A  }
0x23: {  	s9 =	sor.u32 $0xD0000000, s2;
	s6 =	simm.s32 $0x108;
	_ =	swait.ge @!p0 [sflag:s8], $0x0  }
0x24: {  	s3 =	sadd.s32 $0x88, s3;
	s6 =	simm.s32 @!p1 $0x1082;
	[sflag:s4] =	ssyncset.s32 $0xFFFFF086  }
0x25: {  	[simem:s6], [sflag:s4] =	dma.local [hbm:s3], $0xF7A  }
0x26: {  	[smem:$0x3F8F] =	sst s1;
	(tag) =	ssettag s2;
	_ =	strace s9  }
0x27: {  	s1 =	sld [smem:$0x3F9F]  }
0x28: {  	s2 =	sld [smem:$0x3FA0]  }
0x29: {  	s4 =	sld [smem:$0x3FA2]  }
0x2a: {  	p0 =	seq.s32 s5, $0x0;
	s5 =	sld [smem:$0x3FA3]  }
0x2b: {  	s6 =	sld [smem:$0x3FA4]  }
0x2c: {  	s7 =	sld [smem:$0x3FA5]  }
0x2d: {  	s3 =	simm.s32 $0x108;
	s8 =	sld [smem:$0x3FA6]  }
0x2e: {  	s3 =	simm.s32 @!p0 $0x1082;
	s9 =	sld [smem:$0x3FA7]  }
0x2f: {  	lr =	sadd.s32 s0, s3;
	s0 =	sld [smem:$0x3F9E]  }
0x30: {  	s3 =	sld [smem:$0x3FA1]  }
0x31: {  	[smem:$0x3FAA] =	sst s10  }
0x32: {  	s10 =	sld [smem:$0x3FA8];
	_ =	sdelay $0x3  }
0x33: {  	p0 =	seq.s32 s10, $0x1;
	s10 =	sld [smem:$0x3FAA];
	_ =	sdelay $0x3  }
0x34: {  	[smem:$0x3FAA] =	sst s10  }
0x35: {  	s10 =	sld [smem:$0x3FA9];
	_ =	sdelay $0x3  }
0x36: {  	p1 =	seq.s32 s10, $0x1;
	s10 =	sld [smem:$0x3FAA];
	_ =	sdelay $0x3  }
0x37: {  	[smem:$0x3FAA] =	sst s10  }
0x38: {  	s10 =	sld [smem:$0x3FAB]  }
0x39: {  	_ = 	snop;
	(pc) =	sbr.ind lr, $3  }
0x3a: {  	_ = 	snop  }
0x3b: {  	_ = 	snop  }
0x3c: {  	p2 =	seq.s32 s10, $0x1;
	s10 =	sld [smem:$0x3FAA]  }
0x3d: {  	_ =	shalt  }
0x3e: {  	_ =	shalt  }
0x3f: {  	_ =	shalt  }
0x40: {  	_ =	shalt  }
0x41: {  	_ =	shalt  }
0x42: {  	_ =	shalt  }
0x43: {  	_ =	shalt  }
0x44: {  	_ =	shalt  }
0x45: {  	_ =	shalt  }
0x46: {  	_ =	shalt  }
0x47: {  	_ =	shalt  }
0x48: {  	_ =	shalt  }
0x49: {  	_ =	shalt  }
0x4a: {  	_ =	shalt  }
0x4b: {  	_ =	shalt  }
0x4c: {  	_ =	shalt  }
0x4d: {  	_ =	shalt  }
0x4e: {  	_ =	shalt  }
0x4f: {  	_ =	shalt  }
0x50: {  	_ =	shalt  }
0x51: {  	_ =	shalt  }
0x52: {  	_ =	shalt  }
0x53: {  	_ =	shalt  }
0x54: {  	_ =	shalt  }
0x55: {  	_ =	shalt  }
0x56: {  	_ =	shalt  }
0x57: {  	_ =	shalt  }
0x58: {  	_ =	shalt  }
0x59: {  	_ =	shalt  }
0x5a: {  	_ =	shalt  }
0x5b: {  	_ =	shalt  }
0x5c: {  	_ =	shalt  }
0x5d: {  	_ =	shalt  }
0x5e: {  	_ =	shalt  }
0x5f: {  	_ =	shalt  }
0x60: {  	_ =	shalt  }
0x61: {  	_ =	shalt  }
0x62: {  	_ =	shalt  }
0x63: {  	_ =	shalt  }
0x64: {  	_ =	shalt  }
0x65: {  	_ =	shalt  }
0x66: {  	_ =	shalt  }
0x67: {  	_ =	shalt  }
0x68: {  	_ =	shalt  }
0x69: {  	_ =	shalt  }
0x6a: {  	_ =	shalt  }
0x6b: {  	_ =	shalt  }
0x6c: {  	_ =	shalt  }
0x6d: {  	_ =	shalt  }
0x6e: {  	_ =	shalt  }
0x6f: {  	_ =	shalt  }
0x70: {  	_ =	shalt  }
0x71: {  	_ =	shalt  }
0x72: {  	_ =	shalt  }
0x73: {  	_ =	shalt  }
0x74: {  	_ =	shalt  }
0x75: {  	_ =	shalt  }
0x76: {  	_ =	shalt  }
0x77: {  	_ =	shalt  }
0x78: {  	_ =	shalt  }
0x79: {  	_ =	shalt  }
0x7a: {  	_ =	shalt  }
0x7b: {  	_ =	shalt  }
0x7c: {  	_ =	shalt  }
0x7d: {  	_ =	shalt  }
0x7e: {  	_ =	shalt  }
0x7f: {  	_ =	shalt  }
0x80: {  	_ =	shalt  }
0x81: {  	_ =	shalt  }
0x82: {  	_ =	shalt  }
0x83: {  	_ =	shalt  }
0x84: {  	_ =	shalt  }
0x85: {  	_ =	shalt  }
0x86: {  	_ =	shalt  }
0x87: {  	_ =	shalt  }
.Lfunc_end0:
.L_simem_size_0:
called_computation_lowered:
.L_overlay_start_0:
0x88: {  	s2 =	sld [smem:$0x3FD9]  }
0x89: {  	s3 =	sld [smem:$0x3FFE];
	_ =	sdelay $0x1  }
0x8a: {  	s1 =	srdreg.scid  }
0x8b: {  	s0 =	sand.u32 $0x1, s1  }
0x8c: {  	s16 =	sshll.u32 s0, $0xA;
	s2 =	sadd.s32 s3, s2  }
0x8d: {  	s2 =	sadd.s32 s2, s16  }
0x8e: {  	[smem:$0x3FB6] =	sst s2  }
0x8f: {  	_ = 	snop  }
0x90: {  	(tm) =	ssettm $0x1  }
0x91: {  	s17 =	sld [smem:$0x3FFB];
	_ =	sdelay $0x3  }
0x92: {  	_ =	strace s17  }
0x93: {  	s2 =	sld [smem:$0x3FFC];
	_ =	sdelay $0x3  }
0x94: {  	_ =	strace s2  }
0x95: {  	s2 =	sld [smem:$0x3FFD];
	_ =	sdelay $0x3  }
0x96: {  	_ =	strace s2  }
0x97: {  	_ =	strace $0x8FFFFFFF  }
0x98: {  	s18 =	sld [smem:$0x3FDB];
	_ =	sdelay $0x1  }
0x99: {  	s19 =	simm.s32 $_scs_section_size  }
0x9a: {  	s4 =	simm.s32 $_size__tile_overlayer_lowered;
	s5 =	simm.s32 $_tile_overlayer_lowered  }
0x9b: {  	s22 =	simm.s32 $0x1BFF;
	s21 =	sshll.u32 s5, $0x1;
	s2 =	sadd.s32 s19, s18  }
0x9c: {  	s6 =	simm.s32 $0x0;
	s20 =	sshll.u32 s4, $0x1;
	s4 =	sadd.s32 s21, s2  }
0x9d: {  	[timem:s6], [sflag:s22] =	dma.local [hbm:s4], s20  }
0x9e: {  	_ =	swait.ge [sflag:s22], s20  }
0x9f: {  	s3 =	ssub.s32 $0x0, s20;
	[sflag:s22] =	ssyncset.done $0x0  }
0xa0: {  	[sflag:s22] =	ssyncadd.s32 s3;
	_ =	sdelay $0x1  }
0xa1: {  	s23 =	simm.s32 $0x1B8B  }
0xa2: {  	_ =	swait.ge [sflag:s23], $0x1  }
0xa3: {  	[sflag:s23] =	ssyncset.done $0x0  }
0xa4: {  	s25 =	simm.s32 $0x1B8E;
	s24 =	sld [smem:$0x3FFE];
	[sflag:s23] =	ssyncadd.s32 $0xFFFFFFFF  }
0xa5: {  	s26 =	simm.s32 $execute0_lowered;
	[smem:$0x3FD2] =	sst s25  }
0xa6: {  	s4 =	sshll.u32 s26, $0x1;
	_ =	strace $0x80000046;
	[dreg:$0x1] =	wrdreg $0xFFFFFFFF  }
0xa7: {  	s28 =	simm.s32 $_size_execute0_lowered;
	s2 =	sadd.s32 s2, s4;
	[dreg:$0x0] =	wrdreg $0x0  }
0xa8: {  	s4 =	sshll.u32 s28, $0x1;
	[dreg:$0x2] =	wrdreg s2  }
0xa9: {  	[dreg:$0x3] =	wrdreg s4  }
0xaa: {  	[dreg:$0x4] =	wrdreg $0xC0  }
0xab: {  	_ =	task [dreg:s6], $0x5FFFF  }
0xac: {  	[dreg:$0x1] =	wrdreg $0xFFFFFFFF  }
0xad: {  	[dreg:$0x0] =	wrdreg $0x60  }
0xae: {  	[dreg:$0x2] =	wrdreg s24  }
0xaf: {  	[dreg:$0x3] =	wrdreg $0x152200  }
0xb0: {  	[dreg:$0x4] =	wrdreg $0x9  }
0xb1: {  	_ =	task.clear_ibuf [dreg:s6], $0x5FFFF;
	_ =	strace $0x90000046  }
0xb2: {  	s29 =	simm.s32 $0x9;
	_ =	strace $0x80000048  }
0xb3: {  	_ =	swait.ge [sflag:s29], $0x1  }
0xb4: {  	[sflag:s29] =	ssyncadd.s32 $0xFFFFFFFF  }
0xb5: {  	_ =	strace $0x90000048  }
0xb6: {  	_ =	sfence  }
0xb7: {  	s30 =	sld [smem:$0x0];
	_ =	sdelay $0x2  }
0xb8: {  	s31 =	sshll.u32 s1, $0xD;
	s1 =	sshrl.u32 s1, $0x2  }
0xb9: {  	s3 =	sand.u32 $0x4000, s31;
	s1 =	sadd.s32 s1, s30  }
0xba: {  	s0 =	sor.u32 s3, s0;
	s1 =	sshll.u32 s1, $0x11  }
0xbb: {  	s0 =	sor.u32 s1, s0  }
0xbc: {  	s0 =	sadd.s32 $0x8F2B, s0  }
0xbd: {  	[sflag:s0] =	ssyncadd.remote.s32 $0x1  }
0xbe: {  	_ =	sfence.sel $0xFFFF  }
0xbf: {  	[dreg:$0x0] =	wrdreg $0xFFFFFFFF;
	(pc) =	sbr.abs _section_cstart, $3  }
0xc0: {  	[dreg:$0x1] =	wrdreg $0xFFFFFFFF  }
0xc1: {  	_ =	task.clear_ibuf [dreg:s6], $0x2FFFF;
	_ =	strace $0x9FFFFFFF  }
0xc2: {  	(tm) =	ssettm $0x7FFFFFFF  }
0xc3: {  	_ =	shalt  }
tec
execute0_lowered:
.L_overlay_start_1:
0x0: {  	(tag) =	ssettag $0x1  }
0x1: {  	s0 =	srdreg.scid;
	s3 =	rddreg [dreg:$0x0]  }
0x2: {  	s7 =	stileid.u32;
	s2 =	rddreg [dreg:$0x1]  }
0x3: {  	s4 =	simm.s32 $0x0;
	s29 =	simm.s32 $0x19;
	s11 =	simm.s32 $0x4E20  }
0x4: {  	s13 =	simm.s32 $0xB220;
	s14 =	simm.s32 $0xC620;
	s12 =	simm.s32 $0xDA20  }
0x5: {  	s15 =	simm.s32 $0xEE20;
	s8 =	simm.s32 $0x12A20;
	s9 =	simm.s32 $0x5  }
0x6: {  	s31 =	simm.s32 $0xF;
	s30 =	simm.s32 $0x11;
	s10 =	simm.s32 $0x0  }
0x7: {  	s0 =	sand.u32 $0x1, s0;
	s1 =	sshll.u32 s7, $0x1;
	s6 =	smul.u32 $0x13C00, s7  }
0x8: {  	[smem:$0x7FF] =	sst s4;
	s4 =	sadd.s32 $0x2E00, s3;
	s16 =	smul.u32 $0x27800, s7  }
0x9: {  	s7 =	simm.s32 $0x11620;
	s1 =	sor.u32 s0, s1;
	s5 =	smul.u32 $0x13C000, s0  }
0xa: {  	_ =	strace $0x80000047;
	s0 =	ssub.s32 $0x2, s0;
	s1 =	smul.u32 $0x2710, s1  }
0xb: {  	s17 =	sshrl.u32 s0, $0x1;
	s5 =	sadd.s32 s6, s5;
	s6 =	sshrl.u32 s16, $0x2  }
0xc: {  	s0 =	ssub.s32 s0, s17;
	s17 =	simm.s32 $0x10;
	s16 =	simm.s32 $0xEE20  }
0xd: {  	s1 =	sshrl.u32 s1, $0x3;
	s5 =	sshrl.u32 s5, $0x3;
	s19 =	sadd.s32 s6, s2  }
0xe: {  	s0 =	smax.u32 s0, $0x1;
	s6 =	simm.s32 $0xE;
	[dreg:$0x4] =	wrdreg s19  }
0xf: {  	s1 =	sadd.s32 s1, s3;
	s20 =	sadd.s32 $0x1400, s19;
	[dreg:$0xe] =	wrdreg s0  }
0x10: {  	s3 =	sadd.s32 s5, s3;
	s21 =	sadd.s32 $0x2800, s19;
	[dreg:$0x6] =	wrdreg s20  }
0x11: {  	s22 =	sadd.s32 $0x3C00, s19;
	s23 =	sadd.s32 $0x5000, s19;
	[dreg:$0x7] =	wrdreg s21  }
0x12: {  	s24 =	sadd.s32 $0x6400, s19;
	s25 =	sadd.s32 $0x7800, s19;
	[dreg:$0x8] =	wrdreg s22  }
0x13: {  	s26 =	sadd.s32 $0x8C00, s19;
	s19 =	simm.s32 $0x50;
	[dreg:$0x9] =	wrdreg s23  }
0x14: {  	s5 =	simm.s32 $0x10220;
	s0 =	simm.s32 $0x15;
	[dreg:$0xa] =	wrdreg s24  }
0x15: {  	s18 =	sadd.s32 $0x16800, s1;
	s1 =	sadd.s32 $0x20440, s1;
	[dreg:$0xb] =	wrdreg s25  }
.Ltmp0:
0x16: {  	[dreg:$0xc] =	wrdreg s26;
	s28 =	sadd.s32 $0x2A200, s3;
	(pc) =	sbr.rel .LBB2_1-.Ltmp0, $4  }
0x17: {  	s26 =	simm.s32 $0x6220;
	s3 =	simm.s32 $0xD;
	s20 =	simm.s32 $0x12  }
0x18: {  	s21 =	simm.s32 $0x14;
	s23 =	simm.s32 $0x16;
	[dreg:$0x3] =	wrdreg s18  }
0x19: {  	s24 =	simm.s32 $0x17;
	s25 =	simm.s32 $0x18;
	[dreg:$0x5] =	wrdreg s1  }
0x1a: {  	v0 =	vimm.f32 $0.0e+00;
	s22 =	simm.s32 $0x8;
	[dreg:$0xd] =	wrdreg s28;
	s1 =	simm.s32 $0x13  }
.LBB2_6:
0x1b: {  	s7 =	simm.s32 $0x1  }
0x1c: {  	_ =	swait.ge [sflag:s7], $0x1400  }
0x1d: {  	s11 =	simm.s32 $0x4E20;
	[sflag:s7] =	ssyncset.done $0x0  }
0x1e: {  	s5 =	simm.s32 $0x4C90;
	s15 =	simm.s32 $0x2;
	[sflag:s7] =	ssyncadd.s32 $0xFFFFEC00  }
0x1f: {  	[spmem:s2] =	stream.indirect.scatter.add.f32 [tilespmem:s11], [sflag:$0xD], $0x40, s5, s19, $0xb8;
	[tilespmem:$0x1F020] =	vst v63  }
0x20: {  	_ =	swait.ge [sflag:s15], $0x1400  }
0x21: {  	[sflag:s15] =	ssyncset.done $0x0  }
0x22: {  	s18 =	simm.s32 $0x4CE0;
	s28 =	simm.s32 $0x3;
	[sflag:s15] =	ssyncadd.s32 $0xFFFFEC00  }
0x23: {  	[spmem:s2] =	stream.indirect.scatter.add.f32 [tilespmem:s26], [sflag:$0xE], $0x40, s18, s19, $0xb8;
	[tilespmem:$0x1F020] =	vst v63  }
0x24: {  	_ =	swait.ge [sflag:s28], $0x1400  }
0x25: {  	[sflag:s28] =	ssyncset.done $0x0  }
0x26: {  	s8 =	simm.s32 $0x4D30;
	[sflag:s28] =	ssyncadd.s32 $0xFFFFEC00  }
0x27: {  	[spmem:s2] =	stream.indirect.scatter.add.f32 [tilespmem:s10], [sflag:$0xF], $0x40, s8, s19, $0xb8;
	[tilespmem:$0x1F020] =	vst v63  }
0x28: {  	s10 =	simm.s32 $0x4  }
0x29: {  	_ =	swait.ge [sflag:s10], $0x1400  }
0x2a: {  	[sflag:s10] =	ssyncset.done $0x0  }
0x2b: {  	s12 =	simm.s32 $0x8A20;
	s13 =	simm.s32 $0x4D80;
	[sflag:s10] =	ssyncadd.s32 $0xFFFFEC00  }
0x2c: {  	[spmem:s2] =	stream.indirect.scatter.add.f32 [tilespmem:s12], [sflag:$0x10], $0x40, s13, s19, $0xb8;
	[tilespmem:$0x1F020] =	vst v63  }
0x2d: {  	_ =	swait.ge [sflag:s9], $0x1400  }
0x2e: {  	[sflag:s9] =	ssyncset.done $0x0  }
0x2f: {  	s14 =	simm.s32 $0x9E20;
	s15 =	simm.s32 $0x4DD0;
	[sflag:s9] =	ssyncadd.s32 $0xFFFFEC00  }
0x30: {  	[spmem:s2] =	stream.indirect.scatter.add.f32 [tilespmem:s14], [sflag:$0x11], $0x40, s15, s19, $0xb8;
	[tilespmem:$0x1F020] =	vst v63  }
0x31: {  	_ =	swait.ge [sflag:s20], $0x1400  }
0x32: {  	[sflag:s20] =	ssyncset.done $0x0  }
0x33: {  	[sflag:s20] =	ssyncadd.s32 $0xFFFFEC00  }
0x34: {  	_ =	swait.ge [sflag:s1], $0x1400  }
0x35: {  	[sflag:s1] =	ssyncset.done $0x0  }
0x36: {  	[sflag:s1] =	ssyncadd.s32 $0xFFFFEC00  }
0x37: {  	_ =	swait.ge [sflag:s21], $0x1400  }
0x38: {  	[sflag:s21] =	ssyncset.done $0x0  }
0x39: {  	[sflag:s21] =	ssyncadd.s32 $0xFFFFEC00  }
0x3a: {  	_ =	swait.ge [sflag:s0], $0x1400  }
0x3b: {  	[sflag:s0] =	ssyncset.done $0x0  }
0x3c: {  	[sflag:s0] =	ssyncadd.s32 $0xFFFFEC00  }
0x3d: {  	_ =	swait.ge [sflag:s23], $0x1400  }
0x3e: {  	[sflag:s23] =	ssyncset.done $0x0  }
0x3f: {  	[sflag:s23] =	ssyncadd.s32 $0xFFFFEC00  }
0x40: {  	_ =	swait.ge [sflag:s24], $0x1400  }
0x41: {  	[sflag:s24] =	ssyncset.done $0x0  }
0x42: {  	[sflag:s24] =	ssyncadd.s32 $0xFFFFEC00  }
0x43: {  	_ =	swait.ge [sflag:s25], $0x1400  }
0x44: {  	[sflag:s25] =	ssyncset.done $0x0  }
0x45: {  	[sflag:s25] =	ssyncadd.s32 $0xFFFFEC00  }
0x46: {  	_ =	swait.ge [sflag:s3], $0x1400  }
0x47: {  	[sflag:s3] =	ssyncset.done $0x0  }
0x48: {  	[sflag:s3] =	ssyncadd.s32 $0xFFFFEC00  }
0x49: {  	_ =	swait.ge [sflag:s6], $0x1400  }
0x4a: {  	[sflag:s6] =	ssyncset.done $0x0  }
0x4b: {  	[sflag:s6] =	ssyncadd.s32 $0xFFFFEC00  }
0x4c: {  	_ =	swait.ge [sflag:s31], $0x1400  }
0x4d: {  	[sflag:s31] =	ssyncset.done $0x0  }
0x4e: {  	[sflag:s31] =	ssyncadd.s32 $0xFFFFEC00  }
0x4f: {  	_ =	swait.ge [sflag:s17], $0x1400  }
0x50: {  	[sflag:s17] =	ssyncset.done $0x0  }
0x51: {  	[sflag:s17] =	ssyncadd.s32 $0xFFFFEC00  }
0x52: {  	_ =	swait.ge [sflag:s30], $0x1400  }
0x53: {  	[sflag:s30] =	ssyncset.done $0x0  }
0x54: {  	[sflag:s30] =	ssyncadd.s32 $0xFFFFEC00  }
0x55: {  	s18 =	stileid.u32;
	[bflag:$0x0] =	sbarrier.arrive $0xFFFF  }
0x56: {  	s18 =	sshll.u32 s18, $0x6;
	s28 =	rddreg [dreg:$0x4]  }
0x57: {  	s18 =	sor.u32 $0x1C19, s18;
	s29 =	rddreg [dreg:$0xd];
	s28 =	sshrl.u32 s28, $0x3  }
0x58: {  	[hbm:s29@s17], [sflag:s18] =	dma.strided [spmem:s28@s22], $0x13C0, s7, $0x8   }
0x59: {  	s29 =	simm.s32 $0x19  }
0x5a: {  	_ =	swait.ge [sflag:s29], $0x13C0  }
0x5b: {  	s18 =	rddreg [dreg:$0xf]  }
0x5c: {  	s28 =	rddreg [dreg:$0xe];
	s10 =	sadd.s32 $0x1, s18  }
0x5d: {  	p0 =	sne.s32 s10, s28  }
.Ltmp1:
0x5e: {  	_ = 	snop;
	(pc) =	sbr.rel @!p0 .LBB2_7-.Ltmp1, $4  }
0x5f: {  	_ = 	snop  }
0x60: {  	s5 =	simm.s32 $0x10220;
	s8 =	simm.s32 $0x12A20;
	s13 =	simm.s32 $0xB220  }
0x61: {  	s12 =	simm.s32 $0xDA20;
	s14 =	simm.s32 $0xC620;
	[sflag:s29] =	ssyncset.done $0x0  }
0x62: {  	s15 =	simm.s32 $0xEE20;
	s7 =	simm.s32 $0x11620;
	[sflag:s29] =	ssyncadd.s32 $0xFFFFEC40  }
.LBB2_1:
0x63: {  	[dreg:$0xf] =	wrdreg s10  }
0x64: {  	s10 =	simm.s32 $0x0;
	s28 =	rddreg [dreg:$0x3]  }
0x65: {  	[tilespmem:s10], [sflag:$0x19] =	stream.linear.gather [hbm4b:s28+s10], $0x2710, $0x38;
	[tilespmem:$0x1F020] =	vst v63  }
0x66: {  	_ =	swait.ge [sflag:s29], $0x2710  }
0x67: {  	[sflag:s29] =	ssyncset.done $0x0  }
0x68: {  	s18 =	simm.s32 $0x2710;
	s28 =	rddreg [dreg:$0x5];
	[sflag:s29] =	ssyncadd.s32 $0xFFFFD8F0  }
0x69: {  	[tilespmem:s18], [sflag:$0x19] =	stream.linear.gather [hbm4b:s28+s10], $0x2710, $0x38;
	[tilespmem:$0x1F020] =	vst v63  }
0x6a: {  	_ =	swait.ge [sflag:s29], $0x2710  }
0x6b: {  	[sflag:s29] =	ssyncset.done $0x0  }
0x6c: {  	[sflag:s29] =	ssyncadd.s32 $0xFFFFD8F0  }
0x6d: {  	[tilespmem:s11], [sflag:$0x1] =	stream.indirect.gather [hbm4b:s4+s19], $0x40, s10, s19, $0xb8;
	[tilespmem:$0x1F020] =	vst v63  }
0x6e: {  	_ = 	snop  }
0x6f: {  	[tilespmem:s26], [sflag:$0x2] =	stream.indirect.gather [hbm4b:s4+s19], $0x40, s19, s19, $0xb8;
	[tilespmem:$0x1F020] =	vst v63  }
0x70: {  	s18 =	simm.s32 $0x7620;
	s10 =	simm.s32 $0xA0  }
0x71: {  	[tilespmem:s18], [sflag:$0x3] =	stream.indirect.gather [hbm4b:s4+s19], $0x40, s10, s19, $0xb8;
	[tilespmem:$0x1F020] =	vst v63  }
0x72: {  	s26 =	simm.s32 $0x8A20;
	s18 =	simm.s32 $0xF0  }
0x73: {  	[tilespmem:s26], [sflag:$0x4] =	stream.indirect.gather [hbm4b:s4+s19], $0x40, s18, s19, $0xb8;
	[tilespmem:$0x1F020] =	vst v63  }
0x74: {  	s11 =	simm.s32 $0x9E20;
	s18 =	simm.s32 $0x140  }
0x75: {  	[tilespmem:s11], [sflag:$0x5] =	stream.indirect.gather [hbm4b:s4+s19], $0x40, s18, s19, $0xb8;
	[tilespmem:$0x1F020] =	vst v63  }
0x76: {  	s26 =	simm.s32 $0x190  }
0x77: {  	[tilespmem:s13], [sflag:$0x6] =	stream.indirect.gather [hbm4b:s4+s19], $0x40, s26, s19, $0xb8;
	[tilespmem:$0x1F020] =	vst v63  }
0x78: {  	s11 =	simm.s32 $0x1E0  }
0x79: {  	[tilespmem:s14], [sflag:$0x7] =	stream.indirect.gather [hbm4b:s4+s19], $0x40, s11, s19, $0xb8;
	[tilespmem:$0x1F020] =	vst v63  }
0x7a: {  	s13 =	simm.s32 $0x230  }
0x7b: {  	[tilespmem:s12], [sflag:$0x8] =	stream.indirect.gather [hbm4b:s4+s19], $0x40, s13, s19, $0xb8;
	[tilespmem:$0x1F020] =	vst v63  }
0x7c: {  	s14 =	simm.s32 $0x280  }
0x7d: {  	[tilespmem:s15], [sflag:$0x9] =	stream.indirect.gather [hbm4b:s4+s19], $0x40, s14, s19, $0xb8;
	[tilespmem:$0x1F020] =	vst v63  }
0x7e: {  	s15 =	simm.s32 $0x2D0  }
0x7f: {  	[tilespmem:s5], [sflag:$0xA] =	stream.indirect.gather [hbm4b:s4+s19], $0x40, s15, s19, $0xb8;
	[tilespmem:$0x1F020] =	vst v63  }
0x80: {  	s18 =	simm.s32 $0x320  }
0x81: {  	[tilespmem:s7], [sflag:$0xB] =	stream.indirect.gather [hbm4b:s4+s19], $0x40, s18, s19, $0xb8;
	[tilespmem:$0x1F020] =	vst v63  }
0x82: {  	s28 =	simm.s32 $0x0;
	s29 =	simm.s32 $0x100;
	s26 =	simm.s32 $0x370  }
0x83: {  	[tilespmem:s8], [sflag:$0xC] =	stream.indirect.gather [hbm4b:s4+s19], $0x40, s26, s19, $0xb8;
	[tilespmem:$0x1F020] =	vst v63  }
.LBB2_2:
0x84: {  	p0 =	sne.s32 s29, $0x4F00;
	[tilespmem:s28+$0x13E50] =	vst v0;
	s18 =	smov.u32 s29;
	s29 =	sadd.s32 $0x100, s29  }
.Ltmp2:
0x85: {  	[tilespmem:s28+$0x13E40] =	vst v0;
	(pc) =	sbr.rel @p0 .LBB2_2-.Ltmp2, $3  }
0x86: {  	[tilespmem:s28+$0x13E20] =	vst v0  }
0x87: {  	[tilespmem:s28+$0x13E30] =	vst v0;
	_ =	sdelay $0x1  }
0x88: {  	s28 =	sshra.s32 s18, $0x2  }
0x89: {  	[tilespmem:s28+$0x13E50] =	vst v0  }
0x8a: {  	[tilespmem:s28+$0x13E40] =	vst v0  }
0x8b: {  	[tilespmem:s28+$0x13E20] =	vst v0  }
0x8c: {  	[tilespmem:s28+$0x13E30] =	vst v0;
	s18 =	rddreg [dreg:$0x4];
	s5 =	simm.s32 $0x13E20;
	s8 =	simm.s32 $0x19  }
0x8d: {  	[spmem:s18] =	stream.linear.scatter [tilespmem:s5], [sflag:$0x19], $0x1400, $0x38;
	[tilespmem:$0x1F020] =	vst v63  }
0x8e: {  	_ =	swait.ge [sflag:s8], $0x1400  }
0x8f: {  	[sflag:s8] =	ssyncset.done $0x0  }
0x90: {  	s10 =	rddreg [dreg:$0x6];
	[sflag:s8] =	ssyncadd.s32 $0xFFFFEC00  }
0x91: {  	[spmem:s10] =	stream.linear.scatter [tilespmem:s5], [sflag:$0x19], $0x1400, $0x38;
	[tilespmem:$0x1F020] =	vst v63  }
0x92: {  	_ =	swait.ge [sflag:s8], $0x1400  }
0x93: {  	[sflag:s8] =	ssyncset.done $0x0  }
0x94: {  	s11 =	rddreg [dreg:$0x7];
	[sflag:s8] =	ssyncadd.s32 $0xFFFFEC00  }
0x95: {  	[spmem:s11] =	stream.linear.scatter [tilespmem:s5], [sflag:$0x19], $0x1400, $0x38;
	[tilespmem:$0x1F020] =	vst v63  }
0x96: {  	_ =	swait.ge [sflag:s8], $0x1400  }
0x97: {  	[sflag:s8] =	ssyncset.done $0x0  }
0x98: {  	s12 =	rddreg [dreg:$0x8];
	[sflag:s8] =	ssyncadd.s32 $0xFFFFEC00  }
0x99: {  	[spmem:s12] =	stream.linear.scatter [tilespmem:s5], [sflag:$0x19], $0x1400, $0x38;
	[tilespmem:$0x1F020] =	vst v63  }
0x9a: {  	_ =	swait.ge [sflag:s8], $0x1400  }
0x9b: {  	[sflag:s8] =	ssyncset.done $0x0  }
0x9c: {  	s13 =	rddreg [dreg:$0x9];
	[sflag:s8] =	ssyncadd.s32 $0xFFFFEC00  }
0x9d: {  	[spmem:s13] =	stream.linear.scatter [tilespmem:s5], [sflag:$0x19], $0x1400, $0x38;
	[tilespmem:$0x1F020] =	vst v63  }
0x9e: {  	_ =	swait.ge [sflag:s8], $0x1400  }
0x9f: {  	[sflag:s8] =	ssyncset.done $0x0  }
0xa0: {  	s14 =	rddreg [dreg:$0xa];
	[sflag:s8] =	ssyncadd.s32 $0xFFFFEC00  }
0xa1: {  	[spmem:s14] =	stream.linear.scatter [tilespmem:s5], [sflag:$0x19], $0x1400, $0x38;
	[tilespmem:$0x1F020] =	vst v63  }
0xa2: {  	_ =	swait.ge [sflag:s8], $0x1400  }
0xa3: {  	[sflag:s8] =	ssyncset.done $0x0  }
0xa4: {  	s15 =	rddreg [dreg:$0xb];
	[sflag:s8] =	ssyncadd.s32 $0xFFFFEC00  }
0xa5: {  	[spmem:s15] =	stream.linear.scatter [tilespmem:s5], [sflag:$0x19], $0x1400, $0x38;
	[tilespmem:$0x1F020] =	vst v63  }
0xa6: {  	_ =	swait.ge [sflag:s8], $0x1400  }
0xa7: {  	[sflag:s8] =	ssyncset.done $0x0  }
0xa8: {  	s26 =	rddreg [dreg:$0xc];
	[sflag:s8] =	ssyncadd.s32 $0xFFFFEC00  }
0xa9: {  	[spmem:s26] =	stream.linear.scatter [tilespmem:s5], [sflag:$0x19], $0x1200, $0x38;
	[tilespmem:$0x1F020] =	vst v63  }
0xaa: {  	s29 =	simm.s32 $0x0;
	_ =	swait.ge [sflag:s8], $0x1200  }
0xab: {  	s7 =	simm.s32 $0x11620;
	s12 =	simm.s32 $0xDA20;
	[sflag:s8] =	ssyncset.done $0x0  }
0xac: {  	s14 =	simm.s32 $0xB220;
	s15 =	simm.s32 $0xC620;
	[sflag:s8] =	ssyncadd.s32 $0xFFFFEE00  }
0xad: {  	s5 =	simm.s32 $0x10220;
	s8 =	simm.s32 $0x12A20;
	[bflag:$0x0] =	sbarrier.arrive $0xFFFF  }
.LBB2_4:
0xae: {  	s10 =	simm.s32 $0x1  }
0xaf: {  	_ =	swait.ge [sflag:s10], $0x1400  }
0xb0: {  	s28 =	sshra.s32 s29, $0x2;
	[sflag:s10] =	ssyncset.done $0x0  }
0xb1: {  	s26 =	simm.s32 $0x4E20;
	s18 =	sadd.s32 $0x2710, s28;
	[sflag:s10] =	ssyncadd.s32 $0xFFFFEC00  }
0xb2: {  	[spmem:s2] =	stream.indirect.scatter.add.f32 [tilespmem:s26], [sflag:$0xD], $0x40, s18, s19, $0xb8;
	[tilespmem:$0x1F020] =	vst v63  }
0xb3: {  	s18 =	simm.s32 $0x2  }
0xb4: {  	_ =	swait.ge [sflag:s18], $0x1400  }
0xb5: {  	s13 =	simm.s32 $0x6220;
	[sflag:s18] =	ssyncset.done $0x0  }
0xb6: {  	s11 =	sadd.s32 $0x2760, s28;
	[sflag:s18] =	ssyncadd.s32 $0xFFFFEC00;
	s18 =	simm.s32 $0x3  }
0xb7: {  	[spmem:s2] =	stream.indirect.scatter.add.f32 [tilespmem:s13], [sflag:$0xE], $0x40, s11, s19, $0xb8;
	[tilespmem:$0x1F020] =	vst v63  }
0xb8: {  	_ =	swait.ge [sflag:s18], $0x1400  }
0xb9: {  	[sflag:s18] =	ssyncset.done $0x0  }
0xba: {  	s10 =	simm.s32 $0x7620;
	s11 =	sadd.s32 $0x27B0, s28;
	[sflag:s18] =	ssyncadd.s32 $0xFFFFEC00  }
0xbb: {  	[spmem:s2] =	stream.indirect.scatter.add.f32 [tilespmem:s10], [sflag:$0xF], $0x40, s11, s19, $0xb8;
	[tilespmem:$0x1F020] =	vst v63  }
0xbc: {  	s11 =	simm.s32 $0x4  }
0xbd: {  	_ =	swait.ge [sflag:s11], $0x1400  }
0xbe: {  	[sflag:s11] =	ssyncset.done $0x0  }
0xbf: {  	s13 =	sadd.s32 $0x2800, s28;
	[sflag:s11] =	ssyncadd.s32 $0xFFFFEC00;
	s11 =	simm.s32 $0x8A20  }
0xc0: {  	[spmem:s2] =	stream.indirect.scatter.add.f32 [tilespmem:s11], [sflag:$0x10], $0x40, s13, s19, $0xb8;
	[tilespmem:$0x1F020] =	vst v63  }
0xc1: {  	_ =	swait.ge [sflag:s9], $0x1400  }
0xc2: {  	[sflag:s9] =	ssyncset.done $0x0  }
0xc3: {  	s18 =	sadd.s32 $0x2850, s28;
	s13 =	simm.s32 $0x9E20;
	[sflag:s9] =	ssyncadd.s32 $0xFFFFEC00  }
0xc4: {  	[spmem:s2] =	stream.indirect.scatter.add.f32 [tilespmem:s13], [sflag:$0x11], $0x40, s18, s19, $0xb8;
	[tilespmem:$0x1F020] =	vst v63  }
0xc5: {  	s18 =	simm.s32 $0x6  }
0xc6: {  	_ =	swait.ge [sflag:s18], $0x1400  }
0xc7: {  	[sflag:s18] =	ssyncset.done $0x0  }
0xc8: {  	[sflag:s18] =	ssyncadd.s32 $0xFFFFEC00;
	s18 =	sadd.s32 $0x28A0, s28  }
0xc9: {  	[spmem:s2] =	stream.indirect.scatter.add.f32 [tilespmem:s14], [sflag:$0x12], $0x40, s18, s19, $0xb8;
	[tilespmem:$0x1F020] =	vst v63  }
0xca: {  	s18 =	simm.s32 $0x7  }
0xcb: {  	_ =	swait.ge [sflag:s18], $0x1400  }
0xcc: {  	[sflag:s18] =	ssyncset.done $0x0  }
0xcd: {  	[sflag:s18] =	ssyncadd.s32 $0xFFFFEC00;
	s18 =	sadd.s32 $0x28F0, s28  }
0xce: {  	[spmem:s2] =	stream.indirect.scatter.add.f32 [tilespmem:s15], [sflag:$0x13], $0x40, s18, s19, $0xb8;
	[tilespmem:$0x1F020] =	vst v63  }
0xcf: {  	s18 =	simm.s32 $0x8  }
0xd0: {  	_ =	swait.ge [sflag:s18], $0x1400  }
0xd1: {  	[sflag:s18] =	ssyncset.done $0x0  }
0xd2: {  	[sflag:s18] =	ssyncadd.s32 $0xFFFFEC00;
	s18 =	sadd.s32 $0x2940, s28  }
0xd3: {  	[spmem:s2] =	stream.indirect.scatter.add.f32 [tilespmem:s12], [sflag:$0x14], $0x40, s18, s19, $0xb8;
	[tilespmem:$0x1F020] =	vst v63  }
0xd4: {  	s18 =	simm.s32 $0x9  }
0xd5: {  	_ =	swait.ge [sflag:s18], $0x1400  }
0xd6: {  	[sflag:s18] =	ssyncset.done $0x0  }
0xd7: {  	[sflag:s18] =	ssyncadd.s32 $0xFFFFEC00;
	s18 =	sadd.s32 $0x2990, s28  }
0xd8: {  	[spmem:s2] =	stream.indirect.scatter.add.f32 [tilespmem:s16], [sflag:$0x15], $0x40, s18, s19, $0xb8;
	[tilespmem:$0x1F020] =	vst v63  }
0xd9: {  	s18 =	simm.s32 $0xA  }
0xda: {  	_ =	swait.ge [sflag:s18], $0x1400  }
0xdb: {  	[sflag:s18] =	ssyncset.done $0x0  }
0xdc: {  	[sflag:s18] =	ssyncadd.s32 $0xFFFFEC00;
	s18 =	sadd.s32 $0x29E0, s28  }
0xdd: {  	[spmem:s2] =	stream.indirect.scatter.add.f32 [tilespmem:s5], [sflag:$0x16], $0x40, s18, s19, $0xb8;
	[tilespmem:$0x1F020] =	vst v63  }
0xde: {  	s18 =	simm.s32 $0xB  }
0xdf: {  	_ =	swait.ge [sflag:s18], $0x1400  }
0xe0: {  	[sflag:s18] =	ssyncset.done $0x0  }
0xe1: {  	[sflag:s18] =	ssyncadd.s32 $0xFFFFEC00;
	s18 =	sadd.s32 $0x2A30, s28  }
0xe2: {  	[spmem:s2] =	stream.indirect.scatter.add.f32 [tilespmem:s7], [sflag:$0x17], $0x40, s18, s19, $0xb8;
	[tilespmem:$0x1F020] =	vst v63  }
0xe3: {  	s18 =	simm.s32 $0xC  }
0xe4: {  	_ =	swait.ge [sflag:s18], $0x1400  }
0xe5: {  	[sflag:s18] =	ssyncset.done $0x0  }
0xe6: {  	[sflag:s18] =	ssyncadd.s32 $0xFFFFEC00;
	s18 =	sadd.s32 $0x2A80, s28  }
0xe7: {  	[spmem:s2] =	stream.indirect.scatter.add.f32 [tilespmem:s8], [sflag:$0x18], $0x40, s18, s19, $0xb8;
	[tilespmem:$0x1F020] =	vst v63  }
0xe8: {  	_ =	swait.ge [sflag:s3], $0x1400  }
0xe9: {  	[sflag:s3] =	ssyncset.done $0x0  }
0xea: {  	s18 =	sadd.s32 $0x3C0, s28;
	[sflag:s3] =	ssyncadd.s32 $0xFFFFEC00  }
0xeb: {  	[tilespmem:s26], [sflag:$0x1] =	stream.indirect.gather [hbm4b:s4+s19], $0x40, s18, s19, $0xb8;
	[tilespmem:$0x1F020] =	vst v63  }
0xec: {  	_ =	swait.ge [sflag:s6], $0x1400  }
0xed: {  	[sflag:s6] =	ssyncset.done $0x0  }
0xee: {  	s26 =	simm.s32 $0x6220;
	s18 =	sadd.s32 $0x410, s28;
	[sflag:s6] =	ssyncadd.s32 $0xFFFFEC00  }
0xef: {  	[tilespmem:s26], [sflag:$0x2] =	stream.indirect.gather [hbm4b:s4+s19], $0x40, s18, s19, $0xb8;
	[tilespmem:$0x1F020] =	vst v63  }
0xf0: {  	_ =	swait.ge [sflag:s31], $0x1400  }
0xf1: {  	[sflag:s31] =	ssyncset.done $0x0  }
0xf2: {  	s18 =	sadd.s32 $0x460, s28;
	[sflag:s31] =	ssyncadd.s32 $0xFFFFEC00  }
0xf3: {  	[tilespmem:s10], [sflag:$0x3] =	stream.indirect.gather [hbm4b:s4+s19], $0x40, s18, s19, $0xb8;
	[tilespmem:$0x1F020] =	vst v63  }
0xf4: {  	_ =	swait.ge [sflag:s17], $0x1400  }
0xf5: {  	[sflag:s17] =	ssyncset.done $0x0  }
0xf6: {  	p0 =	seq.s32 s29, $0x8700;
	s18 =	sadd.s32 $0x4B0, s28;
	[sflag:s17] =	ssyncadd.s32 $0xFFFFEC00  }
0xf7: {  	[tilespmem:s11], [sflag:$0x4] =	stream.indirect.gather [hbm4b:s4+s19], $0x40, s18, s19, $0xb8;
	[tilespmem:$0x1F020] =	vst v63  }
.Ltmp3:
0xf8: {  	_ = 	snop;
	(pc) =	sbr.rel @p0 .LBB2_6-.Ltmp3, $4  }
0xf9: {  	_ =	swait.ge [sflag:s30], $0x1400  }
0xfa: {  	[sflag:s30] =	ssyncset.done $0x0  }
0xfb: {  	s11 =	sadd.s32 $0x500, s28;
	[sflag:s30] =	ssyncadd.s32 $0xFFFFEC00  }
0xfc: {  	[tilespmem:s13], [sflag:$0x5] =	stream.indirect.gather [hbm4b:s4+s19], $0x40, s11, s19, $0xb8;
	[tilespmem:$0x1F020] =	vst v63  }
0xfd: {  	_ =	swait.ge [sflag:s20], $0x1400  }
0xfe: {  	[sflag:s20] =	ssyncset.done $0x0  }
0xff: {  	s18 =	sadd.s32 $0x550, s28;
	[sflag:s20] =	ssyncadd.s32 $0xFFFFEC00  }
0x100: {  	[tilespmem:s14], [sflag:$0x6] =	stream.indirect.gather [hbm4b:s4+s19], $0x40, s18, s19, $0xb8;
	[tilespmem:$0x1F020] =	vst v63  }
0x101: {  	_ =	swait.ge [sflag:s1], $0x1400  }
0x102: {  	[sflag:s1] =	ssyncset.done $0x0  }
0x103: {  	s26 =	sadd.s32 $0x5A0, s28;
	[sflag:s1] =	ssyncadd.s32 $0xFFFFEC00  }
0x104: {  	[tilespmem:s15], [sflag:$0x7] =	stream.indirect.gather [hbm4b:s4+s19], $0x40, s26, s19, $0xb8;
	[tilespmem:$0x1F020] =	vst v63  }
0x105: {  	_ =	swait.ge [sflag:s21], $0x1400  }
0x106: {  	[sflag:s21] =	ssyncset.done $0x0  }
0x107: {  	s10 =	sadd.s32 $0x5F0, s28;
	[sflag:s21] =	ssyncadd.s32 $0xFFFFEC00  }
0x108: {  	[tilespmem:s12], [sflag:$0x8] =	stream.indirect.gather [hbm4b:s4+s19], $0x40, s10, s19, $0xb8;
	[tilespmem:$0x1F020] =	vst v63  }
0x109: {  	_ =	swait.ge [sflag:s0], $0x1400  }
0x10a: {  	[sflag:s0] =	ssyncset.done $0x0  }
0x10b: {  	s11 =	sadd.s32 $0x640, s28;
	[sflag:s0] =	ssyncadd.s32 $0xFFFFEC00  }
0x10c: {  	[tilespmem:s16], [sflag:$0x9] =	stream.indirect.gather [hbm4b:s4+s19], $0x40, s11, s19, $0xb8;
	[tilespmem:$0x1F020] =	vst v63  }
0x10d: {  	_ =	swait.ge [sflag:s23], $0x1400  }
0x10e: {  	[sflag:s23] =	ssyncset.done $0x0  }
0x10f: {  	s13 =	sadd.s32 $0x690, s28;
	[sflag:s23] =	ssyncadd.s32 $0xFFFFEC00  }
0x110: {  	[tilespmem:s5], [sflag:$0xA] =	stream.indirect.gather [hbm4b:s4+s19], $0x40, s13, s19, $0xb8;
	[tilespmem:$0x1F020] =	vst v63  }
0x111: {  	_ =	swait.ge [sflag:s24], $0x1400  }
0x112: {  	[sflag:s24] =	ssyncset.done $0x0  }
0x113: {  	s26 =	sadd.s32 $0x6E0, s28;
	[sflag:s24] =	ssyncadd.s32 $0xFFFFEC00  }
0x114: {  	[tilespmem:s7], [sflag:$0xB] =	stream.indirect.gather [hbm4b:s4+s19], $0x40, s26, s19, $0xb8;
	[tilespmem:$0x1F020] =	vst v63  }
.Ltmp4:
0x115: {  	_ = 	snop;
	(pc) =	sbr.rel .LBB2_4-.Ltmp4, $4  }
0x116: {  	_ =	swait.ge [sflag:s25], $0x1400  }
0x117: {  	[sflag:s25] =	ssyncset.done $0x0  }
0x118: {  	s29 =	sadd.s32 $0xF00, s29;
	s28 =	sadd.s32 $0x730, s28;
	[sflag:s25] =	ssyncadd.s32 $0xFFFFEC00  }
0x119: {  	[tilespmem:s8], [sflag:$0xC] =	stream.indirect.gather [hbm4b:s4+s19], $0x40, s28, s19, $0xb8;
	[tilespmem:$0x1F020] =	vst v63  }
.LBB2_7:
0x11a: {  	_ =	sfence.sel $0x180000  }
0x11b: {  	[bflag:$0x0] =	sbarrier.arrive $0xFFFF  }
0x11c: {  	_ =	strace $0x90000047  }
0x11d: {  	s0 =	stileid.u32;
	[bflag:$0x2] =	sbarrier.arrive $0xFFFF  }
0x11e: {  	p0 =	sne.s32 s0, $0x0;
	s0 =	rddreg [dreg:$0x2]  }
0x11f: {  	s0 =	sadd.s32 @!p0 $0x100000, s0  }
0x120: {  	[sflag:s0] =	ssyncadd.tile.s32 @!p0 $0x1;
	_ =	shalt  }
.Lfunc_end2:
_tile_overlayer_lowered:
.L_overlay_start_2:
0x121: {  	(tag) =	ssettag $0x2  }
0x122: {  	s0 =	rddreg [dreg:$0x0];
	s2 =	stileid.u32  }
0x123: {  	s1 =	rddreg [dreg:$0x1];
	p0 =	sne.s32 s2, $0x0  }
0x124: {  	s3 =	rddreg [dreg:$0x2];
	[bflag:$0x3] =	sbarrier.arrive $0xFFFF;
	s2 =	simm.s32 @!p0 $0x1C19  }
0x125: {  	[timem:s3], [sflag:s2] =	dma.local @!p0 [hbm:s0], s1  }
0x126: {  	s0 =	simm.s32 @!p0 $0x19  }
0x127: {  	_ =	swait.ge @!p0 [sflag:s0], s1  }
0x128: {  	s1 =	ssub.s32 @!p0 $0x0, s1;
	[sflag:s0] =	ssyncset.done @!p0 $0x0  }
0x129: {  	[sflag:s0] =	ssyncadd.s32 @!p0 s1  }
0x12a: {  	[bflag:$0x3] =	sbarrier.arrive $0xFFFF  }
0x12b: {  	_ =	shalt  }

</sc_bundles>
